<compile_context>
chip_gen: v7x
topology: tpu7x:2x2x1
jax: 0.10.2.dev20260603
libtpu: 0.0.44.dev20260713+nightly
codegen_flags: <defaults>
</compile_context>

<pallas_src>
import functools

import jax
import jax.numpy as jnp
import numpy as np
from jax import lax
from jax.experimental import pallas as pl
from jax.experimental.pallas import tpu as pltpu
from jax.experimental.pallas import tpu_sc as plsc

N = 10000
E = 320000
D = 128
K = 32
OUT = 128

NCORES = 2
NSUB = 16
NW = NCORES * NSUB
WIN = 128
KBUF = 3
EP = ((E + NW * WIN * KBUF - 1) // (NW * WIN * KBUF)) * (NW * WIN * KBUF)
EPW = EP // NW
NWIN = EPW // WIN
RPT = 632
NPAD = RPT * NSUB

ROWS_BLK = 1000
NBLK = N // ROWS_BLK


def _maxk_block(t):
    b = lax.bitcast_convert_type(t, jnp.int32)
    neg = lax.shift_right_arithmetic(b, jnp.int32(31))
    key = lax.bitwise_xor(b, lax.bitwise_and(neg, jnp.int32(0x7FFFFFFF)))
    sign = jnp.int32(-2147483648)
    ones_cnt = jnp.ones((D, 8), jnp.float32)
    t_u = jnp.zeros(t.shape[:1] + (1,), jnp.int32)
    for bit in range(31, -1, -1):
        cand = lax.bitwise_or(t_u, jnp.int32(np.int32(np.uint32(1 << bit))))
        thr = lax.bitwise_xor(cand, sign)
        m = (key >= thr).astype(jnp.float32)
        cnt = lax.dot_general(m, ones_cnt, (((1,), (0,)), ((), ())),
                              preferred_element_type=jnp.float32)[:, :1]
        t_u = jnp.where(cnt >= jnp.float32(K), cand, t_u)
    thresh = lax.bitwise_xor(t_u, sign)
    return t * (key >= thresh).astype(t.dtype)


def _dot_t(a, w):
    return lax.dot_general(a, w, (((1,), (1,)), ((), ())),
                           precision=lax.Precision.HIGHEST,
                           preferred_element_type=jnp.float32)


def _tc_in_body(x_ref, w_ref, b_ref, o_ref):
    o_ref[...] = _maxk_block(_dot_t(x_ref[...], w_ref[...]) + b_ref[...])


def _hagg(a0_ref, a1_ref, d0_ref, d1_ref):
    deg = d0_ref[...][:, 0:1] + d1_ref[...][:, 0:1]
    return (a0_ref[...] + a1_ref[...]) / (deg + jnp.float32(1e-6))


def _tc_mid_body(hs_ref, a0_ref, a1_ref, d0_ref, d1_ref, ws_ref, wn_ref, o_ref):
    t = _dot_t(hs_ref[...], ws_ref[...]) + _dot_t(
        _hagg(a0_ref, a1_ref, d0_ref, d1_ref), wn_ref[...])
    o_ref[...] = _maxk_block(t)


def _tc_out_body(hs_ref, a0_ref, a1_ref, d0_ref, d1_ref, ws_ref, wn_ref,
                 wo_ref, bo_ref, o_ref):
    t = _dot_t(hs_ref[...], ws_ref[...]) + _dot_t(
        _hagg(a0_ref, a1_ref, d0_ref, d1_ref), wn_ref[...])
    o_ref[...] = _dot_t(t, wo_ref[...]) + bo_ref[...]


def _row_spec():
    return pl.BlockSpec((ROWS_BLK, D), lambda i: (i, jnp.int32(0)))


def _deg_spec():
    return pl.BlockSpec((ROWS_BLK, 16), lambda i: (i, jnp.int32(0)))


def _full_spec(r, c):
    return pl.BlockSpec((r, c), lambda i: (jnp.int32(0), jnp.int32(0)))


def _tc_in(x, w, b):
    return pl.pallas_call(
        _tc_in_body,
        grid=(NBLK,),
        in_specs=[_row_spec(), _full_spec(D, D), _full_spec(1, D)],
        out_specs=_row_spec(),
        out_shape=jax.ShapeDtypeStruct((N, D), jnp.float32),
    )(x, w, b)


def _tc_mid(hs, a0, a1, d0, d1, ws, wn):
    return pl.pallas_call(
        _tc_mid_body,
        grid=(NBLK,),
        in_specs=[_row_spec(), _row_spec(), _row_spec(), _deg_spec(),
                  _deg_spec(), _full_spec(D, D), _full_spec(D, D)],
        out_specs=_row_spec(),
        out_shape=jax.ShapeDtypeStruct((N, D), jnp.float32),
    )(hs, a0, a1, d0, d1, ws, wn)


def _tc_out(hs, a0, a1, d0, d1, ws, wn, wo, bo):
    return pl.pallas_call(
        _tc_out_body,
        grid=(NBLK,),
        in_specs=[_row_spec(), _row_spec(), _row_spec(), _deg_spec(),
                  _deg_spec(), _full_spec(D, D), _full_spec(D, D),
                  _full_spec(OUT, D), _full_spec(1, OUT)],
        out_specs=pl.BlockSpec((ROWS_BLK, OUT), lambda i: (i, jnp.int32(0))),
        out_shape=jax.ShapeDtypeStruct((N, OUT), jnp.float32),
    )(hs, a0, a1, d0, d1, ws, wn, wo, bo)


def _sc_agg_build(gather):
    mesh = plsc.VectorSubcoreMesh(core_axis_name="c", subcore_axis_name="s",
                                  num_cores=NCORES, num_subcores=NSUB)
    out_type = [jax.ShapeDtypeStruct((NCORES * NPAD, D), jnp.float32)]
    nrows = KBUF if gather else 1
    scratch = (
        [pltpu.VMEM((WIN,), jnp.int32) for _ in range(KBUF)]
        + [pltpu.VMEM((WIN,), jnp.int32) for _ in range(KBUF)]
        + [pltpu.VMEM((WIN, D), jnp.float32) for _ in range(nrows)]
        + [pltpu.VMEM_SHARED((NPAD, D), jnp.float32)]
        + [pltpu.SemaphoreType.DMA]
        + [pltpu.SemaphoreType.DMA for _ in range(KBUF)]
        + [pltpu.SemaphoreType.DMA for _ in range(KBUF)]
    )

    def body(hs_hbm, dst_hbm, src_hbm, zrow_hbm, agg_out, *rest):
        rest = list(rest)
        dst_v = [rest.pop(0) for _ in range(KBUF)]
        src_v = [rest.pop(0) for _ in range(KBUF)]
        rows_v = [rest.pop(0) for _ in range(nrows)]
        agg_sh = rest.pop(0)
        isem = rest.pop(0)
        gsem = [rest.pop(0) for _ in range(KBUF)]
        ssem = [rest.pop(0) for _ in range(KBUF)]
        c = lax.axis_index("c")
        s = lax.axis_index("s")
        wid = s * jnp.int32(NCORES) + c
        rbase = s * jnp.int32(RPT)
        chunks = []
        off = 0
        while off < RPT:
            sz = min(WIN, RPT - off)
            chunks.append((off, sz))
            off += sz
        for off, sz in chunks:
            pltpu.sync_copy(zrow_hbm.at[pl.ds(rbase + jnp.int32(off), sz)],
                            rows_v[0].at[pl.ds(0, sz)])
            pltpu.sync_copy(rows_v[0].at[pl.ds(0, sz)],
                            agg_sh.at[pl.ds(rbase + jnp.int32(off), sz)])
        if not gather:
            pltpu.sync_copy(hs_hbm.at[pl.ds(0, WIN)], rows_v[0])
        plsc.subcore_barrier()

        base0 = wid * jnp.int32(EPW)

        def _drain_scatters():
            for k in range(KBUF):
                pltpu.make_async_copy(rows_v[k if gather else 0],
                                      agg_sh.at[src_v[k]], ssem[k]).wait()

        @pl.loop(jnp.int32(0), jnp.int32(NWIN // KBUF))
        def _batch(i):
            @pl.when(i > jnp.int32(0))
            def _():
                _drain_scatters()
            b0 = base0 + i * jnp.int32(KBUF * WIN)
            idescs = []
            for k in range(KBUF):
                bk = b0 + jnp.int32(k * WIN)
                if gather:
                    idescs.append(pltpu.async_copy(
                        dst_hbm.at[pl.ds(bk, WIN)], dst_v[k], isem))
                idescs.append(pltpu.async_copy(
                    src_hbm.at[pl.ds(bk, WIN)], src_v[k], isem))
            for d in idescs:
                d.wait()
            if gather:
                gdescs = [pltpu.async_copy(hs_hbm.at[dst_v[k]], rows_v[k],
                                           gsem[k]) for k in range(KBUF)]
                for k in range(KBUF):
                    gdescs[k].wait()
                    pltpu.async_copy(
                        rows_v[k], agg_sh.at[src_v[k]], ssem[k], add=True)
            else:
                for k in range(KBUF):
                    pltpu.async_copy(
                        rows_v[0], agg_sh.at[src_v[k]], ssem[k], add=True)

        _drain_scatters()
        plsc.subcore_barrier()
        obase = c * jnp.int32(NPAD) + rbase
        for off, sz in chunks:
            pltpu.sync_copy(agg_sh.at[pl.ds(rbase + jnp.int32(off), sz)],
                            rows_v[0].at[pl.ds(0, sz)])
            pltpu.sync_copy(rows_v[0].at[pl.ds(0, sz)],
                            agg_out.at[pl.ds(obase + jnp.int32(off), sz)])

    return pl.kernel(body, out_type=out_type, mesh=mesh,
                     scratch_types=scratch)


@functools.lru_cache(maxsize=None)
def _sc_agg_cached(gather):
    return _sc_agg_build(gather)


@jax.jit
def kernel(x, edge_index, W_in, b_in, W_self0, W_neigh0, W_self1, W_neigh1,
           W_out, b_out):
    x = x.astype(jnp.float32)
    W_in = W_in.astype(jnp.float32)
    W_self0 = W_self0.astype(jnp.float32)
    W_neigh0 = W_neigh0.astype(jnp.float32)
    W_self1 = W_self1.astype(jnp.float32)
    W_neigh1 = W_neigh1.astype(jnp.float32)
    W_out = W_out.astype(jnp.float32)
    src = edge_index[0].astype(jnp.int32)
    dst = edge_index[1].astype(jnp.int32)
    pad = EP - E
    pad_i = jnp.arange(pad, dtype=jnp.int32)
    src_p = jnp.concatenate([src, N + (pad_i % (NPAD - N))])
    dst_p = jnp.concatenate([dst, pad_i % 16])

    zrow = jnp.zeros((NPAD, D), jnp.float32)

    b_in2 = b_in.astype(jnp.float32).reshape(1, D)
    b_out2 = b_out.astype(jnp.float32).reshape(1, OUT)

    hs0 = _tc_in(x, W_in, b_in2)
    aggf, = _sc_agg_cached(True)(hs0, dst_p, src_p, zrow)
    a0, a1 = aggf[:N], aggf[NPAD:NPAD + N]
    ones_blk = jnp.ones((WIN, D), jnp.float32)
    degf, = _sc_agg_cached(False)(ones_blk, dst_p, src_p, zrow)
    d0 = degf[:N, :16]
    d1 = degf[NPAD:NPAD + N, :16]
    hs1 = _tc_mid(hs0, a0, a1, d0, d1, W_self0, W_neigh0)
    aggf1, = _sc_agg_cached(True)(hs1, dst_p, src_p, zrow)
    b0, b1 = aggf1[:N], aggf1[NPAD:NPAD + N]
    out = _tc_out(hs1, b0, b1, d0, d1, W_self1, W_neigh1, W_out, b_out2)
    return out.astype(jnp.float64)

# --- scband reference (transcript-rebuilt; emitter-appended) ---
"""Pipeline reference for scband-sage-69587060130174 (READ-ONLY COPY).

The authoritative reference and input builder live on the scoring server;
editing this copy changes nothing except your own understanding.
"""

import jax, jax.numpy as jnp
import numpy as np

jax.config.update('jax_enable_x64', True)

N = 10000
E = 320000
D = 128
K = 32
OUT = 128


def maxk(x, k):
    # MaxK nonlinearity: keep top-k values per row, zero the rest
    vals = jax.lax.top_k(x, k)[0]
    thresh = vals[:, k - 1:k]
    mask = (x >= thresh).astype(x.dtype)
    return x * mask


def setup_inputs(seed: int = 0) -> dict:
    key = jax.random.key(seed)
    ks = jax.random.split(key, 12)
    s = 1.0 / np.sqrt(D)
    x = jax.random.normal(ks[0], (N, D), dtype=jnp.float32)
    edge_index = jax.random.randint(ks[1], (2, E), 0, N, dtype=jnp.int64)
    W_in = jax.random.normal(ks[2], (D, D), dtype=jnp.float32) * s
    b_in = jnp.zeros((D,), dtype=jnp.float32)
    W_self0 = jax.random.normal(ks[3], (D, D), dtype=jnp.float32) * s
    W_neigh0 = jax.random.normal(ks[4], (D, D), dtype=jnp.float32) * s
    W_self1 = jax.random.normal(ks[5], (D, D), dtype=jnp.float32) * s
    W_neigh1 = jax.random.normal(ks[6], (D, D), dtype=jnp.float32) * s
    W_out = jax.random.normal(ks[7], (OUT, D), dtype=jnp.float32) * s
    b_out = jnp.zeros((OUT,), dtype=jnp.float32)
    return {
        'x': x, 'edge_index': edge_index,
        'W_in': W_in, 'b_in': b_in,
        'W_self0': W_self0, 'W_neigh0': W_neigh0,
        'W_self1': W_self1, 'W_neigh1': W_neigh1,
        'W_out': W_out, 'b_out': b_out,
    }


def reference(x, edge_index, W_in, b_in, W_self0, W_neigh0, W_self1, W_neigh1, W_out, b_out):
    # lin_in
    h = x @ W_in.T + b_in
    src = edge_index[0]
    dst = edge_index[1]
    # out-degree row sums of adjacency (torch.sparse.mm(adj, x) with adj[src,dst]=1)
    deg = jax.ops.segment_sum(jnp.ones((E,), dtype=h.dtype), src, num_segments=N)
    for (W_self, W_neigh) in ((W_self0, W_neigh0), (W_self1, W_neigh1)):
        # maxk nonlinearity
        h = maxk(h, K)
        # sparse aggregation: row i sums h[dst] over edges with src==i, normalized by degree
        agg = jax.ops.segment_sum(h[dst], src, num_segments=N)
        h_agg = agg / (deg[:, None] + 1e-06)
        # SAGE combination: fc_self(h) + fc_neigh(h_agg)
        h = h @ W_self.T + h_agg @ W_neigh.T
        # dropout -> identity (eval), norm -> Identity (norm=False)
    return h @ W_out.T + b_out

if __name__ == "__main__":
    import jax
    _d = setup_inputs()
    print(jax.jit(kernel)(*tuple(_d.values())))

</pallas_src>

<mosaic_0001>
#map = affine_map<(d0, d1) -> (0, 0)>
#map1 = affine_map<(d0, d1) -> (0)>
module attributes {stable_mosaic.version = 14 : i64} {
  func.func @body(%arg0: i32, %arg1: i32, %arg2: memref<10000x128xf32, #tpu.memory_space<hbm>>, %arg3: memref<331776xi32, #tpu.memory_space<hbm>>, %arg4: memref<331776xi32, #tpu.memory_space<hbm>>, %arg5: memref<10112x128xf32, #tpu.memory_space<hbm>>, %arg6: memref<20224x128xf32, #tpu.memory_space<hbm>>, %arg7: memref<128xi32, #tpu.memory_space<vmem>>, %arg8: memref<128xi32, #tpu.memory_space<vmem>>, %arg9: memref<128xi32, #tpu.memory_space<vmem>>, %arg10: memref<128xi32, #tpu.memory_space<vmem>>, %arg11: memref<128xi32, #tpu.memory_space<vmem>>, %arg12: memref<128xi32, #tpu.memory_space<vmem>>, %arg13: memref<128x128xf32, #tpu.memory_space<vmem>>, %arg14: memref<128x128xf32, #tpu.memory_space<vmem>>, %arg15: memref<128x128xf32, #tpu.memory_space<vmem>>, %arg16: memref<10112x128xf32, #tpu.memory_space<vmem_shared>>, %arg17: memref<!tpu.dma_semaphore, #tpu.memory_space<semaphore_mem>>, %arg18: memref<!tpu.dma_semaphore, #tpu.memory_space<semaphore_mem>>, %arg19: memref<!tpu.dma_semaphore, #tpu.memory_space<semaphore_mem>>, %arg20: memref<!tpu.dma_semaphore, #tpu.memory_space<semaphore_mem>>, %arg21: memref<!tpu.dma_semaphore, #tpu.memory_space<semaphore_mem>>, %arg22: memref<!tpu.dma_semaphore, #tpu.memory_space<semaphore_mem>>, %arg23: memref<!tpu.dma_semaphore, #tpu.memory_space<semaphore_mem>>) attributes {dimension_semantics = [#tpu.dimension_semantics<core_parallel>, #tpu.dimension_semantics<subcore_parallel>], iteration_bounds = array<i64: 2, 16>, scalar_prefetch = 0 : i64, scratch_operands = 17 : i64, tpu.core_type = #tpu.core_type<sc_vector_subcore>, window_params = [{transform_indices = #map}, {transform_indices = #map1}, {transform_indices = #map1}, {transform_indices = #map}, {transform_indices = #map}]} {
    %mul3A = arith.constant 2 : i32
    %mul3A_0 = arith.muli %arg1, %mul3A : i32
    %add3A = arith.addi %mul3A_0, %arg0 : i32
    %mul3A_1 = arith.constant 632 : i32
    %mul3A_2 = arith.muli %arg1, %mul3A_1 : i32
    %add3A_3 = arith.constant 0 : i32
    %add3A_4 = arith.addi %mul3A_2, %add3A_3 : i32
    "tpu.region"() ({
      %run_scoped3A = tpu.sem_alloc : memref<!tpu.dma_semaphore, #tpu.memory_space<semaphore_mem>>
      %dma_start3A = arith.constant 0 : i32
      %dma_start3A_74 = arith.constant 0 : i32
      %dma_start3A_75 = tpu.memref_slice %arg13[%dma_start3A, %dma_start3A_74] : memref<128x128xf32, #tpu.memory_space<vmem>> -> memref<128x128xf32, #tpu.memory_space<vmem>>
      %dma_start3A_76 = arith.constant 0 : i32
      %dma_start3A_77 = tpu.memref_slice %arg5[%add3A_4, %dma_start3A_76] : memref<10112x128xf32, #tpu.memory_space<hbm>> -> memref<128x128xf32, #tpu.memory_space<hbm>>
      %dma_start3A_78 = arith.constant 0 : i32
      %dma_start3A_79 = arith.constant 0 : i32
      %dma_start3A_80 = tpu.memref_slice %arg13[%dma_start3A_78, %dma_start3A_79] : memref<128x128xf32, #tpu.memory_space<vmem>> -> memref<128x128xf32, #tpu.memory_space<vmem>>
      %dma_start3A_81 = arith.constant 0 : i32
      %dma_start3A_82 = tpu.memref_slice %arg5[%add3A_4, %dma_start3A_81] : memref<10112x128xf32, #tpu.memory_space<hbm>> -> memref<128x128xf32, #tpu.memory_space<hbm>>
      tpu.enqueue_dma source(%dma_start3A_82 : memref<128x128xf32, #tpu.memory_space<hbm>>) target(%dma_start3A_80 : memref<128x128xf32, #tpu.memory_space<vmem>>) target_semaphore(%run_scoped3A : memref<!tpu.dma_semaphore, #tpu.memory_space<semaphore_mem>>)
      %dma_wait3A_83 = arith.constant 0 : i32
      %dma_wait3A_84 = arith.constant 0 : i32
      %dma_wait3A_85 = tpu.memref_slice %arg13[%dma_wait3A_83, %dma_wait3A_84] : memref<128x128xf32, #tpu.memory_space<vmem>> -> memref<128x128xf32, #tpu.memory_space<vmem>>
      %dma_wait3A_86 = arith.constant 0 : i32
      %dma_wait3A_87 = tpu.memref_slice %arg5[%add3A_4, %dma_wait3A_86] : memref<10112x128xf32, #tpu.memory_space<hbm>> -> memref<128x128xf32, #tpu.memory_space<hbm>>
      %dma_wait3A_88 = arith.constant 0 : i32
      %dma_wait3A_89 = arith.constant 0 : i32
      %dma_wait3A_90 = tpu.memref_slice %arg13[%dma_wait3A_88, %dma_wait3A_89] : memref<128x128xf32, #tpu.memory_space<vmem>> -> memref<128x128xf32, #tpu.memory_space<vmem>>
      %dma_wait3A_91 = arith.constant 0 : i32
      %dma_wait3A_92 = tpu.memref_slice %arg5[%add3A_4, %dma_wait3A_91] : memref<10112x128xf32, #tpu.memory_space<hbm>> -> memref<128x128xf32, #tpu.memory_space<hbm>>
      tpu.wait_dma2 semaphore(%run_scoped3A : memref<!tpu.dma_semaphore, #tpu.memory_space<semaphore_mem>>) src(%dma_wait3A_92 : memref<128x128xf32, #tpu.memory_space<hbm>>) dst(%dma_wait3A_90 : memref<128x128xf32, #tpu.memory_space<vmem>>)
      tpu.yield
    }) : () -> ()
    %add3A_5 = arith.constant 0 : i32
    %add3A_6 = arith.addi %mul3A_2, %add3A_5 : i32
    "tpu.region"() ({
      %run_scoped3A = tpu.sem_alloc : memref<!tpu.dma_semaphore, #tpu.memory_space<semaphore_mem>>
      %dma_start3A = arith.constant 0 : i32
      %dma_start3A_74 = arith.constant 0 : i32
      %dma_start3A_75 = tpu.memref_slice %arg13[%dma_start3A, %dma_start3A_74] : memref<128x128xf32, #tpu.memory_space<vmem>> -> memref<128x128xf32, #tpu.memory_space<vmem>>
      %dma_start3A_76 = arith.constant 0 : i32
      %dma_start3A_77 = tpu.memref_slice %arg16[%add3A_6, %dma_start3A_76] : memref<10112x128xf32, #tpu.memory_space<vmem_shared>> -> memref<128x128xf32, #tpu.memory_space<vmem_shared>>
      %dma_start3A_78 = arith.constant 0 : i32
      %dma_start3A_79 = tpu.memref_slice %arg16[%add3A_6, %dma_start3A_78] : memref<10112x128xf32, #tpu.memory_space<vmem_shared>> -> memref<128x128xf32, #tpu.memory_space<vmem_shared>>
      %dma_start3A_80 = arith.constant 0 : i32
      %dma_start3A_81 = arith.constant 0 : i32
      %dma_start3A_82 = tpu.memref_slice %arg13[%dma_start3A_80, %dma_start3A_81] : memref<128x128xf32, #tpu.memory_space<vmem>> -> memref<128x128xf32, #tpu.memory_space<vmem>>
      tpu.enqueue_dma source(%dma_start3A_82 : memref<128x128xf32, #tpu.memory_space<vmem>>) target(%dma_start3A_79 : memref<128x128xf32, #tpu.memory_space<vmem_shared>>) target_semaphore(%run_scoped3A : memref<!tpu.dma_semaphore, #tpu.memory_space<semaphore_mem>>)
      %dma_wait3A_83 = arith.constant 0 : i32
      %dma_wait3A_84 = arith.constant 0 : i32
      %dma_wait3A_85 = tpu.memref_slice %arg13[%dma_wait3A_83, %dma_wait3A_84] : memref<128x128xf32, #tpu.memory_space<vmem>> -> memref<128x128xf32, #tpu.memory_space<vmem>>
      %dma_wait3A_86 = arith.constant 0 : i32
      %dma_wait3A_87 = tpu.memref_slice %arg16[%add3A_6, %dma_wait3A_86] : memref<10112x128xf32, #tpu.memory_space<vmem_shared>> -> memref<128x128xf32, #tpu.memory_space<vmem_shared>>
      %dma_wait3A_88 = arith.constant 0 : i32
      %dma_wait3A_89 = tpu.memref_slice %arg16[%add3A_6, %dma_wait3A_88] : memref<10112x128xf32, #tpu.memory_space<vmem_shared>> -> memref<128x128xf32, #tpu.memory_space<vmem_shared>>
      %dma_wait3A_90 = arith.constant 0 : i32
      %dma_wait3A_91 = arith.constant 0 : i32
      %dma_wait3A_92 = tpu.memref_slice %arg13[%dma_wait3A_90, %dma_wait3A_91] : memref<128x128xf32, #tpu.memory_space<vmem>> -> memref<128x128xf32, #tpu.memory_space<vmem>>
      tpu.wait_dma2 semaphore(%run_scoped3A : memref<!tpu.dma_semaphore, #tpu.memory_space<semaphore_mem>>) src(%dma_wait3A_92 : memref<128x128xf32, #tpu.memory_space<vmem>>) dst(%dma_wait3A_89 : memref<128x128xf32, #tpu.memory_space<vmem_shared>>)
      tpu.yield
    }) : () -> ()
    %add3A_7 = arith.constant 128 : i32
    %add3A_8 = arith.addi %mul3A_2, %add3A_7 : i32
    "tpu.region"() ({
      %run_scoped3A = tpu.sem_alloc : memref<!tpu.dma_semaphore, #tpu.memory_space<semaphore_mem>>
      %dma_start3A = arith.constant 0 : i32
      %dma_start3A_74 = arith.constant 0 : i32
      %dma_start3A_75 = tpu.memref_slice %arg13[%dma_start3A, %dma_start3A_74] : memref<128x128xf32, #tpu.memory_space<vmem>> -> memref<128x128xf32, #tpu.memory_space<vmem>>
      %dma_start3A_76 = arith.constant 0 : i32
      %dma_start3A_77 = tpu.memref_slice %arg5[%add3A_8, %dma_start3A_76] : memref<10112x128xf32, #tpu.memory_space<hbm>> -> memref<128x128xf32, #tpu.memory_space<hbm>>
      %dma_start3A_78 = arith.constant 0 : i32
      %dma_start3A_79 = arith.constant 0 : i32
      %dma_start3A_80 = tpu.memref_slice %arg13[%dma_start3A_78, %dma_start3A_79] : memref<128x128xf32, #tpu.memory_space<vmem>> -> memref<128x128xf32, #tpu.memory_space<vmem>>
      %dma_start3A_81 = arith.constant 0 : i32
      %dma_start3A_82 = tpu.memref_slice %arg5[%add3A_8, %dma_start3A_81] : memref<10112x128xf32, #tpu.memory_space<hbm>> -> memref<128x128xf32, #tpu.memory_space<hbm>>
      tpu.enqueue_dma source(%dma_start3A_82 : memref<128x128xf32, #tpu.memory_space<hbm>>) target(%dma_start3A_80 : memref<128x128xf32, #tpu.memory_space<vmem>>) target_semaphore(%run_scoped3A : memref<!tpu.dma_semaphore, #tpu.memory_space<semaphore_mem>>)
      %dma_wait3A_83 = arith.constant 0 : i32
      %dma_wait3A_84 = arith.constant 0 : i32
      %dma_wait3A_85 = tpu.memref_slice %arg13[%dma_wait3A_83, %dma_wait3A_84] : memref<128x128xf32, #tpu.memory_space<vmem>> -> memref<128x128xf32, #tpu.memory_space<vmem>>
      %dma_wait3A_86 = arith.constant 0 : i32
      %dma_wait3A_87 = tpu.memref_slice %arg5[%add3A_8, %dma_wait3A_86] : memref<10112x128xf32, #tpu.memory_space<hbm>> -> memref<128x128xf32, #tpu.memory_space<hbm>>
      %dma_wait3A_88 = arith.constant 0 : i32
      %dma_wait3A_89 = arith.constant 0 : i32
      %dma_wait3A_90 = tpu.memref_slice %arg13[%dma_wait3A_88, %dma_wait3A_89] : memref<128x128xf32, #tpu.memory_space<vmem>> -> memref<128x128xf32, #tpu.memory_space<vmem>>
      %dma_wait3A_91 = arith.constant 0 : i32
      %dma_wait3A_92 = tpu.memref_slice %arg5[%add3A_8, %dma_wait3A_91] : memref<10112x128xf32, #tpu.memory_space<hbm>> -> memref<128x128xf32, #tpu.memory_space<hbm>>
      tpu.wait_dma2 semaphore(%run_scoped3A : memref<!tpu.dma_semaphore, #tpu.memory_space<semaphore_mem>>) src(%dma_wait3A_92 : memref<128x128xf32, #tpu.memory_space<hbm>>) dst(%dma_wait3A_90 : memref<128x128xf32, #tpu.memory_space<vmem>>)
      tpu.yield
    }) : () -> ()
    %add3A_9 = arith.constant 128 : i32
    %add3A_10 = arith.addi %mul3A_2, %add3A_9 : i32
    "tpu.region"() ({
      %run_scoped3A = tpu.sem_alloc : memref<!tpu.dma_semaphore, #tpu.memory_space<semaphore_mem>>
      %dma_start3A = arith.constant 0 : i32
      %dma_start3A_74 = arith.constant 0 : i32
      %dma_start3A_75 = tpu.memref_slice %arg13[%dma_start3A, %dma_start3A_74] : memref<128x128xf32, #tpu.memory_space<vmem>> -> memref<128x128xf32, #tpu.memory_space<vmem>>
      %dma_start3A_76 = arith.constant 0 : i32
      %dma_start3A_77 = tpu.memref_slice %arg16[%add3A_10, %dma_start3A_76] : memref<10112x128xf32, #tpu.memory_space<vmem_shared>> -> memref<128x128xf32, #tpu.memory_space<vmem_shared>>
      %dma_start3A_78 = arith.constant 0 : i32
      %dma_start3A_79 = tpu.memref_slice %arg16[%add3A_10, %dma_start3A_78] : memref<10112x128xf32, #tpu.memory_space<vmem_shared>> -> memref<128x128xf32, #tpu.memory_space<vmem_shared>>
      %dma_start3A_80 = arith.constant 0 : i32
      %dma_start3A_81 = arith.constant 0 : i32
      %dma_start3A_82 = tpu.memref_slice %arg13[%dma_start3A_80, %dma_start3A_81] : memref<128x128xf32, #tpu.memory_space<vmem>> -> memref<128x128xf32, #tpu.memory_space<vmem>>
      tpu.enqueue_dma source(%dma_start3A_82 : memref<128x128xf32, #tpu.memory_space<vmem>>) target(%dma_start3A_79 : memref<128x128xf32, #tpu.memory_space<vmem_shared>>) target_semaphore(%run_scoped3A : memref<!tpu.dma_semaphore, #tpu.memory_space<semaphore_mem>>)
      %dma_wait3A_83 = arith.constant 0 : i32
      %dma_wait3A_84 = arith.constant 0 : i32
      %dma_wait3A_85 = tpu.memref_slice %arg13[%dma_wait3A_83, %dma_wait3A_84] : memref<128x128xf32, #tpu.memory_space<vmem>> -> memref<128x128xf32, #tpu.memory_space<vmem>>
      %dma_wait3A_86 = arith.constant 0 : i32
      %dma_wait3A_87 = tpu.memref_slice %arg16[%add3A_10, %dma_wait3A_86] : memref<10112x128xf32, #tpu.memory_space<vmem_shared>> -> memref<128x128xf32, #tpu.memory_space<vmem_shared>>
      %dma_wait3A_88 = arith.constant 0 : i32
      %dma_wait3A_89 = tpu.memref_slice %arg16[%add3A_10, %dma_wait3A_88] : memref<10112x128xf32, #tpu.memory_space<vmem_shared>> -> memref<128x128xf32, #tpu.memory_space<vmem_shared>>
      %dma_wait3A_90 = arith.constant 0 : i32
      %dma_wait3A_91 = arith.constant 0 : i32
      %dma_wait3A_92 = tpu.memref_slice %arg13[%dma_wait3A_90, %dma_wait3A_91] : memref<128x128xf32, #tpu.memory_space<vmem>> -> memref<128x128xf32, #tpu.memory_space<vmem>>
      tpu.wait_dma2 semaphore(%run_scoped3A : memref<!tpu.dma_semaphore, #tpu.memory_space<semaphore_mem>>) src(%dma_wait3A_92 : memref<128x128xf32, #tpu.memory_space<vmem>>) dst(%dma_wait3A_89 : memref<128x128xf32, #tpu.memory_space<vmem_shared>>)
      tpu.yield
    }) : () -> ()
    %add3A_11 = arith.constant 256 : i32
    %add3A_12 = arith.addi %mul3A_2, %add3A_11 : i32
    "tpu.region"() ({
      %run_scoped3A = tpu.sem_alloc : memref<!tpu.dma_semaphore, #tpu.memory_space<semaphore_mem>>
      %dma_start3A = arith.constant 0 : i32
      %dma_start3A_74 = arith.constant 0 : i32
      %dma_start3A_75 = tpu.memref_slice %arg13[%dma_start3A, %dma_start3A_74] : memref<128x128xf32, #tpu.memory_space<vmem>> -> memref<128x128xf32, #tpu.memory_space<vmem>>
      %dma_start3A_76 = arith.constant 0 : i32
      %dma_start3A_77 = tpu.memref_slice %arg5[%add3A_12, %dma_start3A_76] : memref<10112x128xf32, #tpu.memory_space<hbm>> -> memref<128x128xf32, #tpu.memory_space<hbm>>
      %dma_start3A_78 = arith.constant 0 : i32
      %dma_start3A_79 = arith.constant 0 : i32
      %dma_start3A_80 = tpu.memref_slice %arg13[%dma_start3A_78, %dma_start3A_79] : memref<128x128xf32, #tpu.memory_space<vmem>> -> memref<128x128xf32, #tpu.memory_space<vmem>>
      %dma_start3A_81 = arith.constant 0 : i32
      %dma_start3A_82 = tpu.memref_slice %arg5[%add3A_12, %dma_start3A_81] : memref<10112x128xf32, #tpu.memory_space<hbm>> -> memref<128x128xf32, #tpu.memory_space<hbm>>
      tpu.enqueue_dma source(%dma_start3A_82 : memref<128x128xf32, #tpu.memory_space<hbm>>) target(%dma_start3A_80 : memref<128x128xf32, #tpu.memory_space<vmem>>) target_semaphore(%run_scoped3A : memref<!tpu.dma_semaphore, #tpu.memory_space<semaphore_mem>>)
      %dma_wait3A_83 = arith.constant 0 : i32
      %dma_wait3A_84 = arith.constant 0 : i32
      %dma_wait3A_85 = tpu.memref_slice %arg13[%dma_wait3A_83, %dma_wait3A_84] : memref<128x128xf32, #tpu.memory_space<vmem>> -> memref<128x128xf32, #tpu.memory_space<vmem>>
      %dma_wait3A_86 = arith.constant 0 : i32
      %dma_wait3A_87 = tpu.memref_slice %arg5[%add3A_12, %dma_wait3A_86] : memref<10112x128xf32, #tpu.memory_space<hbm>> -> memref<128x128xf32, #tpu.memory_space<hbm>>
      %dma_wait3A_88 = arith.constant 0 : i32
      %dma_wait3A_89 = arith.constant 0 : i32
      %dma_wait3A_90 = tpu.memref_slice %arg13[%dma_wait3A_88, %dma_wait3A_89] : memref<128x128xf32, #tpu.memory_space<vmem>> -> memref<128x128xf32, #tpu.memory_space<vmem>>
      %dma_wait3A_91 = arith.constant 0 : i32
      %dma_wait3A_92 = tpu.memref_slice %arg5[%add3A_12, %dma_wait3A_91] : memref<10112x128xf32, #tpu.memory_space<hbm>> -> memref<128x128xf32, #tpu.memory_space<hbm>>
      tpu.wait_dma2 semaphore(%run_scoped3A : memref<!tpu.dma_semaphore, #tpu.memory_space<semaphore_mem>>) src(%dma_wait3A_92 : memref<128x128xf32, #tpu.memory_space<hbm>>) dst(%dma_wait3A_90 : memref<128x128xf32, #tpu.memory_space<vmem>>)
      tpu.yield
    }) : () -> ()
    %add3A_13 = arith.constant 256 : i32
    %add3A_14 = arith.addi %mul3A_2, %add3A_13 : i32
    "tpu.region"() ({
      %run_scoped3A = tpu.sem_alloc : memref<!tpu.dma_semaphore, #tpu.memory_space<semaphore_mem>>
      %dma_start3A = arith.constant 0 : i32
      %dma_start3A_74 = arith.constant 0 : i32
      %dma_start3A_75 = tpu.memref_slice %arg13[%dma_start3A, %dma_start3A_74] : memref<128x128xf32, #tpu.memory_space<vmem>> -> memref<128x128xf32, #tpu.memory_space<vmem>>
      %dma_start3A_76 = arith.constant 0 : i32
      %dma_start3A_77 = tpu.memref_slice %arg16[%add3A_14, %dma_start3A_76] : memref<10112x128xf32, #tpu.memory_space<vmem_shared>> -> memref<128x128xf32, #tpu.memory_space<vmem_shared>>
      %dma_start3A_78 = arith.constant 0 : i32
      %dma_start3A_79 = tpu.memref_slice %arg16[%add3A_14, %dma_start3A_78] : memref<10112x128xf32, #tpu.memory_space<vmem_shared>> -> memref<128x128xf32, #tpu.memory_space<vmem_shared>>
      %dma_start3A_80 = arith.constant 0 : i32
      %dma_start3A_81 = arith.constant 0 : i32
      %dma_start3A_82 = tpu.memref_slice %arg13[%dma_start3A_80, %dma_start3A_81] : memref<128x128xf32, #tpu.memory_space<vmem>> -> memref<128x128xf32, #tpu.memory_space<vmem>>
      tpu.enqueue_dma source(%dma_start3A_82 : memref<128x128xf32, #tpu.memory_space<vmem>>) target(%dma_start3A_79 : memref<128x128xf32, #tpu.memory_space<vmem_shared>>) target_semaphore(%run_scoped3A : memref<!tpu.dma_semaphore, #tpu.memory_space<semaphore_mem>>)
      %dma_wait3A_83 = arith.constant 0 : i32
      %dma_wait3A_84 = arith.constant 0 : i32
      %dma_wait3A_85 = tpu.memref_slice %arg13[%dma_wait3A_83, %dma_wait3A_84] : memref<128x128xf32, #tpu.memory_space<vmem>> -> memref<128x128xf32, #tpu.memory_space<vmem>>
      %dma_wait3A_86 = arith.constant 0 : i32
      %dma_wait3A_87 = tpu.memref_slice %arg16[%add3A_14, %dma_wait3A_86] : memref<10112x128xf32, #tpu.memory_space<vmem_shared>> -> memref<128x128xf32, #tpu.memory_space<vmem_shared>>
      %dma_wait3A_88 = arith.constant 0 : i32
      %dma_wait3A_89 = tpu.memref_slice %arg16[%add3A_14, %dma_wait3A_88] : memref<10112x128xf32, #tpu.memory_space<vmem_shared>> -> memref<128x128xf32, #tpu.memory_space<vmem_shared>>
      %dma_wait3A_90 = arith.constant 0 : i32
      %dma_wait3A_91 = arith.constant 0 : i32
      %dma_wait3A_92 = tpu.memref_slice %arg13[%dma_wait3A_90, %dma_wait3A_91] : memref<128x128xf32, #tpu.memory_space<vmem>> -> memref<128x128xf32, #tpu.memory_space<vmem>>
      tpu.wait_dma2 semaphore(%run_scoped3A : memref<!tpu.dma_semaphore, #tpu.memory_space<semaphore_mem>>) src(%dma_wait3A_92 : memref<128x128xf32, #tpu.memory_space<vmem>>) dst(%dma_wait3A_89 : memref<128x128xf32, #tpu.memory_space<vmem_shared>>)
      tpu.yield
    }) : () -> ()
    %add3A_15 = arith.constant 384 : i32
    %add3A_16 = arith.addi %mul3A_2, %add3A_15 : i32
    "tpu.region"() ({
      %run_scoped3A = tpu.sem_alloc : memref<!tpu.dma_semaphore, #tpu.memory_space<semaphore_mem>>
      %dma_start3A = arith.constant 0 : i32
      %dma_start3A_74 = arith.constant 0 : i32
      %dma_start3A_75 = tpu.memref_slice %arg13[%dma_start3A, %dma_start3A_74] : memref<128x128xf32, #tpu.memory_space<vmem>> -> memref<128x128xf32, #tpu.memory_space<vmem>>
      %dma_start3A_76 = arith.constant 0 : i32
      %dma_start3A_77 = tpu.memref_slice %arg5[%add3A_16, %dma_start3A_76] : memref<10112x128xf32, #tpu.memory_space<hbm>> -> memref<128x128xf32, #tpu.memory_space<hbm>>
      %dma_start3A_78 = arith.constant 0 : i32
      %dma_start3A_79 = arith.constant 0 : i32
      %dma_start3A_80 = tpu.memref_slice %arg13[%dma_start3A_78, %dma_start3A_79] : memref<128x128xf32, #tpu.memory_space<vmem>> -> memref<128x128xf32, #tpu.memory_space<vmem>>
      %dma_start3A_81 = arith.constant 0 : i32
      %dma_start3A_82 = tpu.memref_slice %arg5[%add3A_16, %dma_start3A_81] : memref<10112x128xf32, #tpu.memory_space<hbm>> -> memref<128x128xf32, #tpu.memory_space<hbm>>
      tpu.enqueue_dma source(%dma_start3A_82 : memref<128x128xf32, #tpu.memory_space<hbm>>) target(%dma_start3A_80 : memref<128x128xf32, #tpu.memory_space<vmem>>) target_semaphore(%run_scoped3A : memref<!tpu.dma_semaphore, #tpu.memory_space<semaphore_mem>>)
      %dma_wait3A_83 = arith.constant 0 : i32
      %dma_wait3A_84 = arith.constant 0 : i32
      %dma_wait3A_85 = tpu.memref_slice %arg13[%dma_wait3A_83, %dma_wait3A_84] : memref<128x128xf32, #tpu.memory_space<vmem>> -> memref<128x128xf32, #tpu.memory_space<vmem>>
      %dma_wait3A_86 = arith.constant 0 : i32
      %dma_wait3A_87 = tpu.memref_slice %arg5[%add3A_16, %dma_wait3A_86] : memref<10112x128xf32, #tpu.memory_space<hbm>> -> memref<128x128xf32, #tpu.memory_space<hbm>>
      %dma_wait3A_88 = arith.constant 0 : i32
      %dma_wait3A_89 = arith.constant 0 : i32
      %dma_wait3A_90 = tpu.memref_slice %arg13[%dma_wait3A_88, %dma_wait3A_89] : memref<128x128xf32, #tpu.memory_space<vmem>> -> memref<128x128xf32, #tpu.memory_space<vmem>>
      %dma_wait3A_91 = arith.constant 0 : i32
      %dma_wait3A_92 = tpu.memref_slice %arg5[%add3A_16, %dma_wait3A_91] : memref<10112x128xf32, #tpu.memory_space<hbm>> -> memref<128x128xf32, #tpu.memory_space<hbm>>
      tpu.wait_dma2 semaphore(%run_scoped3A : memref<!tpu.dma_semaphore, #tpu.memory_space<semaphore_mem>>) src(%dma_wait3A_92 : memref<128x128xf32, #tpu.memory_space<hbm>>) dst(%dma_wait3A_90 : memref<128x128xf32, #tpu.memory_space<vmem>>)
      tpu.yield
    }) : () -> ()
    %add3A_17 = arith.constant 384 : i32
    %add3A_18 = arith.addi %mul3A_2, %add3A_17 : i32
    "tpu.region"() ({
      %run_scoped3A = tpu.sem_alloc : memref<!tpu.dma_semaphore, #tpu.memory_space<semaphore_mem>>
      %dma_start3A = arith.constant 0 : i32
      %dma_start3A_74 = arith.constant 0 : i32
      %dma_start3A_75 = tpu.memref_slice %arg13[%dma_start3A, %dma_start3A_74] : memref<128x128xf32, #tpu.memory_space<vmem>> -> memref<128x128xf32, #tpu.memory_space<vmem>>
      %dma_start3A_76 = arith.constant 0 : i32
      %dma_start3A_77 = tpu.memref_slice %arg16[%add3A_18, %dma_start3A_76] : memref<10112x128xf32, #tpu.memory_space<vmem_shared>> -> memref<128x128xf32, #tpu.memory_space<vmem_shared>>
      %dma_start3A_78 = arith.constant 0 : i32
      %dma_start3A_79 = tpu.memref_slice %arg16[%add3A_18, %dma_start3A_78] : memref<10112x128xf32, #tpu.memory_space<vmem_shared>> -> memref<128x128xf32, #tpu.memory_space<vmem_shared>>
      %dma_start3A_80 = arith.constant 0 : i32
      %dma_start3A_81 = arith.constant 0 : i32
      %dma_start3A_82 = tpu.memref_slice %arg13[%dma_start3A_80, %dma_start3A_81] : memref<128x128xf32, #tpu.memory_space<vmem>> -> memref<128x128xf32, #tpu.memory_space<vmem>>
      tpu.enqueue_dma source(%dma_start3A_82 : memref<128x128xf32, #tpu.memory_space<vmem>>) target(%dma_start3A_79 : memref<128x128xf32, #tpu.memory_space<vmem_shared>>) target_semaphore(%run_scoped3A : memref<!tpu.dma_semaphore, #tpu.memory_space<semaphore_mem>>)
      %dma_wait3A_83 = arith.constant 0 : i32
      %dma_wait3A_84 = arith.constant 0 : i32
      %dma_wait3A_85 = tpu.memref_slice %arg13[%dma_wait3A_83, %dma_wait3A_84] : memref<128x128xf32, #tpu.memory_space<vmem>> -> memref<128x128xf32, #tpu.memory_space<vmem>>
      %dma_wait3A_86 = arith.constant 0 : i32
      %dma_wait3A_87 = tpu.memref_slice %arg16[%add3A_18, %dma_wait3A_86] : memref<10112x128xf32, #tpu.memory_space<vmem_shared>> -> memref<128x128xf32, #tpu.memory_space<vmem_shared>>
      %dma_wait3A_88 = arith.constant 0 : i32
      %dma_wait3A_89 = tpu.memref_slice %arg16[%add3A_18, %dma_wait3A_88] : memref<10112x128xf32, #tpu.memory_space<vmem_shared>> -> memref<128x128xf32, #tpu.memory_space<vmem_shared>>
      %dma_wait3A_90 = arith.constant 0 : i32
      %dma_wait3A_91 = arith.constant 0 : i32
      %dma_wait3A_92 = tpu.memref_slice %arg13[%dma_wait3A_90, %dma_wait3A_91] : memref<128x128xf32, #tpu.memory_space<vmem>> -> memref<128x128xf32, #tpu.memory_space<vmem>>
      tpu.wait_dma2 semaphore(%run_scoped3A : memref<!tpu.dma_semaphore, #tpu.memory_space<semaphore_mem>>) src(%dma_wait3A_92 : memref<128x128xf32, #tpu.memory_space<vmem>>) dst(%dma_wait3A_89 : memref<128x128xf32, #tpu.memory_space<vmem_shared>>)
      tpu.yield
    }) : () -> ()
    %add3A_19 = arith.constant 512 : i32
    %add3A_20 = arith.addi %mul3A_2, %add3A_19 : i32
    "tpu.region"() ({
      %run_scoped3A = tpu.sem_alloc : memref<!tpu.dma_semaphore, #tpu.memory_space<semaphore_mem>>
      %dma_start3A = arith.constant 0 : i32
      %dma_start3A_74 = arith.constant 0 : i32
      %dma_start3A_75 = tpu.memref_slice %arg13[%dma_start3A, %dma_start3A_74] : memref<128x128xf32, #tpu.memory_space<vmem>> -> memref<120x128xf32, #tpu.memory_space<vmem>>
      %dma_start3A_76 = arith.constant 0 : i32
      %dma_start3A_77 = tpu.memref_slice %arg5[%add3A_20, %dma_start3A_76] : memref<10112x128xf32, #tpu.memory_space<hbm>> -> memref<120x128xf32, #tpu.memory_space<hbm>>
      %dma_start3A_78 = arith.constant 0 : i32
      %dma_start3A_79 = arith.constant 0 : i32
      %dma_start3A_80 = tpu.memref_slice %arg13[%dma_start3A_78, %dma_start3A_79] : memref<128x128xf32, #tpu.memory_space<vmem>> -> memref<120x128xf32, #tpu.memory_space<vmem>>
      %dma_start3A_81 = arith.constant 0 : i32
      %dma_start3A_82 = tpu.memref_slice %arg5[%add3A_20, %dma_start3A_81] : memref<10112x128xf32, #tpu.memory_space<hbm>> -> memref<120x128xf32, #tpu.memory_space<hbm>>
      tpu.enqueue_dma source(%dma_start3A_82 : memref<120x128xf32, #tpu.memory_space<hbm>>) target(%dma_start3A_80 : memref<120x128xf32, #tpu.memory_space<vmem>>) target_semaphore(%run_scoped3A : memref<!tpu.dma_semaphore, #tpu.memory_space<semaphore_mem>>)
      %dma_wait3A_83 = arith.constant 0 : i32
      %dma_wait3A_84 = arith.constant 0 : i32
      %dma_wait3A_85 = tpu.memref_slice %arg13[%dma_wait3A_83, %dma_wait3A_84] : memref<128x128xf32, #tpu.memory_space<vmem>> -> memref<120x128xf32, #tpu.memory_space<vmem>>
      %dma_wait3A_86 = arith.constant 0 : i32
      %dma_wait3A_87 = tpu.memref_slice %arg5[%add3A_20, %dma_wait3A_86] : memref<10112x128xf32, #tpu.memory_space<hbm>> -> memref<120x128xf32, #tpu.memory_space<hbm>>
      %dma_wait3A_88 = arith.constant 0 : i32
      %dma_wait3A_89 = arith.constant 0 : i32
      %dma_wait3A_90 = tpu.memref_slice %arg13[%dma_wait3A_88, %dma_wait3A_89] : memref<128x128xf32, #tpu.memory_space<vmem>> -> memref<120x128xf32, #tpu.memory_space<vmem>>
      %dma_wait3A_91 = arith.constant 0 : i32
      %dma_wait3A_92 = tpu.memref_slice %arg5[%add3A_20, %dma_wait3A_91] : memref<10112x128xf32, #tpu.memory_space<hbm>> -> memref<120x128xf32, #tpu.memory_space<hbm>>
      tpu.wait_dma2 semaphore(%run_scoped3A : memref<!tpu.dma_semaphore, #tpu.memory_space<semaphore_mem>>) src(%dma_wait3A_92 : memref<120x128xf32, #tpu.memory_space<hbm>>) dst(%dma_wait3A_90 : memref<120x128xf32, #tpu.memory_space<vmem>>)
      tpu.yield
    }) : () -> ()
    %add3A_21 = arith.constant 512 : i32
    %add3A_22 = arith.addi %mul3A_2, %add3A_21 : i32
    "tpu.region"() ({
      %run_scoped3A = tpu.sem_alloc : memref<!tpu.dma_semaphore, #tpu.memory_space<semaphore_mem>>
      %dma_start3A = arith.constant 0 : i32
      %dma_start3A_74 = arith.constant 0 : i32
      %dma_start3A_75 = tpu.memref_slice %arg13[%dma_start3A, %dma_start3A_74] : memref<128x128xf32, #tpu.memory_space<vmem>> -> memref<120x128xf32, #tpu.memory_space<vmem>>
      %dma_start3A_76 = arith.constant 0 : i32
      %dma_start3A_77 = tpu.memref_slice %arg16[%add3A_22, %dma_start3A_76] : memref<10112x128xf32, #tpu.memory_space<vmem_shared>> -> memref<120x128xf32, #tpu.memory_space<vmem_shared>>
      %dma_start3A_78 = arith.constant 0 : i32
      %dma_start3A_79 = tpu.memref_slice %arg16[%add3A_22, %dma_start3A_78] : memref<10112x128xf32, #tpu.memory_space<vmem_shared>> -> memref<120x128xf32, #tpu.memory_space<vmem_shared>>
      %dma_start3A_80 = arith.constant 0 : i32
      %dma_start3A_81 = arith.constant 0 : i32
      %dma_start3A_82 = tpu.memref_slice %arg13[%dma_start3A_80, %dma_start3A_81] : memref<128x128xf32, #tpu.memory_space<vmem>> -> memref<120x128xf32, #tpu.memory_space<vmem>>
      tpu.enqueue_dma source(%dma_start3A_82 : memref<120x128xf32, #tpu.memory_space<vmem>>) target(%dma_start3A_79 : memref<120x128xf32, #tpu.memory_space<vmem_shared>>) target_semaphore(%run_scoped3A : memref<!tpu.dma_semaphore, #tpu.memory_space<semaphore_mem>>)
      %dma_wait3A_83 = arith.constant 0 : i32
      %dma_wait3A_84 = arith.constant 0 : i32
      %dma_wait3A_85 = tpu.memref_slice %arg13[%dma_wait3A_83, %dma_wait3A_84] : memref<128x128xf32, #tpu.memory_space<vmem>> -> memref<120x128xf32, #tpu.memory_space<vmem>>
      %dma_wait3A_86 = arith.constant 0 : i32
      %dma_wait3A_87 = tpu.memref_slice %arg16[%add3A_22, %dma_wait3A_86] : memref<10112x128xf32, #tpu.memory_space<vmem_shared>> -> memref<120x128xf32, #tpu.memory_space<vmem_shared>>
      %dma_wait3A_88 = arith.constant 0 : i32
      %dma_wait3A_89 = tpu.memref_slice %arg16[%add3A_22, %dma_wait3A_88] : memref<10112x128xf32, #tpu.memory_space<vmem_shared>> -> memref<120x128xf32, #tpu.memory_space<vmem_shared>>
      %dma_wait3A_90 = arith.constant 0 : i32
      %dma_wait3A_91 = arith.constant 0 : i32
      %dma_wait3A_92 = tpu.memref_slice %arg13[%dma_wait3A_90, %dma_wait3A_91] : memref<128x128xf32, #tpu.memory_space<vmem>> -> memref<120x128xf32, #tpu.memory_space<vmem>>
      tpu.wait_dma2 semaphore(%run_scoped3A : memref<!tpu.dma_semaphore, #tpu.memory_space<semaphore_mem>>) src(%dma_wait3A_92 : memref<120x128xf32, #tpu.memory_space<vmem>>) dst(%dma_wait3A_89 : memref<120x128xf32, #tpu.memory_space<vmem_shared>>)
      tpu.yield
    }) : () -> ()
    %barrier3A = arith.constant 0 : index
    tpu.barrier barrier_id(%barrier3A)
    %mul3A_23 = arith.constant 10368 : i32
    %mul3A_24 = arith.muli %add3A, %mul3A_23 : i32
    %sub3A = arith.constant 27 : i32
    %sub3A_25 = arith.constant 0 : i32
    %sub3A_26 = arith.subi %sub3A, %sub3A_25 : i32
    %sub3A_27 = arith.constant 1 : i32
    %sub3A_28 = arith.constant 1 : i32
    %sub3A_29 = arith.subi %sub3A_27, %sub3A_28 : i32
    %add3A_30 = arith.addi %sub3A_26, %sub3A_29 : i32
    %div3A = arith.constant 1 : i32
    %div3A_31 = arith.divsi %add3A_30, %div3A : i32
    %while3A = arith.constant 1 : i32
    %while3A_32 = arith.constant 0 : i32
    %while3A_33 = arith.constant 0 : i32
    %while3A_34 = arith.subi %div3A_31, %while3A_33 : i32
    %while3A_35 = arith.addi %while3A_33, %while3A_34 : i32
    %while3A_36 = arith.constant 1 : i32
    %while3A_37 = arith.divsi %while3A_34, %while3A_36 : i32
    %while3A_38 = arith.muli %while3A_37, %while3A_36 : i32
    %while3A_39 = arith.addi %while3A_33, %while3A_38 : i32
    %while3A_40 = arith.constant 1 : i32
    scf.for %while3A_74 = %while3A_33 to %while3A_39 step %while3A_40  : i32 {
      %mul3A_75 = arith.muli %while3A_74, %while3A : i32
      %add3A_76 = arith.addi %while3A_32, %mul3A_75 : i32
      %gt3A = arith.constant 0 : i32
      %gt3A_77 = arith.cmpi sgt, %add3A_76, %gt3A : i32
      %convert_element_type3A = arith.extui %gt3A_77 : i1 to i32
      %cond3A = arith.constant 0 : i32
      %cond3A_78 = arith.cmpi ne, %convert_element_type3A, %cond3A : i32
      scf.if %cond3A_78 {
        %dma_wait3A_138 = arith.constant 0 : i32
        %dma_wait3A_139 = arith.constant 0 : i32
        %dma_wait3A_140 = tpu.memref_slice %arg16[%dma_wait3A_138, %dma_wait3A_139] : memref<10112x128xf32, #tpu.memory_space<vmem_shared>> -> memref<10112x128xf32, #tpu.memory_space<vmem_shared>>
        tpu.wait_indirect_dma semaphore(%arg21 : memref<!tpu.dma_semaphore, #tpu.memory_space<semaphore_mem>>) src(%arg13 : memref<128x128xf32, #tpu.memory_space<vmem>>) dst(%dma_wait3A_140 : memref<10112x128xf32, #tpu.memory_space<vmem_shared>>)
        %dma_wait3A_141 = arith.constant 0 : i32
        %dma_wait3A_142 = arith.constant 0 : i32
        %dma_wait3A_143 = tpu.memref_slice %arg16[%dma_wait3A_141, %dma_wait3A_142] : memref<10112x128xf32, #tpu.memory_space<vmem_shared>> -> memref<10112x128xf32, #tpu.memory_space<vmem_shared>>
        tpu.wait_indirect_dma semaphore(%arg22 : memref<!tpu.dma_semaphore, #tpu.memory_space<semaphore_mem>>) src(%arg14 : memref<128x128xf32, #tpu.memory_space<vmem>>) dst(%dma_wait3A_143 : memref<10112x128xf32, #tpu.memory_space<vmem_shared>>)
        %dma_wait3A_144 = arith.constant 0 : i32
        %dma_wait3A_145 = arith.constant 0 : i32
        %dma_wait3A_146 = tpu.memref_slice %arg16[%dma_wait3A_144, %dma_wait3A_145] : memref<10112x128xf32, #tpu.memory_space<vmem_shared>> -> memref<10112x128xf32, #tpu.memory_space<vmem_shared>>
        tpu.wait_indirect_dma semaphore(%arg23 : memref<!tpu.dma_semaphore, #tpu.memory_space<semaphore_mem>>) src(%arg15 : memref<128x128xf32, #tpu.memory_space<vmem>>) dst(%dma_wait3A_146 : memref<10112x128xf32, #tpu.memory_space<vmem_shared>>)
      } else {
      }
      %mul3A_79 = arith.constant 384 : i32
      %mul3A_80 = arith.muli %add3A_76, %mul3A_79 : i32
      %add3A_81 = arith.addi %mul3A_24, %mul3A_80 : i32
      %add3A_82 = arith.constant 0 : i32
      %add3A_83 = arith.addi %add3A_81, %add3A_82 : i32
      %dma_start3A = tpu.memref_slice %arg3[%add3A_83] : memref<331776xi32, #tpu.memory_space<hbm>> -> memref<128xi32, #tpu.memory_space<hbm>>
      %dma_start3A_84 = tpu.memref_slice %arg3[%add3A_83] : memref<331776xi32, #tpu.memory_space<hbm>> -> memref<128xi32, #tpu.memory_space<hbm>>
      tpu.enqueue_dma source(%dma_start3A_84 : memref<128xi32, #tpu.memory_space<hbm>>) target(%arg7 : memref<128xi32, #tpu.memory_space<vmem>>) target_semaphore(%arg17 : memref<!tpu.dma_semaphore, #tpu.memory_space<semaphore_mem>>)
      %dma_start3A_85 = tpu.memref_slice %arg4[%add3A_83] : memref<331776xi32, #tpu.memory_space<hbm>> -> memref<128xi32, #tpu.memory_space<hbm>>
      %dma_start3A_86 = tpu.memref_slice %arg4[%add3A_83] : memref<331776xi32, #tpu.memory_space<hbm>> -> memref<128xi32, #tpu.memory_space<hbm>>
      tpu.enqueue_dma source(%dma_start3A_86 : memref<128xi32, #tpu.memory_space<hbm>>) target(%arg10 : memref<128xi32, #tpu.memory_space<vmem>>) target_semaphore(%arg17 : memref<!tpu.dma_semaphore, #tpu.memory_space<semaphore_mem>>)
      %add3A_87 = arith.constant 128 : i32
      %add3A_88 = arith.addi %add3A_81, %add3A_87 : i32
      %dma_start3A_89 = tpu.memref_slice %arg3[%add3A_88] : memref<331776xi32, #tpu.memory_space<hbm>> -> memref<128xi32, #tpu.memory_space<hbm>>
      %dma_start3A_90 = tpu.memref_slice %arg3[%add3A_88] : memref<331776xi32, #tpu.memory_space<hbm>> -> memref<128xi32, #tpu.memory_space<hbm>>
      tpu.enqueue_dma source(%dma_start3A_90 : memref<128xi32, #tpu.memory_space<hbm>>) target(%arg8 : memref<128xi32, #tpu.memory_space<vmem>>) target_semaphore(%arg17 : memref<!tpu.dma_semaphore, #tpu.memory_space<semaphore_mem>>)
      %dma_start3A_91 = tpu.memref_slice %arg4[%add3A_88] : memref<331776xi32, #tpu.memory_space<hbm>> -> memref<128xi32, #tpu.memory_space<hbm>>
      %dma_start3A_92 = tpu.memref_slice %arg4[%add3A_88] : memref<331776xi32, #tpu.memory_space<hbm>> -> memref<128xi32, #tpu.memory_space<hbm>>
      tpu.enqueue_dma source(%dma_start3A_92 : memref<128xi32, #tpu.memory_space<hbm>>) target(%arg11 : memref<128xi32, #tpu.memory_space<vmem>>) target_semaphore(%arg17 : memref<!tpu.dma_semaphore, #tpu.memory_space<semaphore_mem>>)
      %add3A_93 = arith.constant 256 : i32
      %add3A_94 = arith.addi %add3A_81, %add3A_93 : i32
      %dma_start3A_95 = tpu.memref_slice %arg3[%add3A_94] : memref<331776xi32, #tpu.memory_space<hbm>> -> memref<128xi32, #tpu.memory_space<hbm>>
      %dma_start3A_96 = tpu.memref_slice %arg3[%add3A_94] : memref<331776xi32, #tpu.memory_space<hbm>> -> memref<128xi32, #tpu.memory_space<hbm>>
      tpu.enqueue_dma source(%dma_start3A_96 : memref<128xi32, #tpu.memory_space<hbm>>) target(%arg9 : memref<128xi32, #tpu.memory_space<vmem>>) target_semaphore(%arg17 : memref<!tpu.dma_semaphore, #tpu.memory_space<semaphore_mem>>)
      %dma_start3A_97 = tpu.memref_slice %arg4[%add3A_94] : memref<331776xi32, #tpu.memory_space<hbm>> -> memref<128xi32, #tpu.memory_space<hbm>>
      %dma_start3A_98 = tpu.memref_slice %arg4[%add3A_94] : memref<331776xi32, #tpu.memory_space<hbm>> -> memref<128xi32, #tpu.memory_space<hbm>>
      tpu.enqueue_dma source(%dma_start3A_98 : memref<128xi32, #tpu.memory_space<hbm>>) target(%arg12 : memref<128xi32, #tpu.memory_space<vmem>>) target_semaphore(%arg17 : memref<!tpu.dma_semaphore, #tpu.memory_space<semaphore_mem>>)
      %dma_wait3A_99 = tpu.memref_slice %arg3[%add3A_83] : memref<331776xi32, #tpu.memory_space<hbm>> -> memref<128xi32, #tpu.memory_space<hbm>>
      %dma_wait3A_100 = tpu.memref_slice %arg3[%add3A_83] : memref<331776xi32, #tpu.memory_space<hbm>> -> memref<128xi32, #tpu.memory_space<hbm>>
      tpu.wait_dma2 semaphore(%arg17 : memref<!tpu.dma_semaphore, #tpu.memory_space<semaphore_mem>>) src(%dma_wait3A_100 : memref<128xi32, #tpu.memory_space<hbm>>) dst(%arg7 : memref<128xi32, #tpu.memory_space<vmem>>)
      %dma_wait3A_101 = tpu.memref_slice %arg4[%add3A_83] : memref<331776xi32, #tpu.memory_space<hbm>> -> memref<128xi32, #tpu.memory_space<hbm>>
      %dma_wait3A_102 = tpu.memref_slice %arg4[%add3A_83] : memref<331776xi32, #tpu.memory_space<hbm>> -> memref<128xi32, #tpu.memory_space<hbm>>
      tpu.wait_dma2 semaphore(%arg17 : memref<!tpu.dma_semaphore, #tpu.memory_space<semaphore_mem>>) src(%dma_wait3A_102 : memref<128xi32, #tpu.memory_space<hbm>>) dst(%arg10 : memref<128xi32, #tpu.memory_space<vmem>>)
      %dma_wait3A_103 = tpu.memref_slice %arg3[%add3A_88] : memref<331776xi32, #tpu.memory_space<hbm>> -> memref<128xi32, #tpu.memory_space<hbm>>
      %dma_wait3A_104 = tpu.memref_slice %arg3[%add3A_88] : memref<331776xi32, #tpu.memory_space<hbm>> -> memref<128xi32, #tpu.memory_space<hbm>>
      tpu.wait_dma2 semaphore(%arg17 : memref<!tpu.dma_semaphore, #tpu.memory_space<semaphore_mem>>) src(%dma_wait3A_104 : memref<128xi32, #tpu.memory_space<hbm>>) dst(%arg8 : memref<128xi32, #tpu.memory_space<vmem>>)
      %dma_wait3A_105 = tpu.memref_slice %arg4[%add3A_88] : memref<331776xi32, #tpu.memory_space<hbm>> -> memref<128xi32, #tpu.memory_space<hbm>>
      %dma_wait3A_106 = tpu.memref_slice %arg4[%add3A_88] : memref<331776xi32, #tpu.memory_space<hbm>> -> memref<128xi32, #tpu.memory_space<hbm>>
      tpu.wait_dma2 semaphore(%arg17 : memref<!tpu.dma_semaphore, #tpu.memory_space<semaphore_mem>>) src(%dma_wait3A_106 : memref<128xi32, #tpu.memory_space<hbm>>) dst(%arg11 : memref<128xi32, #tpu.memory_space<vmem>>)
      %dma_wait3A_107 = tpu.memref_slice %arg3[%add3A_94] : memref<331776xi32, #tpu.memory_space<hbm>> -> memref<128xi32, #tpu.memory_space<hbm>>
      %dma_wait3A_108 = tpu.memref_slice %arg3[%add3A_94] : memref<331776xi32, #tpu.memory_space<hbm>> -> memref<128xi32, #tpu.memory_space<hbm>>
      tpu.wait_dma2 semaphore(%arg17 : memref<!tpu.dma_semaphore, #tpu.memory_space<semaphore_mem>>) src(%dma_wait3A_108 : memref<128xi32, #tpu.memory_space<hbm>>) dst(%arg9 : memref<128xi32, #tpu.memory_space<vmem>>)
      %dma_wait3A_109 = tpu.memref_slice %arg4[%add3A_94] : memref<331776xi32, #tpu.memory_space<hbm>> -> memref<128xi32, #tpu.memory_space<hbm>>
      %dma_wait3A_110 = tpu.memref_slice %arg4[%add3A_94] : memref<331776xi32, #tpu.memory_space<hbm>> -> memref<128xi32, #tpu.memory_space<hbm>>
      tpu.wait_dma2 semaphore(%arg17 : memref<!tpu.dma_semaphore, #tpu.memory_space<semaphore_mem>>) src(%dma_wait3A_110 : memref<128xi32, #tpu.memory_space<hbm>>) dst(%arg12 : memref<128xi32, #tpu.memory_space<vmem>>)
      %dma_start3A_111 = arith.constant 0 : i32
      %dma_start3A_112 = arith.constant 0 : i32
      %dma_start3A_113 = tpu.memref_slice %arg2[%dma_start3A_111, %dma_start3A_112] : memref<10000x128xf32, #tpu.memory_space<hbm>> -> memref<10000x128xf32, #tpu.memory_space<hbm>>
      tpu.enqueue_indirect_dma source(%dma_start3A_113 : memref<10000x128xf32, #tpu.memory_space<hbm>>) target(%arg13 : memref<128x128xf32, #tpu.memory_space<vmem>>) offsets(%arg7 : memref<128xi32, #tpu.memory_space<vmem>>) semaphore(%arg18 : memref<!tpu.dma_semaphore, #tpu.memory_space<semaphore_mem>>)
      %dma_start3A_114 = arith.constant 0 : i32
      %dma_start3A_115 = arith.constant 0 : i32
      %dma_start3A_116 = tpu.memref_slice %arg2[%dma_start3A_114, %dma_start3A_115] : memref<10000x128xf32, #tpu.memory_space<hbm>> -> memref<10000x128xf32, #tpu.memory_space<hbm>>
      tpu.enqueue_indirect_dma source(%dma_start3A_116 : memref<10000x128xf32, #tpu.memory_space<hbm>>) target(%arg14 : memref<128x128xf32, #tpu.memory_space<vmem>>) offsets(%arg8 : memref<128xi32, #tpu.memory_space<vmem>>) semaphore(%arg19 : memref<!tpu.dma_semaphore, #tpu.memory_space<semaphore_mem>>)
      %dma_start3A_117 = arith.constant 0 : i32
      %dma_start3A_118 = arith.constant 0 : i32
      %dma_start3A_119 = tpu.memref_slice %arg2[%dma_start3A_117, %dma_start3A_118] : memref<10000x128xf32, #tpu.memory_space<hbm>> -> memref<10000x128xf32, #tpu.memory_space<hbm>>
      tpu.enqueue_indirect_dma source(%dma_start3A_119 : memref<10000x128xf32, #tpu.memory_space<hbm>>) target(%arg15 : memref<128x128xf32, #tpu.memory_space<vmem>>) offsets(%arg9 : memref<128xi32, #tpu.memory_space<vmem>>) semaphore(%arg20 : memref<!tpu.dma_semaphore, #tpu.memory_space<semaphore_mem>>)
      %dma_wait3A_120 = arith.constant 0 : i32
      %dma_wait3A_121 = arith.constant 0 : i32
      %dma_wait3A_122 = tpu.memref_slice %arg2[%dma_wait3A_120, %dma_wait3A_121] : memref<10000x128xf32, #tpu.memory_space<hbm>> -> memref<10000x128xf32, #tpu.memory_space<hbm>>
      tpu.wait_indirect_dma semaphore(%arg18 : memref<!tpu.dma_semaphore, #tpu.memory_space<semaphore_mem>>) src(%dma_wait3A_122 : memref<10000x128xf32, #tpu.memory_space<hbm>>) dst(%arg13 : memref<128x128xf32, #tpu.memory_space<vmem>>)
      %dma_start3A_123 = arith.constant 0 : i32
      %dma_start3A_124 = arith.constant 0 : i32
      %dma_start3A_125 = tpu.memref_slice %arg16[%dma_start3A_123, %dma_start3A_124] : memref<10112x128xf32, #tpu.memory_space<vmem_shared>> -> memref<10112x128xf32, #tpu.memory_space<vmem_shared>>
      tpu.enqueue_indirect_dma source(%arg13 : memref<128x128xf32, #tpu.memory_space<vmem>>) target(%dma_start3A_125 : memref<10112x128xf32, #tpu.memory_space<vmem_shared>>) offsets(%arg10 : memref<128xi32, #tpu.memory_space<vmem>>) semaphore(%arg21 : memref<!tpu.dma_semaphore, #tpu.memory_space<semaphore_mem>>) {add = true}
      %dma_wait3A_126 = arith.constant 0 : i32
      %dma_wait3A_127 = arith.constant 0 : i32
      %dma_wait3A_128 = tpu.memref_slice %arg2[%dma_wait3A_126, %dma_wait3A_127] : memref<10000x128xf32, #tpu.memory_space<hbm>> -> memref<10000x128xf32, #tpu.memory_space<hbm>>
      tpu.wait_indirect_dma semaphore(%arg19 : memref<!tpu.dma_semaphore, #tpu.memory_space<semaphore_mem>>) src(%dma_wait3A_128 : memref<10000x128xf32, #tpu.memory_space<hbm>>) dst(%arg14 : memref<128x128xf32, #tpu.memory_space<vmem>>)
      %dma_start3A_129 = arith.constant 0 : i32
      %dma_start3A_130 = arith.constant 0 : i32
      %dma_start3A_131 = tpu.memref_slice %arg16[%dma_start3A_129, %dma_start3A_130] : memref<10112x128xf32, #tpu.memory_space<vmem_shared>> -> memref<10112x128xf32, #tpu.memory_space<vmem_shared>>
      tpu.enqueue_indirect_dma source(%arg14 : memref<128x128xf32, #tpu.memory_space<vmem>>) target(%dma_start3A_131 : memref<10112x128xf32, #tpu.memory_space<vmem_shared>>) offsets(%arg11 : memref<128xi32, #tpu.memory_space<vmem>>) semaphore(%arg22 : memref<!tpu.dma_semaphore, #tpu.memory_space<semaphore_mem>>) {add = true}
      %dma_wait3A_132 = arith.constant 0 : i32
      %dma_wait3A_133 = arith.constant 0 : i32
      %dma_wait3A_134 = tpu.memref_slice %arg2[%dma_wait3A_132, %dma_wait3A_133] : memref<10000x128xf32, #tpu.memory_space<hbm>> -> memref<10000x128xf32, #tpu.memory_space<hbm>>
      tpu.wait_indirect_dma semaphore(%arg20 : memref<!tpu.dma_semaphore, #tpu.memory_space<semaphore_mem>>) src(%dma_wait3A_134 : memref<10000x128xf32, #tpu.memory_space<hbm>>) dst(%arg15 : memref<128x128xf32, #tpu.memory_space<vmem>>)
      %dma_start3A_135 = arith.constant 0 : i32
      %dma_start3A_136 = arith.constant 0 : i32
      %dma_start3A_137 = tpu.memref_slice %arg16[%dma_start3A_135, %dma_start3A_136] : memref<10112x128xf32, #tpu.memory_space<vmem_shared>> -> memref<10112x128xf32, #tpu.memory_space<vmem_shared>>
      tpu.enqueue_indirect_dma source(%arg15 : memref<128x128xf32, #tpu.memory_space<vmem>>) target(%dma_start3A_137 : memref<10112x128xf32, #tpu.memory_space<vmem_shared>>) offsets(%arg12 : memref<128xi32, #tpu.memory_space<vmem>>) semaphore(%arg23 : memref<!tpu.dma_semaphore, #tpu.memory_space<semaphore_mem>>) {add = true}
    }
    %while3A_41 = arith.constant 1 : i32
    scf.for %while3A_74 = %while3A_39 to %while3A_35 step %while3A_41  : i32 {
      %mul3A_75 = arith.muli %while3A_74, %while3A : i32
      %add3A_76 = arith.addi %while3A_32, %mul3A_75 : i32
      %gt3A = arith.constant 0 : i32
      %gt3A_77 = arith.cmpi sgt, %add3A_76, %gt3A : i32
      %convert_element_type3A = arith.extui %gt3A_77 : i1 to i32
      %cond3A = arith.constant 0 : i32
      %cond3A_78 = arith.cmpi ne, %convert_element_type3A, %cond3A : i32
      scf.if %cond3A_78 {
        %dma_wait3A_138 = arith.constant 0 : i32
        %dma_wait3A_139 = arith.constant 0 : i32
        %dma_wait3A_140 = tpu.memref_slice %arg16[%dma_wait3A_138, %dma_wait3A_139] : memref<10112x128xf32, #tpu.memory_space<vmem_shared>> -> memref<10112x128xf32, #tpu.memory_space<vmem_shared>>
        tpu.wait_indirect_dma semaphore(%arg21 : memref<!tpu.dma_semaphore, #tpu.memory_space<semaphore_mem>>) src(%arg13 : memref<128x128xf32, #tpu.memory_space<vmem>>) dst(%dma_wait3A_140 : memref<10112x128xf32, #tpu.memory_space<vmem_shared>>)
        %dma_wait3A_141 = arith.constant 0 : i32
        %dma_wait3A_142 = arith.constant 0 : i32
        %dma_wait3A_143 = tpu.memref_slice %arg16[%dma_wait3A_141, %dma_wait3A_142] : memref<10112x128xf32, #tpu.memory_space<vmem_shared>> -> memref<10112x128xf32, #tpu.memory_space<vmem_shared>>
        tpu.wait_indirect_dma semaphore(%arg22 : memref<!tpu.dma_semaphore, #tpu.memory_space<semaphore_mem>>) src(%arg14 : memref<128x128xf32, #tpu.memory_space<vmem>>) dst(%dma_wait3A_143 : memref<10112x128xf32, #tpu.memory_space<vmem_shared>>)
        %dma_wait3A_144 = arith.constant 0 : i32
        %dma_wait3A_145 = arith.constant 0 : i32
        %dma_wait3A_146 = tpu.memref_slice %arg16[%dma_wait3A_144, %dma_wait3A_145] : memref<10112x128xf32, #tpu.memory_space<vmem_shared>> -> memref<10112x128xf32, #tpu.memory_space<vmem_shared>>
        tpu.wait_indirect_dma semaphore(%arg23 : memref<!tpu.dma_semaphore, #tpu.memory_space<semaphore_mem>>) src(%arg15 : memref<128x128xf32, #tpu.memory_space<vmem>>) dst(%dma_wait3A_146 : memref<10112x128xf32, #tpu.memory_space<vmem_shared>>)
      } else {
      }
      %mul3A_79 = arith.constant 384 : i32
      %mul3A_80 = arith.muli %add3A_76, %mul3A_79 : i32
      %add3A_81 = arith.addi %mul3A_24, %mul3A_80 : i32
      %add3A_82 = arith.constant 0 : i32
      %add3A_83 = arith.addi %add3A_81, %add3A_82 : i32
      %dma_start3A = tpu.memref_slice %arg3[%add3A_83] : memref<331776xi32, #tpu.memory_space<hbm>> -> memref<128xi32, #tpu.memory_space<hbm>>
      %dma_start3A_84 = tpu.memref_slice %arg3[%add3A_83] : memref<331776xi32, #tpu.memory_space<hbm>> -> memref<128xi32, #tpu.memory_space<hbm>>
      tpu.enqueue_dma source(%dma_start3A_84 : memref<128xi32, #tpu.memory_space<hbm>>) target(%arg7 : memref<128xi32, #tpu.memory_space<vmem>>) target_semaphore(%arg17 : memref<!tpu.dma_semaphore, #tpu.memory_space<semaphore_mem>>)
      %dma_start3A_85 = tpu.memref_slice %arg4[%add3A_83] : memref<331776xi32, #tpu.memory_space<hbm>> -> memref<128xi32, #tpu.memory_space<hbm>>
      %dma_start3A_86 = tpu.memref_slice %arg4[%add3A_83] : memref<331776xi32, #tpu.memory_space<hbm>> -> memref<128xi32, #tpu.memory_space<hbm>>
      tpu.enqueue_dma source(%dma_start3A_86 : memref<128xi32, #tpu.memory_space<hbm>>) target(%arg10 : memref<128xi32, #tpu.memory_space<vmem>>) target_semaphore(%arg17 : memref<!tpu.dma_semaphore, #tpu.memory_space<semaphore_mem>>)
      %add3A_87 = arith.constant 128 : i32
      %add3A_88 = arith.addi %add3A_81, %add3A_87 : i32
      %dma_start3A_89 = tpu.memref_slice %arg3[%add3A_88] : memref<331776xi32, #tpu.memory_space<hbm>> -> memref<128xi32, #tpu.memory_space<hbm>>
      %dma_start3A_90 = tpu.memref_slice %arg3[%add3A_88] : memref<331776xi32, #tpu.memory_space<hbm>> -> memref<128xi32, #tpu.memory_space<hbm>>
      tpu.enqueue_dma source(%dma_start3A_90 : memref<128xi32, #tpu.memory_space<hbm>>) target(%arg8 : memref<128xi32, #tpu.memory_space<vmem>>) target_semaphore(%arg17 : memref<!tpu.dma_semaphore, #tpu.memory_space<semaphore_mem>>)
      %dma_start3A_91 = tpu.memref_slice %arg4[%add3A_88] : memref<331776xi32, #tpu.memory_space<hbm>> -> memref<128xi32, #tpu.memory_space<hbm>>
      %dma_start3A_92 = tpu.memref_slice %arg4[%add3A_88] : memref<331776xi32, #tpu.memory_space<hbm>> -> memref<128xi32, #tpu.memory_space<hbm>>
      tpu.enqueue_dma source(%dma_start3A_92 : memref<128xi32, #tpu.memory_space<hbm>>) target(%arg11 : memref<128xi32, #tpu.memory_space<vmem>>) target_semaphore(%arg17 : memref<!tpu.dma_semaphore, #tpu.memory_space<semaphore_mem>>)
      %add3A_93 = arith.constant 256 : i32
      %add3A_94 = arith.addi %add3A_81, %add3A_93 : i32
      %dma_start3A_95 = tpu.memref_slice %arg3[%add3A_94] : memref<331776xi32, #tpu.memory_space<hbm>> -> memref<128xi32, #tpu.memory_space<hbm>>
      %dma_start3A_96 = tpu.memref_slice %arg3[%add3A_94] : memref<331776xi32, #tpu.memory_space<hbm>> -> memref<128xi32, #tpu.memory_space<hbm>>
      tpu.enqueue_dma source(%dma_start3A_96 : memref<128xi32, #tpu.memory_space<hbm>>) target(%arg9 : memref<128xi32, #tpu.memory_space<vmem>>) target_semaphore(%arg17 : memref<!tpu.dma_semaphore, #tpu.memory_space<semaphore_mem>>)
      %dma_start3A_97 = tpu.memref_slice %arg4[%add3A_94] : memref<331776xi32, #tpu.memory_space<hbm>> -> memref<128xi32, #tpu.memory_space<hbm>>
      %dma_start3A_98 = tpu.memref_slice %arg4[%add3A_94] : memref<331776xi32, #tpu.memory_space<hbm>> -> memref<128xi32, #tpu.memory_space<hbm>>
      tpu.enqueue_dma source(%dma_start3A_98 : memref<128xi32, #tpu.memory_space<hbm>>) target(%arg12 : memref<128xi32, #tpu.memory_space<vmem>>) target_semaphore(%arg17 : memref<!tpu.dma_semaphore, #tpu.memory_space<semaphore_mem>>)
      %dma_wait3A_99 = tpu.memref_slice %arg3[%add3A_83] : memref<331776xi32, #tpu.memory_space<hbm>> -> memref<128xi32, #tpu.memory_space<hbm>>
      %dma_wait3A_100 = tpu.memref_slice %arg3[%add3A_83] : memref<331776xi32, #tpu.memory_space<hbm>> -> memref<128xi32, #tpu.memory_space<hbm>>
      tpu.wait_dma2 semaphore(%arg17 : memref<!tpu.dma_semaphore, #tpu.memory_space<semaphore_mem>>) src(%dma_wait3A_100 : memref<128xi32, #tpu.memory_space<hbm>>) dst(%arg7 : memref<128xi32, #tpu.memory_space<vmem>>)
      %dma_wait3A_101 = tpu.memref_slice %arg4[%add3A_83] : memref<331776xi32, #tpu.memory_space<hbm>> -> memref<128xi32, #tpu.memory_space<hbm>>
      %dma_wait3A_102 = tpu.memref_slice %arg4[%add3A_83] : memref<331776xi32, #tpu.memory_space<hbm>> -> memref<128xi32, #tpu.memory_space<hbm>>
      tpu.wait_dma2 semaphore(%arg17 : memref<!tpu.dma_semaphore, #tpu.memory_space<semaphore_mem>>) src(%dma_wait3A_102 : memref<128xi32, #tpu.memory_space<hbm>>) dst(%arg10 : memref<128xi32, #tpu.memory_space<vmem>>)
      %dma_wait3A_103 = tpu.memref_slice %arg3[%add3A_88] : memref<331776xi32, #tpu.memory_space<hbm>> -> memref<128xi32, #tpu.memory_space<hbm>>
      %dma_wait3A_104 = tpu.memref_slice %arg3[%add3A_88] : memref<331776xi32, #tpu.memory_space<hbm>> -> memref<128xi32, #tpu.memory_space<hbm>>
      tpu.wait_dma2 semaphore(%arg17 : memref<!tpu.dma_semaphore, #tpu.memory_space<semaphore_mem>>) src(%dma_wait3A_104 : memref<128xi32, #tpu.memory_space<hbm>>) dst(%arg8 : memref<128xi32, #tpu.memory_space<vmem>>)
      %dma_wait3A_105 = tpu.memref_slice %arg4[%add3A_88] : memref<331776xi32, #tpu.memory_space<hbm>> -> memref<128xi32, #tpu.memory_space<hbm>>
      %dma_wait3A_106 = tpu.memref_slice %arg4[%add3A_88] : memref<331776xi32, #tpu.memory_space<hbm>> -> memref<128xi32, #tpu.memory_space<hbm>>
      tpu.wait_dma2 semaphore(%arg17 : memref<!tpu.dma_semaphore, #tpu.memory_space<semaphore_mem>>) src(%dma_wait3A_106 : memref<128xi32, #tpu.memory_space<hbm>>) dst(%arg11 : memref<128xi32, #tpu.memory_space<vmem>>)
      %dma_wait3A_107 = tpu.memref_slice %arg3[%add3A_94] : memref<331776xi32, #tpu.memory_space<hbm>> -> memref<128xi32, #tpu.memory_space<hbm>>
      %dma_wait3A_108 = tpu.memref_slice %arg3[%add3A_94] : memref<331776xi32, #tpu.memory_space<hbm>> -> memref<128xi32, #tpu.memory_space<hbm>>
      tpu.wait_dma2 semaphore(%arg17 : memref<!tpu.dma_semaphore, #tpu.memory_space<semaphore_mem>>) src(%dma_wait3A_108 : memref<128xi32, #tpu.memory_space<hbm>>) dst(%arg9 : memref<128xi32, #tpu.memory_space<vmem>>)
      %dma_wait3A_109 = tpu.memref_slice %arg4[%add3A_94] : memref<331776xi32, #tpu.memory_space<hbm>> -> memref<128xi32, #tpu.memory_space<hbm>>
      %dma_wait3A_110 = tpu.memref_slice %arg4[%add3A_94] : memref<331776xi32, #tpu.memory_space<hbm>> -> memref<128xi32, #tpu.memory_space<hbm>>
      tpu.wait_dma2 semaphore(%arg17 : memref<!tpu.dma_semaphore, #tpu.memory_space<semaphore_mem>>) src(%dma_wait3A_110 : memref<128xi32, #tpu.memory_space<hbm>>) dst(%arg12 : memref<128xi32, #tpu.memory_space<vmem>>)
      %dma_start3A_111 = arith.constant 0 : i32
      %dma_start3A_112 = arith.constant 0 : i32
      %dma_start3A_113 = tpu.memref_slice %arg2[%dma_start3A_111, %dma_start3A_112] : memref<10000x128xf32, #tpu.memory_space<hbm>> -> memref<10000x128xf32, #tpu.memory_space<hbm>>
      tpu.enqueue_indirect_dma source(%dma_start3A_113 : memref<10000x128xf32, #tpu.memory_space<hbm>>) target(%arg13 : memref<128x128xf32, #tpu.memory_space<vmem>>) offsets(%arg7 : memref<128xi32, #tpu.memory_space<vmem>>) semaphore(%arg18 : memref<!tpu.dma_semaphore, #tpu.memory_space<semaphore_mem>>)
      %dma_start3A_114 = arith.constant 0 : i32
      %dma_start3A_115 = arith.constant 0 : i32
      %dma_start3A_116 = tpu.memref_slice %arg2[%dma_start3A_114, %dma_start3A_115] : memref<10000x128xf32, #tpu.memory_space<hbm>> -> memref<10000x128xf32, #tpu.memory_space<hbm>>
      tpu.enqueue_indirect_dma source(%dma_start3A_116 : memref<10000x128xf32, #tpu.memory_space<hbm>>) target(%arg14 : memref<128x128xf32, #tpu.memory_space<vmem>>) offsets(%arg8 : memref<128xi32, #tpu.memory_space<vmem>>) semaphore(%arg19 : memref<!tpu.dma_semaphore, #tpu.memory_space<semaphore_mem>>)
      %dma_start3A_117 = arith.constant 0 : i32
      %dma_start3A_118 = arith.constant 0 : i32
      %dma_start3A_119 = tpu.memref_slice %arg2[%dma_start3A_117, %dma_start3A_118] : memref<10000x128xf32, #tpu.memory_space<hbm>> -> memref<10000x128xf32, #tpu.memory_space<hbm>>
      tpu.enqueue_indirect_dma source(%dma_start3A_119 : memref<10000x128xf32, #tpu.memory_space<hbm>>) target(%arg15 : memref<128x128xf32, #tpu.memory_space<vmem>>) offsets(%arg9 : memref<128xi32, #tpu.memory_space<vmem>>) semaphore(%arg20 : memref<!tpu.dma_semaphore, #tpu.memory_space<semaphore_mem>>)
      %dma_wait3A_120 = arith.constant 0 : i32
      %dma_wait3A_121 = arith.constant 0 : i32
      %dma_wait3A_122 = tpu.memref_slice %arg2[%dma_wait3A_120, %dma_wait3A_121] : memref<10000x128xf32, #tpu.memory_space<hbm>> -> memref<10000x128xf32, #tpu.memory_space<hbm>>
      tpu.wait_indirect_dma semaphore(%arg18 : memref<!tpu.dma_semaphore, #tpu.memory_space<semaphore_mem>>) src(%dma_wait3A_122 : memref<10000x128xf32, #tpu.memory_space<hbm>>) dst(%arg13 : memref<128x128xf32, #tpu.memory_space<vmem>>)
      %dma_start3A_123 = arith.constant 0 : i32
      %dma_start3A_124 = arith.constant 0 : i32
      %dma_start3A_125 = tpu.memref_slice %arg16[%dma_start3A_123, %dma_start3A_124] : memref<10112x128xf32, #tpu.memory_space<vmem_shared>> -> memref<10112x128xf32, #tpu.memory_space<vmem_shared>>
      tpu.enqueue_indirect_dma source(%arg13 : memref<128x128xf32, #tpu.memory_space<vmem>>) target(%dma_start3A_125 : memref<10112x128xf32, #tpu.memory_space<vmem_shared>>) offsets(%arg10 : memref<128xi32, #tpu.memory_space<vmem>>) semaphore(%arg21 : memref<!tpu.dma_semaphore, #tpu.memory_space<semaphore_mem>>) {add = true}
      %dma_wait3A_126 = arith.constant 0 : i32
      %dma_wait3A_127 = arith.constant 0 : i32
      %dma_wait3A_128 = tpu.memref_slice %arg2[%dma_wait3A_126, %dma_wait3A_127] : memref<10000x128xf32, #tpu.memory_space<hbm>> -> memref<10000x128xf32, #tpu.memory_space<hbm>>
      tpu.wait_indirect_dma semaphore(%arg19 : memref<!tpu.dma_semaphore, #tpu.memory_space<semaphore_mem>>) src(%dma_wait3A_128 : memref<10000x128xf32, #tpu.memory_space<hbm>>) dst(%arg14 : memref<128x128xf32, #tpu.memory_space<vmem>>)
      %dma_start3A_129 = arith.constant 0 : i32
      %dma_start3A_130 = arith.constant 0 : i32
      %dma_start3A_131 = tpu.memref_slice %arg16[%dma_start3A_129, %dma_start3A_130] : memref<10112x128xf32, #tpu.memory_space<vmem_shared>> -> memref<10112x128xf32, #tpu.memory_space<vmem_shared>>
      tpu.enqueue_indirect_dma source(%arg14 : memref<128x128xf32, #tpu.memory_space<vmem>>) target(%dma_start3A_131 : memref<10112x128xf32, #tpu.memory_space<vmem_shared>>) offsets(%arg11 : memref<128xi32, #tpu.memory_space<vmem>>) semaphore(%arg22 : memref<!tpu.dma_semaphore, #tpu.memory_space<semaphore_mem>>) {add = true}
      %dma_wait3A_132 = arith.constant 0 : i32
      %dma_wait3A_133 = arith.constant 0 : i32
      %dma_wait3A_134 = tpu.memref_slice %arg2[%dma_wait3A_132, %dma_wait3A_133] : memref<10000x128xf32, #tpu.memory_space<hbm>> -> memref<10000x128xf32, #tpu.memory_space<hbm>>
      tpu.wait_indirect_dma semaphore(%arg20 : memref<!tpu.dma_semaphore, #tpu.memory_space<semaphore_mem>>) src(%dma_wait3A_134 : memref<10000x128xf32, #tpu.memory_space<hbm>>) dst(%arg15 : memref<128x128xf32, #tpu.memory_space<vmem>>)
      %dma_start3A_135 = arith.constant 0 : i32
      %dma_start3A_136 = arith.constant 0 : i32
      %dma_start3A_137 = tpu.memref_slice %arg16[%dma_start3A_135, %dma_start3A_136] : memref<10112x128xf32, #tpu.memory_space<vmem_shared>> -> memref<10112x128xf32, #tpu.memory_space<vmem_shared>>
      tpu.enqueue_indirect_dma source(%arg15 : memref<128x128xf32, #tpu.memory_space<vmem>>) target(%dma_start3A_137 : memref<10112x128xf32, #tpu.memory_space<vmem_shared>>) offsets(%arg12 : memref<128xi32, #tpu.memory_space<vmem>>) semaphore(%arg23 : memref<!tpu.dma_semaphore, #tpu.memory_space<semaphore_mem>>) {add = true}
    }
    %dma_wait3A = arith.constant 0 : i32
    %dma_wait3A_42 = arith.constant 0 : i32
    %dma_wait3A_43 = tpu.memref_slice %arg16[%dma_wait3A, %dma_wait3A_42] : memref<10112x128xf32, #tpu.memory_space<vmem_shared>> -> memref<10112x128xf32, #tpu.memory_space<vmem_shared>>
    tpu.wait_indirect_dma semaphore(%arg21 : memref<!tpu.dma_semaphore, #tpu.memory_space<semaphore_mem>>) src(%arg13 : memref<128x128xf32, #tpu.memory_space<vmem>>) dst(%dma_wait3A_43 : memref<10112x128xf32, #tpu.memory_space<vmem_shared>>)
    %dma_wait3A_44 = arith.constant 0 : i32
    %dma_wait3A_45 = arith.constant 0 : i32
    %dma_wait3A_46 = tpu.memref_slice %arg16[%dma_wait3A_44, %dma_wait3A_45] : memref<10112x128xf32, #tpu.memory_space<vmem_shared>> -> memref<10112x128xf32, #tpu.memory_space<vmem_shared>>
    tpu.wait_indirect_dma semaphore(%arg22 : memref<!tpu.dma_semaphore, #tpu.memory_space<semaphore_mem>>) src(%arg14 : memref<128x128xf32, #tpu.memory_space<vmem>>) dst(%dma_wait3A_46 : memref<10112x128xf32, #tpu.memory_space<vmem_shared>>)
    %dma_wait3A_47 = arith.constant 0 : i32
    %dma_wait3A_48 = arith.constant 0 : i32
    %dma_wait3A_49 = tpu.memref_slice %arg16[%dma_wait3A_47, %dma_wait3A_48] : memref<10112x128xf32, #tpu.memory_space<vmem_shared>> -> memref<10112x128xf32, #tpu.memory_space<vmem_shared>>
    tpu.wait_indirect_dma semaphore(%arg23 : memref<!tpu.dma_semaphore, #tpu.memory_space<semaphore_mem>>) src(%arg15 : memref<128x128xf32, #tpu.memory_space<vmem>>) dst(%dma_wait3A_49 : memref<10112x128xf32, #tpu.memory_space<vmem_shared>>)
    %barrier3A_50 = arith.constant 0 : index
    tpu.barrier barrier_id(%barrier3A_50)
    %mul3A_51 = arith.constant 10112 : i32
    %mul3A_52 = arith.muli %arg0, %mul3A_51 : i32
    %add3A_53 = arith.addi %mul3A_52, %mul3A_2 : i32
    %add3A_54 = arith.constant 0 : i32
    %add3A_55 = arith.addi %mul3A_2, %add3A_54 : i32
    "tpu.region"() ({
      %run_scoped3A = tpu.sem_alloc : memref<!tpu.dma_semaphore, #tpu.memory_space<semaphore_mem>>
      %dma_start3A = arith.constant 0 : i32
      %dma_start3A_74 = arith.constant 0 : i32
      %dma_start3A_75 = tpu.memref_slice %arg13[%dma_start3A, %dma_start3A_74] : memref<128x128xf32, #tpu.memory_space<vmem>> -> memref<128x128xf32, #tpu.memory_space<vmem>>
      %dma_start3A_76 = arith.constant 0 : i32
      %dma_start3A_77 = tpu.memref_slice %arg16[%add3A_55, %dma_start3A_76] : memref<10112x128xf32, #tpu.memory_space<vmem_shared>> -> memref<128x128xf32, #tpu.memory_space<vmem_shared>>
      %dma_start3A_78 = arith.constant 0 : i32
      %dma_start3A_79 = arith.constant 0 : i32
      %dma_start3A_80 = tpu.memref_slice %arg13[%dma_start3A_78, %dma_start3A_79] : memref<128x128xf32, #tpu.memory_space<vmem>> -> memref<128x128xf32, #tpu.memory_space<vmem>>
      %dma_start3A_81 = arith.constant 0 : i32
      %dma_start3A_82 = tpu.memref_slice %arg16[%add3A_55, %dma_start3A_81] : memref<10112x128xf32, #tpu.memory_space<vmem_shared>> -> memref<128x128xf32, #tpu.memory_space<vmem_shared>>
      tpu.enqueue_dma source(%dma_start3A_82 : memref<128x128xf32, #tpu.memory_space<vmem_shared>>) target(%dma_start3A_80 : memref<128x128xf32, #tpu.memory_space<vmem>>) target_semaphore(%run_scoped3A : memref<!tpu.dma_semaphore, #tpu.memory_space<semaphore_mem>>)
      %dma_wait3A_83 = arith.constant 0 : i32
      %dma_wait3A_84 = arith.constant 0 : i32
      %dma_wait3A_85 = tpu.memref_slice %arg13[%dma_wait3A_83, %dma_wait3A_84] : memref<128x128xf32, #tpu.memory_space<vmem>> -> memref<128x128xf32, #tpu.memory_space<vmem>>
      %dma_wait3A_86 = arith.constant 0 : i32
      %dma_wait3A_87 = tpu.memref_slice %arg16[%add3A_55, %dma_wait3A_86] : memref<10112x128xf32, #tpu.memory_space<vmem_shared>> -> memref<128x128xf32, #tpu.memory_space<vmem_shared>>
      %dma_wait3A_88 = arith.constant 0 : i32
      %dma_wait3A_89 = arith.constant 0 : i32
      %dma_wait3A_90 = tpu.memref_slice %arg13[%dma_wait3A_88, %dma_wait3A_89] : memref<128x128xf32, #tpu.memory_space<vmem>> -> memref<128x128xf32, #tpu.memory_space<vmem>>
      %dma_wait3A_91 = arith.constant 0 : i32
      %dma_wait3A_92 = tpu.memref_slice %arg16[%add3A_55, %dma_wait3A_91] : memref<10112x128xf32, #tpu.memory_space<vmem_shared>> -> memref<128x128xf32, #tpu.memory_space<vmem_shared>>
      tpu.wait_dma2 semaphore(%run_scoped3A : memref<!tpu.dma_semaphore, #tpu.memory_space<semaphore_mem>>) src(%dma_wait3A_92 : memref<128x128xf32, #tpu.memory_space<vmem_shared>>) dst(%dma_wait3A_90 : memref<128x128xf32, #tpu.memory_space<vmem>>)
      tpu.yield
    }) : () -> ()
    %add3A_56 = arith.constant 0 : i32
    %add3A_57 = arith.addi %add3A_53, %add3A_56 : i32
    "tpu.region"() ({
      %run_scoped3A = tpu.sem_alloc : memref<!tpu.dma_semaphore, #tpu.memory_space<semaphore_mem>>
      %dma_start3A = arith.constant 0 : i32
      %dma_start3A_74 = arith.constant 0 : i32
      %dma_start3A_75 = tpu.memref_slice %arg13[%dma_start3A, %dma_start3A_74] : memref<128x128xf32, #tpu.memory_space<vmem>> -> memref<128x128xf32, #tpu.memory_space<vmem>>
      %dma_start3A_76 = arith.constant 0 : i32
      %dma_start3A_77 = tpu.memref_slice %arg6[%add3A_57, %dma_start3A_76] : memref<20224x128xf32, #tpu.memory_space<hbm>> -> memref<128x128xf32, #tpu.memory_space<hbm>>
      %dma_start3A_78 = arith.constant 0 : i32
      %dma_start3A_79 = tpu.memref_slice %arg6[%add3A_57, %dma_start3A_78] : memref<20224x128xf32, #tpu.memory_space<hbm>> -> memref<128x128xf32, #tpu.memory_space<hbm>>
      %dma_start3A_80 = arith.constant 0 : i32
      %dma_start3A_81 = arith.constant 0 : i32
      %dma_start3A_82 = tpu.memref_slice %arg13[%dma_start3A_80, %dma_start3A_81] : memref<128x128xf32, #tpu.memory_space<vmem>> -> memref<128x128xf32, #tpu.memory_space<vmem>>
      tpu.enqueue_dma source(%dma_start3A_82 : memref<128x128xf32, #tpu.memory_space<vmem>>) target(%dma_start3A_79 : memref<128x128xf32, #tpu.memory_space<hbm>>) target_semaphore(%run_scoped3A : memref<!tpu.dma_semaphore, #tpu.memory_space<semaphore_mem>>)
      %dma_wait3A_83 = arith.constant 0 : i32
      %dma_wait3A_84 = arith.constant 0 : i32
      %dma_wait3A_85 = tpu.memref_slice %arg13[%dma_wait3A_83, %dma_wait3A_84] : memref<128x128xf32, #tpu.memory_space<vmem>> -> memref<128x128xf32, #tpu.memory_space<vmem>>
      %dma_wait3A_86 = arith.constant 0 : i32
      %dma_wait3A_87 = tpu.memref_slice %arg6[%add3A_57, %dma_wait3A_86] : memref<20224x128xf32, #tpu.memory_space<hbm>> -> memref<128x128xf32, #tpu.memory_space<hbm>>
      %dma_wait3A_88 = arith.constant 0 : i32
      %dma_wait3A_89 = tpu.memref_slice %arg6[%add3A_57, %dma_wait3A_88] : memref<20224x128xf32, #tpu.memory_space<hbm>> -> memref<128x128xf32, #tpu.memory_space<hbm>>
      %dma_wait3A_90 = arith.constant 0 : i32
      %dma_wait3A_91 = arith.constant 0 : i32
      %dma_wait3A_92 = tpu.memref_slice %arg13[%dma_wait3A_90, %dma_wait3A_91] : memref<128x128xf32, #tpu.memory_space<vmem>> -> memref<128x128xf32, #tpu.memory_space<vmem>>
      tpu.wait_dma2 semaphore(%run_scoped3A : memref<!tpu.dma_semaphore, #tpu.memory_space<semaphore_mem>>) src(%dma_wait3A_92 : memref<128x128xf32, #tpu.memory_space<vmem>>) dst(%dma_wait3A_89 : memref<128x128xf32, #tpu.memory_space<hbm>>)
      tpu.yield
    }) : () -> ()
    %add3A_58 = arith.constant 128 : i32
    %add3A_59 = arith.addi %mul3A_2, %add3A_58 : i32
    "tpu.region"() ({
      %run_scoped3A = tpu.sem_alloc : memref<!tpu.dma_semaphore, #tpu.memory_space<semaphore_mem>>
      %dma_start3A = arith.constant 0 : i32
      %dma_start3A_74 = arith.constant 0 : i32
      %dma_start3A_75 = tpu.memref_slice %arg13[%dma_start3A, %dma_start3A_74] : memref<128x128xf32, #tpu.memory_space<vmem>> -> memref<128x128xf32, #tpu.memory_space<vmem>>
      %dma_start3A_76 = arith.constant 0 : i32
      %dma_start3A_77 = tpu.memref_slice %arg16[%add3A_59, %dma_start3A_76] : memref<10112x128xf32, #tpu.memory_space<vmem_shared>> -> memref<128x128xf32, #tpu.memory_space<vmem_shared>>
      %dma_start3A_78 = arith.constant 0 : i32
      %dma_start3A_79 = arith.constant 0 : i32
      %dma_start3A_80 = tpu.memref_slice %arg13[%dma_start3A_78, %dma_start3A_79] : memref<128x128xf32, #tpu.memory_space<vmem>> -> memref<128x128xf32, #tpu.memory_space<vmem>>
      %dma_start3A_81 = arith.constant 0 : i32
      %dma_start3A_82 = tpu.memref_slice %arg16[%add3A_59, %dma_start3A_81] : memref<10112x128xf32, #tpu.memory_space<vmem_shared>> -> memref<128x128xf32, #tpu.memory_space<vmem_shared>>
      tpu.enqueue_dma source(%dma_start3A_82 : memref<128x128xf32, #tpu.memory_space<vmem_shared>>) target(%dma_start3A_80 : memref<128x128xf32, #tpu.memory_space<vmem>>) target_semaphore(%run_scoped3A : memref<!tpu.dma_semaphore, #tpu.memory_space<semaphore_mem>>)
      %dma_wait3A_83 = arith.constant 0 : i32
      %dma_wait3A_84 = arith.constant 0 : i32
      %dma_wait3A_85 = tpu.memref_slice %arg13[%dma_wait3A_83, %dma_wait3A_84] : memref<128x128xf32, #tpu.memory_space<vmem>> -> memref<128x128xf32, #tpu.memory_space<vmem>>
      %dma_wait3A_86 = arith.constant 0 : i32
      %dma_wait3A_87 = tpu.memref_slice %arg16[%add3A_59, %dma_wait3A_86] : memref<10112x128xf32, #tpu.memory_space<vmem_shared>> -> memref<128x128xf32, #tpu.memory_space<vmem_shared>>
      %dma_wait3A_88 = arith.constant 0 : i32
      %dma_wait3A_89 = arith.constant 0 : i32
      %dma_wait3A_90 = tpu.memref_slice %arg13[%dma_wait3A_88, %dma_wait3A_89] : memref<128x128xf32, #tpu.memory_space<vmem>> -> memref<128x128xf32, #tpu.memory_space<vmem>>
      %dma_wait3A_91 = arith.constant 0 : i32
      %dma_wait3A_92 = tpu.memref_slice %arg16[%add3A_59, %dma_wait3A_91] : memref<10112x128xf32, #tpu.memory_space<vmem_shared>> -> memref<128x128xf32, #tpu.memory_space<vmem_shared>>
      tpu.wait_dma2 semaphore(%run_scoped3A : memref<!tpu.dma_semaphore, #tpu.memory_space<semaphore_mem>>) src(%dma_wait3A_92 : memref<128x128xf32, #tpu.memory_space<vmem_shared>>) dst(%dma_wait3A_90 : memref<128x128xf32, #tpu.memory_space<vmem>>)
      tpu.yield
    }) : () -> ()
    %add3A_60 = arith.constant 128 : i32
    %add3A_61 = arith.addi %add3A_53, %add3A_60 : i32
    "tpu.region"() ({
      %run_scoped3A = tpu.sem_alloc : memref<!tpu.dma_semaphore, #tpu.memory_space<semaphore_mem>>
      %dma_start3A = arith.constant 0 : i32
      %dma_start3A_74 = arith.constant 0 : i32
      %dma_start3A_75 = tpu.memref_slice %arg13[%dma_start3A, %dma_start3A_74] : memref<128x128xf32, #tpu.memory_space<vmem>> -> memref<128x128xf32, #tpu.memory_space<vmem>>
      %dma_start3A_76 = arith.constant 0 : i32
      %dma_start3A_77 = tpu.memref_slice %arg6[%add3A_61, %dma_start3A_76] : memref<20224x128xf32, #tpu.memory_space<hbm>> -> memref<128x128xf32, #tpu.memory_space<hbm>>
      %dma_start3A_78 = arith.constant 0 : i32
      %dma_start3A_79 = tpu.memref_slice %arg6[%add3A_61, %dma_start3A_78] : memref<20224x128xf32, #tpu.memory_space<hbm>> -> memref<128x128xf32, #tpu.memory_space<hbm>>
      %dma_start3A_80 = arith.constant 0 : i32
      %dma_start3A_81 = arith.constant 0 : i32
      %dma_start3A_82 = tpu.memref_slice %arg13[%dma_start3A_80, %dma_start3A_81] : memref<128x128xf32, #tpu.memory_space<vmem>> -> memref<128x128xf32, #tpu.memory_space<vmem>>
      tpu.enqueue_dma source(%dma_start3A_82 : memref<128x128xf32, #tpu.memory_space<vmem>>) target(%dma_start3A_79 : memref<128x128xf32, #tpu.memory_space<hbm>>) target_semaphore(%run_scoped3A : memref<!tpu.dma_semaphore, #tpu.memory_space<semaphore_mem>>)
      %dma_wait3A_83 = arith.constant 0 : i32
      %dma_wait3A_84 = arith.constant 0 : i32
      %dma_wait3A_85 = tpu.memref_slice %arg13[%dma_wait3A_83, %dma_wait3A_84] : memref<128x128xf32, #tpu.memory_space<vmem>> -> memref<128x128xf32, #tpu.memory_space<vmem>>
      %dma_wait3A_86 = arith.constant 0 : i32
      %dma_wait3A_87 = tpu.memref_slice %arg6[%add3A_61, %dma_wait3A_86] : memref<20224x128xf32, #tpu.memory_space<hbm>> -> memref<128x128xf32, #tpu.memory_space<hbm>>
      %dma_wait3A_88 = arith.constant 0 : i32
      %dma_wait3A_89 = tpu.memref_slice %arg6[%add3A_61, %dma_wait3A_88] : memref<20224x128xf32, #tpu.memory_space<hbm>> -> memref<128x128xf32, #tpu.memory_space<hbm>>
      %dma_wait3A_90 = arith.constant 0 : i32
      %dma_wait3A_91 = arith.constant 0 : i32
      %dma_wait3A_92 = tpu.memref_slice %arg13[%dma_wait3A_90, %dma_wait3A_91] : memref<128x128xf32, #tpu.memory_space<vmem>> -> memref<128x128xf32, #tpu.memory_space<vmem>>
      tpu.wait_dma2 semaphore(%run_scoped3A : memref<!tpu.dma_semaphore, #tpu.memory_space<semaphore_mem>>) src(%dma_wait3A_92 : memref<128x128xf32, #tpu.memory_space<vmem>>) dst(%dma_wait3A_89 : memref<128x128xf32, #tpu.memory_space<hbm>>)
      tpu.yield
    }) : () -> ()
    %add3A_62 = arith.constant 256 : i32
    %add3A_63 = arith.addi %mul3A_2, %add3A_62 : i32
    "tpu.region"() ({
      %run_scoped3A = tpu.sem_alloc : memref<!tpu.dma_semaphore, #tpu.memory_space<semaphore_mem>>
      %dma_start3A = arith.constant 0 : i32
      %dma_start3A_74 = arith.constant 0 : i32
      %dma_start3A_75 = tpu.memref_slice %arg13[%dma_start3A, %dma_start3A_74] : memref<128x128xf32, #tpu.memory_space<vmem>> -> memref<128x128xf32, #tpu.memory_space<vmem>>
      %dma_start3A_76 = arith.constant 0 : i32
      %dma_start3A_77 = tpu.memref_slice %arg16[%add3A_63, %dma_start3A_76] : memref<10112x128xf32, #tpu.memory_space<vmem_shared>> -> memref<128x128xf32, #tpu.memory_space<vmem_shared>>
      %dma_start3A_78 = arith.constant 0 : i32
      %dma_start3A_79 = arith.constant 0 : i32
      %dma_start3A_80 = tpu.memref_slice %arg13[%dma_start3A_78, %dma_start3A_79] : memref<128x128xf32, #tpu.memory_space<vmem>> -> memref<128x128xf32, #tpu.memory_space<vmem>>
      %dma_start3A_81 = arith.constant 0 : i32
      %dma_start3A_82 = tpu.memref_slice %arg16[%add3A_63, %dma_start3A_81] : memref<10112x128xf32, #tpu.memory_space<vmem_shared>> -> memref<128x128xf32, #tpu.memory_space<vmem_shared>>
      tpu.enqueue_dma source(%dma_start3A_82 : memref<128x128xf32, #tpu.memory_space<vmem_shared>>) target(%dma_start3A_80 : memref<128x128xf32, #tpu.memory_space<vmem>>) target_semaphore(%run_scoped3A : memref<!tpu.dma_semaphore, #tpu.memory_space<semaphore_mem>>)
      %dma_wait3A_83 = arith.constant 0 : i32
      %dma_wait3A_84 = arith.constant 0 : i32
      %dma_wait3A_85 = tpu.memref_slice %arg13[%dma_wait3A_83, %dma_wait3A_84] : memref<128x128xf32, #tpu.memory_space<vmem>> -> memref<128x128xf32, #tpu.memory_space<vmem>>
      %dma_wait3A_86 = arith.constant 0 : i32
      %dma_wait3A_87 = tpu.memref_slice %arg16[%add3A_63, %dma_wait3A_86] : memref<10112x128xf32, #tpu.memory_space<vmem_shared>> -> memref<128x128xf32, #tpu.memory_space<vmem_shared>>
      %dma_wait3A_88 = arith.constant 0 : i32
      %dma_wait3A_89 = arith.constant 0 : i32
      %dma_wait3A_90 = tpu.memref_slice %arg13[%dma_wait3A_88, %dma_wait3A_89] : memref<128x128xf32, #tpu.memory_space<vmem>> -> memref<128x128xf32, #tpu.memory_space<vmem>>
      %dma_wait3A_91 = arith.constant 0 : i32
      %dma_wait3A_92 = tpu.memref_slice %arg16[%add3A_63, %dma_wait3A_91] : memref<10112x128xf32, #tpu.memory_space<vmem_shared>> -> memref<128x128xf32, #tpu.memory_space<vmem_shared>>
      tpu.wait_dma2 semaphore(%run_scoped3A : memref<!tpu.dma_semaphore, #tpu.memory_space<semaphore_mem>>) src(%dma_wait3A_92 : memref<128x128xf32, #tpu.memory_space<vmem_shared>>) dst(%dma_wait3A_90 : memref<128x128xf32, #tpu.memory_space<vmem>>)
      tpu.yield
    }) : () -> ()
    %add3A_64 = arith.constant 256 : i32
    %add3A_65 = arith.addi %add3A_53, %add3A_64 : i32
    "tpu.region"() ({
      %run_scoped3A = tpu.sem_alloc : memref<!tpu.dma_semaphore, #tpu.memory_space<semaphore_mem>>
      %dma_start3A = arith.constant 0 : i32
      %dma_start3A_74 = arith.constant 0 : i32
      %dma_start3A_75 = tpu.memref_slice %arg13[%dma_start3A, %dma_start3A_74] : memref<128x128xf32, #tpu.memory_space<vmem>> -> memref<128x128xf32, #tpu.memory_space<vmem>>
      %dma_start3A_76 = arith.constant 0 : i32
      %dma_start3A_77 = tpu.memref_slice %arg6[%add3A_65, %dma_start3A_76] : memref<20224x128xf32, #tpu.memory_space<hbm>> -> memref<128x128xf32, #tpu.memory_space<hbm>>
      %dma_start3A_78 = arith.constant 0 : i32
      %dma_start3A_79 = tpu.memref_slice %arg6[%add3A_65, %dma_start3A_78] : memref<20224x128xf32, #tpu.memory_space<hbm>> -> memref<128x128xf32, #tpu.memory_space<hbm>>
      %dma_start3A_80 = arith.constant 0 : i32
      %dma_start3A_81 = arith.constant 0 : i32
      %dma_start3A_82 = tpu.memref_slice %arg13[%dma_start3A_80, %dma_start3A_81] : memref<128x128xf32, #tpu.memory_space<vmem>> -> memref<128x128xf32, #tpu.memory_space<vmem>>
      tpu.enqueue_dma source(%dma_start3A_82 : memref<128x128xf32, #tpu.memory_space<vmem>>) target(%dma_start3A_79 : memref<128x128xf32, #tpu.memory_space<hbm>>) target_semaphore(%run_scoped3A : memref<!tpu.dma_semaphore, #tpu.memory_space<semaphore_mem>>)
      %dma_wait3A_83 = arith.constant 0 : i32
      %dma_wait3A_84 = arith.constant 0 : i32
      %dma_wait3A_85 = tpu.memref_slice %arg13[%dma_wait3A_83, %dma_wait3A_84] : memref<128x128xf32, #tpu.memory_space<vmem>> -> memref<128x128xf32, #tpu.memory_space<vmem>>
      %dma_wait3A_86 = arith.constant 0 : i32
      %dma_wait3A_87 = tpu.memref_slice %arg6[%add3A_65, %dma_wait3A_86] : memref<20224x128xf32, #tpu.memory_space<hbm>> -> memref<128x128xf32, #tpu.memory_space<hbm>>
      %dma_wait3A_88 = arith.constant 0 : i32
      %dma_wait3A_89 = tpu.memref_slice %arg6[%add3A_65, %dma_wait3A_88] : memref<20224x128xf32, #tpu.memory_space<hbm>> -> memref<128x128xf32, #tpu.memory_space<hbm>>
      %dma_wait3A_90 = arith.constant 0 : i32
      %dma_wait3A_91 = arith.constant 0 : i32
      %dma_wait3A_92 = tpu.memref_slice %arg13[%dma_wait3A_90, %dma_wait3A_91] : memref<128x128xf32, #tpu.memory_space<vmem>> -> memref<128x128xf32, #tpu.memory_space<vmem>>
      tpu.wait_dma2 semaphore(%run_scoped3A : memref<!tpu.dma_semaphore, #tpu.memory_space<semaphore_mem>>) src(%dma_wait3A_92 : memref<128x128xf32, #tpu.memory_space<vmem>>) dst(%dma_wait3A_89 : memref<128x128xf32, #tpu.memory_space<hbm>>)
      tpu.yield
    }) : () -> ()
    %add3A_66 = arith.constant 384 : i32
    %add3A_67 = arith.addi %mul3A_2, %add3A_66 : i32
    "tpu.region"() ({
      %run_scoped3A = tpu.sem_alloc : memref<!tpu.dma_semaphore, #tpu.memory_space<semaphore_mem>>
      %dma_start3A = arith.constant 0 : i32
      %dma_start3A_74 = arith.constant 0 : i32
      %dma_start3A_75 = tpu.memref_slice %arg13[%dma_start3A, %dma_start3A_74] : memref<128x128xf32, #tpu.memory_space<vmem>> -> memref<128x128xf32, #tpu.memory_space<vmem>>
      %dma_start3A_76 = arith.constant 0 : i32
      %dma_start3A_77 = tpu.memref_slice %arg16[%add3A_67, %dma_start3A_76] : memref<10112x128xf32, #tpu.memory_space<vmem_shared>> -> memref<128x128xf32, #tpu.memory_space<vmem_shared>>
      %dma_start3A_78 = arith.constant 0 : i32
      %dma_start3A_79 = arith.constant 0 : i32
      %dma_start3A_80 = tpu.memref_slice %arg13[%dma_start3A_78, %dma_start3A_79] : memref<128x128xf32, #tpu.memory_space<vmem>> -> memref<128x128xf32, #tpu.memory_space<vmem>>
      %dma_start3A_81 = arith.constant 0 : i32
      %dma_start3A_82 = tpu.memref_slice %arg16[%add3A_67, %dma_start3A_81] : memref<10112x128xf32, #tpu.memory_space<vmem_shared>> -> memref<128x128xf32, #tpu.memory_space<vmem_shared>>
      tpu.enqueue_dma source(%dma_start3A_82 : memref<128x128xf32, #tpu.memory_space<vmem_shared>>) target(%dma_start3A_80 : memref<128x128xf32, #tpu.memory_space<vmem>>) target_semaphore(%run_scoped3A : memref<!tpu.dma_semaphore, #tpu.memory_space<semaphore_mem>>)
      %dma_wait3A_83 = arith.constant 0 : i32
      %dma_wait3A_84 = arith.constant 0 : i32
      %dma_wait3A_85 = tpu.memref_slice %arg13[%dma_wait3A_83, %dma_wait3A_84] : memref<128x128xf32, #tpu.memory_space<vmem>> -> memref<128x128xf32, #tpu.memory_space<vmem>>
      %dma_wait3A_86 = arith.constant 0 : i32
      %dma_wait3A_87 = tpu.memref_slice %arg16[%add3A_67, %dma_wait3A_86] : memref<10112x128xf32, #tpu.memory_space<vmem_shared>> -> memref<128x128xf32, #tpu.memory_space<vmem_shared>>
      %dma_wait3A_88 = arith.constant 0 : i32
      %dma_wait3A_89 = arith.constant 0 : i32
      %dma_wait3A_90 = tpu.memref_slice %arg13[%dma_wait3A_88, %dma_wait3A_89] : memref<128x128xf32, #tpu.memory_space<vmem>> -> memref<128x128xf32, #tpu.memory_space<vmem>>
      %dma_wait3A_91 = arith.constant 0 : i32
      %dma_wait3A_92 = tpu.memref_slice %arg16[%add3A_67, %dma_wait3A_91] : memref<10112x128xf32, #tpu.memory_space<vmem_shared>> -> memref<128x128xf32, #tpu.memory_space<vmem_shared>>
      tpu.wait_dma2 semaphore(%run_scoped3A : memref<!tpu.dma_semaphore, #tpu.memory_space<semaphore_mem>>) src(%dma_wait3A_92 : memref<128x128xf32, #tpu.memory_space<vmem_shared>>) dst(%dma_wait3A_90 : memref<128x128xf32, #tpu.memory_space<vmem>>)
      tpu.yield
    }) : () -> ()
    %add3A_68 = arith.constant 384 : i32
    %add3A_69 = arith.addi %add3A_53, %add3A_68 : i32
    "tpu.region"() ({
      %run_scoped3A = tpu.sem_alloc : memref<!tpu.dma_semaphore, #tpu.memory_space<semaphore_mem>>
      %dma_start3A = arith.constant 0 : i32
      %dma_start3A_74 = arith.constant 0 : i32
      %dma_start3A_75 = tpu.memref_slice %arg13[%dma_start3A, %dma_start3A_74] : memref<128x128xf32, #tpu.memory_space<vmem>> -> memref<128x128xf32, #tpu.memory_space<vmem>>
      %dma_start3A_76 = arith.constant 0 : i32
      %dma_start3A_77 = tpu.memref_slice %arg6[%add3A_69, %dma_start3A_76] : memref<20224x128xf32, #tpu.memory_space<hbm>> -> memref<128x128xf32, #tpu.memory_space<hbm>>
      %dma_start3A_78 = arith.constant 0 : i32
      %dma_start3A_79 = tpu.memref_slice %arg6[%add3A_69, %dma_start3A_78] : memref<20224x128xf32, #tpu.memory_space<hbm>> -> memref<128x128xf32, #tpu.memory_space<hbm>>
      %dma_start3A_80 = arith.constant 0 : i32
      %dma_start3A_81 = arith.constant 0 : i32
      %dma_start3A_82 = tpu.memref_slice %arg13[%dma_start3A_80, %dma_start3A_81] : memref<128x128xf32, #tpu.memory_space<vmem>> -> memref<128x128xf32, #tpu.memory_space<vmem>>
      tpu.enqueue_dma source(%dma_start3A_82 : memref<128x128xf32, #tpu.memory_space<vmem>>) target(%dma_start3A_79 : memref<128x128xf32, #tpu.memory_space<hbm>>) target_semaphore(%run_scoped3A : memref<!tpu.dma_semaphore, #tpu.memory_space<semaphore_mem>>)
      %dma_wait3A_83 = arith.constant 0 : i32
      %dma_wait3A_84 = arith.constant 0 : i32
      %dma_wait3A_85 = tpu.memref_slice %arg13[%dma_wait3A_83, %dma_wait3A_84] : memref<128x128xf32, #tpu.memory_space<vmem>> -> memref<128x128xf32, #tpu.memory_space<vmem>>
      %dma_wait3A_86 = arith.constant 0 : i32
      %dma_wait3A_87 = tpu.memref_slice %arg6[%add3A_69, %dma_wait3A_86] : memref<20224x128xf32, #tpu.memory_space<hbm>> -> memref<128x128xf32, #tpu.memory_space<hbm>>
      %dma_wait3A_88 = arith.constant 0 : i32
      %dma_wait3A_89 = tpu.memref_slice %arg6[%add3A_69, %dma_wait3A_88] : memref<20224x128xf32, #tpu.memory_space<hbm>> -> memref<128x128xf32, #tpu.memory_space<hbm>>
      %dma_wait3A_90 = arith.constant 0 : i32
      %dma_wait3A_91 = arith.constant 0 : i32
      %dma_wait3A_92 = tpu.memref_slice %arg13[%dma_wait3A_90, %dma_wait3A_91] : memref<128x128xf32, #tpu.memory_space<vmem>> -> memref<128x128xf32, #tpu.memory_space<vmem>>
      tpu.wait_dma2 semaphore(%run_scoped3A : memref<!tpu.dma_semaphore, #tpu.memory_space<semaphore_mem>>) src(%dma_wait3A_92 : memref<128x128xf32, #tpu.memory_space<vmem>>) dst(%dma_wait3A_89 : memref<128x128xf32, #tpu.memory_space<hbm>>)
      tpu.yield
    }) : () -> ()
    %add3A_70 = arith.constant 512 : i32
    %add3A_71 = arith.addi %mul3A_2, %add3A_70 : i32
    "tpu.region"() ({
      %run_scoped3A = tpu.sem_alloc : memref<!tpu.dma_semaphore, #tpu.memory_space<semaphore_mem>>
      %dma_start3A = arith.constant 0 : i32
      %dma_start3A_74 = arith.constant 0 : i32
      %dma_start3A_75 = tpu.memref_slice %arg13[%dma_start3A, %dma_start3A_74] : memref<128x128xf32, #tpu.memory_space<vmem>> -> memref<120x128xf32, #tpu.memory_space<vmem>>
      %dma_start3A_76 = arith.constant 0 : i32
      %dma_start3A_77 = tpu.memref_slice %arg16[%add3A_71, %dma_start3A_76] : memref<10112x128xf32, #tpu.memory_space<vmem_shared>> -> memref<120x128xf32, #tpu.memory_space<vmem_shared>>
      %dma_start3A_78 = arith.constant 0 : i32
      %dma_start3A_79 = arith.constant 0 : i32
      %dma_start3A_80 = tpu.memref_slice %arg13[%dma_start3A_78, %dma_start3A_79] : memref<128x128xf32, #tpu.memory_space<vmem>> -> memref<120x128xf32, #tpu.memory_space<vmem>>
      %dma_start3A_81 = arith.constant 0 : i32
      %dma_start3A_82 = tpu.memref_slice %arg16[%add3A_71, %dma_start3A_81] : memref<10112x128xf32, #tpu.memory_space<vmem_shared>> -> memref<120x128xf32, #tpu.memory_space<vmem_shared>>
      tpu.enqueue_dma source(%dma_start3A_82 : memref<120x128xf32, #tpu.memory_space<vmem_shared>>) target(%dma_start3A_80 : memref<120x128xf32, #tpu.memory_space<vmem>>) target_semaphore(%run_scoped3A : memref<!tpu.dma_semaphore, #tpu.memory_space<semaphore_mem>>)
      %dma_wait3A_83 = arith.constant 0 : i32
      %dma_wait3A_84 = arith.constant 0 : i32
      %dma_wait3A_85 = tpu.memref_slice %arg13[%dma_wait3A_83, %dma_wait3A_84] : memref<128x128xf32, #tpu.memory_space<vmem>> -> memref<120x128xf32, #tpu.memory_space<vmem>>
      %dma_wait3A_86 = arith.constant 0 : i32
      %dma_wait3A_87 = tpu.memref_slice %arg16[%add3A_71, %dma_wait3A_86] : memref<10112x128xf32, #tpu.memory_space<vmem_shared>> -> memref<120x128xf32, #tpu.memory_space<vmem_shared>>
      %dma_wait3A_88 = arith.constant 0 : i32
      %dma_wait3A_89 = arith.constant 0 : i32
      %dma_wait3A_90 = tpu.memref_slice %arg13[%dma_wait3A_88, %dma_wait3A_89] : memref<128x128xf32, #tpu.memory_space<vmem>> -> memref<120x128xf32, #tpu.memory_space<vmem>>
      %dma_wait3A_91 = arith.constant 0 : i32
      %dma_wait3A_92 = tpu.memref_slice %arg16[%add3A_71, %dma_wait3A_91] : memref<10112x128xf32, #tpu.memory_space<vmem_shared>> -> memref<120x128xf32, #tpu.memory_space<vmem_shared>>
      tpu.wait_dma2 semaphore(%run_scoped3A : memref<!tpu.dma_semaphore, #tpu.memory_space<semaphore_mem>>) src(%dma_wait3A_92 : memref<120x128xf32, #tpu.memory_space<vmem_shared>>) dst(%dma_wait3A_90 : memref<120x128xf32, #tpu.memory_space<vmem>>)
      tpu.yield
    }) : () -> ()
    %add3A_72 = arith.constant 512 : i32
    %add3A_73 = arith.addi %add3A_53, %add3A_72 : i32
    "tpu.region"() ({
      %run_scoped3A = tpu.sem_alloc : memref<!tpu.dma_semaphore, #tpu.memory_space<semaphore_mem>>
      %dma_start3A = arith.constant 0 : i32
      %dma_start3A_74 = arith.constant 0 : i32
      %dma_start3A_75 = tpu.memref_slice %arg13[%dma_start3A, %dma_start3A_74] : memref<128x128xf32, #tpu.memory_space<vmem>> -> memref<120x128xf32, #tpu.memory_space<vmem>>
      %dma_start3A_76 = arith.constant 0 : i32
      %dma_start3A_77 = tpu.memref_slice %arg6[%add3A_73, %dma_start3A_76] : memref<20224x128xf32, #tpu.memory_space<hbm>> -> memref<120x128xf32, #tpu.memory_space<hbm>>
      %dma_start3A_78 = arith.constant 0 : i32
      %dma_start3A_79 = tpu.memref_slice %arg6[%add3A_73, %dma_start3A_78] : memref<20224x128xf32, #tpu.memory_space<hbm>> -> memref<120x128xf32, #tpu.memory_space<hbm>>
      %dma_start3A_80 = arith.constant 0 : i32
      %dma_start3A_81 = arith.constant 0 : i32
      %dma_start3A_82 = tpu.memref_slice %arg13[%dma_start3A_80, %dma_start3A_81] : memref<128x128xf32, #tpu.memory_space<vmem>> -> memref<120x128xf32, #tpu.memory_space<vmem>>
      tpu.enqueue_dma source(%dma_start3A_82 : memref<120x128xf32, #tpu.memory_space<vmem>>) target(%dma_start3A_79 : memref<120x128xf32, #tpu.memory_space<hbm>>) target_semaphore(%run_scoped3A : memref<!tpu.dma_semaphore, #tpu.memory_space<semaphore_mem>>)
      %dma_wait3A_83 = arith.constant 0 : i32
      %dma_wait3A_84 = arith.constant 0 : i32
      %dma_wait3A_85 = tpu.memref_slice %arg13[%dma_wait3A_83, %dma_wait3A_84] : memref<128x128xf32, #tpu.memory_space<vmem>> -> memref<120x128xf32, #tpu.memory_space<vmem>>
      %dma_wait3A_86 = arith.constant 0 : i32
      %dma_wait3A_87 = tpu.memref_slice %arg6[%add3A_73, %dma_wait3A_86] : memref<20224x128xf32, #tpu.memory_space<hbm>> -> memref<120x128xf32, #tpu.memory_space<hbm>>
      %dma_wait3A_88 = arith.constant 0 : i32
      %dma_wait3A_89 = tpu.memref_slice %arg6[%add3A_73, %dma_wait3A_88] : memref<20224x128xf32, #tpu.memory_space<hbm>> -> memref<120x128xf32, #tpu.memory_space<hbm>>
      %dma_wait3A_90 = arith.constant 0 : i32
      %dma_wait3A_91 = arith.constant 0 : i32
      %dma_wait3A_92 = tpu.memref_slice %arg13[%dma_wait3A_90, %dma_wait3A_91] : memref<128x128xf32, #tpu.memory_space<vmem>> -> memref<120x128xf32, #tpu.memory_space<vmem>>
      tpu.wait_dma2 semaphore(%run_scoped3A : memref<!tpu.dma_semaphore, #tpu.memory_space<semaphore_mem>>) src(%dma_wait3A_92 : memref<120x128xf32, #tpu.memory_space<vmem>>) dst(%dma_wait3A_89 : memref<120x128xf32, #tpu.memory_space<hbm>>)
      tpu.yield
    }) : () -> ()
    return
  }
}

#map = affine_map<(d0, d1) -> (0, 0)>
#map1 = affine_map<(d0, d1) -> (0)>
module attributes {stable_mosaic.version = 14 : i64} {
  func.func @body(%arg0: i32, %arg1: i32, %arg2: memref<10000x128xf32, #tpu.memory_space<hbm>>, %arg3: memref<331776xi32, #tpu.memory_space<hbm>>, %arg4: memref<331776xi32, #tpu.memory_space<hbm>>, %arg5: memref<10112x128xf32, #tpu.memory_space<hbm>>, %arg6: memref<20224x128xf32, #tpu.memory_space<hbm>>, %arg7: memref<128xi32, #tpu.memory_space<vmem>>, %arg8: memref<128xi32, #tpu.memory_space<vmem>>, %arg9: memref<128xi32, #tpu.memory_space<vmem>>, %arg10: memref<128xi32, #tpu.memory_space<vmem>>, %arg11: memref<128xi32, #tpu.memory_space<vmem>>, %arg12: memref<128xi32, #tpu.memory_space<vmem>>, %arg13: memref<128x128xf32, #tpu.memory_space<vmem>>, %arg14: memref<128x128xf32, #tpu.memory_space<vmem>>, %arg15: memref<128x128xf32, #tpu.memory_space<vmem>>, %arg16: memref<10112x128xf32, #tpu.memory_space<vmem_shared>>, %arg17: memref<!tpu.dma_semaphore, #tpu.memory_space<semaphore_mem>>, %arg18: memref<!tpu.dma_semaphore, #tpu.memory_space<semaphore_mem>>, %arg19: memref<!tpu.dma_semaphore, #tpu.memory_space<semaphore_mem>>, %arg20: memref<!tpu.dma_semaphore, #tpu.memory_space<semaphore_mem>>, %arg21: memref<!tpu.dma_semaphore, #tpu.memory_space<semaphore_mem>>, %arg22: memref<!tpu.dma_semaphore, #tpu.memory_space<semaphore_mem>>, %arg23: memref<!tpu.dma_semaphore, #tpu.memory_space<semaphore_mem>>) attributes {dimension_semantics = [#tpu.dimension_semantics<core_parallel>, #tpu.dimension_semantics<subcore_parallel>], iteration_bounds = array<i64: 2, 16>, scalar_prefetch = 0 : i64, scratch_operands = 17 : i64, tpu.core_type = #tpu.core_type<sc_vector_subcore>, window_params = [{transform_indices = #map}, {transform_indices = #map1}, {transform_indices = #map1}, {transform_indices = #map}, {transform_indices = #map}]} {
    %mul3A = arith.constant 2 : i32
    %mul3A_0 = arith.muli %arg1, %mul3A : i32
    %add3A = arith.addi %mul3A_0, %arg0 : i32
    %mul3A_1 = arith.constant 632 : i32
    %mul3A_2 = arith.muli %arg1, %mul3A_1 : i32
    %add3A_3 = arith.constant 0 : i32
    %add3A_4 = arith.addi %mul3A_2, %add3A_3 : i32
    "tpu.region"() ({
      %run_scoped3A = tpu.sem_alloc : memref<!tpu.dma_semaphore, #tpu.memory_space<semaphore_mem>>
      %dma_start3A = arith.constant 0 : i32
      %dma_start3A_74 = arith.constant 0 : i32
      %dma_start3A_75 = tpu.memref_slice %arg13[%dma_start3A, %dma_start3A_74] : memref<128x128xf32, #tpu.memory_space<vmem>> -> memref<128x128xf32, #tpu.memory_space<vmem>>
      %dma_start3A_76 = arith.constant 0 : i32
      %dma_start3A_77 = tpu.memref_slice %arg5[%add3A_4, %dma_start3A_76] : memref<10112x128xf32, #tpu.memory_space<hbm>> -> memref<128x128xf32, #tpu.memory_space<hbm>>
      %dma_start3A_78 = arith.constant 0 : i32
      %dma_start3A_79 = arith.constant 0 : i32
      %dma_start3A_80 = tpu.memref_slice %arg13[%dma_start3A_78, %dma_start3A_79] : memref<128x128xf32, #tpu.memory_space<vmem>> -> memref<128x128xf32, #tpu.memory_space<vmem>>
      %dma_start3A_81 = arith.constant 0 : i32
      %dma_start3A_82 = tpu.memref_slice %arg5[%add3A_4, %dma_start3A_81] : memref<10112x128xf32, #tpu.memory_space<hbm>> -> memref<128x128xf32, #tpu.memory_space<hbm>>
      tpu.enqueue_dma source(%dma_start3A_82 : memref<128x128xf32, #tpu.memory_space<hbm>>) target(%dma_start3A_80 : memref<128x128xf32, #tpu.memory_space<vmem>>) target_semaphore(%run_scoped3A : memref<!tpu.dma_semaphore, #tpu.memory_space<semaphore_mem>>)
      %dma_wait3A_83 = arith.constant 0 : i32
      %dma_wait3A_84 = arith.constant 0 : i32
      %dma_wait3A_85 = tpu.memref_slice %arg13[%dma_wait3A_83, %dma_wait3A_84] : memref<128x128xf32, #tpu.memory_space<vmem>> -> memref<128x128xf32, #tpu.memory_space<vmem>>
      %dma_wait3A_86 = arith.constant 0 : i32
      %dma_wait3A_87 = tpu.memref_slice %arg5[%add3A_4, %dma_wait3A_86] : memref<10112x128xf32, #tpu.memory_space<hbm>> -> memref<128x128xf32, #tpu.memory_space<hbm>>
      %dma_wait3A_88 = arith.constant 0 : i32
      %dma_wait3A_89 = arith.constant 0 : i32
      %dma_wait3A_90 = tpu.memref_slice %arg13[%dma_wait3A_88, %dma_wait3A_89] : memref<128x128xf32, #tpu.memory_space<vmem>> -> memref<128x128xf32, #tpu.memory_space<vmem>>
      %dma_wait3A_91 = arith.constant 0 : i32
      %dma_wait3A_92 = tpu.memref_slice %arg5[%add3A_4, %dma_wait3A_91] : memref<10112x128xf32, #tpu.memory_space<hbm>> -> memref<128x128xf32, #tpu.memory_space<hbm>>
      tpu.wait_dma2 semaphore(%run_scoped3A : memref<!tpu.dma_semaphore, #tpu.memory_space<semaphore_mem>>) src(%dma_wait3A_92 : memref<128x128xf32, #tpu.memory_space<hbm>>) dst(%dma_wait3A_90 : memref<128x128xf32, #tpu.memory_space<vmem>>)
      tpu.yield
    }) : () -> ()
    %add3A_5 = arith.constant 0 : i32
    %add3A_6 = arith.addi %mul3A_2, %add3A_5 : i32
    "tpu.region"() ({
      %run_scoped3A = tpu.sem_alloc : memref<!tpu.dma_semaphore, #tpu.memory_space<semaphore_mem>>
      %dma_start3A = arith.constant 0 : i32
      %dma_start3A_74 = arith.constant 0 : i32
      %dma_start3A_75 = tpu.memref_slice %arg13[%dma_start3A, %dma_start3A_74] : memref<128x128xf32, #tpu.memory_space<vmem>> -> memref<128x128xf32, #tpu.memory_space<vmem>>
      %dma_start3A_76 = arith.constant 0 : i32
      %dma_start3A_77 = tpu.memref_slice %arg16[%add3A_6, %dma_start3A_76] : memref<10112x128xf32, #tpu.memory_space<vmem_shared>> -> memref<128x128xf32, #tpu.memory_space<vmem_shared>>
      %dma_start3A_78 = arith.constant 0 : i32
      %dma_start3A_79 = tpu.memref_slice %arg16[%add3A_6, %dma_start3A_78] : memref<10112x128xf32, #tpu.memory_space<vmem_shared>> -> memref<128x128xf32, #tpu.memory_space<vmem_shared>>
      %dma_start3A_80 = arith.constant 0 : i32
      %dma_start3A_81 = arith.constant 0 : i32
      %dma_start3A_82 = tpu.memref_slice %arg13[%dma_start3A_80, %dma_start3A_81] : memref<128x128xf32, #tpu.memory_space<vmem>> -> memref<128x128xf32, #tpu.memory_space<vmem>>
      tpu.enqueue_dma source(%dma_start3A_82 : memref<128x128xf32, #tpu.memory_space<vmem>>) target(%dma_start3A_79 : memref<128x128xf32, #tpu.memory_space<vmem_shared>>) target_semaphore(%run_scoped3A : memref<!tpu.dma_semaphore, #tpu.memory_space<semaphore_mem>>)
      %dma_wait3A_83 = arith.constant 0 : i32
      %dma_wait3A_84 = arith.constant 0 : i32
      %dma_wait3A_85 = tpu.memref_slice %arg13[%dma_wait3A_83, %dma_wait3A_84] : memref<128x128xf32, #tpu.memory_space<vmem>> -> memref<128x128xf32, #tpu.memory_space<vmem>>
      %dma_wait3A_86 = arith.constant 0 : i32
      %dma_wait3A_87 = tpu.memref_slice %arg16[%add3A_6, %dma_wait3A_86] : memref<10112x128xf32, #tpu.memory_space<vmem_shared>> -> memref<128x128xf32, #tpu.memory_space<vmem_shared>>
      %dma_wait3A_88 = arith.constant 0 : i32
      %dma_wait3A_89 = tpu.memref_slice %arg16[%add3A_6, %dma_wait3A_88] : memref<10112x128xf32, #tpu.memory_space<vmem_shared>> -> memref<128x128xf32, #tpu.memory_space<vmem_shared>>
      %dma_wait3A_90 = arith.constant 0 : i32
      %dma_wait3A_91 = arith.constant 0 : i32
      %dma_wait3A_92 = tpu.memref_slice %arg13[%dma_wait3A_90, %dma_wait3A_91] : memref<128x128xf32, #tpu.memory_space<vmem>> -> memref<128x128xf32, #tpu.memory_space<vmem>>
      tpu.wait_dma2 semaphore(%run_scoped3A : memref<!tpu.dma_semaphore, #tpu.memory_space<semaphore_mem>>) src(%dma_wait3A_92 : memref<128x128xf32, #tpu.memory_space<vmem>>) dst(%dma_wait3A_89 : memref<128x128xf32, #tpu.memory_space<vmem_shared>>)
      tpu.yield
    }) : () -> ()
    %add3A_7 = arith.constant 128 : i32
    %add3A_8 = arith.addi %mul3A_2, %add3A_7 : i32
    "tpu.region"() ({
      %run_scoped3A = tpu.sem_alloc : memref<!tpu.dma_semaphore, #tpu.memory_space<semaphore_mem>>
      %dma_start3A = arith.constant 0 : i32
      %dma_start3A_74 = arith.constant 0 : i32
      %dma_start3A_75 = tpu.memref_slice %arg13[%dma_start3A, %dma_start3A_74] : memref<128x128xf32, #tpu.memory_space<vmem>> -> memref<128x128xf32, #tpu.memory_space<vmem>>
      %dma_start3A_76 = arith.constant 0 : i32
      %dma_start3A_77 = tpu.memref_slice %arg5[%add3A_8, %dma_start3A_76] : memref<10112x128xf32, #tpu.memory_space<hbm>> -> memref<128x128xf32, #tpu.memory_space<hbm>>
      %dma_start3A_78 = arith.constant 0 : i32
      %dma_start3A_79 = arith.constant 0 : i32
      %dma_start3A_80 = tpu.memref_slice %arg13[%dma_start3A_78, %dma_start3A_79] : memref<128x128xf32, #tpu.memory_space<vmem>> -> memref<128x128xf32, #tpu.memory_space<vmem>>
      %dma_start3A_81 = arith.constant 0 : i32
      %dma_start3A_82 = tpu.memref_slice %arg5[%add3A_8, %dma_start3A_81] : memref<10112x128xf32, #tpu.memory_space<hbm>> -> memref<128x128xf32, #tpu.memory_space<hbm>>
      tpu.enqueue_dma source(%dma_start3A_82 : memref<128x128xf32, #tpu.memory_space<hbm>>) target(%dma_start3A_80 : memref<128x128xf32, #tpu.memory_space<vmem>>) target_semaphore(%run_scoped3A : memref<!tpu.dma_semaphore, #tpu.memory_space<semaphore_mem>>)
      %dma_wait3A_83 = arith.constant 0 : i32
      %dma_wait3A_84 = arith.constant 0 : i32
      %dma_wait3A_85 = tpu.memref_slice %arg13[%dma_wait3A_83, %dma_wait3A_84] : memref<128x128xf32, #tpu.memory_space<vmem>> -> memref<128x128xf32, #tpu.memory_space<vmem>>
      %dma_wait3A_86 = arith.constant 0 : i32
      %dma_wait3A_87 = tpu.memref_slice %arg5[%add3A_8, %dma_wait3A_86] : memref<10112x128xf32, #tpu.memory_space<hbm>> -> memref<128x128xf32, #tpu.memory_space<hbm>>
      %dma_wait3A_88 = arith.constant 0 : i32
      %dma_wait3A_89 = arith.constant 0 : i32
      %dma_wait3A_90 = tpu.memref_slice %arg13[%dma_wait3A_88, %dma_wait3A_89] : memref<128x128xf32, #tpu.memory_space<vmem>> -> memref<128x128xf32, #tpu.memory_space<vmem>>
      %dma_wait3A_91 = arith.constant 0 : i32
      %dma_wait3A_92 = tpu.memref_slice %arg5[%add3A_8, %dma_wait3A_91] : memref<10112x128xf32, #tpu.memory_space<hbm>> -> memref<128x128xf32, #tpu.memory_space<hbm>>
      tpu.wait_dma2 semaphore(%run_scoped3A : memref<!tpu.dma_semaphore, #tpu.memory_space<semaphore_mem>>) src(%dma_wait3A_92 : memref<128x128xf32, #tpu.memory_space<hbm>>) dst(%dma_wait3A_90 : memref<128x128xf32, #tpu.memory_space<vmem>>)
      tpu.yield
    }) : () -> ()
    %add3A_9 = arith.constant 128 : i32
    %add3A_10 = arith.addi %mul3A_2, %add3A_9 : i32
    "tpu.region"() ({
      %run_scoped3A = tpu.sem_alloc : memref<!tpu.dma_semaphore, #tpu.memory_space<semaphore_mem>>
      %dma_start3A = arith.constant 0 : i32
      %dma_start3A_74 = arith.constant 0 : i32
      %dma_start3A_75 = tpu.memref_slice %arg13[%dma_start3A, %dma_start3A_74] : memref<128x128xf32, #tpu.memory_space<vmem>> -> memref<128x128xf32, #tpu.memory_space<vmem>>
      %dma_start3A_76 = arith.constant 0 : i32
      %dma_start3A_77 = tpu.memref_slice %arg16[%add3A_10, %dma_start3A_76] : memref<10112x128xf32, #tpu.memory_space<vmem_shared>> -> memref<128x128xf32, #tpu.memory_space<vmem_shared>>
      %dma_start3A_78 = arith.constant 0 : i32
      %dma_start3A_79 = tpu.memref_slice %arg16[%add3A_10, %dma_start3A_78] : memref<10112x128xf32, #tpu.memory_space<vmem_shared>> -> memref<128x128xf32, #tpu.memory_space<vmem_shared>>
      %dma_start3A_80 = arith.constant 0 : i32
      %dma_start3A_81 = arith.constant 0 : i32
      %dma_start3A_82 = tpu.memref_slice %arg13[%dma_start3A_80, %dma_start3A_81] : memref<128x128xf32, #tpu.memory_space<vmem>> -> memref<128x128xf32, #tpu.memory_space<vmem>>
      tpu.enqueue_dma source(%dma_start3A_82 : memref<128x128xf32, #tpu.memory_space<vmem>>) target(%dma_start3A_79 : memref<128x128xf32, #tpu.memory_space<vmem_shared>>) target_semaphore(%run_scoped3A : memref<!tpu.dma_semaphore, #tpu.memory_space<semaphore_mem>>)
      %dma_wait3A_83 = arith.constant 0 : i32
      %dma_wait3A_84 = arith.constant 0 : i32
      %dma_wait3A_85 = tpu.memref_slice %arg13[%dma_wait3A_83, %dma_wait3A_84] : memref<128x128xf32, #tpu.memory_space<vmem>> -> memref<128x128xf32, #tpu.memory_space<vmem>>
      %dma_wait3A_86 = arith.constant 0 : i32
      %dma_wait3A_87 = tpu.memref_slice %arg16[%add3A_10, %dma_wait3A_86] : memref<10112x128xf32, #tpu.memory_space<vmem_shared>> -> memref<128x128xf32, #tpu.memory_space<vmem_shared>>
      %dma_wait3A_88 = arith.constant 0 : i32
      %dma_wait3A_89 = tpu.memref_slice %arg16[%add3A_10, %dma_wait3A_88] : memref<10112x128xf32, #tpu.memory_space<vmem_shared>> -> memref<128x128xf32, #tpu.memory_space<vmem_shared>>
      %dma_wait3A_90 = arith.constant 0 : i32
      %dma_wait3A_91 = arith.constant 0 : i32
      %dma_wait3A_92 = tpu.memref_slice %arg13[%dma_wait3A_90, %dma_wait3A_91] : memref<128x128xf32, #tpu.memory_space<vmem>> -> memref<128x128xf32, #tpu.memory_space<vmem>>
      tpu.wait_dma2 semaphore(%run_scoped3A : memref<!tpu.dma_semaphore, #tpu.memory_space<semaphore_mem>>) src(%dma_wait3A_92 : memref<128x128xf32, #tpu.memory_space<vmem>>) dst(%dma_wait3A_89 : memref<128x128xf32, #tpu.memory_space<vmem_shared>>)
      tpu.yield
    }) : () -> ()
    %add3A_11 = arith.constant 256 : i32
    %add3A_12 = arith.addi %mul3A_2, %add3A_11 : i32
    "tpu.region"() ({
      %run_scoped3A = tpu.sem_alloc : memref<!tpu.dma_semaphore, #tpu.memory_space<semaphore_mem>>
      %dma_start3A = arith.constant 0 : i32
      %dma_start3A_74 = arith.constant 0 : i32
      %dma_start3A_75 = tpu.memref_slice %arg13[%dma_start3A, %dma_start3A_74] : memref<128x128xf32, #tpu.memory_space<vmem>> -> memref<128x128xf32, #tpu.memory_space<vmem>>
      %dma_start3A_76 = arith.constant 0 : i32
      %dma_start3A_77 = tpu.memref_slice %arg5[%add3A_12, %dma_start3A_76] : memref<10112x128xf32, #tpu.memory_space<hbm>> -> memref<128x128xf32, #tpu.memory_space<hbm>>
      %dma_start3A_78 = arith.constant 0 : i32
      %dma_start3A_79 = arith.constant 0 : i32
      %dma_start3A_80 = tpu.memref_slice %arg13[%dma_start3A_78, %dma_start3A_79] : memref<128x128xf32, #tpu.memory_space<vmem>> -> memref<128x128xf32, #tpu.memory_space<vmem>>
      %dma_start3A_81 = arith.constant 0 : i32
      %dma_start3A_82 = tpu.memref_slice %arg5[%add3A_12, %dma_start3A_81] : memref<10112x128xf32, #tpu.memory_space<hbm>> -> memref<128x128xf32, #tpu.memory_space<hbm>>
      tpu.enqueue_dma source(%dma_start3A_82 : memref<128x128xf32, #tpu.memory_space<hbm>>) target(%dma_start3A_80 : memref<128x128xf32, #tpu.memory_space<vmem>>) target_semaphore(%run_scoped3A : memref<!tpu.dma_semaphore, #tpu.memory_space<semaphore_mem>>)
      %dma_wait3A_83 = arith.constant 0 : i32
      %dma_wait3A_84 = arith.constant 0 : i32
      %dma_wait3A_85 = tpu.memref_slice %arg13[%dma_wait3A_83, %dma_wait3A_84] : memref<128x128xf32, #tpu.memory_space<vmem>> -> memref<128x128xf32, #tpu.memory_space<vmem>>
      %dma_wait3A_86 = arith.constant 0 : i32
      %dma_wait3A_87 = tpu.memref_slice %arg5[%add3A_12, %dma_wait3A_86] : memref<10112x128xf32, #tpu.memory_space<hbm>> -> memref<128x128xf32, #tpu.memory_space<hbm>>
      %dma_wait3A_88 = arith.constant 0 : i32
      %dma_wait3A_89 = arith.constant 0 : i32
      %dma_wait3A_90 = tpu.memref_slice %arg13[%dma_wait3A_88, %dma_wait3A_89] : memref<128x128xf32, #tpu.memory_space<vmem>> -> memref<128x128xf32, #tpu.memory_space<vmem>>
      %dma_wait3A_91 = arith.constant 0 : i32
      %dma_wait3A_92 = tpu.memref_slice %arg5[%add3A_12, %dma_wait3A_91] : memref<10112x128xf32, #tpu.memory_space<hbm>> -> memref<128x128xf32, #tpu.memory_space<hbm>>
      tpu.wait_dma2 semaphore(%run_scoped3A : memref<!tpu.dma_semaphore, #tpu.memory_space<semaphore_mem>>) src(%dma_wait3A_92 : memref<128x128xf32, #tpu.memory_space<hbm>>) dst(%dma_wait3A_90 : memref<128x128xf32, #tpu.memory_space<vmem>>)
      tpu.yield
    }) : () -> ()
    %add3A_13 = arith.constant 256 : i32
    %add3A_14 = arith.addi %mul3A_2, %add3A_13 : i32
    "tpu.region"() ({
      %run_scoped3A = tpu.sem_alloc : memref<!tpu.dma_semaphore, #tpu.memory_space<semaphore_mem>>
      %dma_start3A = arith.constant 0 : i32
      %dma_start3A_74 = arith.constant 0 : i32
      %dma_start3A_75 = tpu.memref_slice %arg13[%dma_start3A, %dma_start3A_74] : memref<128x128xf32, #tpu.memory_space<vmem>> -> memref<128x128xf32, #tpu.memory_space<vmem>>
      %dma_start3A_76 = arith.constant 0 : i32
      %dma_start3A_77 = tpu.memref_slice %arg16[%add3A_14, %dma_start3A_76] : memref<10112x128xf32, #tpu.memory_space<vmem_shared>> -> memref<128x128xf32, #tpu.memory_space<vmem_shared>>
      %dma_start3A_78 = arith.constant 0 : i32
      %dma_start3A_79 = tpu.memref_slice %arg16[%add3A_14, %dma_start3A_78] : memref<10112x128xf32, #tpu.memory_space<vmem_shared>> -> memref<128x128xf32, #tpu.memory_space<vmem_shared>>
      %dma_start3A_80 = arith.constant 0 : i32
      %dma_start3A_81 = arith.constant 0 : i32
      %dma_start3A_82 = tpu.memref_slice %arg13[%dma_start3A_80, %dma_start3A_81] : memref<128x128xf32, #tpu.memory_space<vmem>> -> memref<128x128xf32, #tpu.memory_space<vmem>>
      tpu.enqueue_dma source(%dma_start3A_82 : memref<128x128xf32, #tpu.memory_space<vmem>>) target(%dma_start3A_79 : memref<128x128xf32, #tpu.memory_space<vmem_shared>>) target_semaphore(%run_scoped3A : memref<!tpu.dma_semaphore, #tpu.memory_space<semaphore_mem>>)
      %dma_wait3A_83 = arith.constant 0 : i32
      %dma_wait3A_84 = arith.constant 0 : i32
      %dma_wait3A_85 = tpu.memref_slice %arg13[%dma_wait3A_83, %dma_wait3A_84] : memref<128x128xf32, #tpu.memory_space<vmem>> -> memref<128x128xf32, #tpu.memory_space<vmem>>
      %dma_wait3A_86 = arith.constant 0 : i32
      %dma_wait3A_87 = tpu.memref_slice %arg16[%add3A_14, %dma_wait3A_86] : memref<10112x128xf32, #tpu.memory_space<vmem_shared>> -> memref<128x128xf32, #tpu.memory_space<vmem_shared>>
      %dma_wait3A_88 = arith.constant 0 : i32
      %dma_wait3A_89 = tpu.memref_slice %arg16[%add3A_14, %dma_wait3A_88] : memref<10112x128xf32, #tpu.memory_space<vmem_shared>> -> memref<128x128xf32, #tpu.memory_space<vmem_shared>>
      %dma_wait3A_90 = arith.constant 0 : i32
      %dma_wait3A_91 = arith.constant 0 : i32
      %dma_wait3A_92 = tpu.memref_slice %arg13[%dma_wait3A_90, %dma_wait3A_91] : memref<128x128xf32, #tpu.memory_space<vmem>> -> memref<128x128xf32, #tpu.memory_space<vmem>>
      tpu.wait_dma2 semaphore(%run_scoped3A : memref<!tpu.dma_semaphore, #tpu.memory_space<semaphore_mem>>) src(%dma_wait3A_92 : memref<128x128xf32, #tpu.memory_space<vmem>>) dst(%dma_wait3A_89 : memref<128x128xf32, #tpu.memory_space<vmem_shared>>)
      tpu.yield
    }) : () -> ()
    %add3A_15 = arith.constant 384 : i32
    %add3A_16 = arith.addi %mul3A_2, %add3A_15 : i32
    "tpu.region"() ({
      %run_scoped3A = tpu.sem_alloc : memref<!tpu.dma_semaphore, #tpu.memory_space<semaphore_mem>>
      %dma_start3A = arith.constant 0 : i32
      %dma_start3A_74 = arith.constant 0 : i32
      %dma_start3A_75 = tpu.memref_slice %arg13[%dma_start3A, %dma_start3A_74] : memref<128x128xf32, #tpu.memory_space<vmem>> -> memref<128x128xf32, #tpu.memory_space<vmem>>
      %dma_start3A_76 = arith.constant 0 : i32
      %dma_start3A_77 = tpu.memref_slice %arg5[%add3A_16, %dma_start3A_76] : memref<10112x128xf32, #tpu.memory_space<hbm>> -> memref<128x128xf32, #tpu.memory_space<hbm>>
      %dma_start3A_78 = arith.constant 0 : i32
      %dma_start3A_79 = arith.constant 0 : i32
      %dma_start3A_80 = tpu.memref_slice %arg13[%dma_start3A_78, %dma_start3A_79] : memref<128x128xf32, #tpu.memory_space<vmem>> -> memref<128x128xf32, #tpu.memory_space<vmem>>
      %dma_start3A_81 = arith.constant 0 : i32
      %dma_start3A_82 = tpu.memref_slice %arg5[%add3A_16, %dma_start3A_81] : memref<10112x128xf32, #tpu.memory_space<hbm>> -> memref<128x128xf32, #tpu.memory_space<hbm>>
      tpu.enqueue_dma source(%dma_start3A_82 : memref<128x128xf32, #tpu.memory_space<hbm>>) target(%dma_start3A_80 : memref<128x128xf32, #tpu.memory_space<vmem>>) target_semaphore(%run_scoped3A : memref<!tpu.dma_semaphore, #tpu.memory_space<semaphore_mem>>)
      %dma_wait3A_83 = arith.constant 0 : i32
      %dma_wait3A_84 = arith.constant 0 : i32
      %dma_wait3A_85 = tpu.memref_slice %arg13[%dma_wait3A_83, %dma_wait3A_84] : memref<128x128xf32, #tpu.memory_space<vmem>> -> memref<128x128xf32, #tpu.memory_space<vmem>>
      %dma_wait3A_86 = arith.constant 0 : i32
      %dma_wait3A_87 = tpu.memref_slice %arg5[%add3A_16, %dma_wait3A_86] : memref<10112x128xf32, #tpu.memory_space<hbm>> -> memref<128x128xf32, #tpu.memory_space<hbm>>
      %dma_wait3A_88 = arith.constant 0 : i32
      %dma_wait3A_89 = arith.constant 0 : i32
      %dma_wait3A_90 = tpu.memref_slice %arg13[%dma_wait3A_88, %dma_wait3A_89] : memref<128x128xf32, #tpu.memory_space<vmem>> -> memref<128x128xf32, #tpu.memory_space<vmem>>
      %dma_wait3A_91 = arith.constant 0 : i32
      %dma_wait3A_92 = tpu.memref_slice %arg5[%add3A_16, %dma_wait3A_91] : memref<10112x128xf32, #tpu.memory_space<hbm>> -> memref<128x128xf32, #tpu.memory_space<hbm>>
      tpu.wait_dma2 semaphore(%run_scoped3A : memref<!tpu.dma_semaphore, #tpu.memory_space<semaphore_mem>>) src(%dma_wait3A_92 : memref<128x128xf32, #tpu.memory_space<hbm>>) dst(%dma_wait3A_90 : memref<128x128xf32, #tpu.memory_space<vmem>>)
      tpu.yield
    }) : () -> ()
    %add3A_17 = arith.constant 384 : i32
    %add3A_18 = arith.addi %mul3A_2, %add3A_17 : i32
    "tpu.region"() ({
      %run_scoped3A = tpu.sem_alloc : memref<!tpu.dma_semaphore, #tpu.memory_space<semaphore_mem>>
      %dma_start3A = arith.constant 0 : i32
      %dma_start3A_74 = arith.constant 0 : i32
      %dma_start3A_75 = tpu.memref_slice %arg13[%dma_start3A, %dma_start3A_74] : memref<128x128xf32, #tpu.memory_space<vmem>> -> memref<128x128xf32, #tpu.memory_space<vmem>>
      %dma_start3A_76 = arith.constant 0 : i32
      %dma_start3A_77 = tpu.memref_slice %arg16[%add3A_18, %dma_start3A_76] : memref<10112x128xf32, #tpu.memory_space<vmem_shared>> -> memref<128x128xf32, #tpu.memory_space<vmem_shared>>
      %dma_start3A_78 = arith.constant 0 : i32
      %dma_start3A_79 = tpu.memref_slice %arg16[%add3A_18, %dma_start3A_78] : memref<10112x128xf32, #tpu.memory_space<vmem_shared>> -> memref<128x128xf32, #tpu.memory_space<vmem_shared>>
      %dma_start3A_80 = arith.constant 0 : i32
      %dma_start3A_81 = arith.constant 0 : i32
      %dma_start3A_82 = tpu.memref_slice %arg13[%dma_start3A_80, %dma_start3A_81] : memref<128x128xf32, #tpu.memory_space<vmem>> -> memref<128x128xf32, #tpu.memory_space<vmem>>
      tpu.enqueue_dma source(%dma_start3A_82 : memref<128x128xf32, #tpu.memory_space<vmem>>) target(%dma_start3A_79 : memref<128x128xf32, #tpu.memory_space<vmem_shared>>) target_semaphore(%run_scoped3A : memref<!tpu.dma_semaphore, #tpu.memory_space<semaphore_mem>>)
      %dma_wait3A_83 = arith.constant 0 : i32
      %dma_wait3A_84 = arith.constant 0 : i32
      %dma_wait3A_85 = tpu.memref_slice %arg13[%dma_wait3A_83, %dma_wait3A_84] : memref<128x128xf32, #tpu.memory_space<vmem>> -> memref<128x128xf32, #tpu.memory_space<vmem>>
      %dma_wait3A_86 = arith.constant 0 : i32
      %dma_wait3A_87 = tpu.memref_slice %arg16[%add3A_18, %dma_wait3A_86] : memref<10112x128xf32, #tpu.memory_space<vmem_shared>> -> memref<128x128xf32, #tpu.memory_space<vmem_shared>>
      %dma_wait3A_88 = arith.constant 0 : i32
      %dma_wait3A_89 = tpu.memref_slice %arg16[%add3A_18, %dma_wait3A_88] : memref<10112x128xf32, #tpu.memory_space<vmem_shared>> -> memref<128x128xf32, #tpu.memory_space<vmem_shared>>
      %dma_wait3A_90 = arith.constant 0 : i32
      %dma_wait3A_91 = arith.constant 0 : i32
      %dma_wait3A_92 = tpu.memref_slice %arg13[%dma_wait3A_90, %dma_wait3A_91] : memref<128x128xf32, #tpu.memory_space<vmem>> -> memref<128x128xf32, #tpu.memory_space<vmem>>
      tpu.wait_dma2 semaphore(%run_scoped3A : memref<!tpu.dma_semaphore, #tpu.memory_space<semaphore_mem>>) src(%dma_wait3A_92 : memref<128x128xf32, #tpu.memory_space<vmem>>) dst(%dma_wait3A_89 : memref<128x128xf32, #tpu.memory_space<vmem_shared>>)
      tpu.yield
    }) : () -> ()
    %add3A_19 = arith.constant 512 : i32
    %add3A_20 = arith.addi %mul3A_2, %add3A_19 : i32
    "tpu.region"() ({
      %run_scoped3A = tpu.sem_alloc : memref<!tpu.dma_semaphore, #tpu.memory_space<semaphore_mem>>
      %dma_start3A = arith.constant 0 : i32
      %dma_start3A_74 = arith.constant 0 : i32
      %dma_start3A_75 = tpu.memref_slice %arg13[%dma_start3A, %dma_start3A_74] : memref<128x128xf32, #tpu.memory_space<vmem>> -> memref<120x128xf32, #tpu.memory_space<vmem>>
      %dma_start3A_76 = arith.constant 0 : i32
      %dma_start3A_77 = tpu.memref_slice %arg5[%add3A_20, %dma_start3A_76] : memref<10112x128xf32, #tpu.memory_space<hbm>> -> memref<120x128xf32, #tpu.memory_space<hbm>>
      %dma_start3A_78 = arith.constant 0 : i32
      %dma_start3A_79 = arith.constant 0 : i32
      %dma_start3A_80 = tpu.memref_slice %arg13[%dma_start3A_78, %dma_start3A_79] : memref<128x128xf32, #tpu.memory_space<vmem>> -> memref<120x128xf32, #tpu.memory_space<vmem>>
      %dma_start3A_81 = arith.constant 0 : i32
      %dma_start3A_82 = tpu.memref_slice %arg5[%add3A_20, %dma_start3A_81] : memref<10112x128xf32, #tpu.memory_space<hbm>> -> memref<120x128xf32, #tpu.memory_space<hbm>>
      tpu.enqueue_dma source(%dma_start3A_82 : memref<120x128xf32, #tpu.memory_space<hbm>>) target(%dma_start3A_80 : memref<120x128xf32, #tpu.memory_space<vmem>>) target_semaphore(%run_scoped3A : memref<!tpu.dma_semaphore, #tpu.memory_space<semaphore_mem>>)
      %dma_wait3A_83 = arith.constant 0 : i32
      %dma_wait3A_84 = arith.constant 0 : i32
      %dma_wait3A_85 = tpu.memref_slice %arg13[%dma_wait3A_83, %dma_wait3A_84] : memref<128x128xf32, #tpu.memory_space<vmem>> -> memref<120x128xf32, #tpu.memory_space<vmem>>
      %dma_wait3A_86 = arith.constant 0 : i32
      %dma_wait3A_87 = tpu.memref_slice %arg5[%add3A_20, %dma_wait3A_86] : memref<10112x128xf32, #tpu.memory_space<hbm>> -> memref<120x128xf32, #tpu.memory_space<hbm>>
      %dma_wait3A_88 = arith.constant 0 : i32
      %dma_wait3A_89 = arith.constant 0 : i32
      %dma_wait3A_90 = tpu.memref_slice %arg13[%dma_wait3A_88, %dma_wait3A_89] : memref<128x128xf32, #tpu.memory_space<vmem>> -> memref<120x128xf32, #tpu.memory_space<vmem>>
      %dma_wait3A_91 = arith.constant 0 : i32
      %dma_wait3A_92 = tpu.memref_slice %arg5[%add3A_20, %dma_wait3A_91] : memref<10112x128xf32, #tpu.memory_space<hbm>> -> memref<120x128xf32, #tpu.memory_space<hbm>>
      tpu.wait_dma2 semaphore(%run_scoped3A : memref<!tpu.dma_semaphore, #tpu.memory_space<semaphore_mem>>) src(%dma_wait3A_92 : memref<120x128xf32, #tpu.memory_space<hbm>>) dst(%dma_wait3A_90 : memref<120x128xf32, #tpu.memory_space<vmem>>)
      tpu.yield
    }) : () -> ()
    %add3A_21 = arith.constant 512 : i32
    %add3A_22 = arith.addi %mul3A_2, %add3A_21 : i32
    "tpu.region"() ({
      %run_scoped3A = tpu.sem_alloc : memref<!tpu.dma_semaphore, #tpu.memory_space<semaphore_mem>>
      %dma_start3A = arith.constant 0 : i32
      %dma_start3A_74 = arith.constant 0 : i32
      %dma_start3A_75 = tpu.memref_slice %arg13[%dma_start3A, %dma_start3A_74] : memref<128x128xf32, #tpu.memory_space<vmem>> -> memref<120x128xf32, #tpu.memory_space<vmem>>
      %dma_start3A_76 = arith.constant 0 : i32
      %dma_start3A_77 = tpu.memref_slice %arg16[%add3A_22, %dma_start3A_76] : memref<10112x128xf32, #tpu.memory_space<vmem_shared>> -> memref<120x128xf32, #tpu.memory_space<vmem_shared>>
      %dma_start3A_78 = arith.constant 0 : i32
      %dma_start3A_79 = tpu.memref_slice %arg16[%add3A_22, %dma_start3A_78] : memref<10112x128xf32, #tpu.memory_space<vmem_shared>> -> memref<120x128xf32, #tpu.memory_space<vmem_shared>>
      %dma_start3A_80 = arith.constant 0 : i32
      %dma_start3A_81 = arith.constant 0 : i32
      %dma_start3A_82 = tpu.memref_slice %arg13[%dma_start3A_80, %dma_start3A_81] : memref<128x128xf32, #tpu.memory_space<vmem>> -> memref<120x128xf32, #tpu.memory_space<vmem>>
      tpu.enqueue_dma source(%dma_start3A_82 : memref<120x128xf32, #tpu.memory_space<vmem>>) target(%dma_start3A_79 : memref<120x128xf32, #tpu.memory_space<vmem_shared>>) target_semaphore(%run_scoped3A : memref<!tpu.dma_semaphore, #tpu.memory_space<semaphore_mem>>)
      %dma_wait3A_83 = arith.constant 0 : i32
      %dma_wait3A_84 = arith.constant 0 : i32
      %dma_wait3A_85 = tpu.memref_slice %arg13[%dma_wait3A_83, %dma_wait3A_84] : memref<128x128xf32, #tpu.memory_space<vmem>> -> memref<120x128xf32, #tpu.memory_space<vmem>>
      %dma_wait3A_86 = arith.constant 0 : i32
      %dma_wait3A_87 = tpu.memref_slice %arg16[%add3A_22, %dma_wait3A_86] : memref<10112x128xf32, #tpu.memory_space<vmem_shared>> -> memref<120x128xf32, #tpu.memory_space<vmem_shared>>
      %dma_wait3A_88 = arith.constant 0 : i32
      %dma_wait3A_89 = tpu.memref_slice %arg16[%add3A_22, %dma_wait3A_88] : memref<10112x128xf32, #tpu.memory_space<vmem_shared>> -> memref<120x128xf32, #tpu.memory_space<vmem_shared>>
      %dma_wait3A_90 = arith.constant 0 : i32
      %dma_wait3A_91 = arith.constant 0 : i32
      %dma_wait3A_92 = tpu.memref_slice %arg13[%dma_wait3A_90, %dma_wait3A_91] : memref<128x128xf32, #tpu.memory_space<vmem>> -> memref<120x128xf32, #tpu.memory_space<vmem>>
      tpu.wait_dma2 semaphore(%run_scoped3A : memref<!tpu.dma_semaphore, #tpu.memory_space<semaphore_mem>>) src(%dma_wait3A_92 : memref<120x128xf32, #tpu.memory_space<vmem>>) dst(%dma_wait3A_89 : memref<120x128xf32, #tpu.memory_space<vmem_shared>>)
      tpu.yield
    }) : () -> ()
    %barrier3A = arith.constant 0 : index
    tpu.barrier barrier_id(%barrier3A)
    %mul3A_23 = arith.constant 10368 : i32
    %mul3A_24 = arith.muli %add3A, %mul3A_23 : i32
    %sub3A = arith.constant 27 : i32
    %sub3A_25 = arith.constant 0 : i32
    %sub3A_26 = arith.subi %sub3A, %sub3A_25 : i32
    %sub3A_27 = arith.constant 1 : i32
    %sub3A_28 = arith.constant 1 : i32
    %sub3A_29 = arith.subi %sub3A_27, %sub3A_28 : i32
    %add3A_30 = arith.addi %sub3A_26, %sub3A_29 : i32
    %div3A = arith.constant 1 : i32
    %div3A_31 = arith.divsi %add3A_30, %div3A : i32
    %while3A = arith.constant 1 : i32
    %while3A_32 = arith.constant 0 : i32
    %while3A_33 = arith.constant 0 : i32
    %while3A_34 = arith.subi %div3A_31, %while3A_33 : i32
    %while3A_35 = arith.addi %while3A_33, %while3A_34 : i32
    %while3A_36 = arith.constant 1 : i32
    %while3A_37 = arith.divsi %while3A_34, %while3A_36 : i32
    %while3A_38 = arith.muli %while3A_37, %while3A_36 : i32
    %while3A_39 = arith.addi %while3A_33, %while3A_38 : i32
    %while3A_40 = arith.constant 1 : i32
    scf.for %while3A_74 = %while3A_33 to %while3A_39 step %while3A_40  : i32 {
      %mul3A_75 = arith.muli %while3A_74, %while3A : i32
      %add3A_76 = arith.addi %while3A_32, %mul3A_75 : i32
      %gt3A = arith.constant 0 : i32
      %gt3A_77 = arith.cmpi sgt, %add3A_76, %gt3A : i32
      %convert_element_type3A = arith.extui %gt3A_77 : i1 to i32
      %cond3A = arith.constant 0 : i32
      %cond3A_78 = arith.cmpi ne, %convert_element_type3A, %cond3A : i32
      scf.if %cond3A_78 {
        %dma_wait3A_138 = arith.constant 0 : i32
        %dma_wait3A_139 = arith.constant 0 : i32
        %dma_wait3A_140 = tpu.memref_slice %arg16[%dma_wait3A_138, %dma_wait3A_139] : memref<10112x128xf32, #tpu.memory_space<vmem_shared>> -> memref<10112x128xf32, #tpu.memory_space<vmem_shared>>
        tpu.wait_indirect_dma semaphore(%arg21 : memref<!tpu.dma_semaphore, #tpu.memory_space<semaphore_mem>>) src(%arg13 : memref<128x128xf32, #tpu.memory_space<vmem>>) dst(%dma_wait3A_140 : memref<10112x128xf32, #tpu.memory_space<vmem_shared>>)
        %dma_wait3A_141 = arith.constant 0 : i32
        %dma_wait3A_142 = arith.constant 0 : i32
        %dma_wait3A_143 = tpu.memref_slice %arg16[%dma_wait3A_141, %dma_wait3A_142] : memref<10112x128xf32, #tpu.memory_space<vmem_shared>> -> memref<10112x128xf32, #tpu.memory_space<vmem_shared>>
        tpu.wait_indirect_dma semaphore(%arg22 : memref<!tpu.dma_semaphore, #tpu.memory_space<semaphore_mem>>) src(%arg14 : memref<128x128xf32, #tpu.memory_space<vmem>>) dst(%dma_wait3A_143 : memref<10112x128xf32, #tpu.memory_space<vmem_shared>>)
        %dma_wait3A_144 = arith.constant 0 : i32
        %dma_wait3A_145 = arith.constant 0 : i32
        %dma_wait3A_146 = tpu.memref_slice %arg16[%dma_wait3A_144, %dma_wait3A_145] : memref<10112x128xf32, #tpu.memory_space<vmem_shared>> -> memref<10112x128xf32, #tpu.memory_space<vmem_shared>>
        tpu.wait_indirect_dma semaphore(%arg23 : memref<!tpu.dma_semaphore, #tpu.memory_space<semaphore_mem>>) src(%arg15 : memref<128x128xf32, #tpu.memory_space<vmem>>) dst(%dma_wait3A_146 : memref<10112x128xf32, #tpu.memory_space<vmem_shared>>)
      } else {
      }
      %mul3A_79 = arith.constant 384 : i32
      %mul3A_80 = arith.muli %add3A_76, %mul3A_79 : i32
      %add3A_81 = arith.addi %mul3A_24, %mul3A_80 : i32
      %add3A_82 = arith.constant 0 : i32
      %add3A_83 = arith.addi %add3A_81, %add3A_82 : i32
      %dma_start3A = tpu.memref_slice %arg3[%add3A_83] : memref<331776xi32, #tpu.memory_space<hbm>> -> memref<128xi32, #tpu.memory_space<hbm>>
      %dma_start3A_84 = tpu.memref_slice %arg3[%add3A_83] : memref<331776xi32, #tpu.memory_space<hbm>> -> memref<128xi32, #tpu.memory_space<hbm>>
      tpu.enqueue_dma source(%dma_start3A_84 : memref<128xi32, #tpu.memory_space<hbm>>) target(%arg7 : memref<128xi32, #tpu.memory_space<vmem>>) target_semaphore(%arg17 : memref<!tpu.dma_semaphore, #tpu.memory_space<semaphore_mem>>)
      %dma_start3A_85 = tpu.memref_slice %arg4[%add3A_83] : memref<331776xi32, #tpu.memory_space<hbm>> -> memref<128xi32, #tpu.memory_space<hbm>>
      %dma_start3A_86 = tpu.memref_slice %arg4[%add3A_83] : memref<331776xi32, #tpu.memory_space<hbm>> -> memref<128xi32, #tpu.memory_space<hbm>>
      tpu.enqueue_dma source(%dma_start3A_86 : memref<128xi32, #tpu.memory_space<hbm>>) target(%arg10 : memref<128xi32, #tpu.memory_space<vmem>>) target_semaphore(%arg17 : memref<!tpu.dma_semaphore, #tpu.memory_space<semaphore_mem>>)
      %add3A_87 = arith.constant 128 : i32
      %add3A_88 = arith.addi %add3A_81, %add3A_87 : i32
      %dma_start3A_89 = tpu.memref_slice %arg3[%add3A_88] : memref<331776xi32, #tpu.memory_space<hbm>> -> memref<128xi32, #tpu.memory_space<hbm>>
      %dma_start3A_90 = tpu.memref_slice %arg3[%add3A_88] : memref<331776xi32, #tpu.memory_space<hbm>> -> memref<128xi32, #tpu.memory_space<hbm>>
      tpu.enqueue_dma source(%dma_start3A_90 : memref<128xi32, #tpu.memory_space<hbm>>) target(%arg8 : memref<128xi32, #tpu.memory_space<vmem>>) target_semaphore(%arg17 : memref<!tpu.dma_semaphore, #tpu.memory_space<semaphore_mem>>)
      %dma_start3A_91 = tpu.memref_slice %arg4[%add3A_88] : memref<331776xi32, #tpu.memory_space<hbm>> -> memref<128xi32, #tpu.memory_space<hbm>>
      %dma_start3A_92 = tpu.memref_slice %arg4[%add3A_88] : memref<331776xi32, #tpu.memory_space<hbm>> -> memref<128xi32, #tpu.memory_space<hbm>>
      tpu.enqueue_dma source(%dma_start3A_92 : memref<128xi32, #tpu.memory_space<hbm>>) target(%arg11 : memref<128xi32, #tpu.memory_space<vmem>>) target_semaphore(%arg17 : memref<!tpu.dma_semaphore, #tpu.memory_space<semaphore_mem>>)
      %add3A_93 = arith.constant 256 : i32
      %add3A_94 = arith.addi %add3A_81, %add3A_93 : i32
      %dma_start3A_95 = tpu.memref_slice %arg3[%add3A_94] : memref<331776xi32, #tpu.memory_space<hbm>> -> memref<128xi32, #tpu.memory_space<hbm>>
      %dma_start3A_96 = tpu.memref_slice %arg3[%add3A_94] : memref<331776xi32, #tpu.memory_space<hbm>> -> memref<128xi32, #tpu.memory_space<hbm>>
      tpu.enqueue_dma source(%dma_start3A_96 : memref<128xi32, #tpu.memory_space<hbm>>) target(%arg9 : memref<128xi32, #tpu.memory_space<vmem>>) target_semaphore(%arg17 : memref<!tpu.dma_semaphore, #tpu.memory_space<semaphore_mem>>)
      %dma_start3A_97 = tpu.memref_slice %arg4[%add3A_94] : memref<331776xi32, #tpu.memory_space<hbm>> -> memref<128xi32, #tpu.memory_space<hbm>>
      %dma_start3A_98 = tpu.memref_slice %arg4[%add3A_94] : memref<331776xi32, #tpu.memory_space<hbm>> -> memref<128xi32, #tpu.memory_space<hbm>>
      tpu.enqueue_dma source(%dma_start3A_98 : memref<128xi32, #tpu.memory_space<hbm>>) target(%arg12 : memref<128xi32, #tpu.memory_space<vmem>>) target_semaphore(%arg17 : memref<!tpu.dma_semaphore, #tpu.memory_space<semaphore_mem>>)
      %dma_wait3A_99 = tpu.memref_slice %arg3[%add3A_83] : memref<331776xi32, #tpu.memory_space<hbm>> -> memref<128xi32, #tpu.memory_space<hbm>>
      %dma_wait3A_100 = tpu.memref_slice %arg3[%add3A_83] : memref<331776xi32, #tpu.memory_space<hbm>> -> memref<128xi32, #tpu.memory_space<hbm>>
      tpu.wait_dma2 semaphore(%arg17 : memref<!tpu.dma_semaphore, #tpu.memory_space<semaphore_mem>>) src(%dma_wait3A_100 : memref<128xi32, #tpu.memory_space<hbm>>) dst(%arg7 : memref<128xi32, #tpu.memory_space<vmem>>)
      %dma_wait3A_101 = tpu.memref_slice %arg4[%add3A_83] : memref<331776xi32, #tpu.memory_space<hbm>> -> memref<128xi32, #tpu.memory_space<hbm>>
      %dma_wait3A_102 = tpu.memref_slice %arg4[%add3A_83] : memref<331776xi32, #tpu.memory_space<hbm>> -> memref<128xi32, #tpu.memory_space<hbm>>
      tpu.wait_dma2 semaphore(%arg17 : memref<!tpu.dma_semaphore, #tpu.memory_space<semaphore_mem>>) src(%dma_wait3A_102 : memref<128xi32, #tpu.memory_space<hbm>>) dst(%arg10 : memref<128xi32, #tpu.memory_space<vmem>>)
      %dma_wait3A_103 = tpu.memref_slice %arg3[%add3A_88] : memref<331776xi32, #tpu.memory_space<hbm>> -> memref<128xi32, #tpu.memory_space<hbm>>
      %dma_wait3A_104 = tpu.memref_slice %arg3[%add3A_88] : memref<331776xi32, #tpu.memory_space<hbm>> -> memref<128xi32, #tpu.memory_space<hbm>>
      tpu.wait_dma2 semaphore(%arg17 : memref<!tpu.dma_semaphore, #tpu.memory_space<semaphore_mem>>) src(%dma_wait3A_104 : memref<128xi32, #tpu.memory_space<hbm>>) dst(%arg8 : memref<128xi32, #tpu.memory_space<vmem>>)
      %dma_wait3A_105 = tpu.memref_slice %arg4[%add3A_88] : memref<331776xi32, #tpu.memory_space<hbm>> -> memref<128xi32, #tpu.memory_space<hbm>>
      %dma_wait3A_106 = tpu.memref_slice %arg4[%add3A_88] : memref<331776xi32, #tpu.memory_space<hbm>> -> memref<128xi32, #tpu.memory_space<hbm>>
      tpu.wait_dma2 semaphore(%arg17 : memref<!tpu.dma_semaphore, #tpu.memory_space<semaphore_mem>>) src(%dma_wait3A_106 : memref<128xi32, #tpu.memory_space<hbm>>) dst(%arg11 : memref<128xi32, #tpu.memory_space<vmem>>)
      %dma_wait3A_107 = tpu.memref_slice %arg3[%add3A_94] : memref<331776xi32, #tpu.memory_space<hbm>> -> memref<128xi32, #tpu.memory_space<hbm>>
      %dma_wait3A_108 = tpu.memref_slice %arg3[%add3A_94] : memref<331776xi32, #tpu.memory_space<hbm>> -> memref<128xi32, #tpu.memory_space<hbm>>
      tpu.wait_dma2 semaphore(%arg17 : memref<!tpu.dma_semaphore, #tpu.memory_space<semaphore_mem>>) src(%dma_wait3A_108 : memref<128xi32, #tpu.memory_space<hbm>>) dst(%arg9 : memref<128xi32, #tpu.memory_space<vmem>>)
      %dma_wait3A_109 = tpu.memref_slice %arg4[%add3A_94] : memref<331776xi32, #tpu.memory_space<hbm>> -> memref<128xi32, #tpu.memory_space<hbm>>
      %dma_wait3A_110 = tpu.memref_slice %arg4[%add3A_94] : memref<331776xi32, #tpu.memory_space<hbm>> -> memref<128xi32, #tpu.memory_space<hbm>>
      tpu.wait_dma2 semaphore(%arg17 : memref<!tpu.dma_semaphore, #tpu.memory_space<semaphore_mem>>) src(%dma_wait3A_110 : memref<128xi32, #tpu.memory_space<hbm>>) dst(%arg12 : memref<128xi32, #tpu.memory_space<vmem>>)
      %dma_start3A_111 = arith.constant 0 : i32
      %dma_start3A_112 = arith.constant 0 : i32
      %dma_start3A_113 = tpu.memref_slice %arg2[%dma_start3A_111, %dma_start3A_112] : memref<10000x128xf32, #tpu.memory_space<hbm>> -> memref<10000x128xf32, #tpu.memory_space<hbm>>
      tpu.enqueue_indirect_dma source(%dma_start3A_113 : memref<10000x128xf32, #tpu.memory_space<hbm>>) target(%arg13 : memref<128x128xf32, #tpu.memory_space<vmem>>) offsets(%arg7 : memref<128xi32, #tpu.memory_space<vmem>>) semaphore(%arg18 : memref<!tpu.dma_semaphore, #tpu.memory_space<semaphore_mem>>)
      %dma_start3A_114 = arith.constant 0 : i32
      %dma_start3A_115 = arith.constant 0 : i32
      %dma_start3A_116 = tpu.memref_slice %arg2[%dma_start3A_114, %dma_start3A_115] : memref<10000x128xf32, #tpu.memory_space<hbm>> -> memref<10000x128xf32, #tpu.memory_space<hbm>>
      tpu.enqueue_indirect_dma source(%dma_start3A_116 : memref<10000x128xf32, #tpu.memory_space<hbm>>) target(%arg14 : memref<128x128xf32, #tpu.memory_space<vmem>>) offsets(%arg8 : memref<128xi32, #tpu.memory_space<vmem>>) semaphore(%arg19 : memref<!tpu.dma_semaphore, #tpu.memory_space<semaphore_mem>>)
      %dma_start3A_117 = arith.constant 0 : i32
      %dma_start3A_118 = arith.constant 0 : i32
      %dma_start3A_119 = tpu.memref_slice %arg2[%dma_start3A_117, %dma_start3A_118] : memref<10000x128xf32, #tpu.memory_space<hbm>> -> memref<10000x128xf32, #tpu.memory_space<hbm>>
      tpu.enqueue_indirect_dma source(%dma_start3A_119 : memref<10000x128xf32, #tpu.memory_space<hbm>>) target(%arg15 : memref<128x128xf32, #tpu.memory_space<vmem>>) offsets(%arg9 : memref<128xi32, #tpu.memory_space<vmem>>) semaphore(%arg20 : memref<!tpu.dma_semaphore, #tpu.memory_space<semaphore_mem>>)
      %dma_wait3A_120 = arith.constant 0 : i32
      %dma_wait3A_121 = arith.constant 0 : i32
      %dma_wait3A_122 = tpu.memref_slice %arg2[%dma_wait3A_120, %dma_wait3A_121] : memref<10000x128xf32, #tpu.memory_space<hbm>> -> memref<10000x128xf32, #tpu.memory_space<hbm>>
      tpu.wait_indirect_dma semaphore(%arg18 : memref<!tpu.dma_semaphore, #tpu.memory_space<semaphore_mem>>) src(%dma_wait3A_122 : memref<10000x128xf32, #tpu.memory_space<hbm>>) dst(%arg13 : memref<128x128xf32, #tpu.memory_space<vmem>>)
      %dma_start3A_123 = arith.constant 0 : i32
      %dma_start3A_124 = arith.constant 0 : i32
      %dma_start3A_125 = tpu.memref_slice %arg16[%dma_start3A_123, %dma_start3A_124] : memref<10112x128xf32, #tpu.memory_space<vmem_shared>> -> memref<10112x128xf32, #tpu.memory_space<vmem_shared>>
      tpu.enqueue_indirect_dma source(%arg13 : memref<128x128xf32, #tpu.memory_space<vmem>>) target(%dma_start3A_125 : memref<10112x128xf32, #tpu.memory_space<vmem_shared>>) offsets(%arg10 : memref<128xi32, #tpu.memory_space<vmem>>) semaphore(%arg21 : memref<!tpu.dma_semaphore, #tpu.memory_space<semaphore_mem>>) {add = true}
      %dma_wait3A_126 = arith.constant 0 : i32
      %dma_wait3A_127 = arith.constant 0 : i32
      %dma_wait3A_128 = tpu.memref_slice %arg2[%dma_wait3A_126, %dma_wait3A_127] : memref<10000x128xf32, #tpu.memory_space<hbm>> -> memref<10000x128xf32, #tpu.memory_space<hbm>>
      tpu.wait_indirect_dma semaphore(%arg19 : memref<!tpu.dma_semaphore, #tpu.memory_space<semaphore_mem>>) src(%dma_wait3A_128 : memref<10000x128xf32, #tpu.memory_space<hbm>>) dst(%arg14 : memref<128x128xf32, #tpu.memory_space<vmem>>)
      %dma_start3A_129 = arith.constant 0 : i32
      %dma_start3A_130 = arith.constant 0 : i32
      %dma_start3A_131 = tpu.memref_slice %arg16[%dma_start3A_129, %dma_start3A_130] : memref<10112x128xf32, #tpu.memory_space<vmem_shared>> -> memref<10112x128xf32, #tpu.memory_space<vmem_shared>>
      tpu.enqueue_indirect_dma source(%arg14 : memref<128x128xf32, #tpu.memory_space<vmem>>) target(%dma_start3A_131 : memref<10112x128xf32, #tpu.memory_space<vmem_shared>>) offsets(%arg11 : memref<128xi32, #tpu.memory_space<vmem>>) semaphore(%arg22 : memref<!tpu.dma_semaphore, #tpu.memory_space<semaphore_mem>>) {add = true}
      %dma_wait3A_132 = arith.constant 0 : i32
      %dma_wait3A_133 = arith.constant 0 : i32
      %dma_wait3A_134 = tpu.memref_slice %arg2[%dma_wait3A_132, %dma_wait3A_133] : memref<10000x128xf32, #tpu.memory_space<hbm>> -> memref<10000x128xf32, #tpu.memory_space<hbm>>
      tpu.wait_indirect_dma semaphore(%arg20 : memref<!tpu.dma_semaphore, #tpu.memory_space<semaphore_mem>>) src(%dma_wait3A_134 : memref<10000x128xf32, #tpu.memory_space<hbm>>) dst(%arg15 : memref<128x128xf32, #tpu.memory_space<vmem>>)
      %dma_start3A_135 = arith.constant 0 : i32
      %dma_start3A_136 = arith.constant 0 : i32
      %dma_start3A_137 = tpu.memref_slice %arg16[%dma_start3A_135, %dma_start3A_136] : memref<10112x128xf32, #tpu.memory_space<vmem_shared>> -> memref<10112x128xf32, #tpu.memory_space<vmem_shared>>
      tpu.enqueue_indirect_dma source(%arg15 : memref<128x128xf32, #tpu.memory_space<vmem>>) target(%dma_start3A_137 : memref<10112x128xf32, #tpu.memory_space<vmem_shared>>) offsets(%arg12 : memref<128xi32, #tpu.memory_space<vmem>>) semaphore(%arg23 : memref<!tpu.dma_semaphore, #tpu.memory_space<semaphore_mem>>) {add = true}
    }
    %while3A_41 = arith.constant 1 : i32
    scf.for %while3A_74 = %while3A_39 to %while3A_35 step %while3A_41  : i32 {
      %mul3A_75 = arith.muli %while3A_74, %while3A : i32
      %add3A_76 = arith.addi %while3A_32, %mul3A_75 : i32
      %gt3A = arith.constant 0 : i32
      %gt3A_77 = arith.cmpi sgt, %add3A_76, %gt3A : i32
      %convert_element_type3A = arith.extui %gt3A_77 : i1 to i32
      %cond3A = arith.constant 0 : i32
      %cond3A_78 = arith.cmpi ne, %convert_element_type3A, %cond3A : i32
      scf.if %cond3A_78 {
        %dma_wait3A_138 = arith.constant 0 : i32
        %dma_wait3A_139 = arith.constant 0 : i32
        %dma_wait3A_140 = tpu.memref_slice %arg16[%dma_wait3A_138, %dma_wait3A_139] : memref<10112x128xf32, #tpu.memory_space<vmem_shared>> -> memref<10112x128xf32, #tpu.memory_space<vmem_shared>>
        tpu.wait_indirect_dma semaphore(%arg21 : memref<!tpu.dma_semaphore, #tpu.memory_space<semaphore_mem>>) src(%arg13 : memref<128x128xf32, #tpu.memory_space<vmem>>) dst(%dma_wait3A_140 : memref<10112x128xf32, #tpu.memory_space<vmem_shared>>)
        %dma_wait3A_141 = arith.constant 0 : i32
        %dma_wait3A_142 = arith.constant 0 : i32
        %dma_wait3A_143 = tpu.memref_slice %arg16[%dma_wait3A_141, %dma_wait3A_142] : memref<10112x128xf32, #tpu.memory_space<vmem_shared>> -> memref<10112x128xf32, #tpu.memory_space<vmem_shared>>
        tpu.wait_indirect_dma semaphore(%arg22 : memref<!tpu.dma_semaphore, #tpu.memory_space<semaphore_mem>>) src(%arg14 : memref<128x128xf32, #tpu.memory_space<vmem>>) dst(%dma_wait3A_143 : memref<10112x128xf32, #tpu.memory_space<vmem_shared>>)
        %dma_wait3A_144 = arith.constant 0 : i32
        %dma_wait3A_145 = arith.constant 0 : i32
        %dma_wait3A_146 = tpu.memref_slice %arg16[%dma_wait3A_144, %dma_wait3A_145] : memref<10112x128xf32, #tpu.memory_space<vmem_shared>> -> memref<10112x128xf32, #tpu.memory_space<vmem_shared>>
        tpu.wait_indirect_dma semaphore(%arg23 : memref<!tpu.dma_semaphore, #tpu.memory_space<semaphore_mem>>) src(%arg15 : memref<128x128xf32, #tpu.memory_space<vmem>>) dst(%dma_wait3A_146 : memref<10112x128xf32, #tpu.memory_space<vmem_shared>>)
      } else {
      }
      %mul3A_79 = arith.constant 384 : i32
      %mul3A_80 = arith.muli %add3A_76, %mul3A_79 : i32
      %add3A_81 = arith.addi %mul3A_24, %mul3A_80 : i32
      %add3A_82 = arith.constant 0 : i32
      %add3A_83 = arith.addi %add3A_81, %add3A_82 : i32
      %dma_start3A = tpu.memref_slice %arg3[%add3A_83] : memref<331776xi32, #tpu.memory_space<hbm>> -> memref<128xi32, #tpu.memory_space<hbm>>
      %dma_start3A_84 = tpu.memref_slice %arg3[%add3A_83] : memref<331776xi32, #tpu.memory_space<hbm>> -> memref<128xi32, #tpu.memory_space<hbm>>
      tpu.enqueue_dma source(%dma_start3A_84 : memref<128xi32, #tpu.memory_space<hbm>>) target(%arg7 : memref<128xi32, #tpu.memory_space<vmem>>) target_semaphore(%arg17 : memref<!tpu.dma_semaphore, #tpu.memory_space<semaphore_mem>>)
      %dma_start3A_85 = tpu.memref_slice %arg4[%add3A_83] : memref<331776xi32, #tpu.memory_space<hbm>> -> memref<128xi32, #tpu.memory_space<hbm>>
      %dma_start3A_86 = tpu.memref_slice %arg4[%add3A_83] : memref<331776xi32, #tpu.memory_space<hbm>> -> memref<128xi32, #tpu.memory_space<hbm>>
      tpu.enqueue_dma source(%dma_start3A_86 : memref<128xi32, #tpu.memory_space<hbm>>) target(%arg10 : memref<128xi32, #tpu.memory_space<vmem>>) target_semaphore(%arg17 : memref<!tpu.dma_semaphore, #tpu.memory_space<semaphore_mem>>)
      %add3A_87 = arith.constant 128 : i32
      %add3A_88 = arith.addi %add3A_81, %add3A_87 : i32
      %dma_start3A_89 = tpu.memref_slice %arg3[%add3A_88] : memref<331776xi32, #tpu.memory_space<hbm>> -> memref<128xi32, #tpu.memory_space<hbm>>
      %dma_start3A_90 = tpu.memref_slice %arg3[%add3A_88] : memref<331776xi32, #tpu.memory_space<hbm>> -> memref<128xi32, #tpu.memory_space<hbm>>
      tpu.enqueue_dma source(%dma_start3A_90 : memref<128xi32, #tpu.memory_space<hbm>>) target(%arg8 : memref<128xi32, #tpu.memory_space<vmem>>) target_semaphore(%arg17 : memref<!tpu.dma_semaphore, #tpu.memory_space<semaphore_mem>>)
      %dma_start3A_91 = tpu.memref_slice %arg4[%add3A_88] : memref<331776xi32, #tpu.memory_space<hbm>> -> memref<128xi32, #tpu.memory_space<hbm>>
      %dma_start3A_92 = tpu.memref_slice %arg4[%add3A_88] : memref<331776xi32, #tpu.memory_space<hbm>> -> memref<128xi32, #tpu.memory_space<hbm>>
      tpu.enqueue_dma source(%dma_start3A_92 : memref<128xi32, #tpu.memory_space<hbm>>) target(%arg11 : memref<128xi32, #tpu.memory_space<vmem>>) target_semaphore(%arg17 : memref<!tpu.dma_semaphore, #tpu.memory_space<semaphore_mem>>)
      %add3A_93 = arith.constant 256 : i32
      %add3A_94 = arith.addi %add3A_81, %add3A_93 : i32
      %dma_start3A_95 = tpu.memref_slice %arg3[%add3A_94] : memref<331776xi32, #tpu.memory_space<hbm>> -> memref<128xi32, #tpu.memory_space<hbm>>
      %dma_start3A_96 = tpu.memref_slice %arg3[%add3A_94] : memref<331776xi32, #tpu.memory_space<hbm>> -> memref<128xi32, #tpu.memory_space<hbm>>
      tpu.enqueue_dma source(%dma_start3A_96 : memref<128xi32, #tpu.memory_space<hbm>>) target(%arg9 : memref<128xi32, #tpu.memory_space<vmem>>) target_semaphore(%arg17 : memref<!tpu.dma_semaphore, #tpu.memory_space<semaphore_mem>>)
      %dma_start3A_97 = tpu.memref_slice %arg4[%add3A_94] : memref<331776xi32, #tpu.memory_space<hbm>> -> memref<128xi32, #tpu.memory_space<hbm>>
      %dma_start3A_98 = tpu.memref_slice %arg4[%add3A_94] : memref<331776xi32, #tpu.memory_space<hbm>> -> memref<128xi32, #tpu.memory_space<hbm>>
      tpu.enqueue_dma source(%dma_start3A_98 : memref<128xi32, #tpu.memory_space<hbm>>) target(%arg12 : memref<128xi32, #tpu.memory_space<vmem>>) target_semaphore(%arg17 : memref<!tpu.dma_semaphore, #tpu.memory_space<semaphore_mem>>)
      %dma_wait3A_99 = tpu.memref_slice %arg3[%add3A_83] : memref<331776xi32, #tpu.memory_space<hbm>> -> memref<128xi32, #tpu.memory_space<hbm>>
      %dma_wait3A_100 = tpu.memref_slice %arg3[%add3A_83] : memref<331776xi32, #tpu.memory_space<hbm>> -> memref<128xi32, #tpu.memory_space<hbm>>
      tpu.wait_dma2 semaphore(%arg17 : memref<!tpu.dma_semaphore, #tpu.memory_space<semaphore_mem>>) src(%dma_wait3A_100 : memref<128xi32, #tpu.memory_space<hbm>>) dst(%arg7 : memref<128xi32, #tpu.memory_space<vmem>>)
      %dma_wait3A_101 = tpu.memref_slice %arg4[%add3A_83] : memref<331776xi32, #tpu.memory_space<hbm>> -> memref<128xi32, #tpu.memory_space<hbm>>
      %dma_wait3A_102 = tpu.memref_slice %arg4[%add3A_83] : memref<331776xi32, #tpu.memory_space<hbm>> -> memref<128xi32, #tpu.memory_space<hbm>>
      tpu.wait_dma2 semaphore(%arg17 : memref<!tpu.dma_semaphore, #tpu.memory_space<semaphore_mem>>) src(%dma_wait3A_102 : memref<128xi32, #tpu.memory_space<hbm>>) dst(%arg10 : memref<128xi32, #tpu.memory_space<vmem>>)
      %dma_wait3A_103 = tpu.memref_slice %arg3[%add3A_88] : memref<331776xi32, #tpu.memory_space<hbm>> -> memref<128xi32, #tpu.memory_space<hbm>>
      %dma_wait3A_104 = tpu.memref_slice %arg3[%add3A_88] : memref<331776xi32, #tpu.memory_space<hbm>> -> memref<128xi32, #tpu.memory_space<hbm>>
      tpu.wait_dma2 semaphore(%arg17 : memref<!tpu.dma_semaphore, #tpu.memory_space<semaphore_mem>>) src(%dma_wait3A_104 : memref<128xi32, #tpu.memory_space<hbm>>) dst(%arg8 : memref<128xi32, #tpu.memory_space<vmem>>)
      %dma_wait3A_105 = tpu.memref_slice %arg4[%add3A_88] : memref<331776xi32, #tpu.memory_space<hbm>> -> memref<128xi32, #tpu.memory_space<hbm>>
      %dma_wait3A_106 = tpu.memref_slice %arg4[%add3A_88] : memref<331776xi32, #tpu.memory_space<hbm>> -> memref<128xi32, #tpu.memory_space<hbm>>
      tpu.wait_dma2 semaphore(%arg17 : memref<!tpu.dma_semaphore, #tpu.memory_space<semaphore_mem>>) src(%dma_wait3A_106 : memref<128xi32, #tpu.memory_space<hbm>>) dst(%arg11 : memref<128xi32, #tpu.memory_space<vmem>>)
      %dma_wait3A_107 = tpu.memref_slice %arg3[%add3A_94] : memref<331776xi32, #tpu.memory_space<hbm>> -> memref<128xi32, #tpu.memory_space<hbm>>
      %dma_wait3A_108 = tpu.memref_slice %arg3[%add3A_94] : memref<331776xi32, #tpu.memory_space<hbm>> -> memref<128xi32, #tpu.memory_space<hbm>>
      tpu.wait_dma2 semaphore(%arg17 : memref<!tpu.dma_semaphore, #tpu.memory_space<semaphore_mem>>) src(%dma_wait3A_108 : memref<128xi32, #tpu.memory_space<hbm>>) dst(%arg9 : memref<128xi32, #tpu.memory_space<vmem>>)
      %dma_wait3A_109 = tpu.memref_slice %arg4[%add3A_94] : memref<331776xi32, #tpu.memory_space<hbm>> -> memref<128xi32, #tpu.memory_space<hbm>>
      %dma_wait3A_110 = tpu.memref_slice %arg4[%add3A_94] : memref<331776xi32, #tpu.memory_space<hbm>> -> memref<128xi32, #tpu.memory_space<hbm>>
      tpu.wait_dma2 semaphore(%arg17 : memref<!tpu.dma_semaphore, #tpu.memory_space<semaphore_mem>>) src(%dma_wait3A_110 : memref<128xi32, #tpu.memory_space<hbm>>) dst(%arg12 : memref<128xi32, #tpu.memory_space<vmem>>)
      %dma_start3A_111 = arith.constant 0 : i32
      %dma_start3A_112 = arith.constant 0 : i32
      %dma_start3A_113 = tpu.memref_slice %arg2[%dma_start3A_111, %dma_start3A_112] : memref<10000x128xf32, #tpu.memory_space<hbm>> -> memref<10000x128xf32, #tpu.memory_space<hbm>>
      tpu.enqueue_indirect_dma source(%dma_start3A_113 : memref<10000x128xf32, #tpu.memory_space<hbm>>) target(%arg13 : memref<128x128xf32, #tpu.memory_space<vmem>>) offsets(%arg7 : memref<128xi32, #tpu.memory_space<vmem>>) semaphore(%arg18 : memref<!tpu.dma_semaphore, #tpu.memory_space<semaphore_mem>>)
      %dma_start3A_114 = arith.constant 0 : i32
      %dma_start3A_115 = arith.constant 0 : i32
      %dma_start3A_116 = tpu.memref_slice %arg2[%dma_start3A_114, %dma_start3A_115] : memref<10000x128xf32, #tpu.memory_space<hbm>> -> memref<10000x128xf32, #tpu.memory_space<hbm>>
      tpu.enqueue_indirect_dma source(%dma_start3A_116 : memref<10000x128xf32, #tpu.memory_space<hbm>>) target(%arg14 : memref<128x128xf32, #tpu.memory_space<vmem>>) offsets(%arg8 : memref<128xi32, #tpu.memory_space<vmem>>) semaphore(%arg19 : memref<!tpu.dma_semaphore, #tpu.memory_space<semaphore_mem>>)
      %dma_start3A_117 = arith.constant 0 : i32
      %dma_start3A_118 = arith.constant 0 : i32
      %dma_start3A_119 = tpu.memref_slice %arg2[%dma_start3A_117, %dma_start3A_118] : memref<10000x128xf32, #tpu.memory_space<hbm>> -> memref<10000x128xf32, #tpu.memory_space<hbm>>
      tpu.enqueue_indirect_dma source(%dma_start3A_119 : memref<10000x128xf32, #tpu.memory_space<hbm>>) target(%arg15 : memref<128x128xf32, #tpu.memory_space<vmem>>) offsets(%arg9 : memref<128xi32, #tpu.memory_space<vmem>>) semaphore(%arg20 : memref<!tpu.dma_semaphore, #tpu.memory_space<semaphore_mem>>)
      %dma_wait3A_120 = arith.constant 0 : i32
      %dma_wait3A_121 = arith.constant 0 : i32
      %dma_wait3A_122 = tpu.memref_slice %arg2[%dma_wait3A_120, %dma_wait3A_121] : memref<10000x128xf32, #tpu.memory_space<hbm>> -> memref<10000x128xf32, #tpu.memory_space<hbm>>
      tpu.wait_indirect_dma semaphore(%arg18 : memref<!tpu.dma_semaphore, #tpu.memory_space<semaphore_mem>>) src(%dma_wait3A_122 : memref<10000x128xf32, #tpu.memory_space<hbm>>) dst(%arg13 : memref<128x128xf32, #tpu.memory_space<vmem>>)
      %dma_start3A_123 = arith.constant 0 : i32
      %dma_start3A_124 = arith.constant 0 : i32
      %dma_start3A_125 = tpu.memref_slice %arg16[%dma_start3A_123, %dma_start3A_124] : memref<10112x128xf32, #tpu.memory_space<vmem_shared>> -> memref<10112x128xf32, #tpu.memory_space<vmem_shared>>
      tpu.enqueue_indirect_dma source(%arg13 : memref<128x128xf32, #tpu.memory_space<vmem>>) target(%dma_start3A_125 : memref<10112x128xf32, #tpu.memory_space<vmem_shared>>) offsets(%arg10 : memref<128xi32, #tpu.memory_space<vmem>>) semaphore(%arg21 : memref<!tpu.dma_semaphore, #tpu.memory_space<semaphore_mem>>) {add = true}
      %dma_wait3A_126 = arith.constant 0 : i32
      %dma_wait3A_127 = arith.constant 0 : i32
      %dma_wait3A_128 = tpu.memref_slice %arg2[%dma_wait3A_126, %dma_wait3A_127] : memref<10000x128xf32, #tpu.memory_space<hbm>> -> memref<10000x128xf32, #tpu.memory_space<hbm>>
      tpu.wait_indirect_dma semaphore(%arg19 : memref<!tpu.dma_semaphore, #tpu.memory_space<semaphore_mem>>) src(%dma_wait3A_128 : memref<10000x128xf32, #tpu.memory_space<hbm>>) dst(%arg14 : memref<128x128xf32, #tpu.memory_space<vmem>>)
      %dma_start3A_129 = arith.constant 0 : i32
      %dma_start3A_130 = arith.constant 0 : i32
      %dma_start3A_131 = tpu.memref_slice %arg16[%dma_start3A_129, %dma_start3A_130] : memref<10112x128xf32, #tpu.memory_space<vmem_shared>> -> memref<10112x128xf32, #tpu.memory_space<vmem_shared>>
      tpu.enqueue_indirect_dma source(%arg14 : memref<128x128xf32, #tpu.memory_space<vmem>>) target(%dma_start3A_131 : memref<10112x128xf32, #tpu.memory_space<vmem_shared>>) offsets(%arg11 : memref<128xi32, #tpu.memory_space<vmem>>) semaphore(%arg22 : memref<!tpu.dma_semaphore, #tpu.memory_space<semaphore_mem>>) {add = true}
      %dma_wait3A_132 = arith.constant 0 : i32
      %dma_wait3A_133 = arith.constant 0 : i32
      %dma_wait3A_134 = tpu.memref_slice %arg2[%dma_wait3A_132, %dma_wait3A_133] : memref<10000x128xf32, #tpu.memory_space<hbm>> -> memref<10000x128xf32, #tpu.memory_space<hbm>>
      tpu.wait_indirect_dma semaphore(%arg20 : memref<!tpu.dma_semaphore, #tpu.memory_space<semaphore_mem>>) src(%dma_wait3A_134 : memref<10000x128xf32, #tpu.memory_space<hbm>>) dst(%arg15 : memref<128x128xf32, #tpu.memory_space<vmem>>)
      %dma_start3A_135 = arith.constant 0 : i32
      %dma_start3A_136 = arith.constant 0 : i32
      %dma_start3A_137 = tpu.memref_slice %arg16[%dma_start3A_135, %dma_start3A_136] : memref<10112x128xf32, #tpu.memory_space<vmem_shared>> -> memref<10112x128xf32, #tpu.memory_space<vmem_shared>>
      tpu.enqueue_indirect_dma source(%arg15 : memref<128x128xf32, #tpu.memory_space<vmem>>) target(%dma_start3A_137 : memref<10112x128xf32, #tpu.memory_space<vmem_shared>>) offsets(%arg12 : memref<128xi32, #tpu.memory_space<vmem>>) semaphore(%arg23 : memref<!tpu.dma_semaphore, #tpu.memory_space<semaphore_mem>>) {add = true}
    }
    %dma_wait3A = arith.constant 0 : i32
    %dma_wait3A_42 = arith.constant 0 : i32
    %dma_wait3A_43 = tpu.memref_slice %arg16[%dma_wait3A, %dma_wait3A_42] : memref<10112x128xf32, #tpu.memory_space<vmem_shared>> -> memref<10112x128xf32, #tpu.memory_space<vmem_shared>>
    tpu.wait_indirect_dma semaphore(%arg21 : memref<!tpu.dma_semaphore, #tpu.memory_space<semaphore_mem>>) src(%arg13 : memref<128x128xf32, #tpu.memory_space<vmem>>) dst(%dma_wait3A_43 : memref<10112x128xf32, #tpu.memory_space<vmem_shared>>)
    %dma_wait3A_44 = arith.constant 0 : i32
    %dma_wait3A_45 = arith.constant 0 : i32
    %dma_wait3A_46 = tpu.memref_slice %arg16[%dma_wait3A_44, %dma_wait3A_45] : memref<10112x128xf32, #tpu.memory_space<vmem_shared>> -> memref<10112x128xf32, #tpu.memory_space<vmem_shared>>
    tpu.wait_indirect_dma semaphore(%arg22 : memref<!tpu.dma_semaphore, #tpu.memory_space<semaphore_mem>>) src(%arg14 : memref<128x128xf32, #tpu.memory_space<vmem>>) dst(%dma_wait3A_46 : memref<10112x128xf32, #tpu.memory_space<vmem_shared>>)
    %dma_wait3A_47 = arith.constant 0 : i32
    %dma_wait3A_48 = arith.constant 0 : i32
    %dma_wait3A_49 = tpu.memref_slice %arg16[%dma_wait3A_47, %dma_wait3A_48] : memref<10112x128xf32, #tpu.memory_space<vmem_shared>> -> memref<10112x128xf32, #tpu.memory_space<vmem_shared>>
    tpu.wait_indirect_dma semaphore(%arg23 : memref<!tpu.dma_semaphore, #tpu.memory_space<semaphore_mem>>) src(%arg15 : memref<128x128xf32, #tpu.memory_space<vmem>>) dst(%dma_wait3A_49 : memref<10112x128xf32, #tpu.memory_space<vmem_shared>>)
    %barrier3A_50 = arith.constant 0 : index
    tpu.barrier barrier_id(%barrier3A_50)
    %mul3A_51 = arith.constant 10112 : i32
    %mul3A_52 = arith.muli %arg0, %mul3A_51 : i32
    %add3A_53 = arith.addi %mul3A_52, %mul3A_2 : i32
    %add3A_54 = arith.constant 0 : i32
    %add3A_55 = arith.addi %mul3A_2, %add3A_54 : i32
    "tpu.region"() ({
      %run_scoped3A = tpu.sem_alloc : memref<!tpu.dma_semaphore, #tpu.memory_space<semaphore_mem>>
      %dma_start3A = arith.constant 0 : i32
      %dma_start3A_74 = arith.constant 0 : i32
      %dma_start3A_75 = tpu.memref_slice %arg13[%dma_start3A, %dma_start3A_74] : memref<128x128xf32, #tpu.memory_space<vmem>> -> memref<128x128xf32, #tpu.memory_space<vmem>>
      %dma_start3A_76 = arith.constant 0 : i32
      %dma_start3A_77 = tpu.memref_slice %arg16[%add3A_55, %dma_start3A_76] : memref<10112x128xf32, #tpu.memory_space<vmem_shared>> -> memref<128x128xf32, #tpu.memory_space<vmem_shared>>
      %dma_start3A_78 = arith.constant 0 : i32
      %dma_start3A_79 = arith.constant 0 : i32
      %dma_start3A_80 = tpu.memref_slice %arg13[%dma_start3A_78, %dma_start3A_79] : memref<128x128xf32, #tpu.memory_space<vmem>> -> memref<128x128xf32, #tpu.memory_space<vmem>>
      %dma_start3A_81 = arith.constant 0 : i32
      %dma_start3A_82 = tpu.memref_slice %arg16[%add3A_55, %dma_start3A_81] : memref<10112x128xf32, #tpu.memory_space<vmem_shared>> -> memref<128x128xf32, #tpu.memory_space<vmem_shared>>
      tpu.enqueue_dma source(%dma_start3A_82 : memref<128x128xf32, #tpu.memory_space<vmem_shared>>) target(%dma_start3A_80 : memref<128x128xf32, #tpu.memory_space<vmem>>) target_semaphore(%run_scoped3A : memref<!tpu.dma_semaphore, #tpu.memory_space<semaphore_mem>>)
      %dma_wait3A_83 = arith.constant 0 : i32
      %dma_wait3A_84 = arith.constant 0 : i32
      %dma_wait3A_85 = tpu.memref_slice %arg13[%dma_wait3A_83, %dma_wait3A_84] : memref<128x128xf32, #tpu.memory_space<vmem>> -> memref<128x128xf32, #tpu.memory_space<vmem>>
      %dma_wait3A_86 = arith.constant 0 : i32
      %dma_wait3A_87 = tpu.memref_slice %arg16[%add3A_55, %dma_wait3A_86] : memref<10112x128xf32, #tpu.memory_space<vmem_shared>> -> memref<128x128xf32, #tpu.memory_space<vmem_shared>>
      %dma_wait3A_88 = arith.constant 0 : i32
      %dma_wait3A_89 = arith.constant 0 : i32
      %dma_wait3A_90 = tpu.memref_slice %arg13[%dma_wait3A_88, %dma_wait3A_89] : memref<128x128xf32, #tpu.memory_space<vmem>> -> memref<128x128xf32, #tpu.memory_space<vmem>>
      %dma_wait3A_91 = arith.constant 0 : i32
      %dma_wait3A_92 = tpu.memref_slice %arg16[%add3A_55, %dma_wait3A_91] : memref<10112x128xf32, #tpu.memory_space<vmem_shared>> -> memref<128x128xf32, #tpu.memory_space<vmem_shared>>
      tpu.wait_dma2 semaphore(%run_scoped3A : memref<!tpu.dma_semaphore, #tpu.memory_space<semaphore_mem>>) src(%dma_wait3A_92 : memref<128x128xf32, #tpu.memory_space<vmem_shared>>) dst(%dma_wait3A_90 : memref<128x128xf32, #tpu.memory_space<vmem>>)
      tpu.yield
    }) : () -> ()
    %add3A_56 = arith.constant 0 : i32
    %add3A_57 = arith.addi %add3A_53, %add3A_56 : i32
    "tpu.region"() ({
      %run_scoped3A = tpu.sem_alloc : memref<!tpu.dma_semaphore, #tpu.memory_space<semaphore_mem>>
      %dma_start3A = arith.constant 0 : i32
      %dma_start3A_74 = arith.constant 0 : i32
      %dma_start3A_75 = tpu.memref_slice %arg13[%dma_start3A, %dma_start3A_74] : memref<128x128xf32, #tpu.memory_space<vmem>> -> memref<128x128xf32, #tpu.memory_space<vmem>>
      %dma_start3A_76 = arith.constant 0 : i32
      %dma_start3A_77 = tpu.memref_slice %arg6[%add3A_57, %dma_start3A_76] : memref<20224x128xf32, #tpu.memory_space<hbm>> -> memref<128x128xf32, #tpu.memory_space<hbm>>
      %dma_start3A_78 = arith.constant 0 : i32
      %dma_start3A_79 = tpu.memref_slice %arg6[%add3A_57, %dma_start3A_78] : memref<20224x128xf32, #tpu.memory_space<hbm>> -> memref<128x128xf32, #tpu.memory_space<hbm>>
      %dma_start3A_80 = arith.constant 0 : i32
      %dma_start3A_81 = arith.constant 0 : i32
      %dma_start3A_82 = tpu.memref_slice %arg13[%dma_start3A_80, %dma_start3A_81] : memref<128x128xf32, #tpu.memory_space<vmem>> -> memref<128x128xf32, #tpu.memory_space<vmem>>
      tpu.enqueue_dma source(%dma_start3A_82 : memref<128x128xf32, #tpu.memory_space<vmem>>) target(%dma_start3A_79 : memref<128x128xf32, #tpu.memory_space<hbm>>) target_semaphore(%run_scoped3A : memref<!tpu.dma_semaphore, #tpu.memory_space<semaphore_mem>>)
      %dma_wait3A_83 = arith.constant 0 : i32
      %dma_wait3A_84 = arith.constant 0 : i32
      %dma_wait3A_85 = tpu.memref_slice %arg13[%dma_wait3A_83, %dma_wait3A_84] : memref<128x128xf32, #tpu.memory_space<vmem>> -> memref<128x128xf32, #tpu.memory_space<vmem>>
      %dma_wait3A_86 = arith.constant 0 : i32
      %dma_wait3A_87 = tpu.memref_slice %arg6[%add3A_57, %dma_wait3A_86] : memref<20224x128xf32, #tpu.memory_space<hbm>> -> memref<128x128xf32, #tpu.memory_space<hbm>>
      %dma_wait3A_88 = arith.constant 0 : i32
      %dma_wait3A_89 = tpu.memref_slice %arg6[%add3A_57, %dma_wait3A_88] : memref<20224x128xf32, #tpu.memory_space<hbm>> -> memref<128x128xf32, #tpu.memory_space<hbm>>
      %dma_wait3A_90 = arith.constant 0 : i32
      %dma_wait3A_91 = arith.constant 0 : i32
      %dma_wait3A_92 = tpu.memref_slice %arg13[%dma_wait3A_90, %dma_wait3A_91] : memref<128x128xf32, #tpu.memory_space<vmem>> -> memref<128x128xf32, #tpu.memory_space<vmem>>
      tpu.wait_dma2 semaphore(%run_scoped3A : memref<!tpu.dma_semaphore, #tpu.memory_space<semaphore_mem>>) src(%dma_wait3A_92 : memref<128x128xf32, #tpu.memory_space<vmem>>) dst(%dma_wait3A_89 : memref<128x128xf32, #tpu.memory_space<hbm>>)
      tpu.yield
    }) : () -> ()
    %add3A_58 = arith.constant 128 : i32
    %add3A_59 = arith.addi %mul3A_2, %add3A_58 : i32
    "tpu.region"() ({
      %run_scoped3A = tpu.sem_alloc : memref<!tpu.dma_semaphore, #tpu.memory_space<semaphore_mem>>
      %dma_start3A = arith.constant 0 : i32
      %dma_start3A_74 = arith.constant 0 : i32
      %dma_start3A_75 = tpu.memref_slice %arg13[%dma_start3A, %dma_start3A_74] : memref<128x128xf32, #tpu.memory_space<vmem>> -> memref<128x128xf32, #tpu.memory_space<vmem>>
      %dma_start3A_76 = arith.constant 0 : i32
      %dma_start3A_77 = tpu.memref_slice %arg16[%add3A_59, %dma_start3A_76] : memref<10112x128xf32, #tpu.memory_space<vmem_shared>> -> memref<128x128xf32, #tpu.memory_space<vmem_shared>>
      %dma_start3A_78 = arith.constant 0 : i32
      %dma_start3A_79 = arith.constant 0 : i32
      %dma_start3A_80 = tpu.memref_slice %arg13[%dma_start3A_78, %dma_start3A_79] : memref<128x128xf32, #tpu.memory_space<vmem>> -> memref<128x128xf32, #tpu.memory_space<vmem>>
      %dma_start3A_81 = arith.constant 0 : i32
      %dma_start3A_82 = tpu.memref_slice %arg16[%add3A_59, %dma_start3A_81] : memref<10112x128xf32, #tpu.memory_space<vmem_shared>> -> memref<128x128xf32, #tpu.memory_space<vmem_shared>>
      tpu.enqueue_dma source(%dma_start3A_82 : memref<128x128xf32, #tpu.memory_space<vmem_shared>>) target(%dma_start3A_80 : memref<128x128xf32, #tpu.memory_space<vmem>>) target_semaphore(%run_scoped3A : memref<!tpu.dma_semaphore, #tpu.memory_space<semaphore_mem>>)
      %dma_wait3A_83 = arith.constant 0 : i32
      %dma_wait3A_84 = arith.constant 0 : i32
      %dma_wait3A_85 = tpu.memref_slice %arg13[%dma_wait3A_83, %dma_wait3A_84] : memref<128x128xf32, #tpu.memory_space<vmem>> -> memref<128x128xf32, #tpu.memory_space<vmem>>
      %dma_wait3A_86 = arith.constant 0 : i32
      %dma_wait3A_87 = tpu.memref_slice %arg16[%add3A_59, %dma_wait3A_86] : memref<10112x128xf32, #tpu.memory_space<vmem_shared>> -> memref<128x128xf32, #tpu.memory_space<vmem_shared>>
      %dma_wait3A_88 = arith.constant 0 : i32
      %dma_wait3A_89 = arith.constant 0 : i32
      %dma_wait3A_90 = tpu.memref_slice %arg13[%dma_wait3A_88, %dma_wait3A_89] : memref<128x128xf32, #tpu.memory_space<vmem>> -> memref<128x128xf32, #tpu.memory_space<vmem>>
      %dma_wait3A_91 = arith.constant 0 : i32
      %dma_wait3A_92 = tpu.memref_slice %arg16[%add3A_59, %dma_wait3A_91] : memref<10112x128xf32, #tpu.memory_space<vmem_shared>> -> memref<128x128xf32, #tpu.memory_space<vmem_shared>>
      tpu.wait_dma2 semaphore(%run_scoped3A : memref<!tpu.dma_semaphore, #tpu.memory_space<semaphore_mem>>) src(%dma_wait3A_92 : memref<128x128xf32, #tpu.memory_space<vmem_shared>>) dst(%dma_wait3A_90 : memref<128x128xf32, #tpu.memory_space<vmem>>)
      tpu.yield
    }) : () -> ()
    %add3A_60 = arith.constant 128 : i32
    %add3A_61 = arith.addi %add3A_53, %add3A_60 : i32
    "tpu.region"() ({
      %run_scoped3A = tpu.sem_alloc : memref<!tpu.dma_semaphore, #tpu.memory_space<semaphore_mem>>
      %dma_start3A = arith.constant 0 : i32
      %dma_start3A_74 = arith.constant 0 : i32
      %dma_start3A_75 = tpu.memref_slice %arg13[%dma_start3A, %dma_start3A_74] : memref<128x128xf32, #tpu.memory_space<vmem>> -> memref<128x128xf32, #tpu.memory_space<vmem>>
      %dma_start3A_76 = arith.constant 0 : i32
      %dma_start3A_77 = tpu.memref_slice %arg6[%add3A_61, %dma_start3A_76] : memref<20224x128xf32, #tpu.memory_space<hbm>> -> memref<128x128xf32, #tpu.memory_space<hbm>>
      %dma_start3A_78 = arith.constant 0 : i32
      %dma_start3A_79 = tpu.memref_slice %arg6[%add3A_61, %dma_start3A_78] : memref<20224x128xf32, #tpu.memory_space<hbm>> -> memref<128x128xf32, #tpu.memory_space<hbm>>
      %dma_start3A_80 = arith.constant 0 : i32
      %dma_start3A_81 = arith.constant 0 : i32
      %dma_start3A_82 = tpu.memref_slice %arg13[%dma_start3A_80, %dma_start3A_81] : memref<128x128xf32, #tpu.memory_space<vmem>> -> memref<128x128xf32, #tpu.memory_space<vmem>>
      tpu.enqueue_dma source(%dma_start3A_82 : memref<128x128xf32, #tpu.memory_space<vmem>>) target(%dma_start3A_79 : memref<128x128xf32, #tpu.memory_space<hbm>>) target_semaphore(%run_scoped3A : memref<!tpu.dma_semaphore, #tpu.memory_space<semaphore_mem>>)
      %dma_wait3A_83 = arith.constant 0 : i32
      %dma_wait3A_84 = arith.constant 0 : i32
      %dma_wait3A_85 = tpu.memref_slice %arg13[%dma_wait3A_83, %dma_wait3A_84] : memref<128x128xf32, #tpu.memory_space<vmem>> -> memref<128x128xf32, #tpu.memory_space<vmem>>
      %dma_wait3A_86 = arith.constant 0 : i32
      %dma_wait3A_87 = tpu.memref_slice %arg6[%add3A_61, %dma_wait3A_86] : memref<20224x128xf32, #tpu.memory_space<hbm>> -> memref<128x128xf32, #tpu.memory_space<hbm>>
      %dma_wait3A_88 = arith.constant 0 : i32
      %dma_wait3A_89 = tpu.memref_slice %arg6[%add3A_61, %dma_wait3A_88] : memref<20224x128xf32, #tpu.memory_space<hbm>> -> memref<128x128xf32, #tpu.memory_space<hbm>>
      %dma_wait3A_90 = arith.constant 0 : i32
      %dma_wait3A_91 = arith.constant 0 : i32
      %dma_wait3A_92 = tpu.memref_slice %arg13[%dma_wait3A_90, %dma_wait3A_91] : memref<128x128xf32, #tpu.memory_space<vmem>> -> memref<128x128xf32, #tpu.memory_space<vmem>>
      tpu.wait_dma2 semaphore(%run_scoped3A : memref<!tpu.dma_semaphore, #tpu.memory_space<semaphore_mem>>) src(%dma_wait3A_92 : memref<128x128xf32, #tpu.memory_space<vmem>>) dst(%dma_wait3A_89 : memref<128x128xf32, #tpu.memory_space<hbm>>)
      tpu.yield
    }) : () -> ()
    %add3A_62 = arith.constant 256 : i32
    %add3A_63 = arith.addi %mul3A_2, %add3A_62 : i32
    "tpu.region"() ({
      %run_scoped3A = tpu.sem_alloc : memref<!tpu.dma_semaphore, #tpu.memory_space<semaphore_mem>>
      %dma_start3A = arith.constant 0 : i32
      %dma_start3A_74 = arith.constant 0 : i32
      %dma_start3A_75 = tpu.memref_slice %arg13[%dma_start3A, %dma_start3A_74] : memref<128x128xf32, #tpu.memory_space<vmem>> -> memref<128x128xf32, #tpu.memory_space<vmem>>
      %dma_start3A_76 = arith.constant 0 : i32
      %dma_start3A_77 = tpu.memref_slice %arg16[%add3A_63, %dma_start3A_76] : memref<10112x128xf32, #tpu.memory_space<vmem_shared>> -> memref<128x128xf32, #tpu.memory_space<vmem_shared>>
      %dma_start3A_78 = arith.constant 0 : i32
      %dma_start3A_79 = arith.constant 0 : i32
      %dma_start3A_80 = tpu.memref_slice %arg13[%dma_start3A_78, %dma_start3A_79] : memref<128x128xf32, #tpu.memory_space<vmem>> -> memref<128x128xf32, #tpu.memory_space<vmem>>
      %dma_start3A_81 = arith.constant 0 : i32
      %dma_start3A_82 = tpu.memref_slice %arg16[%add3A_63, %dma_start3A_81] : memref<10112x128xf32, #tpu.memory_space<vmem_shared>> -> memref<128x128xf32, #tpu.memory_space<vmem_shared>>
      tpu.enqueue_dma source(%dma_start3A_82 : memref<128x128xf32, #tpu.memory_space<vmem_shared>>) target(%dma_start3A_80 : memref<128x128xf32, #tpu.memory_space<vmem>>) target_semaphore(%run_scoped3A : memref<!tpu.dma_semaphore, #tpu.memory_space<semaphore_mem>>)
      %dma_wait3A_83 = arith.constant 0 : i32
      %dma_wait3A_84 = arith.constant 0 : i32
      %dma_wait3A_85 = tpu.memref_slice %arg13[%dma_wait3A_83, %dma_wait3A_84] : memref<128x128xf32, #tpu.memory_space<vmem>> -> memref<128x128xf32, #tpu.memory_space<vmem>>
      %dma_wait3A_86 = arith.constant 0 : i32
      %dma_wait3A_87 = tpu.memref_slice %arg16[%add3A_63, %dma_wait3A_86] : memref<10112x128xf32, #tpu.memory_space<vmem_shared>> -> memref<128x128xf32, #tpu.memory_space<vmem_shared>>
      %dma_wait3A_88 = arith.constant 0 : i32
      %dma_wait3A_89 = arith.constant 0 : i32
      %dma_wait3A_90 = tpu.memref_slice %arg13[%dma_wait3A_88, %dma_wait3A_89] : memref<128x128xf32, #tpu.memory_space<vmem>> -> memref<128x128xf32, #tpu.memory_space<vmem>>
      %dma_wait3A_91 = arith.constant 0 : i32
      %dma_wait3A_92 = tpu.memref_slice %arg16[%add3A_63, %dma_wait3A_91] : memref<10112x128xf32, #tpu.memory_space<vmem_shared>> -> memref<128x128xf32, #tpu.memory_space<vmem_shared>>
      tpu.wait_dma2 semaphore(%run_scoped3A : memref<!tpu.dma_semaphore, #tpu.memory_space<semaphore_mem>>) src(%dma_wait3A_92 : memref<128x128xf32, #tpu.memory_space<vmem_shared>>) dst(%dma_wait3A_90 : memref<128x128xf32, #tpu.memory_space<vmem>>)
      tpu.yield
    }) : () -> ()
    %add3A_64 = arith.constant 256 : i32
    %add3A_65 = arith.addi %add3A_53, %add3A_64 : i32
    "tpu.region"() ({
      %run_scoped3A = tpu.sem_alloc : memref<!tpu.dma_semaphore, #tpu.memory_space<semaphore_mem>>
      %dma_start3A = arith.constant 0 : i32
      %dma_start3A_74 = arith.constant 0 : i32
      %dma_start3A_75 = tpu.memref_slice %arg13[%dma_start3A, %dma_start3A_74] : memref<128x128xf32, #tpu.memory_space<vmem>> -> memref<128x128xf32, #tpu.memory_space<vmem>>
      %dma_start3A_76 = arith.constant 0 : i32
      %dma_start3A_77 = tpu.memref_slice %arg6[%add3A_65, %dma_start3A_76] : memref<20224x128xf32, #tpu.memory_space<hbm>> -> memref<128x128xf32, #tpu.memory_space<hbm>>
      %dma_start3A_78 = arith.constant 0 : i32
      %dma_start3A_79 = tpu.memref_slice %arg6[%add3A_65, %dma_start3A_78] : memref<20224x128xf32, #tpu.memory_space<hbm>> -> memref<128x128xf32, #tpu.memory_space<hbm>>
      %dma_start3A_80 = arith.constant 0 : i32
      %dma_start3A_81 = arith.constant 0 : i32
      %dma_start3A_82 = tpu.memref_slice %arg13[%dma_start3A_80, %dma_start3A_81] : memref<128x128xf32, #tpu.memory_space<vmem>> -> memref<128x128xf32, #tpu.memory_space<vmem>>
      tpu.enqueue_dma source(%dma_start3A_82 : memref<128x128xf32, #tpu.memory_space<vmem>>) target(%dma_start3A_79 : memref<128x128xf32, #tpu.memory_space<hbm>>) target_semaphore(%run_scoped3A : memref<!tpu.dma_semaphore, #tpu.memory_space<semaphore_mem>>)
      %dma_wait3A_83 = arith.constant 0 : i32
      %dma_wait3A_84 = arith.constant 0 : i32
      %dma_wait3A_85 = tpu.memref_slice %arg13[%dma_wait3A_83, %dma_wait3A_84] : memref<128x128xf32, #tpu.memory_space<vmem>> -> memref<128x128xf32, #tpu.memory_space<vmem>>
      %dma_wait3A_86 = arith.constant 0 : i32
      %dma_wait3A_87 = tpu.memref_slice %arg6[%add3A_65, %dma_wait3A_86] : memref<20224x128xf32, #tpu.memory_space<hbm>> -> memref<128x128xf32, #tpu.memory_space<hbm>>
      %dma_wait3A_88 = arith.constant 0 : i32
      %dma_wait3A_89 = tpu.memref_slice %arg6[%add3A_65, %dma_wait3A_88] : memref<20224x128xf32, #tpu.memory_space<hbm>> -> memref<128x128xf32, #tpu.memory_space<hbm>>
      %dma_wait3A_90 = arith.constant 0 : i32
      %dma_wait3A_91 = arith.constant 0 : i32
      %dma_wait3A_92 = tpu.memref_slice %arg13[%dma_wait3A_90, %dma_wait3A_91] : memref<128x128xf32, #tpu.memory_space<vmem>> -> memref<128x128xf32, #tpu.memory_space<vmem>>
      tpu.wait_dma2 semaphore(%run_scoped3A : memref<!tpu.dma_semaphore, #tpu.memory_space<semaphore_mem>>) src(%dma_wait3A_92 : memref<128x128xf32, #tpu.memory_space<vmem>>) dst(%dma_wait3A_89 : memref<128x128xf32, #tpu.memory_space<hbm>>)
      tpu.yield
    }) : () -> ()
    %add3A_66 = arith.constant 384 : i32
    %add3A_67 = arith.addi %mul3A_2, %add3A_66 : i32
    "tpu.region"() ({
      %run_scoped3A = tpu.sem_alloc : memref<!tpu.dma_semaphore, #tpu.memory_space<semaphore_mem>>
      %dma_start3A = arith.constant 0 : i32
      %dma_start3A_74 = arith.constant 0 : i32
      %dma_start3A_75 = tpu.memref_slice %arg13[%dma_start3A, %dma_start3A_74] : memref<128x128xf32, #tpu.memory_space<vmem>> -> memref<128x128xf32, #tpu.memory_space<vmem>>
      %dma_start3A_76 = arith.constant 0 : i32
      %dma_start3A_77 = tpu.memref_slice %arg16[%add3A_67, %dma_start3A_76] : memref<10112x128xf32, #tpu.memory_space<vmem_shared>> -> memref<128x128xf32, #tpu.memory_space<vmem_shared>>
      %dma_start3A_78 = arith.constant 0 : i32
      %dma_start3A_79 = arith.constant 0 : i32
      %dma_start3A_80 = tpu.memref_slice %arg13[%dma_start3A_78, %dma_start3A_79] : memref<128x128xf32, #tpu.memory_space<vmem>> -> memref<128x128xf32, #tpu.memory_space<vmem>>
      %dma_start3A_81 = arith.constant 0 : i32
      %dma_start3A_82 = tpu.memref_slice %arg16[%add3A_67, %dma_start3A_81] : memref<10112x128xf32, #tpu.memory_space<vmem_shared>> -> memref<128x128xf32, #tpu.memory_space<vmem_shared>>
      tpu.enqueue_dma source(%dma_start3A_82 : memref<128x128xf32, #tpu.memory_space<vmem_shared>>) target(%dma_start3A_80 : memref<128x128xf32, #tpu.memory_space<vmem>>) target_semaphore(%run_scoped3A : memref<!tpu.dma_semaphore, #tpu.memory_space<semaphore_mem>>)
      %dma_wait3A_83 = arith.constant 0 : i32
      %dma_wait3A_84 = arith.constant 0 : i32
      %dma_wait3A_85 = tpu.memref_slice %arg13[%dma_wait3A_83, %dma_wait3A_84] : memref<128x128xf32, #tpu.memory_space<vmem>> -> memref<128x128xf32, #tpu.memory_space<vmem>>
      %dma_wait3A_86 = arith.constant 0 : i32
      %dma_wait3A_87 = tpu.memref_slice %arg16[%add3A_67, %dma_wait3A_86] : memref<10112x128xf32, #tpu.memory_space<vmem_shared>> -> memref<128x128xf32, #tpu.memory_space<vmem_shared>>
      %dma_wait3A_88 = arith.constant 0 : i32
      %dma_wait3A_89 = arith.constant 0 : i32
      %dma_wait3A_90 = tpu.memref_slice %arg13[%dma_wait3A_88, %dma_wait3A_89] : memref<128x128xf32, #tpu.memory_space<vmem>> -> memref<128x128xf32, #tpu.memory_space<vmem>>
      %dma_wait3A_91 = arith.constant 0 : i32
      %dma_wait3A_92 = tpu.memref_slice %arg16[%add3A_67, %dma_wait3A_91] : memref<10112x128xf32, #tpu.memory_space<vmem_shared>> -> memref<128x128xf32, #tpu.memory_space<vmem_shared>>
      tpu.wait_dma2 semaphore(%run_scoped3A : memref<!tpu.dma_semaphore, #tpu.memory_space<semaphore_mem>>) src(%dma_wait3A_92 : memref<128x128xf32, #tpu.memory_space<vmem_shared>>) dst(%dma_wait3A_90 : memref<128x128xf32, #tpu.memory_space<vmem>>)
      tpu.yield
    }) : () -> ()
    %add3A_68 = arith.constant 384 : i32
    %add3A_69 = arith.addi %add3A_53, %add3A_68 : i32
    "tpu.region"() ({
      %run_scoped3A = tpu.sem_alloc : memref<!tpu.dma_semaphore, #tpu.memory_space<semaphore_mem>>
      %dma_start3A = arith.constant 0 : i32
      %dma_start3A_74 = arith.constant 0 : i32
      %dma_start3A_75 = tpu.memref_slice %arg13[%dma_start3A, %dma_start3A_74] : memref<128x128xf32, #tpu.memory_space<vmem>> -> memref<128x128xf32, #tpu.memory_space<vmem>>
      %dma_start3A_76 = arith.constant 0 : i32
      %dma_start3A_77 = tpu.memref_slice %arg6[%add3A_69, %dma_start3A_76] : memref<20224x128xf32, #tpu.memory_space<hbm>> -> memref<128x128xf32, #tpu.memory_space<hbm>>
      %dma_start3A_78 = arith.constant 0 : i32
      %dma_start3A_79 = tpu.memref_slice %arg6[%add3A_69, %dma_start3A_78] : memref<20224x128xf32, #tpu.memory_space<hbm>> -> memref<128x128xf32, #tpu.memory_space<hbm>>
      %dma_start3A_80 = arith.constant 0 : i32
      %dma_start3A_81 = arith.constant 0 : i32
      %dma_start3A_82 = tpu.memref_slice %arg13[%dma_start3A_80, %dma_start3A_81] : memref<128x128xf32, #tpu.memory_space<vmem>> -> memref<128x128xf32, #tpu.memory_space<vmem>>
      tpu.enqueue_dma source(%dma_start3A_82 : memref<128x128xf32, #tpu.memory_space<vmem>>) target(%dma_start3A_79 : memref<128x128xf32, #tpu.memory_space<hbm>>) target_semaphore(%run_scoped3A : memref<!tpu.dma_semaphore, #tpu.memory_space<semaphore_mem>>)
      %dma_wait3A_83 = arith.constant 0 : i32
      %dma_wait3A_84 = arith.constant 0 : i32
      %dma_wait3A_85 = tpu.memref_slice %arg13[%dma_wait3A_83, %dma_wait3A_84] : memref<128x128xf32, #tpu.memory_space<vmem>> -> memref<128x128xf32, #tpu.memory_space<vmem>>
      %dma_wait3A_86 = arith.constant 0 : i32
      %dma_wait3A_87 = tpu.memref_slice %arg6[%add3A_69, %dma_wait3A_86] : memref<20224x128xf32, #tpu.memory_space<hbm>> -> memref<128x128xf32, #tpu.memory_space<hbm>>
      %dma_wait3A_88 = arith.constant 0 : i32
      %dma_wait3A_89 = tpu.memref_slice %arg6[%add3A_69, %dma_wait3A_88] : memref<20224x128xf32, #tpu.memory_space<hbm>> -> memref<128x128xf32, #tpu.memory_space<hbm>>
      %dma_wait3A_90 = arith.constant 0 : i32
      %dma_wait3A_91 = arith.constant 0 : i32
      %dma_wait3A_92 = tpu.memref_slice %arg13[%dma_wait3A_90, %dma_wait3A_91] : memref<128x128xf32, #tpu.memory_space<vmem>> -> memref<128x128xf32, #tpu.memory_space<vmem>>
      tpu.wait_dma2 semaphore(%run_scoped3A : memref<!tpu.dma_semaphore, #tpu.memory_space<semaphore_mem>>) src(%dma_wait3A_92 : memref<128x128xf32, #tpu.memory_space<vmem>>) dst(%dma_wait3A_89 : memref<128x128xf32, #tpu.memory_space<hbm>>)
      tpu.yield
    }) : () -> ()
    %add3A_70 = arith.constant 512 : i32
    %add3A_71 = arith.addi %mul3A_2, %add3A_70 : i32
    "tpu.region"() ({
      %run_scoped3A = tpu.sem_alloc : memref<!tpu.dma_semaphore, #tpu.memory_space<semaphore_mem>>
      %dma_start3A = arith.constant 0 : i32
      %dma_start3A_74 = arith.constant 0 : i32
      %dma_start3A_75 = tpu.memref_slice %arg13[%dma_start3A, %dma_start3A_74] : memref<128x128xf32, #tpu.memory_space<vmem>> -> memref<120x128xf32, #tpu.memory_space<vmem>>
      %dma_start3A_76 = arith.constant 0 : i32
      %dma_start3A_77 = tpu.memref_slice %arg16[%add3A_71, %dma_start3A_76] : memref<10112x128xf32, #tpu.memory_space<vmem_shared>> -> memref<120x128xf32, #tpu.memory_space<vmem_shared>>
      %dma_start3A_78 = arith.constant 0 : i32
      %dma_start3A_79 = arith.constant 0 : i32
      %dma_start3A_80 = tpu.memref_slice %arg13[%dma_start3A_78, %dma_start3A_79] : memref<128x128xf32, #tpu.memory_space<vmem>> -> memref<120x128xf32, #tpu.memory_space<vmem>>
      %dma_start3A_81 = arith.constant 0 : i32
      %dma_start3A_82 = tpu.memref_slice %arg16[%add3A_71, %dma_start3A_81] : memref<10112x128xf32, #tpu.memory_space<vmem_shared>> -> memref<120x128xf32, #tpu.memory_space<vmem_shared>>
      tpu.enqueue_dma source(%dma_start3A_82 : memref<120x128xf32, #tpu.memory_space<vmem_shared>>) target(%dma_start3A_80 : memref<120x128xf32, #tpu.memory_space<vmem>>) target_semaphore(%run_scoped3A : memref<!tpu.dma_semaphore, #tpu.memory_space<semaphore_mem>>)
      %dma_wait3A_83 = arith.constant 0 : i32
      %dma_wait3A_84 = arith.constant 0 : i32
      %dma_wait3A_85 = tpu.memref_slice %arg13[%dma_wait3A_83, %dma_wait3A_84] : memref<128x128xf32, #tpu.memory_space<vmem>> -> memref<120x128xf32, #tpu.memory_space<vmem>>
      %dma_wait3A_86 = arith.constant 0 : i32
      %dma_wait3A_87 = tpu.memref_slice %arg16[%add3A_71, %dma_wait3A_86] : memref<10112x128xf32, #tpu.memory_space<vmem_shared>> -> memref<120x128xf32, #tpu.memory_space<vmem_shared>>
      %dma_wait3A_88 = arith.constant 0 : i32
      %dma_wait3A_89 = arith.constant 0 : i32
      %dma_wait3A_90 = tpu.memref_slice %arg13[%dma_wait3A_88, %dma_wait3A_89] : memref<128x128xf32, #tpu.memory_space<vmem>> -> memref<120x128xf32, #tpu.memory_space<vmem>>
      %dma_wait3A_91 = arith.constant 0 : i32
      %dma_wait3A_92 = tpu.memref_slice %arg16[%add3A_71, %dma_wait3A_91] : memref<10112x128xf32, #tpu.memory_space<vmem_shared>> -> memref<120x128xf32, #tpu.memory_space<vmem_shared>>
      tpu.wait_dma2 semaphore(%run_scoped3A : memref<!tpu.dma_semaphore, #tpu.memory_space<semaphore_mem>>) src(%dma_wait3A_92 : memref<120x128xf32, #tpu.memory_space<vmem_shared>>) dst(%dma_wait3A_90 : memref<120x128xf32, #tpu.memory_space<vmem>>)
      tpu.yield
    }) : () -> ()
    %add3A_72 = arith.constant 512 : i32
    %add3A_73 = arith.addi %add3A_53, %add3A_72 : i32
    "tpu.region"() ({
      %run_scoped3A = tpu.sem_alloc : memref<!tpu.dma_semaphore, #tpu.memory_space<semaphore_mem>>
      %dma_start3A = arith.constant 0 : i32
      %dma_start3A_74 = arith.constant 0 : i32
      %dma_start3A_75 = tpu.memref_slice %arg13[%dma_start3A, %dma_start3A_74] : memref<128x128xf32, #tpu.memory_space<vmem>> -> memref<120x128xf32, #tpu.memory_space<vmem>>
      %dma_start3A_76 = arith.constant 0 : i32
      %dma_start3A_77 = tpu.memref_slice %arg6[%add3A_73, %dma_start3A_76] : memref<20224x128xf32, #tpu.memory_space<hbm>> -> memref<120x128xf32, #tpu.memory_space<hbm>>
      %dma_start3A_78 = arith.constant 0 : i32
      %dma_start3A_79 = tpu.memref_slice %arg6[%add3A_73, %dma_start3A_78] : memref<20224x128xf32, #tpu.memory_space<hbm>> -> memref<120x128xf32, #tpu.memory_space<hbm>>
      %dma_start3A_80 = arith.constant 0 : i32
      %dma_start3A_81 = arith.constant 0 : i32
      %dma_start3A_82 = tpu.memref_slice %arg13[%dma_start3A_80, %dma_start3A_81] : memref<128x128xf32, #tpu.memory_space<vmem>> -> memref<120x128xf32, #tpu.memory_space<vmem>>
      tpu.enqueue_dma source(%dma_start3A_82 : memref<120x128xf32, #tpu.memory_space<vmem>>) target(%dma_start3A_79 : memref<120x128xf32, #tpu.memory_space<hbm>>) target_semaphore(%run_scoped3A : memref<!tpu.dma_semaphore, #tpu.memory_space<semaphore_mem>>)
      %dma_wait3A_83 = arith.constant 0 : i32
      %dma_wait3A_84 = arith.constant 0 : i32
      %dma_wait3A_85 = tpu.memref_slice %arg13[%dma_wait3A_83, %dma_wait3A_84] : memref<128x128xf32, #tpu.memory_space<vmem>> -> memref<120x128xf32, #tpu.memory_space<vmem>>
      %dma_wait3A_86 = arith.constant 0 : i32
      %dma_wait3A_87 = tpu.memref_slice %arg6[%add3A_73, %dma_wait3A_86] : memref<20224x128xf32, #tpu.memory_space<hbm>> -> memref<120x128xf32, #tpu.memory_space<hbm>>
      %dma_wait3A_88 = arith.constant 0 : i32
      %dma_wait3A_89 = tpu.memref_slice %arg6[%add3A_73, %dma_wait3A_88] : memref<20224x128xf32, #tpu.memory_space<hbm>> -> memref<120x128xf32, #tpu.memory_space<hbm>>
      %dma_wait3A_90 = arith.constant 0 : i32
      %dma_wait3A_91 = arith.constant 0 : i32
      %dma_wait3A_92 = tpu.memref_slice %arg13[%dma_wait3A_90, %dma_wait3A_91] : memref<128x128xf32, #tpu.memory_space<vmem>> -> memref<120x128xf32, #tpu.memory_space<vmem>>
      tpu.wait_dma2 semaphore(%run_scoped3A : memref<!tpu.dma_semaphore, #tpu.memory_space<semaphore_mem>>) src(%dma_wait3A_92 : memref<120x128xf32, #tpu.memory_space<vmem>>) dst(%dma_wait3A_89 : memref<120x128xf32, #tpu.memory_space<hbm>>)
      tpu.yield
    }) : () -> ()
    return
  }
}

#map = affine_map<(d0, d1) -> (0, 0)>
#map1 = affine_map<(d0, d1) -> (0)>
module attributes {stable_mosaic.version = 14 : i64} {
  func.func @body(%arg0: i32, %arg1: i32, %arg2: memref<128x128xf32, #tpu.memory_space<hbm>>, %arg3: memref<331776xi32, #tpu.memory_space<hbm>>, %arg4: memref<331776xi32, #tpu.memory_space<hbm>>, %arg5: memref<10112x128xf32, #tpu.memory_space<hbm>>, %arg6: memref<20224x128xf32, #tpu.memory_space<hbm>>, %arg7: memref<128xi32, #tpu.memory_space<vmem>>, %arg8: memref<128xi32, #tpu.memory_space<vmem>>, %arg9: memref<128xi32, #tpu.memory_space<vmem>>, %arg10: memref<128xi32, #tpu.memory_space<vmem>>, %arg11: memref<128xi32, #tpu.memory_space<vmem>>, %arg12: memref<128xi32, #tpu.memory_space<vmem>>, %arg13: memref<128x128xf32, #tpu.memory_space<vmem>>, %arg14: memref<10112x128xf32, #tpu.memory_space<vmem_shared>>, %arg15: memref<!tpu.dma_semaphore, #tpu.memory_space<semaphore_mem>>, %arg16: memref<!tpu.dma_semaphore, #tpu.memory_space<semaphore_mem>>, %arg17: memref<!tpu.dma_semaphore, #tpu.memory_space<semaphore_mem>>, %arg18: memref<!tpu.dma_semaphore, #tpu.memory_space<semaphore_mem>>, %arg19: memref<!tpu.dma_semaphore, #tpu.memory_space<semaphore_mem>>, %arg20: memref<!tpu.dma_semaphore, #tpu.memory_space<semaphore_mem>>, %arg21: memref<!tpu.dma_semaphore, #tpu.memory_space<semaphore_mem>>) attributes {dimension_semantics = [#tpu.dimension_semantics<core_parallel>, #tpu.dimension_semantics<subcore_parallel>], iteration_bounds = array<i64: 2, 16>, scalar_prefetch = 0 : i64, scratch_operands = 15 : i64, tpu.core_type = #tpu.core_type<sc_vector_subcore>, window_params = [{transform_indices = #map}, {transform_indices = #map1}, {transform_indices = #map1}, {transform_indices = #map}, {transform_indices = #map}]} {
    %mul3A = arith.constant 2 : i32
    %mul3A_0 = arith.muli %arg1, %mul3A : i32
    %add3A = arith.addi %mul3A_0, %arg0 : i32
    %mul3A_1 = arith.constant 632 : i32
    %mul3A_2 = arith.muli %arg1, %mul3A_1 : i32
    %add3A_3 = arith.constant 0 : i32
    %add3A_4 = arith.addi %mul3A_2, %add3A_3 : i32
    "tpu.region"() ({
      %run_scoped3A = tpu.sem_alloc : memref<!tpu.dma_semaphore, #tpu.memory_space<semaphore_mem>>
      %dma_start3A = arith.constant 0 : i32
      %dma_start3A_74 = arith.constant 0 : i32
      %dma_start3A_75 = tpu.memref_slice %arg13[%dma_start3A, %dma_start3A_74] : memref<128x128xf32, #tpu.memory_space<vmem>> -> memref<128x128xf32, #tpu.memory_space<vmem>>
      %dma_start3A_76 = arith.constant 0 : i32
      %dma_start3A_77 = tpu.memref_slice %arg5[%add3A_4, %dma_start3A_76] : memref<10112x128xf32, #tpu.memory_space<hbm>> -> memref<128x128xf32, #tpu.memory_space<hbm>>
      %dma_start3A_78 = arith.constant 0 : i32
      %dma_start3A_79 = arith.constant 0 : i32
      %dma_start3A_80 = tpu.memref_slice %arg13[%dma_start3A_78, %dma_start3A_79] : memref<128x128xf32, #tpu.memory_space<vmem>> -> memref<128x128xf32, #tpu.memory_space<vmem>>
      %dma_start3A_81 = arith.constant 0 : i32
      %dma_start3A_82 = tpu.memref_slice %arg5[%add3A_4, %dma_start3A_81] : memref<10112x128xf32, #tpu.memory_space<hbm>> -> memref<128x128xf32, #tpu.memory_space<hbm>>
      tpu.enqueue_dma source(%dma_start3A_82 : memref<128x128xf32, #tpu.memory_space<hbm>>) target(%dma_start3A_80 : memref<128x128xf32, #tpu.memory_space<vmem>>) target_semaphore(%run_scoped3A : memref<!tpu.dma_semaphore, #tpu.memory_space<semaphore_mem>>)
      %dma_wait3A_83 = arith.constant 0 : i32
      %dma_wait3A_84 = arith.constant 0 : i32
      %dma_wait3A_85 = tpu.memref_slice %arg13[%dma_wait3A_83, %dma_wait3A_84] : memref<128x128xf32, #tpu.memory_space<vmem>> -> memref<128x128xf32, #tpu.memory_space<vmem>>
      %dma_wait3A_86 = arith.constant 0 : i32
      %dma_wait3A_87 = tpu.memref_slice %arg5[%add3A_4, %dma_wait3A_86] : memref<10112x128xf32, #tpu.memory_space<hbm>> -> memref<128x128xf32, #tpu.memory_space<hbm>>
      %dma_wait3A_88 = arith.constant 0 : i32
      %dma_wait3A_89 = arith.constant 0 : i32
      %dma_wait3A_90 = tpu.memref_slice %arg13[%dma_wait3A_88, %dma_wait3A_89] : memref<128x128xf32, #tpu.memory_space<vmem>> -> memref<128x128xf32, #tpu.memory_space<vmem>>
      %dma_wait3A_91 = arith.constant 0 : i32
      %dma_wait3A_92 = tpu.memref_slice %arg5[%add3A_4, %dma_wait3A_91] : memref<10112x128xf32, #tpu.memory_space<hbm>> -> memref<128x128xf32, #tpu.memory_space<hbm>>
      tpu.wait_dma2 semaphore(%run_scoped3A : memref<!tpu.dma_semaphore, #tpu.memory_space<semaphore_mem>>) src(%dma_wait3A_92 : memref<128x128xf32, #tpu.memory_space<hbm>>) dst(%dma_wait3A_90 : memref<128x128xf32, #tpu.memory_space<vmem>>)
      tpu.yield
    }) : () -> ()
    %add3A_5 = arith.constant 0 : i32
    %add3A_6 = arith.addi %mul3A_2, %add3A_5 : i32
    "tpu.region"() ({
      %run_scoped3A = tpu.sem_alloc : memref<!tpu.dma_semaphore, #tpu.memory_space<semaphore_mem>>
      %dma_start3A = arith.constant 0 : i32
      %dma_start3A_74 = arith.constant 0 : i32
      %dma_start3A_75 = tpu.memref_slice %arg13[%dma_start3A, %dma_start3A_74] : memref<128x128xf32, #tpu.memory_space<vmem>> -> memref<128x128xf32, #tpu.memory_space<vmem>>
      %dma_start3A_76 = arith.constant 0 : i32
      %dma_start3A_77 = tpu.memref_slice %arg14[%add3A_6, %dma_start3A_76] : memref<10112x128xf32, #tpu.memory_space<vmem_shared>> -> memref<128x128xf32, #tpu.memory_space<vmem_shared>>
      %dma_start3A_78 = arith.constant 0 : i32
      %dma_start3A_79 = tpu.memref_slice %arg14[%add3A_6, %dma_start3A_78] : memref<10112x128xf32, #tpu.memory_space<vmem_shared>> -> memref<128x128xf32, #tpu.memory_space<vmem_shared>>
      %dma_start3A_80 = arith.constant 0 : i32
      %dma_start3A_81 = arith.constant 0 : i32
      %dma_start3A_82 = tpu.memref_slice %arg13[%dma_start3A_80, %dma_start3A_81] : memref<128x128xf32, #tpu.memory_space<vmem>> -> memref<128x128xf32, #tpu.memory_space<vmem>>
      tpu.enqueue_dma source(%dma_start3A_82 : memref<128x128xf32, #tpu.memory_space<vmem>>) target(%dma_start3A_79 : memref<128x128xf32, #tpu.memory_space<vmem_shared>>) target_semaphore(%run_scoped3A : memref<!tpu.dma_semaphore, #tpu.memory_space<semaphore_mem>>)
      %dma_wait3A_83 = arith.constant 0 : i32
      %dma_wait3A_84 = arith.constant 0 : i32
      %dma_wait3A_85 = tpu.memref_slice %arg13[%dma_wait3A_83, %dma_wait3A_84] : memref<128x128xf32, #tpu.memory_space<vmem>> -> memref<128x128xf32, #tpu.memory_space<vmem>>
      %dma_wait3A_86 = arith.constant 0 : i32
      %dma_wait3A_87 = tpu.memref_slice %arg14[%add3A_6, %dma_wait3A_86] : memref<10112x128xf32, #tpu.memory_space<vmem_shared>> -> memref<128x128xf32, #tpu.memory_space<vmem_shared>>
      %dma_wait3A_88 = arith.constant 0 : i32
      %dma_wait3A_89 = tpu.memref_slice %arg14[%add3A_6, %dma_wait3A_88] : memref<10112x128xf32, #tpu.memory_space<vmem_shared>> -> memref<128x128xf32, #tpu.memory_space<vmem_shared>>
      %dma_wait3A_90 = arith.constant 0 : i32
      %dma_wait3A_91 = arith.constant 0 : i32
      %dma_wait3A_92 = tpu.memref_slice %arg13[%dma_wait3A_90, %dma_wait3A_91] : memref<128x128xf32, #tpu.memory_space<vmem>> -> memref<128x128xf32, #tpu.memory_space<vmem>>
      tpu.wait_dma2 semaphore(%run_scoped3A : memref<!tpu.dma_semaphore, #tpu.memory_space<semaphore_mem>>) src(%dma_wait3A_92 : memref<128x128xf32, #tpu.memory_space<vmem>>) dst(%dma_wait3A_89 : memref<128x128xf32, #tpu.memory_space<vmem_shared>>)
      tpu.yield
    }) : () -> ()
    %add3A_7 = arith.constant 128 : i32
    %add3A_8 = arith.addi %mul3A_2, %add3A_7 : i32
    "tpu.region"() ({
      %run_scoped3A = tpu.sem_alloc : memref<!tpu.dma_semaphore, #tpu.memory_space<semaphore_mem>>
      %dma_start3A = arith.constant 0 : i32
      %dma_start3A_74 = arith.constant 0 : i32
      %dma_start3A_75 = tpu.memref_slice %arg13[%dma_start3A, %dma_start3A_74] : memref<128x128xf32, #tpu.memory_space<vmem>> -> memref<128x128xf32, #tpu.memory_space<vmem>>
      %dma_start3A_76 = arith.constant 0 : i32
      %dma_start3A_77 = tpu.memref_slice %arg5[%add3A_8, %dma_start3A_76] : memref<10112x128xf32, #tpu.memory_space<hbm>> -> memref<128x128xf32, #tpu.memory_space<hbm>>
      %dma_start3A_78 = arith.constant 0 : i32
      %dma_start3A_79 = arith.constant 0 : i32
      %dma_start3A_80 = tpu.memref_slice %arg13[%dma_start3A_78, %dma_start3A_79] : memref<128x128xf32, #tpu.memory_space<vmem>> -> memref<128x128xf32, #tpu.memory_space<vmem>>
      %dma_start3A_81 = arith.constant 0 : i32
      %dma_start3A_82 = tpu.memref_slice %arg5[%add3A_8, %dma_start3A_81] : memref<10112x128xf32, #tpu.memory_space<hbm>> -> memref<128x128xf32, #tpu.memory_space<hbm>>
      tpu.enqueue_dma source(%dma_start3A_82 : memref<128x128xf32, #tpu.memory_space<hbm>>) target(%dma_start3A_80 : memref<128x128xf32, #tpu.memory_space<vmem>>) target_semaphore(%run_scoped3A : memref<!tpu.dma_semaphore, #tpu.memory_space<semaphore_mem>>)
      %dma_wait3A_83 = arith.constant 0 : i32
      %dma_wait3A_84 = arith.constant 0 : i32
      %dma_wait3A_85 = tpu.memref_slice %arg13[%dma_wait3A_83, %dma_wait3A_84] : memref<128x128xf32, #tpu.memory_space<vmem>> -> memref<128x128xf32, #tpu.memory_space<vmem>>
      %dma_wait3A_86 = arith.constant 0 : i32
      %dma_wait3A_87 = tpu.memref_slice %arg5[%add3A_8, %dma_wait3A_86] : memref<10112x128xf32, #tpu.memory_space<hbm>> -> memref<128x128xf32, #tpu.memory_space<hbm>>
      %dma_wait3A_88 = arith.constant 0 : i32
      %dma_wait3A_89 = arith.constant 0 : i32
      %dma_wait3A_90 = tpu.memref_slice %arg13[%dma_wait3A_88, %dma_wait3A_89] : memref<128x128xf32, #tpu.memory_space<vmem>> -> memref<128x128xf32, #tpu.memory_space<vmem>>
      %dma_wait3A_91 = arith.constant 0 : i32
      %dma_wait3A_92 = tpu.memref_slice %arg5[%add3A_8, %dma_wait3A_91] : memref<10112x128xf32, #tpu.memory_space<hbm>> -> memref<128x128xf32, #tpu.memory_space<hbm>>
      tpu.wait_dma2 semaphore(%run_scoped3A : memref<!tpu.dma_semaphore, #tpu.memory_space<semaphore_mem>>) src(%dma_wait3A_92 : memref<128x128xf32, #tpu.memory_space<hbm>>) dst(%dma_wait3A_90 : memref<128x128xf32, #tpu.memory_space<vmem>>)
      tpu.yield
    }) : () -> ()
    %add3A_9 = arith.constant 128 : i32
    %add3A_10 = arith.addi %mul3A_2, %add3A_9 : i32
    "tpu.region"() ({
      %run_scoped3A = tpu.sem_alloc : memref<!tpu.dma_semaphore, #tpu.memory_space<semaphore_mem>>
      %dma_start3A = arith.constant 0 : i32
      %dma_start3A_74 = arith.constant 0 : i32
      %dma_start3A_75 = tpu.memref_slice %arg13[%dma_start3A, %dma_start3A_74] : memref<128x128xf32, #tpu.memory_space<vmem>> -> memref<128x128xf32, #tpu.memory_space<vmem>>
      %dma_start3A_76 = arith.constant 0 : i32
      %dma_start3A_77 = tpu.memref_slice %arg14[%add3A_10, %dma_start3A_76] : memref<10112x128xf32, #tpu.memory_space<vmem_shared>> -> memref<128x128xf32, #tpu.memory_space<vmem_shared>>
      %dma_start3A_78 = arith.constant 0 : i32
      %dma_start3A_79 = tpu.memref_slice %arg14[%add3A_10, %dma_start3A_78] : memref<10112x128xf32, #tpu.memory_space<vmem_shared>> -> memref<128x128xf32, #tpu.memory_space<vmem_shared>>
      %dma_start3A_80 = arith.constant 0 : i32
      %dma_start3A_81 = arith.constant 0 : i32
      %dma_start3A_82 = tpu.memref_slice %arg13[%dma_start3A_80, %dma_start3A_81] : memref<128x128xf32, #tpu.memory_space<vmem>> -> memref<128x128xf32, #tpu.memory_space<vmem>>
      tpu.enqueue_dma source(%dma_start3A_82 : memref<128x128xf32, #tpu.memory_space<vmem>>) target(%dma_start3A_79 : memref<128x128xf32, #tpu.memory_space<vmem_shared>>) target_semaphore(%run_scoped3A : memref<!tpu.dma_semaphore, #tpu.memory_space<semaphore_mem>>)
      %dma_wait3A_83 = arith.constant 0 : i32
      %dma_wait3A_84 = arith.constant 0 : i32
      %dma_wait3A_85 = tpu.memref_slice %arg13[%dma_wait3A_83, %dma_wait3A_84] : memref<128x128xf32, #tpu.memory_space<vmem>> -> memref<128x128xf32, #tpu.memory_space<vmem>>
      %dma_wait3A_86 = arith.constant 0 : i32
      %dma_wait3A_87 = tpu.memref_slice %arg14[%add3A_10, %dma_wait3A_86] : memref<10112x128xf32, #tpu.memory_space<vmem_shared>> -> memref<128x128xf32, #tpu.memory_space<vmem_shared>>
      %dma_wait3A_88 = arith.constant 0 : i32
      %dma_wait3A_89 = tpu.memref_slice %arg14[%add3A_10, %dma_wait3A_88] : memref<10112x128xf32, #tpu.memory_space<vmem_shared>> -> memref<128x128xf32, #tpu.memory_space<vmem_shared>>
      %dma_wait3A_90 = arith.constant 0 : i32
      %dma_wait3A_91 = arith.constant 0 : i32
      %dma_wait3A_92 = tpu.memref_slice %arg13[%dma_wait3A_90, %dma_wait3A_91] : memref<128x128xf32, #tpu.memory_space<vmem>> -> memref<128x128xf32, #tpu.memory_space<vmem>>
      tpu.wait_dma2 semaphore(%run_scoped3A : memref<!tpu.dma_semaphore, #tpu.memory_space<semaphore_mem>>) src(%dma_wait3A_92 : memref<128x128xf32, #tpu.memory_space<vmem>>) dst(%dma_wait3A_89 : memref<128x128xf32, #tpu.memory_space<vmem_shared>>)
      tpu.yield
    }) : () -> ()
    %add3A_11 = arith.constant 256 : i32
    %add3A_12 = arith.addi %mul3A_2, %add3A_11 : i32
    "tpu.region"() ({
      %run_scoped3A = tpu.sem_alloc : memref<!tpu.dma_semaphore, #tpu.memory_space<semaphore_mem>>
      %dma_start3A = arith.constant 0 : i32
      %dma_start3A_74 = arith.constant 0 : i32
      %dma_start3A_75 = tpu.memref_slice %arg13[%dma_start3A, %dma_start3A_74] : memref<128x128xf32, #tpu.memory_space<vmem>> -> memref<128x128xf32, #tpu.memory_space<vmem>>
      %dma_start3A_76 = arith.constant 0 : i32
      %dma_start3A_77 = tpu.memref_slice %arg5[%add3A_12, %dma_start3A_76] : memref<10112x128xf32, #tpu.memory_space<hbm>> -> memref<128x128xf32, #tpu.memory_space<hbm>>
      %dma_start3A_78 = arith.constant 0 : i32
      %dma_start3A_79 = arith.constant 0 : i32
      %dma_start3A_80 = tpu.memref_slice %arg13[%dma_start3A_78, %dma_start3A_79] : memref<128x128xf32, #tpu.memory_space<vmem>> -> memref<128x128xf32, #tpu.memory_space<vmem>>
      %dma_start3A_81 = arith.constant 0 : i32
      %dma_start3A_82 = tpu.memref_slice %arg5[%add3A_12, %dma_start3A_81] : memref<10112x128xf32, #tpu.memory_space<hbm>> -> memref<128x128xf32, #tpu.memory_space<hbm>>
      tpu.enqueue_dma source(%dma_start3A_82 : memref<128x128xf32, #tpu.memory_space<hbm>>) target(%dma_start3A_80 : memref<128x128xf32, #tpu.memory_space<vmem>>) target_semaphore(%run_scoped3A : memref<!tpu.dma_semaphore, #tpu.memory_space<semaphore_mem>>)
      %dma_wait3A_83 = arith.constant 0 : i32
      %dma_wait3A_84 = arith.constant 0 : i32
      %dma_wait3A_85 = tpu.memref_slice %arg13[%dma_wait3A_83, %dma_wait3A_84] : memref<128x128xf32, #tpu.memory_space<vmem>> -> memref<128x128xf32, #tpu.memory_space<vmem>>
      %dma_wait3A_86 = arith.constant 0 : i32
      %dma_wait3A_87 = tpu.memref_slice %arg5[%add3A_12, %dma_wait3A_86] : memref<10112x128xf32, #tpu.memory_space<hbm>> -> memref<128x128xf32, #tpu.memory_space<hbm>>
      %dma_wait3A_88 = arith.constant 0 : i32
      %dma_wait3A_89 = arith.constant 0 : i32
      %dma_wait3A_90 = tpu.memref_slice %arg13[%dma_wait3A_88, %dma_wait3A_89] : memref<128x128xf32, #tpu.memory_space<vmem>> -> memref<128x128xf32, #tpu.memory_space<vmem>>
      %dma_wait3A_91 = arith.constant 0 : i32
      %dma_wait3A_92 = tpu.memref_slice %arg5[%add3A_12, %dma_wait3A_91] : memref<10112x128xf32, #tpu.memory_space<hbm>> -> memref<128x128xf32, #tpu.memory_space<hbm>>
      tpu.wait_dma2 semaphore(%run_scoped3A : memref<!tpu.dma_semaphore, #tpu.memory_space<semaphore_mem>>) src(%dma_wait3A_92 : memref<128x128xf32, #tpu.memory_space<hbm>>) dst(%dma_wait3A_90 : memref<128x128xf32, #tpu.memory_space<vmem>>)
      tpu.yield
    }) : () -> ()
    %add3A_13 = arith.constant 256 : i32
    %add3A_14 = arith.addi %mul3A_2, %add3A_13 : i32
    "tpu.region"() ({
      %run_scoped3A = tpu.sem_alloc : memref<!tpu.dma_semaphore, #tpu.memory_space<semaphore_mem>>
      %dma_start3A = arith.constant 0 : i32
      %dma_start3A_74 = arith.constant 0 : i32
      %dma_start3A_75 = tpu.memref_slice %arg13[%dma_start3A, %dma_start3A_74] : memref<128x128xf32, #tpu.memory_space<vmem>> -> memref<128x128xf32, #tpu.memory_space<vmem>>
      %dma_start3A_76 = arith.constant 0 : i32
      %dma_start3A_77 = tpu.memref_slice %arg14[%add3A_14, %dma_start3A_76] : memref<10112x128xf32, #tpu.memory_space<vmem_shared>> -> memref<128x128xf32, #tpu.memory_space<vmem_shared>>
      %dma_start3A_78 = arith.constant 0 : i32
      %dma_start3A_79 = tpu.memref_slice %arg14[%add3A_14, %dma_start3A_78] : memref<10112x128xf32, #tpu.memory_space<vmem_shared>> -> memref<128x128xf32, #tpu.memory_space<vmem_shared>>
      %dma_start3A_80 = arith.constant 0 : i32
      %dma_start3A_81 = arith.constant 0 : i32
      %dma_start3A_82 = tpu.memref_slice %arg13[%dma_start3A_80, %dma_start3A_81] : memref<128x128xf32, #tpu.memory_space<vmem>> -> memref<128x128xf32, #tpu.memory_space<vmem>>
      tpu.enqueue_dma source(%dma_start3A_82 : memref<128x128xf32, #tpu.memory_space<vmem>>) target(%dma_start3A_79 : memref<128x128xf32, #tpu.memory_space<vmem_shared>>) target_semaphore(%run_scoped3A : memref<!tpu.dma_semaphore, #tpu.memory_space<semaphore_mem>>)
      %dma_wait3A_83 = arith.constant 0 : i32
      %dma_wait3A_84 = arith.constant 0 : i32
      %dma_wait3A_85 = tpu.memref_slice %arg13[%dma_wait3A_83, %dma_wait3A_84] : memref<128x128xf32, #tpu.memory_space<vmem>> -> memref<128x128xf32, #tpu.memory_space<vmem>>
      %dma_wait3A_86 = arith.constant 0 : i32
      %dma_wait3A_87 = tpu.memref_slice %arg14[%add3A_14, %dma_wait3A_86] : memref<10112x128xf32, #tpu.memory_space<vmem_shared>> -> memref<128x128xf32, #tpu.memory_space<vmem_shared>>
      %dma_wait3A_88 = arith.constant 0 : i32
      %dma_wait3A_89 = tpu.memref_slice %arg14[%add3A_14, %dma_wait3A_88] : memref<10112x128xf32, #tpu.memory_space<vmem_shared>> -> memref<128x128xf32, #tpu.memory_space<vmem_shared>>
      %dma_wait3A_90 = arith.constant 0 : i32
      %dma_wait3A_91 = arith.constant 0 : i32
      %dma_wait3A_92 = tpu.memref_slice %arg13[%dma_wait3A_90, %dma_wait3A_91] : memref<128x128xf32, #tpu.memory_space<vmem>> -> memref<128x128xf32, #tpu.memory_space<vmem>>
      tpu.wait_dma2 semaphore(%run_scoped3A : memref<!tpu.dma_semaphore, #tpu.memory_space<semaphore_mem>>) src(%dma_wait3A_92 : memref<128x128xf32, #tpu.memory_space<vmem>>) dst(%dma_wait3A_89 : memref<128x128xf32, #tpu.memory_space<vmem_shared>>)
      tpu.yield
    }) : () -> ()
    %add3A_15 = arith.constant 384 : i32
    %add3A_16 = arith.addi %mul3A_2, %add3A_15 : i32
    "tpu.region"() ({
      %run_scoped3A = tpu.sem_alloc : memref<!tpu.dma_semaphore, #tpu.memory_space<semaphore_mem>>
      %dma_start3A = arith.constant 0 : i32
      %dma_start3A_74 = arith.constant 0 : i32
      %dma_start3A_75 = tpu.memref_slice %arg13[%dma_start3A, %dma_start3A_74] : memref<128x128xf32, #tpu.memory_space<vmem>> -> memref<128x128xf32, #tpu.memory_space<vmem>>
      %dma_start3A_76 = arith.constant 0 : i32
      %dma_start3A_77 = tpu.memref_slice %arg5[%add3A_16, %dma_start3A_76] : memref<10112x128xf32, #tpu.memory_space<hbm>> -> memref<128x128xf32, #tpu.memory_space<hbm>>
      %dma_start3A_78 = arith.constant 0 : i32
      %dma_start3A_79 = arith.constant 0 : i32
      %dma_start3A_80 = tpu.memref_slice %arg13[%dma_start3A_78, %dma_start3A_79] : memref<128x128xf32, #tpu.memory_space<vmem>> -> memref<128x128xf32, #tpu.memory_space<vmem>>
      %dma_start3A_81 = arith.constant 0 : i32
      %dma_start3A_82 = tpu.memref_slice %arg5[%add3A_16, %dma_start3A_81] : memref<10112x128xf32, #tpu.memory_space<hbm>> -> memref<128x128xf32, #tpu.memory_space<hbm>>
      tpu.enqueue_dma source(%dma_start3A_82 : memref<128x128xf32, #tpu.memory_space<hbm>>) target(%dma_start3A_80 : memref<128x128xf32, #tpu.memory_space<vmem>>) target_semaphore(%run_scoped3A : memref<!tpu.dma_semaphore, #tpu.memory_space<semaphore_mem>>)
      %dma_wait3A_83 = arith.constant 0 : i32
      %dma_wait3A_84 = arith.constant 0 : i32
      %dma_wait3A_85 = tpu.memref_slice %arg13[%dma_wait3A_83, %dma_wait3A_84] : memref<128x128xf32, #tpu.memory_space<vmem>> -> memref<128x128xf32, #tpu.memory_space<vmem>>
      %dma_wait3A_86 = arith.constant 0 : i32
      %dma_wait3A_87 = tpu.memref_slice %arg5[%add3A_16, %dma_wait3A_86] : memref<10112x128xf32, #tpu.memory_space<hbm>> -> memref<128x128xf32, #tpu.memory_space<hbm>>
      %dma_wait3A_88 = arith.constant 0 : i32
      %dma_wait3A_89 = arith.constant 0 : i32
      %dma_wait3A_90 = tpu.memref_slice %arg13[%dma_wait3A_88, %dma_wait3A_89] : memref<128x128xf32, #tpu.memory_space<vmem>> -> memref<128x128xf32, #tpu.memory_space<vmem>>
      %dma_wait3A_91 = arith.constant 0 : i32
      %dma_wait3A_92 = tpu.memref_slice %arg5[%add3A_16, %dma_wait3A_91] : memref<10112x128xf32, #tpu.memory_space<hbm>> -> memref<128x128xf32, #tpu.memory_space<hbm>>
      tpu.wait_dma2 semaphore(%run_scoped3A : memref<!tpu.dma_semaphore, #tpu.memory_space<semaphore_mem>>) src(%dma_wait3A_92 : memref<128x128xf32, #tpu.memory_space<hbm>>) dst(%dma_wait3A_90 : memref<128x128xf32, #tpu.memory_space<vmem>>)
      tpu.yield
    }) : () -> ()
    %add3A_17 = arith.constant 384 : i32
    %add3A_18 = arith.addi %mul3A_2, %add3A_17 : i32
    "tpu.region"() ({
      %run_scoped3A = tpu.sem_alloc : memref<!tpu.dma_semaphore, #tpu.memory_space<semaphore_mem>>
      %dma_start3A = arith.constant 0 : i32
      %dma_start3A_74 = arith.constant 0 : i32
      %dma_start3A_75 = tpu.memref_slice %arg13[%dma_start3A, %dma_start3A_74] : memref<128x128xf32, #tpu.memory_space<vmem>> -> memref<128x128xf32, #tpu.memory_space<vmem>>
      %dma_start3A_76 = arith.constant 0 : i32
      %dma_start3A_77 = tpu.memref_slice %arg14[%add3A_18, %dma_start3A_76] : memref<10112x128xf32, #tpu.memory_space<vmem_shared>> -> memref<128x128xf32, #tpu.memory_space<vmem_shared>>
      %dma_start3A_78 = arith.constant 0 : i32
      %dma_start3A_79 = tpu.memref_slice %arg14[%add3A_18, %dma_start3A_78] : memref<10112x128xf32, #tpu.memory_space<vmem_shared>> -> memref<128x128xf32, #tpu.memory_space<vmem_shared>>
      %dma_start3A_80 = arith.constant 0 : i32
      %dma_start3A_81 = arith.constant 0 : i32
      %dma_start3A_82 = tpu.memref_slice %arg13[%dma_start3A_80, %dma_start3A_81] : memref<128x128xf32, #tpu.memory_space<vmem>> -> memref<128x128xf32, #tpu.memory_space<vmem>>
      tpu.enqueue_dma source(%dma_start3A_82 : memref<128x128xf32, #tpu.memory_space<vmem>>) target(%dma_start3A_79 : memref<128x128xf32, #tpu.memory_space<vmem_shared>>) target_semaphore(%run_scoped3A : memref<!tpu.dma_semaphore, #tpu.memory_space<semaphore_mem>>)
      %dma_wait3A_83 = arith.constant 0 : i32
      %dma_wait3A_84 = arith.constant 0 : i32
      %dma_wait3A_85 = tpu.memref_slice %arg13[%dma_wait3A_83, %dma_wait3A_84] : memref<128x128xf32, #tpu.memory_space<vmem>> -> memref<128x128xf32, #tpu.memory_space<vmem>>
      %dma_wait3A_86 = arith.constant 0 : i32
      %dma_wait3A_87 = tpu.memref_slice %arg14[%add3A_18, %dma_wait3A_86] : memref<10112x128xf32, #tpu.memory_space<vmem_shared>> -> memref<128x128xf32, #tpu.memory_space<vmem_shared>>
      %dma_wait3A_88 = arith.constant 0 : i32
      %dma_wait3A_89 = tpu.memref_slice %arg14[%add3A_18, %dma_wait3A_88] : memref<10112x128xf32, #tpu.memory_space<vmem_shared>> -> memref<128x128xf32, #tpu.memory_space<vmem_shared>>
      %dma_wait3A_90 = arith.constant 0 : i32
      %dma_wait3A_91 = arith.constant 0 : i32
      %dma_wait3A_92 = tpu.memref_slice %arg13[%dma_wait3A_90, %dma_wait3A_91] : memref<128x128xf32, #tpu.memory_space<vmem>> -> memref<128x128xf32, #tpu.memory_space<vmem>>
      tpu.wait_dma2 semaphore(%run_scoped3A : memref<!tpu.dma_semaphore, #tpu.memory_space<semaphore_mem>>) src(%dma_wait3A_92 : memref<128x128xf32, #tpu.memory_space<vmem>>) dst(%dma_wait3A_89 : memref<128x128xf32, #tpu.memory_space<vmem_shared>>)
      tpu.yield
    }) : () -> ()
    %add3A_19 = arith.constant 512 : i32
    %add3A_20 = arith.addi %mul3A_2, %add3A_19 : i32
    "tpu.region"() ({
      %run_scoped3A = tpu.sem_alloc : memref<!tpu.dma_semaphore, #tpu.memory_space<semaphore_mem>>
      %dma_start3A = arith.constant 0 : i32
      %dma_start3A_74 = arith.constant 0 : i32
      %dma_start3A_75 = tpu.memref_slice %arg13[%dma_start3A, %dma_start3A_74] : memref<128x128xf32, #tpu.memory_space<vmem>> -> memref<120x128xf32, #tpu.memory_space<vmem>>
      %dma_start3A_76 = arith.constant 0 : i32
      %dma_start3A_77 = tpu.memref_slice %arg5[%add3A_20, %dma_start3A_76] : memref<10112x128xf32, #tpu.memory_space<hbm>> -> memref<120x128xf32, #tpu.memory_space<hbm>>
      %dma_start3A_78 = arith.constant 0 : i32
      %dma_start3A_79 = arith.constant 0 : i32
      %dma_start3A_80 = tpu.memref_slice %arg13[%dma_start3A_78, %dma_start3A_79] : memref<128x128xf32, #tpu.memory_space<vmem>> -> memref<120x128xf32, #tpu.memory_space<vmem>>
      %dma_start3A_81 = arith.constant 0 : i32
      %dma_start3A_82 = tpu.memref_slice %arg5[%add3A_20, %dma_start3A_81] : memref<10112x128xf32, #tpu.memory_space<hbm>> -> memref<120x128xf32, #tpu.memory_space<hbm>>
      tpu.enqueue_dma source(%dma_start3A_82 : memref<120x128xf32, #tpu.memory_space<hbm>>) target(%dma_start3A_80 : memref<120x128xf32, #tpu.memory_space<vmem>>) target_semaphore(%run_scoped3A : memref<!tpu.dma_semaphore, #tpu.memory_space<semaphore_mem>>)
      %dma_wait3A_83 = arith.constant 0 : i32
      %dma_wait3A_84 = arith.constant 0 : i32
      %dma_wait3A_85 = tpu.memref_slice %arg13[%dma_wait3A_83, %dma_wait3A_84] : memref<128x128xf32, #tpu.memory_space<vmem>> -> memref<120x128xf32, #tpu.memory_space<vmem>>
      %dma_wait3A_86 = arith.constant 0 : i32
      %dma_wait3A_87 = tpu.memref_slice %arg5[%add3A_20, %dma_wait3A_86] : memref<10112x128xf32, #tpu.memory_space<hbm>> -> memref<120x128xf32, #tpu.memory_space<hbm>>
      %dma_wait3A_88 = arith.constant 0 : i32
      %dma_wait3A_89 = arith.constant 0 : i32
      %dma_wait3A_90 = tpu.memref_slice %arg13[%dma_wait3A_88, %dma_wait3A_89] : memref<128x128xf32, #tpu.memory_space<vmem>> -> memref<120x128xf32, #tpu.memory_space<vmem>>
      %dma_wait3A_91 = arith.constant 0 : i32
      %dma_wait3A_92 = tpu.memref_slice %arg5[%add3A_20, %dma_wait3A_91] : memref<10112x128xf32, #tpu.memory_space<hbm>> -> memref<120x128xf32, #tpu.memory_space<hbm>>
      tpu.wait_dma2 semaphore(%run_scoped3A : memref<!tpu.dma_semaphore, #tpu.memory_space<semaphore_mem>>) src(%dma_wait3A_92 : memref<120x128xf32, #tpu.memory_space<hbm>>) dst(%dma_wait3A_90 : memref<120x128xf32, #tpu.memory_space<vmem>>)
      tpu.yield
    }) : () -> ()
    %add3A_21 = arith.constant 512 : i32
    %add3A_22 = arith.addi %mul3A_2, %add3A_21 : i32
    "tpu.region"() ({
      %run_scoped3A = tpu.sem_alloc : memref<!tpu.dma_semaphore, #tpu.memory_space<semaphore_mem>>
      %dma_start3A = arith.constant 0 : i32
      %dma_start3A_74 = arith.constant 0 : i32
      %dma_start3A_75 = tpu.memref_slice %arg13[%dma_start3A, %dma_start3A_74] : memref<128x128xf32, #tpu.memory_space<vmem>> -> memref<120x128xf32, #tpu.memory_space<vmem>>
      %dma_start3A_76 = arith.constant 0 : i32
      %dma_start3A_77 = tpu.memref_slice %arg14[%add3A_22, %dma_start3A_76] : memref<10112x128xf32, #tpu.memory_space<vmem_shared>> -> memref<120x128xf32, #tpu.memory_space<vmem_shared>>
      %dma_start3A_78 = arith.constant 0 : i32
      %dma_start3A_79 = tpu.memref_slice %arg14[%add3A_22, %dma_start3A_78] : memref<10112x128xf32, #tpu.memory_space<vmem_shared>> -> memref<120x128xf32, #tpu.memory_space<vmem_shared>>
      %dma_start3A_80 = arith.constant 0 : i32
      %dma_start3A_81 = arith.constant 0 : i32
      %dma_start3A_82 = tpu.memref_slice %arg13[%dma_start3A_80, %dma_start3A_81] : memref<128x128xf32, #tpu.memory_space<vmem>> -> memref<120x128xf32, #tpu.memory_space<vmem>>
      tpu.enqueue_dma source(%dma_start3A_82 : memref<120x128xf32, #tpu.memory_space<vmem>>) target(%dma_start3A_79 : memref<120x128xf32, #tpu.memory_space<vmem_shared>>) target_semaphore(%run_scoped3A : memref<!tpu.dma_semaphore, #tpu.memory_space<semaphore_mem>>)
      %dma_wait3A_83 = arith.constant 0 : i32
      %dma_wait3A_84 = arith.constant 0 : i32
      %dma_wait3A_85 = tpu.memref_slice %arg13[%dma_wait3A_83, %dma_wait3A_84] : memref<128x128xf32, #tpu.memory_space<vmem>> -> memref<120x128xf32, #tpu.memory_space<vmem>>
      %dma_wait3A_86 = arith.constant 0 : i32
      %dma_wait3A_87 = tpu.memref_slice %arg14[%add3A_22, %dma_wait3A_86] : memref<10112x128xf32, #tpu.memory_space<vmem_shared>> -> memref<120x128xf32, #tpu.memory_space<vmem_shared>>
      %dma_wait3A_88 = arith.constant 0 : i32
      %dma_wait3A_89 = tpu.memref_slice %arg14[%add3A_22, %dma_wait3A_88] : memref<10112x128xf32, #tpu.memory_space<vmem_shared>> -> memref<120x128xf32, #tpu.memory_space<vmem_shared>>
      %dma_wait3A_90 = arith.constant 0 : i32
      %dma_wait3A_91 = arith.constant 0 : i32
      %dma_wait3A_92 = tpu.memref_slice %arg13[%dma_wait3A_90, %dma_wait3A_91] : memref<128x128xf32, #tpu.memory_space<vmem>> -> memref<120x128xf32, #tpu.memory_space<vmem>>
      tpu.wait_dma2 semaphore(%run_scoped3A : memref<!tpu.dma_semaphore, #tpu.memory_space<semaphore_mem>>) src(%dma_wait3A_92 : memref<120x128xf32, #tpu.memory_space<vmem>>) dst(%dma_wait3A_89 : memref<120x128xf32, #tpu.memory_space<vmem_shared>>)
      tpu.yield
    }) : () -> ()
    "tpu.region"() ({
      %run_scoped3A = tpu.sem_alloc : memref<!tpu.dma_semaphore, #tpu.memory_space<semaphore_mem>>
      %dma_start3A = arith.constant 0 : i32
      %dma_start3A_74 = arith.constant 0 : i32
      %dma_start3A_75 = tpu.memref_slice %arg2[%dma_start3A, %dma_start3A_74] : memref<128x128xf32, #tpu.memory_space<hbm>> -> memref<128x128xf32, #tpu.memory_space<hbm>>
      %dma_start3A_76 = arith.constant 0 : i32
      %dma_start3A_77 = arith.constant 0 : i32
      %dma_start3A_78 = tpu.memref_slice %arg2[%dma_start3A_76, %dma_start3A_77] : memref<128x128xf32, #tpu.memory_space<hbm>> -> memref<128x128xf32, #tpu.memory_space<hbm>>
      tpu.enqueue_dma source(%dma_start3A_78 : memref<128x128xf32, #tpu.memory_space<hbm>>) target(%arg13 : memref<128x128xf32, #tpu.memory_space<vmem>>) target_semaphore(%run_scoped3A : memref<!tpu.dma_semaphore, #tpu.memory_space<semaphore_mem>>)
      %dma_wait3A_79 = arith.constant 0 : i32
      %dma_wait3A_80 = arith.constant 0 : i32
      %dma_wait3A_81 = tpu.memref_slice %arg2[%dma_wait3A_79, %dma_wait3A_80] : memref<128x128xf32, #tpu.memory_space<hbm>> -> memref<128x128xf32, #tpu.memory_space<hbm>>
      %dma_wait3A_82 = arith.constant 0 : i32
      %dma_wait3A_83 = arith.constant 0 : i32
      %dma_wait3A_84 = tpu.memref_slice %arg2[%dma_wait3A_82, %dma_wait3A_83] : memref<128x128xf32, #tpu.memory_space<hbm>> -> memref<128x128xf32, #tpu.memory_space<hbm>>
      tpu.wait_dma2 semaphore(%run_scoped3A : memref<!tpu.dma_semaphore, #tpu.memory_space<semaphore_mem>>) src(%dma_wait3A_84 : memref<128x128xf32, #tpu.memory_space<hbm>>) dst(%arg13 : memref<128x128xf32, #tpu.memory_space<vmem>>)
      tpu.yield
    }) : () -> ()
    %barrier3A = arith.constant 0 : index
    tpu.barrier barrier_id(%barrier3A)
    %mul3A_23 = arith.constant 10368 : i32
    %mul3A_24 = arith.muli %add3A, %mul3A_23 : i32
    %sub3A = arith.constant 27 : i32
    %sub3A_25 = arith.constant 0 : i32
    %sub3A_26 = arith.subi %sub3A, %sub3A_25 : i32
    %sub3A_27 = arith.constant 1 : i32
    %sub3A_28 = arith.constant 1 : i32
    %sub3A_29 = arith.subi %sub3A_27, %sub3A_28 : i32
    %add3A_30 = arith.addi %sub3A_26, %sub3A_29 : i32
    %div3A = arith.constant 1 : i32
    %div3A_31 = arith.divsi %add3A_30, %div3A : i32
    %while3A = arith.constant 1 : i32
    %while3A_32 = arith.constant 0 : i32
    %while3A_33 = arith.constant 0 : i32
    %while3A_34 = arith.subi %div3A_31, %while3A_33 : i32
    %while3A_35 = arith.addi %while3A_33, %while3A_34 : i32
    %while3A_36 = arith.constant 1 : i32
    %while3A_37 = arith.divsi %while3A_34, %while3A_36 : i32
    %while3A_38 = arith.muli %while3A_37, %while3A_36 : i32
    %while3A_39 = arith.addi %while3A_33, %while3A_38 : i32
    %while3A_40 = arith.constant 1 : i32
    scf.for %while3A_74 = %while3A_33 to %while3A_39 step %while3A_40  : i32 {
      %mul3A_75 = arith.muli %while3A_74, %while3A : i32
      %add3A_76 = arith.addi %while3A_32, %mul3A_75 : i32
      %gt3A = arith.constant 0 : i32
      %gt3A_77 = arith.cmpi sgt, %add3A_76, %gt3A : i32
      %convert_element_type3A = arith.extui %gt3A_77 : i1 to i32
      %cond3A = arith.constant 0 : i32
      %cond3A_78 = arith.cmpi ne, %convert_element_type3A, %cond3A : i32
      scf.if %cond3A_78 {
        %dma_wait3A_108 = arith.constant 0 : i32
        %dma_wait3A_109 = arith.constant 0 : i32
        %dma_wait3A_110 = tpu.memref_slice %arg14[%dma_wait3A_108, %dma_wait3A_109] : memref<10112x128xf32, #tpu.memory_space<vmem_shared>> -> memref<10112x128xf32, #tpu.memory_space<vmem_shared>>
        tpu.wait_indirect_dma semaphore(%arg19 : memref<!tpu.dma_semaphore, #tpu.memory_space<semaphore_mem>>) src(%arg13 : memref<128x128xf32, #tpu.memory_space<vmem>>) dst(%dma_wait3A_110 : memref<10112x128xf32, #tpu.memory_space<vmem_shared>>)
        %dma_wait3A_111 = arith.constant 0 : i32
        %dma_wait3A_112 = arith.constant 0 : i32
        %dma_wait3A_113 = tpu.memref_slice %arg14[%dma_wait3A_111, %dma_wait3A_112] : memref<10112x128xf32, #tpu.memory_space<vmem_shared>> -> memref<10112x128xf32, #tpu.memory_space<vmem_shared>>
        tpu.wait_indirect_dma semaphore(%arg20 : memref<!tpu.dma_semaphore, #tpu.memory_space<semaphore_mem>>) src(%arg13 : memref<128x128xf32, #tpu.memory_space<vmem>>) dst(%dma_wait3A_113 : memref<10112x128xf32, #tpu.memory_space<vmem_shared>>)
        %dma_wait3A_114 = arith.constant 0 : i32
        %dma_wait3A_115 = arith.constant 0 : i32
        %dma_wait3A_116 = tpu.memref_slice %arg14[%dma_wait3A_114, %dma_wait3A_115] : memref<10112x128xf32, #tpu.memory_space<vmem_shared>> -> memref<10112x128xf32, #tpu.memory_space<vmem_shared>>
        tpu.wait_indirect_dma semaphore(%arg21 : memref<!tpu.dma_semaphore, #tpu.memory_space<semaphore_mem>>) src(%arg13 : memref<128x128xf32, #tpu.memory_space<vmem>>) dst(%dma_wait3A_116 : memref<10112x128xf32, #tpu.memory_space<vmem_shared>>)
      } else {
      }
      %mul3A_79 = arith.constant 384 : i32
      %mul3A_80 = arith.muli %add3A_76, %mul3A_79 : i32
      %add3A_81 = arith.addi %mul3A_24, %mul3A_80 : i32
      %add3A_82 = arith.constant 0 : i32
      %add3A_83 = arith.addi %add3A_81, %add3A_82 : i32
      %dma_start3A = tpu.memref_slice %arg4[%add3A_83] : memref<331776xi32, #tpu.memory_space<hbm>> -> memref<128xi32, #tpu.memory_space<hbm>>
      %dma_start3A_84 = tpu.memref_slice %arg4[%add3A_83] : memref<331776xi32, #tpu.memory_space<hbm>> -> memref<128xi32, #tpu.memory_space<hbm>>
      tpu.enqueue_dma source(%dma_start3A_84 : memref<128xi32, #tpu.memory_space<hbm>>) target(%arg10 : memref<128xi32, #tpu.memory_space<vmem>>) target_semaphore(%arg15 : memref<!tpu.dma_semaphore, #tpu.memory_space<semaphore_mem>>)
      %add3A_85 = arith.constant 128 : i32
      %add3A_86 = arith.addi %add3A_81, %add3A_85 : i32
      %dma_start3A_87 = tpu.memref_slice %arg4[%add3A_86] : memref<331776xi32, #tpu.memory_space<hbm>> -> memref<128xi32, #tpu.memory_space<hbm>>
      %dma_start3A_88 = tpu.memref_slice %arg4[%add3A_86] : memref<331776xi32, #tpu.memory_space<hbm>> -> memref<128xi32, #tpu.memory_space<hbm>>
      tpu.enqueue_dma source(%dma_start3A_88 : memref<128xi32, #tpu.memory_space<hbm>>) target(%arg11 : memref<128xi32, #tpu.memory_space<vmem>>) target_semaphore(%arg15 : memref<!tpu.dma_semaphore, #tpu.memory_space<semaphore_mem>>)
      %add3A_89 = arith.constant 256 : i32
      %add3A_90 = arith.addi %add3A_81, %add3A_89 : i32
      %dma_start3A_91 = tpu.memref_slice %arg4[%add3A_90] : memref<331776xi32, #tpu.memory_space<hbm>> -> memref<128xi32, #tpu.memory_space<hbm>>
      %dma_start3A_92 = tpu.memref_slice %arg4[%add3A_90] : memref<331776xi32, #tpu.memory_space<hbm>> -> memref<128xi32, #tpu.memory_space<hbm>>
      tpu.enqueue_dma source(%dma_start3A_92 : memref<128xi32, #tpu.memory_space<hbm>>) target(%arg12 : memref<128xi32, #tpu.memory_space<vmem>>) target_semaphore(%arg15 : memref<!tpu.dma_semaphore, #tpu.memory_space<semaphore_mem>>)
      %dma_wait3A_93 = tpu.memref_slice %arg4[%add3A_83] : memref<331776xi32, #tpu.memory_space<hbm>> -> memref<128xi32, #tpu.memory_space<hbm>>
      %dma_wait3A_94 = tpu.memref_slice %arg4[%add3A_83] : memref<331776xi32, #tpu.memory_space<hbm>> -> memref<128xi32, #tpu.memory_space<hbm>>
      tpu.wait_dma2 semaphore(%arg15 : memref<!tpu.dma_semaphore, #tpu.memory_space<semaphore_mem>>) src(%dma_wait3A_94 : memref<128xi32, #tpu.memory_space<hbm>>) dst(%arg10 : memref<128xi32, #tpu.memory_space<vmem>>)
      %dma_wait3A_95 = tpu.memref_slice %arg4[%add3A_86] : memref<331776xi32, #tpu.memory_space<hbm>> -> memref<128xi32, #tpu.memory_space<hbm>>
      %dma_wait3A_96 = tpu.memref_slice %arg4[%add3A_86] : memref<331776xi32, #tpu.memory_space<hbm>> -> memref<128xi32, #tpu.memory_space<hbm>>
      tpu.wait_dma2 semaphore(%arg15 : memref<!tpu.dma_semaphore, #tpu.memory_space<semaphore_mem>>) src(%dma_wait3A_96 : memref<128xi32, #tpu.memory_space<hbm>>) dst(%arg11 : memref<128xi32, #tpu.memory_space<vmem>>)
      %dma_wait3A_97 = tpu.memref_slice %arg4[%add3A_90] : memref<331776xi32, #tpu.memory_space<hbm>> -> memref<128xi32, #tpu.memory_space<hbm>>
      %dma_wait3A_98 = tpu.memref_slice %arg4[%add3A_90] : memref<331776xi32, #tpu.memory_space<hbm>> -> memref<128xi32, #tpu.memory_space<hbm>>
      tpu.wait_dma2 semaphore(%arg15 : memref<!tpu.dma_semaphore, #tpu.memory_space<semaphore_mem>>) src(%dma_wait3A_98 : memref<128xi32, #tpu.memory_space<hbm>>) dst(%arg12 : memref<128xi32, #tpu.memory_space<vmem>>)
      %dma_start3A_99 = arith.constant 0 : i32
      %dma_start3A_100 = arith.constant 0 : i32
      %dma_start3A_101 = tpu.memref_slice %arg14[%dma_start3A_99, %dma_start3A_100] : memref<10112x128xf32, #tpu.memory_space<vmem_shared>> -> memref<10112x128xf32, #tpu.memory_space<vmem_shared>>
      tpu.enqueue_indirect_dma source(%arg13 : memref<128x128xf32, #tpu.memory_space<vmem>>) target(%dma_start3A_101 : memref<10112x128xf32, #tpu.memory_space<vmem_shared>>) offsets(%arg10 : memref<128xi32, #tpu.memory_space<vmem>>) semaphore(%arg19 : memref<!tpu.dma_semaphore, #tpu.memory_space<semaphore_mem>>) {add = true}
      %dma_start3A_102 = arith.constant 0 : i32
      %dma_start3A_103 = arith.constant 0 : i32
      %dma_start3A_104 = tpu.memref_slice %arg14[%dma_start3A_102, %dma_start3A_103] : memref<10112x128xf32, #tpu.memory_space<vmem_shared>> -> memref<10112x128xf32, #tpu.memory_space<vmem_shared>>
      tpu.enqueue_indirect_dma source(%arg13 : memref<128x128xf32, #tpu.memory_space<vmem>>) target(%dma_start3A_104 : memref<10112x128xf32, #tpu.memory_space<vmem_shared>>) offsets(%arg11 : memref<128xi32, #tpu.memory_space<vmem>>) semaphore(%arg20 : memref<!tpu.dma_semaphore, #tpu.memory_space<semaphore_mem>>) {add = true}
      %dma_start3A_105 = arith.constant 0 : i32
      %dma_start3A_106 = arith.constant 0 : i32
      %dma_start3A_107 = tpu.memref_slice %arg14[%dma_start3A_105, %dma_start3A_106] : memref<10112x128xf32, #tpu.memory_space<vmem_shared>> -> memref<10112x128xf32, #tpu.memory_space<vmem_shared>>
      tpu.enqueue_indirect_dma source(%arg13 : memref<128x128xf32, #tpu.memory_space<vmem>>) target(%dma_start3A_107 : memref<10112x128xf32, #tpu.memory_space<vmem_shared>>) offsets(%arg12 : memref<128xi32, #tpu.memory_space<vmem>>) semaphore(%arg21 : memref<!tpu.dma_semaphore, #tpu.memory_space<semaphore_mem>>) {add = true}
    }
    %while3A_41 = arith.constant 1 : i32
    scf.for %while3A_74 = %while3A_39 to %while3A_35 step %while3A_41  : i32 {
      %mul3A_75 = arith.muli %while3A_74, %while3A : i32
      %add3A_76 = arith.addi %while3A_32, %mul3A_75 : i32
      %gt3A = arith.constant 0 : i32
      %gt3A_77 = arith.cmpi sgt, %add3A_76, %gt3A : i32
      %convert_element_type3A = arith.extui %gt3A_77 : i1 to i32
      %cond3A = arith.constant 0 : i32
      %cond3A_78 = arith.cmpi ne, %convert_element_type3A, %cond3A : i32
      scf.if %cond3A_78 {
        %dma_wait3A_108 = arith.constant 0 : i32
        %dma_wait3A_109 = arith.constant 0 : i32
        %dma_wait3A_110 = tpu.memref_slice %arg14[%dma_wait3A_108, %dma_wait3A_109] : memref<10112x128xf32, #tpu.memory_space<vmem_shared>> -> memref<10112x128xf32, #tpu.memory_space<vmem_shared>>
        tpu.wait_indirect_dma semaphore(%arg19 : memref<!tpu.dma_semaphore, #tpu.memory_space<semaphore_mem>>) src(%arg13 : memref<128x128xf32, #tpu.memory_space<vmem>>) dst(%dma_wait3A_110 : memref<10112x128xf32, #tpu.memory_space<vmem_shared>>)
        %dma_wait3A_111 = arith.constant 0 : i32
        %dma_wait3A_112 = arith.constant 0 : i32
        %dma_wait3A_113 = tpu.memref_slice %arg14[%dma_wait3A_111, %dma_wait3A_112] : memref<10112x128xf32, #tpu.memory_space<vmem_shared>> -> memref<10112x128xf32, #tpu.memory_space<vmem_shared>>
        tpu.wait_indirect_dma semaphore(%arg20 : memref<!tpu.dma_semaphore, #tpu.memory_space<semaphore_mem>>) src(%arg13 : memref<128x128xf32, #tpu.memory_space<vmem>>) dst(%dma_wait3A_113 : memref<10112x128xf32, #tpu.memory_space<vmem_shared>>)
        %dma_wait3A_114 = arith.constant 0 : i32
        %dma_wait3A_115 = arith.constant 0 : i32
        %dma_wait3A_116 = tpu.memref_slice %arg14[%dma_wait3A_114, %dma_wait3A_115] : memref<10112x128xf32, #tpu.memory_space<vmem_shared>> -> memref<10112x128xf32, #tpu.memory_space<vmem_shared>>
        tpu.wait_indirect_dma semaphore(%arg21 : memref<!tpu.dma_semaphore, #tpu.memory_space<semaphore_mem>>) src(%arg13 : memref<128x128xf32, #tpu.memory_space<vmem>>) dst(%dma_wait3A_116 : memref<10112x128xf32, #tpu.memory_space<vmem_shared>>)
      } else {
      }
      %mul3A_79 = arith.constant 384 : i32
      %mul3A_80 = arith.muli %add3A_76, %mul3A_79 : i32
      %add3A_81 = arith.addi %mul3A_24, %mul3A_80 : i32
      %add3A_82 = arith.constant 0 : i32
      %add3A_83 = arith.addi %add3A_81, %add3A_82 : i32
      %dma_start3A = tpu.memref_slice %arg4[%add3A_83] : memref<331776xi32, #tpu.memory_space<hbm>> -> memref<128xi32, #tpu.memory_space<hbm>>
      %dma_start3A_84 = tpu.memref_slice %arg4[%add3A_83] : memref<331776xi32, #tpu.memory_space<hbm>> -> memref<128xi32, #tpu.memory_space<hbm>>
      tpu.enqueue_dma source(%dma_start3A_84 : memref<128xi32, #tpu.memory_space<hbm>>) target(%arg10 : memref<128xi32, #tpu.memory_space<vmem>>) target_semaphore(%arg15 : memref<!tpu.dma_semaphore, #tpu.memory_space<semaphore_mem>>)
      %add3A_85 = arith.constant 128 : i32
      %add3A_86 = arith.addi %add3A_81, %add3A_85 : i32
      %dma_start3A_87 = tpu.memref_slice %arg4[%add3A_86] : memref<331776xi32, #tpu.memory_space<hbm>> -> memref<128xi32, #tpu.memory_space<hbm>>
      %dma_start3A_88 = tpu.memref_slice %arg4[%add3A_86] : memref<331776xi32, #tpu.memory_space<hbm>> -> memref<128xi32, #tpu.memory_space<hbm>>
      tpu.enqueue_dma source(%dma_start3A_88 : memref<128xi32, #tpu.memory_space<hbm>>) target(%arg11 : memref<128xi32, #tpu.memory_space<vmem>>) target_semaphore(%arg15 : memref<!tpu.dma_semaphore, #tpu.memory_space<semaphore_mem>>)
      %add3A_89 = arith.constant 256 : i32
      %add3A_90 = arith.addi %add3A_81, %add3A_89 : i32
      %dma_start3A_91 = tpu.memref_slice %arg4[%add3A_90] : memref<331776xi32, #tpu.memory_space<hbm>> -> memref<128xi32, #tpu.memory_space<hbm>>
      %dma_start3A_92 = tpu.memref_slice %arg4[%add3A_90] : memref<331776xi32, #tpu.memory_space<hbm>> -> memref<128xi32, #tpu.memory_space<hbm>>
      tpu.enqueue_dma source(%dma_start3A_92 : memref<128xi32, #tpu.memory_space<hbm>>) target(%arg12 : memref<128xi32, #tpu.memory_space<vmem>>) target_semaphore(%arg15 : memref<!tpu.dma_semaphore, #tpu.memory_space<semaphore_mem>>)
      %dma_wait3A_93 = tpu.memref_slice %arg4[%add3A_83] : memref<331776xi32, #tpu.memory_space<hbm>> -> memref<128xi32, #tpu.memory_space<hbm>>
      %dma_wait3A_94 = tpu.memref_slice %arg4[%add3A_83] : memref<331776xi32, #tpu.memory_space<hbm>> -> memref<128xi32, #tpu.memory_space<hbm>>
      tpu.wait_dma2 semaphore(%arg15 : memref<!tpu.dma_semaphore, #tpu.memory_space<semaphore_mem>>) src(%dma_wait3A_94 : memref<128xi32, #tpu.memory_space<hbm>>) dst(%arg10 : memref<128xi32, #tpu.memory_space<vmem>>)
      %dma_wait3A_95 = tpu.memref_slice %arg4[%add3A_86] : memref<331776xi32, #tpu.memory_space<hbm>> -> memref<128xi32, #tpu.memory_space<hbm>>
      %dma_wait3A_96 = tpu.memref_slice %arg4[%add3A_86] : memref<331776xi32, #tpu.memory_space<hbm>> -> memref<128xi32, #tpu.memory_space<hbm>>
      tpu.wait_dma2 semaphore(%arg15 : memref<!tpu.dma_semaphore, #tpu.memory_space<semaphore_mem>>) src(%dma_wait3A_96 : memref<128xi32, #tpu.memory_space<hbm>>) dst(%arg11 : memref<128xi32, #tpu.memory_space<vmem>>)
      %dma_wait3A_97 = tpu.memref_slice %arg4[%add3A_90] : memref<331776xi32, #tpu.memory_space<hbm>> -> memref<128xi32, #tpu.memory_space<hbm>>
      %dma_wait3A_98 = tpu.memref_slice %arg4[%add3A_90] : memref<331776xi32, #tpu.memory_space<hbm>> -> memref<128xi32, #tpu.memory_space<hbm>>
      tpu.wait_dma2 semaphore(%arg15 : memref<!tpu.dma_semaphore, #tpu.memory_space<semaphore_mem>>) src(%dma_wait3A_98 : memref<128xi32, #tpu.memory_space<hbm>>) dst(%arg12 : memref<128xi32, #tpu.memory_space<vmem>>)
      %dma_start3A_99 = arith.constant 0 : i32
      %dma_start3A_100 = arith.constant 0 : i32
      %dma_start3A_101 = tpu.memref_slice %arg14[%dma_start3A_99, %dma_start3A_100] : memref<10112x128xf32, #tpu.memory_space<vmem_shared>> -> memref<10112x128xf32, #tpu.memory_space<vmem_shared>>
      tpu.enqueue_indirect_dma source(%arg13 : memref<128x128xf32, #tpu.memory_space<vmem>>) target(%dma_start3A_101 : memref<10112x128xf32, #tpu.memory_space<vmem_shared>>) offsets(%arg10 : memref<128xi32, #tpu.memory_space<vmem>>) semaphore(%arg19 : memref<!tpu.dma_semaphore, #tpu.memory_space<semaphore_mem>>) {add = true}
      %dma_start3A_102 = arith.constant 0 : i32
      %dma_start3A_103 = arith.constant 0 : i32
      %dma_start3A_104 = tpu.memref_slice %arg14[%dma_start3A_102, %dma_start3A_103] : memref<10112x128xf32, #tpu.memory_space<vmem_shared>> -> memref<10112x128xf32, #tpu.memory_space<vmem_shared>>
      tpu.enqueue_indirect_dma source(%arg13 : memref<128x128xf32, #tpu.memory_space<vmem>>) target(%dma_start3A_104 : memref<10112x128xf32, #tpu.memory_space<vmem_shared>>) offsets(%arg11 : memref<128xi32, #tpu.memory_space<vmem>>) semaphore(%arg20 : memref<!tpu.dma_semaphore, #tpu.memory_space<semaphore_mem>>) {add = true}
      %dma_start3A_105 = arith.constant 0 : i32
      %dma_start3A_106 = arith.constant 0 : i32
      %dma_start3A_107 = tpu.memref_slice %arg14[%dma_start3A_105, %dma_start3A_106] : memref<10112x128xf32, #tpu.memory_space<vmem_shared>> -> memref<10112x128xf32, #tpu.memory_space<vmem_shared>>
      tpu.enqueue_indirect_dma source(%arg13 : memref<128x128xf32, #tpu.memory_space<vmem>>) target(%dma_start3A_107 : memref<10112x128xf32, #tpu.memory_space<vmem_shared>>) offsets(%arg12 : memref<128xi32, #tpu.memory_space<vmem>>) semaphore(%arg21 : memref<!tpu.dma_semaphore, #tpu.memory_space<semaphore_mem>>) {add = true}
    }
    %dma_wait3A = arith.constant 0 : i32
    %dma_wait3A_42 = arith.constant 0 : i32
    %dma_wait3A_43 = tpu.memref_slice %arg14[%dma_wait3A, %dma_wait3A_42] : memref<10112x128xf32, #tpu.memory_space<vmem_shared>> -> memref<10112x128xf32, #tpu.memory_space<vmem_shared>>
    tpu.wait_indirect_dma semaphore(%arg19 : memref<!tpu.dma_semaphore, #tpu.memory_space<semaphore_mem>>) src(%arg13 : memref<128x128xf32, #tpu.memory_space<vmem>>) dst(%dma_wait3A_43 : memref<10112x128xf32, #tpu.memory_space<vmem_shared>>)
    %dma_wait3A_44 = arith.constant 0 : i32
    %dma_wait3A_45 = arith.constant 0 : i32
    %dma_wait3A_46 = tpu.memref_slice %arg14[%dma_wait3A_44, %dma_wait3A_45] : memref<10112x128xf32, #tpu.memory_space<vmem_shared>> -> memref<10112x128xf32, #tpu.memory_space<vmem_shared>>
    tpu.wait_indirect_dma semaphore(%arg20 : memref<!tpu.dma_semaphore, #tpu.memory_space<semaphore_mem>>) src(%arg13 : memref<128x128xf32, #tpu.memory_space<vmem>>) dst(%dma_wait3A_46 : memref<10112x128xf32, #tpu.memory_space<vmem_shared>>)
    %dma_wait3A_47 = arith.constant 0 : i32
    %dma_wait3A_48 = arith.constant 0 : i32
    %dma_wait3A_49 = tpu.memref_slice %arg14[%dma_wait3A_47, %dma_wait3A_48] : memref<10112x128xf32, #tpu.memory_space<vmem_shared>> -> memref<10112x128xf32, #tpu.memory_space<vmem_shared>>
    tpu.wait_indirect_dma semaphore(%arg21 : memref<!tpu.dma_semaphore, #tpu.memory_space<semaphore_mem>>) src(%arg13 : memref<128x128xf32, #tpu.memory_space<vmem>>) dst(%dma_wait3A_49 : memref<10112x128xf32, #tpu.memory_space<vmem_shared>>)
    %barrier3A_50 = arith.constant 0 : index
    tpu.barrier barrier_id(%barrier3A_50)
    %mul3A_51 = arith.constant 10112 : i32
    %mul3A_52 = arith.muli %arg0, %mul3A_51 : i32
    %add3A_53 = arith.addi %mul3A_52, %mul3A_2 : i32
    %add3A_54 = arith.constant 0 : i32
    %add3A_55 = arith.addi %mul3A_2, %add3A_54 : i32
    "tpu.region"() ({
      %run_scoped3A = tpu.sem_alloc : memref<!tpu.dma_semaphore, #tpu.memory_space<semaphore_mem>>
      %dma_start3A = arith.constant 0 : i32
      %dma_start3A_74 = arith.constant 0 : i32
      %dma_start3A_75 = tpu.memref_slice %arg13[%dma_start3A, %dma_start3A_74] : memref<128x128xf32, #tpu.memory_space<vmem>> -> memref<128x128xf32, #tpu.memory_space<vmem>>
      %dma_start3A_76 = arith.constant 0 : i32
      %dma_start3A_77 = tpu.memref_slice %arg14[%add3A_55, %dma_start3A_76] : memref<10112x128xf32, #tpu.memory_space<vmem_shared>> -> memref<128x128xf32, #tpu.memory_space<vmem_shared>>
      %dma_start3A_78 = arith.constant 0 : i32
      %dma_start3A_79 = arith.constant 0 : i32
      %dma_start3A_80 = tpu.memref_slice %arg13[%dma_start3A_78, %dma_start3A_79] : memref<128x128xf32, #tpu.memory_space<vmem>> -> memref<128x128xf32, #tpu.memory_space<vmem>>
      %dma_start3A_81 = arith.constant 0 : i32
      %dma_start3A_82 = tpu.memref_slice %arg14[%add3A_55, %dma_start3A_81] : memref<10112x128xf32, #tpu.memory_space<vmem_shared>> -> memref<128x128xf32, #tpu.memory_space<vmem_shared>>
      tpu.enqueue_dma source(%dma_start3A_82 : memref<128x128xf32, #tpu.memory_space<vmem_shared>>) target(%dma_start3A_80 : memref<128x128xf32, #tpu.memory_space<vmem>>) target_semaphore(%run_scoped3A : memref<!tpu.dma_semaphore, #tpu.memory_space<semaphore_mem>>)
      %dma_wait3A_83 = arith.constant 0 : i32
      %dma_wait3A_84 = arith.constant 0 : i32
      %dma_wait3A_85 = tpu.memref_slice %arg13[%dma_wait3A_83, %dma_wait3A_84] : memref<128x128xf32, #tpu.memory_space<vmem>> -> memref<128x128xf32, #tpu.memory_space<vmem>>
      %dma_wait3A_86 = arith.constant 0 : i32
      %dma_wait3A_87 = tpu.memref_slice %arg14[%add3A_55, %dma_wait3A_86] : memref<10112x128xf32, #tpu.memory_space<vmem_shared>> -> memref<128x128xf32, #tpu.memory_space<vmem_shared>>
      %dma_wait3A_88 = arith.constant 0 : i32
      %dma_wait3A_89 = arith.constant 0 : i32
      %dma_wait3A_90 = tpu.memref_slice %arg13[%dma_wait3A_88, %dma_wait3A_89] : memref<128x128xf32, #tpu.memory_space<vmem>> -> memref<128x128xf32, #tpu.memory_space<vmem>>
      %dma_wait3A_91 = arith.constant 0 : i32
      %dma_wait3A_92 = tpu.memref_slice %arg14[%add3A_55, %dma_wait3A_91] : memref<10112x128xf32, #tpu.memory_space<vmem_shared>> -> memref<128x128xf32, #tpu.memory_space<vmem_shared>>
      tpu.wait_dma2 semaphore(%run_scoped3A : memref<!tpu.dma_semaphore, #tpu.memory_space<semaphore_mem>>) src(%dma_wait3A_92 : memref<128x128xf32, #tpu.memory_space<vmem_shared>>) dst(%dma_wait3A_90 : memref<128x128xf32, #tpu.memory_space<vmem>>)
      tpu.yield
    }) : () -> ()
    %add3A_56 = arith.constant 0 : i32
    %add3A_57 = arith.addi %add3A_53, %add3A_56 : i32
    "tpu.region"() ({
      %run_scoped3A = tpu.sem_alloc : memref<!tpu.dma_semaphore, #tpu.memory_space<semaphore_mem>>
      %dma_start3A = arith.constant 0 : i32
      %dma_start3A_74 = arith.constant 0 : i32
      %dma_start3A_75 = tpu.memref_slice %arg13[%dma_start3A, %dma_start3A_74] : memref<128x128xf32, #tpu.memory_space<vmem>> -> memref<128x128xf32, #tpu.memory_space<vmem>>
      %dma_start3A_76 = arith.constant 0 : i32
      %dma_start3A_77 = tpu.memref_slice %arg6[%add3A_57, %dma_start3A_76] : memref<20224x128xf32, #tpu.memory_space<hbm>> -> memref<128x128xf32, #tpu.memory_space<hbm>>
      %dma_start3A_78 = arith.constant 0 : i32
      %dma_start3A_79 = tpu.memref_slice %arg6[%add3A_57, %dma_start3A_78] : memref<20224x128xf32, #tpu.memory_space<hbm>> -> memref<128x128xf32, #tpu.memory_space<hbm>>
      %dma_start3A_80 = arith.constant 0 : i32
      %dma_start3A_81 = arith.constant 0 : i32
      %dma_start3A_82 = tpu.memref_slice %arg13[%dma_start3A_80, %dma_start3A_81] : memref<128x128xf32, #tpu.memory_space<vmem>> -> memref<128x128xf32, #tpu.memory_space<vmem>>
      tpu.enqueue_dma source(%dma_start3A_82 : memref<128x128xf32, #tpu.memory_space<vmem>>) target(%dma_start3A_79 : memref<128x128xf32, #tpu.memory_space<hbm>>) target_semaphore(%run_scoped3A : memref<!tpu.dma_semaphore, #tpu.memory_space<semaphore_mem>>)
      %dma_wait3A_83 = arith.constant 0 : i32
      %dma_wait3A_84 = arith.constant 0 : i32
      %dma_wait3A_85 = tpu.memref_slice %arg13[%dma_wait3A_83, %dma_wait3A_84] : memref<128x128xf32, #tpu.memory_space<vmem>> -> memref<128x128xf32, #tpu.memory_space<vmem>>
      %dma_wait3A_86 = arith.constant 0 : i32
      %dma_wait3A_87 = tpu.memref_slice %arg6[%add3A_57, %dma_wait3A_86] : memref<20224x128xf32, #tpu.memory_space<hbm>> -> memref<128x128xf32, #tpu.memory_space<hbm>>
      %dma_wait3A_88 = arith.constant 0 : i32
      %dma_wait3A_89 = tpu.memref_slice %arg6[%add3A_57, %dma_wait3A_88] : memref<20224x128xf32, #tpu.memory_space<hbm>> -> memref<128x128xf32, #tpu.memory_space<hbm>>
      %dma_wait3A_90 = arith.constant 0 : i32
      %dma_wait3A_91 = arith.constant 0 : i32
      %dma_wait3A_92 = tpu.memref_slice %arg13[%dma_wait3A_90, %dma_wait3A_91] : memref<128x128xf32, #tpu.memory_space<vmem>> -> memref<128x128xf32, #tpu.memory_space<vmem>>
      tpu.wait_dma2 semaphore(%run_scoped3A : memref<!tpu.dma_semaphore, #tpu.memory_space<semaphore_mem>>) src(%dma_wait3A_92 : memref<128x128xf32, #tpu.memory_space<vmem>>) dst(%dma_wait3A_89 : memref<128x128xf32, #tpu.memory_space<hbm>>)
      tpu.yield
    }) : () -> ()
    %add3A_58 = arith.constant 128 : i32
    %add3A_59 = arith.addi %mul3A_2, %add3A_58 : i32
    "tpu.region"() ({
      %run_scoped3A = tpu.sem_alloc : memref<!tpu.dma_semaphore, #tpu.memory_space<semaphore_mem>>
      %dma_start3A = arith.constant 0 : i32
      %dma_start3A_74 = arith.constant 0 : i32
      %dma_start3A_75 = tpu.memref_slice %arg13[%dma_start3A, %dma_start3A_74] : memref<128x128xf32, #tpu.memory_space<vmem>> -> memref<128x128xf32, #tpu.memory_space<vmem>>
      %dma_start3A_76 = arith.constant 0 : i32
      %dma_start3A_77 = tpu.memref_slice %arg14[%add3A_59, %dma_start3A_76] : memref<10112x128xf32, #tpu.memory_space<vmem_shared>> -> memref<128x128xf32, #tpu.memory_space<vmem_shared>>
      %dma_start3A_78 = arith.constant 0 : i32
      %dma_start3A_79 = arith.constant 0 : i32
      %dma_start3A_80 = tpu.memref_slice %arg13[%dma_start3A_78, %dma_start3A_79] : memref<128x128xf32, #tpu.memory_space<vmem>> -> memref<128x128xf32, #tpu.memory_space<vmem>>
      %dma_start3A_81 = arith.constant 0 : i32
      %dma_start3A_82 = tpu.memref_slice %arg14[%add3A_59, %dma_start3A_81] : memref<10112x128xf32, #tpu.memory_space<vmem_shared>> -> memref<128x128xf32, #tpu.memory_space<vmem_shared>>
      tpu.enqueue_dma source(%dma_start3A_82 : memref<128x128xf32, #tpu.memory_space<vmem_shared>>) target(%dma_start3A_80 : memref<128x128xf32, #tpu.memory_space<vmem>>) target_semaphore(%run_scoped3A : memref<!tpu.dma_semaphore, #tpu.memory_space<semaphore_mem>>)
      %dma_wait3A_83 = arith.constant 0 : i32
      %dma_wait3A_84 = arith.constant 0 : i32
      %dma_wait3A_85 = tpu.memref_slice %arg13[%dma_wait3A_83, %dma_wait3A_84] : memref<128x128xf32, #tpu.memory_space<vmem>> -> memref<128x128xf32, #tpu.memory_space<vmem>>
      %dma_wait3A_86 = arith.constant 0 : i32
      %dma_wait3A_87 = tpu.memref_slice %arg14[%add3A_59, %dma_wait3A_86] : memref<10112x128xf32, #tpu.memory_space<vmem_shared>> -> memref<128x128xf32, #tpu.memory_space<vmem_shared>>
      %dma_wait3A_88 = arith.constant 0 : i32
      %dma_wait3A_89 = arith.constant 0 : i32
      %dma_wait3A_90 = tpu.memref_slice %arg13[%dma_wait3A_88, %dma_wait3A_89] : memref<128x128xf32, #tpu.memory_space<vmem>> -> memref<128x128xf32, #tpu.memory_space<vmem>>
      %dma_wait3A_91 = arith.constant 0 : i32
      %dma_wait3A_92 = tpu.memref_slice %arg14[%add3A_59, %dma_wait3A_91] : memref<10112x128xf32, #tpu.memory_space<vmem_shared>> -> memref<128x128xf32, #tpu.memory_space<vmem_shared>>
      tpu.wait_dma2 semaphore(%run_scoped3A : memref<!tpu.dma_semaphore, #tpu.memory_space<semaphore_mem>>) src(%dma_wait3A_92 : memref<128x128xf32, #tpu.memory_space<vmem_shared>>) dst(%dma_wait3A_90 : memref<128x128xf32, #tpu.memory_space<vmem>>)
      tpu.yield
    }) : () -> ()
    %add3A_60 = arith.constant 128 : i32
    %add3A_61 = arith.addi %add3A_53, %add3A_60 : i32
    "tpu.region"() ({
      %run_scoped3A = tpu.sem_alloc : memref<!tpu.dma_semaphore, #tpu.memory_space<semaphore_mem>>
      %dma_start3A = arith.constant 0 : i32
      %dma_start3A_74 = arith.constant 0 : i32
      %dma_start3A_75 = tpu.memref_slice %arg13[%dma_start3A, %dma_start3A_74] : memref<128x128xf32, #tpu.memory_space<vmem>> -> memref<128x128xf32, #tpu.memory_space<vmem>>
      %dma_start3A_76 = arith.constant 0 : i32
      %dma_start3A_77 = tpu.memref_slice %arg6[%add3A_61, %dma_start3A_76] : memref<20224x128xf32, #tpu.memory_space<hbm>> -> memref<128x128xf32, #tpu.memory_space<hbm>>
      %dma_start3A_78 = arith.constant 0 : i32
      %dma_start3A_79 = tpu.memref_slice %arg6[%add3A_61, %dma_start3A_78] : memref<20224x128xf32, #tpu.memory_space<hbm>> -> memref<128x128xf32, #tpu.memory_space<hbm>>
      %dma_start3A_80 = arith.constant 0 : i32
      %dma_start3A_81 = arith.constant 0 : i32
      %dma_start3A_82 = tpu.memref_slice %arg13[%dma_start3A_80, %dma_start3A_81] : memref<128x128xf32, #tpu.memory_space<vmem>> -> memref<128x128xf32, #tpu.memory_space<vmem>>
      tpu.enqueue_dma source(%dma_start3A_82 : memref<128x128xf32, #tpu.memory_space<vmem>>) target(%dma_start3A_79 : memref<128x128xf32, #tpu.memory_space<hbm>>) target_semaphore(%run_scoped3A : memref<!tpu.dma_semaphore, #tpu.memory_space<semaphore_mem>>)
      %dma_wait3A_83 = arith.constant 0 : i32
      %dma_wait3A_84 = arith.constant 0 : i32
      %dma_wait3A_85 = tpu.memref_slice %arg13[%dma_wait3A_83, %dma_wait3A_84] : memref<128x128xf32, #tpu.memory_space<vmem>> -> memref<128x128xf32, #tpu.memory_space<vmem>>
      %dma_wait3A_86 = arith.constant 0 : i32
      %dma_wait3A_87 = tpu.memref_slice %arg6[%add3A_61, %dma_wait3A_86] : memref<20224x128xf32, #tpu.memory_space<hbm>> -> memref<128x128xf32, #tpu.memory_space<hbm>>
      %dma_wait3A_88 = arith.constant 0 : i32
      %dma_wait3A_89 = tpu.memref_slice %arg6[%add3A_61, %dma_wait3A_88] : memref<20224x128xf32, #tpu.memory_space<hbm>> -> memref<128x128xf32, #tpu.memory_space<hbm>>
      %dma_wait3A_90 = arith.constant 0 : i32
      %dma_wait3A_91 = arith.constant 0 : i32
      %dma_wait3A_92 = tpu.memref_slice %arg13[%dma_wait3A_90, %dma_wait3A_91] : memref<128x128xf32, #tpu.memory_space<vmem>> -> memref<128x128xf32, #tpu.memory_space<vmem>>
      tpu.wait_dma2 semaphore(%run_scoped3A : memref<!tpu.dma_semaphore, #tpu.memory_space<semaphore_mem>>) src(%dma_wait3A_92 : memref<128x128xf32, #tpu.memory_space<vmem>>) dst(%dma_wait3A_89 : memref<128x128xf32, #tpu.memory_space<hbm>>)
      tpu.yield
    }) : () -> ()
    %add3A_62 = arith.constant 256 : i32
    %add3A_63 = arith.addi %mul3A_2, %add3A_62 : i32
    "tpu.region"() ({
      %run_scoped3A = tpu.sem_alloc : memref<!tpu.dma_semaphore, #tpu.memory_space<semaphore_mem>>
      %dma_start3A = arith.constant 0 : i32
      %dma_start3A_74 = arith.constant 0 : i32
      %dma_start3A_75 = tpu.memref_slice %arg13[%dma_start3A, %dma_start3A_74] : memref<128x128xf32, #tpu.memory_space<vmem>> -> memref<128x128xf32, #tpu.memory_space<vmem>>
      %dma_start3A_76 = arith.constant 0 : i32
      %dma_start3A_77 = tpu.memref_slice %arg14[%add3A_63, %dma_start3A_76] : memref<10112x128xf32, #tpu.memory_space<vmem_shared>> -> memref<128x128xf32, #tpu.memory_space<vmem_shared>>
      %dma_start3A_78 = arith.constant 0 : i32
      %dma_start3A_79 = arith.constant 0 : i32
      %dma_start3A_80 = tpu.memref_slice %arg13[%dma_start3A_78, %dma_start3A_79] : memref<128x128xf32, #tpu.memory_space<vmem>> -> memref<128x128xf32, #tpu.memory_space<vmem>>
      %dma_start3A_81 = arith.constant 0 : i32
      %dma_start3A_82 = tpu.memref_slice %arg14[%add3A_63, %dma_start3A_81] : memref<10112x128xf32, #tpu.memory_space<vmem_shared>> -> memref<128x128xf32, #tpu.memory_space<vmem_shared>>
      tpu.enqueue_dma source(%dma_start3A_82 : memref<128x128xf32, #tpu.memory_space<vmem_shared>>) target(%dma_start3A_80 : memref<128x128xf32, #tpu.memory_space<vmem>>) target_semaphore(%run_scoped3A : memref<!tpu.dma_semaphore, #tpu.memory_space<semaphore_mem>>)
      %dma_wait3A_83 = arith.constant 0 : i32
      %dma_wait3A_84 = arith.constant 0 : i32
      %dma_wait3A_85 = tpu.memref_slice %arg13[%dma_wait3A_83, %dma_wait3A_84] : memref<128x128xf32, #tpu.memory_space<vmem>> -> memref<128x128xf32, #tpu.memory_space<vmem>>
      %dma_wait3A_86 = arith.constant 0 : i32
      %dma_wait3A_87 = tpu.memref_slice %arg14[%add3A_63, %dma_wait3A_86] : memref<10112x128xf32, #tpu.memory_space<vmem_shared>> -> memref<128x128xf32, #tpu.memory_space<vmem_shared>>
      %dma_wait3A_88 = arith.constant 0 : i32
      %dma_wait3A_89 = arith.constant 0 : i32
      %dma_wait3A_90 = tpu.memref_slice %arg13[%dma_wait3A_88, %dma_wait3A_89] : memref<128x128xf32, #tpu.memory_space<vmem>> -> memref<128x128xf32, #tpu.memory_space<vmem>>
      %dma_wait3A_91 = arith.constant 0 : i32
      %dma_wait3A_92 = tpu.memref_slice %arg14[%add3A_63, %dma_wait3A_91] : memref<10112x128xf32, #tpu.memory_space<vmem_shared>> -> memref<128x128xf32, #tpu.memory_space<vmem_shared>>
      tpu.wait_dma2 semaphore(%run_scoped3A : memref<!tpu.dma_semaphore, #tpu.memory_space<semaphore_mem>>) src(%dma_wait3A_92 : memref<128x128xf32, #tpu.memory_space<vmem_shared>>) dst(%dma_wait3A_90 : memref<128x128xf32, #tpu.memory_space<vmem>>)
      tpu.yield
    }) : () -> ()
    %add3A_64 = arith.constant 256 : i32
    %add3A_65 = arith.addi %add3A_53, %add3A_64 : i32
    "tpu.region"() ({
      %run_scoped3A = tpu.sem_alloc : memref<!tpu.dma_semaphore, #tpu.memory_space<semaphore_mem>>
      %dma_start3A = arith.constant 0 : i32
      %dma_start3A_74 = arith.constant 0 : i32
      %dma_start3A_75 = tpu.memref_slice %arg13[%dma_start3A, %dma_start3A_74] : memref<128x128xf32, #tpu.memory_space<vmem>> -> memref<128x128xf32, #tpu.memory_space<vmem>>
      %dma_start3A_76 = arith.constant 0 : i32
      %dma_start3A_77 = tpu.memref_slice %arg6[%add3A_65, %dma_start3A_76] : memref<20224x128xf32, #tpu.memory_space<hbm>> -> memref<128x128xf32, #tpu.memory_space<hbm>>
      %dma_start3A_78 = arith.constant 0 : i32
      %dma_start3A_79 = tpu.memref_slice %arg6[%add3A_65, %dma_start3A_78] : memref<20224x128xf32, #tpu.memory_space<hbm>> -> memref<128x128xf32, #tpu.memory_space<hbm>>
      %dma_start3A_80 = arith.constant 0 : i32
      %dma_start3A_81 = arith.constant 0 : i32
      %dma_start3A_82 = tpu.memref_slice %arg13[%dma_start3A_80, %dma_start3A_81] : memref<128x128xf32, #tpu.memory_space<vmem>> -> memref<128x128xf32, #tpu.memory_space<vmem>>
      tpu.enqueue_dma source(%dma_start3A_82 : memref<128x128xf32, #tpu.memory_space<vmem>>) target(%dma_start3A_79 : memref<128x128xf32, #tpu.memory_space<hbm>>) target_semaphore(%run_scoped3A : memref<!tpu.dma_semaphore, #tpu.memory_space<semaphore_mem>>)
      %dma_wait3A_83 = arith.constant 0 : i32
      %dma_wait3A_84 = arith.constant 0 : i32
      %dma_wait3A_85 = tpu.memref_slice %arg13[%dma_wait3A_83, %dma_wait3A_84] : memref<128x128xf32, #tpu.memory_space<vmem>> -> memref<128x128xf32, #tpu.memory_space<vmem>>
      %dma_wait3A_86 = arith.constant 0 : i32
      %dma_wait3A_87 = tpu.memref_slice %arg6[%add3A_65, %dma_wait3A_86] : memref<20224x128xf32, #tpu.memory_space<hbm>> -> memref<128x128xf32, #tpu.memory_space<hbm>>
      %dma_wait3A_88 = arith.constant 0 : i32
      %dma_wait3A_89 = tpu.memref_slice %arg6[%add3A_65, %dma_wait3A_88] : memref<20224x128xf32, #tpu.memory_space<hbm>> -> memref<128x128xf32, #tpu.memory_space<hbm>>
      %dma_wait3A_90 = arith.constant 0 : i32
      %dma_wait3A_91 = arith.constant 0 : i32
      %dma_wait3A_92 = tpu.memref_slice %arg13[%dma_wait3A_90, %dma_wait3A_91] : memref<128x128xf32, #tpu.memory_space<vmem>> -> memref<128x128xf32, #tpu.memory_space<vmem>>
      tpu.wait_dma2 semaphore(%run_scoped3A : memref<!tpu.dma_semaphore, #tpu.memory_space<semaphore_mem>>) src(%dma_wait3A_92 : memref<128x128xf32, #tpu.memory_space<vmem>>) dst(%dma_wait3A_89 : memref<128x128xf32, #tpu.memory_space<hbm>>)
      tpu.yield
    }) : () -> ()
    %add3A_66 = arith.constant 384 : i32
    %add3A_67 = arith.addi %mul3A_2, %add3A_66 : i32
    "tpu.region"() ({
      %run_scoped3A = tpu.sem_alloc : memref<!tpu.dma_semaphore, #tpu.memory_space<semaphore_mem>>
      %dma_start3A = arith.constant 0 : i32
      %dma_start3A_74 = arith.constant 0 : i32
      %dma_start3A_75 = tpu.memref_slice %arg13[%dma_start3A, %dma_start3A_74] : memref<128x128xf32, #tpu.memory_space<vmem>> -> memref<128x128xf32, #tpu.memory_space<vmem>>
      %dma_start3A_76 = arith.constant 0 : i32
      %dma_start3A_77 = tpu.memref_slice %arg14[%add3A_67, %dma_start3A_76] : memref<10112x128xf32, #tpu.memory_space<vmem_shared>> -> memref<128x128xf32, #tpu.memory_space<vmem_shared>>
      %dma_start3A_78 = arith.constant 0 : i32
      %dma_start3A_79 = arith.constant 0 : i32
      %dma_start3A_80 = tpu.memref_slice %arg13[%dma_start3A_78, %dma_start3A_79] : memref<128x128xf32, #tpu.memory_space<vmem>> -> memref<128x128xf32, #tpu.memory_space<vmem>>
      %dma_start3A_81 = arith.constant 0 : i32
      %dma_start3A_82 = tpu.memref_slice %arg14[%add3A_67, %dma_start3A_81] : memref<10112x128xf32, #tpu.memory_space<vmem_shared>> -> memref<128x128xf32, #tpu.memory_space<vmem_shared>>
      tpu.enqueue_dma source(%dma_start3A_82 : memref<128x128xf32, #tpu.memory_space<vmem_shared>>) target(%dma_start3A_80 : memref<128x128xf32, #tpu.memory_space<vmem>>) target_semaphore(%run_scoped3A : memref<!tpu.dma_semaphore, #tpu.memory_space<semaphore_mem>>)
      %dma_wait3A_83 = arith.constant 0 : i32
      %dma_wait3A_84 = arith.constant 0 : i32
      %dma_wait3A_85 = tpu.memref_slice %arg13[%dma_wait3A_83, %dma_wait3A_84] : memref<128x128xf32, #tpu.memory_space<vmem>> -> memref<128x128xf32, #tpu.memory_space<vmem>>
      %dma_wait3A_86 = arith.constant 0 : i32
      %dma_wait3A_87 = tpu.memref_slice %arg14[%add3A_67, %dma_wait3A_86] : memref<10112x128xf32, #tpu.memory_space<vmem_shared>> -> memref<128x128xf32, #tpu.memory_space<vmem_shared>>
      %dma_wait3A_88 = arith.constant 0 : i32
      %dma_wait3A_89 = arith.constant 0 : i32
      %dma_wait3A_90 = tpu.memref_slice %arg13[%dma_wait3A_88, %dma_wait3A_89] : memref<128x128xf32, #tpu.memory_space<vmem>> -> memref<128x128xf32, #tpu.memory_space<vmem>>
      %dma_wait3A_91 = arith.constant 0 : i32
      %dma_wait3A_92 = tpu.memref_slice %arg14[%add3A_67, %dma_wait3A_91] : memref<10112x128xf32, #tpu.memory_space<vmem_shared>> -> memref<128x128xf32, #tpu.memory_space<vmem_shared>>
      tpu.wait_dma2 semaphore(%run_scoped3A : memref<!tpu.dma_semaphore, #tpu.memory_space<semaphore_mem>>) src(%dma_wait3A_92 : memref<128x128xf32, #tpu.memory_space<vmem_shared>>) dst(%dma_wait3A_90 : memref<128x128xf32, #tpu.memory_space<vmem>>)
      tpu.yield
    }) : () -> ()
    %add3A_68 = arith.constant 384 : i32
    %add3A_69 = arith.addi %add3A_53, %add3A_68 : i32
    "tpu.region"() ({
      %run_scoped3A = tpu.sem_alloc : memref<!tpu.dma_semaphore, #tpu.memory_space<semaphore_mem>>
      %dma_start3A = arith.constant 0 : i32
      %dma_start3A_74 = arith.constant 0 : i32
      %dma_start3A_75 = tpu.memref_slice %arg13[%dma_start3A, %dma_start3A_74] : memref<128x128xf32, #tpu.memory_space<vmem>> -> memref<128x128xf32, #tpu.memory_space<vmem>>
      %dma_start3A_76 = arith.constant 0 : i32
      %dma_start3A_77 = tpu.memref_slice %arg6[%add3A_69, %dma_start3A_76] : memref<20224x128xf32, #tpu.memory_space<hbm>> -> memref<128x128xf32, #tpu.memory_space<hbm>>
      %dma_start3A_78 = arith.constant 0 : i32
      %dma_start3A_79 = tpu.memref_slice %arg6[%add3A_69, %dma_start3A_78] : memref<20224x128xf32, #tpu.memory_space<hbm>> -> memref<128x128xf32, #tpu.memory_space<hbm>>
      %dma_start3A_80 = arith.constant 0 : i32
      %dma_start3A_81 = arith.constant 0 : i32
      %dma_start3A_82 = tpu.memref_slice %arg13[%dma_start3A_80, %dma_start3A_81] : memref<128x128xf32, #tpu.memory_space<vmem>> -> memref<128x128xf32, #tpu.memory_space<vmem>>
      tpu.enqueue_dma source(%dma_start3A_82 : memref<128x128xf32, #tpu.memory_space<vmem>>) target(%dma_start3A_79 : memref<128x128xf32, #tpu.memory_space<hbm>>) target_semaphore(%run_scoped3A : memref<!tpu.dma_semaphore, #tpu.memory_space<semaphore_mem>>)
      %dma_wait3A_83 = arith.constant 0 : i32
      %dma_wait3A_84 = arith.constant 0 : i32
      %dma_wait3A_85 = tpu.memref_slice %arg13[%dma_wait3A_83, %dma_wait3A_84] : memref<128x128xf32, #tpu.memory_space<vmem>> -> memref<128x128xf32, #tpu.memory_space<vmem>>
      %dma_wait3A_86 = arith.constant 0 : i32
      %dma_wait3A_87 = tpu.memref_slice %arg6[%add3A_69, %dma_wait3A_86] : memref<20224x128xf32, #tpu.memory_space<hbm>> -> memref<128x128xf32, #tpu.memory_space<hbm>>
      %dma_wait3A_88 = arith.constant 0 : i32
      %dma_wait3A_89 = tpu.memref_slice %arg6[%add3A_69, %dma_wait3A_88] : memref<20224x128xf32, #tpu.memory_space<hbm>> -> memref<128x128xf32, #tpu.memory_space<hbm>>
      %dma_wait3A_90 = arith.constant 0 : i32
      %dma_wait3A_91 = arith.constant 0 : i32
      %dma_wait3A_92 = tpu.memref_slice %arg13[%dma_wait3A_90, %dma_wait3A_91] : memref<128x128xf32, #tpu.memory_space<vmem>> -> memref<128x128xf32, #tpu.memory_space<vmem>>
      tpu.wait_dma2 semaphore(%run_scoped3A : memref<!tpu.dma_semaphore, #tpu.memory_space<semaphore_mem>>) src(%dma_wait3A_92 : memref<128x128xf32, #tpu.memory_space<vmem>>) dst(%dma_wait3A_89 : memref<128x128xf32, #tpu.memory_space<hbm>>)
      tpu.yield
    }) : () -> ()
    %add3A_70 = arith.constant 512 : i32
    %add3A_71 = arith.addi %mul3A_2, %add3A_70 : i32
    "tpu.region"() ({
      %run_scoped3A = tpu.sem_alloc : memref<!tpu.dma_semaphore, #tpu.memory_space<semaphore_mem>>
      %dma_start3A = arith.constant 0 : i32
      %dma_start3A_74 = arith.constant 0 : i32
      %dma_start3A_75 = tpu.memref_slice %arg13[%dma_start3A, %dma_start3A_74] : memref<128x128xf32, #tpu.memory_space<vmem>> -> memref<120x128xf32, #tpu.memory_space<vmem>>
      %dma_start3A_76 = arith.constant 0 : i32
      %dma_start3A_77 = tpu.memref_slice %arg14[%add3A_71, %dma_start3A_76] : memref<10112x128xf32, #tpu.memory_space<vmem_shared>> -> memref<120x128xf32, #tpu.memory_space<vmem_shared>>
      %dma_start3A_78 = arith.constant 0 : i32
      %dma_start3A_79 = arith.constant 0 : i32
      %dma_start3A_80 = tpu.memref_slice %arg13[%dma_start3A_78, %dma_start3A_79] : memref<128x128xf32, #tpu.memory_space<vmem>> -> memref<120x128xf32, #tpu.memory_space<vmem>>
      %dma_start3A_81 = arith.constant 0 : i32
      %dma_start3A_82 = tpu.memref_slice %arg14[%add3A_71, %dma_start3A_81] : memref<10112x128xf32, #tpu.memory_space<vmem_shared>> -> memref<120x128xf32, #tpu.memory_space<vmem_shared>>
      tpu.enqueue_dma source(%dma_start3A_82 : memref<120x128xf32, #tpu.memory_space<vmem_shared>>) target(%dma_start3A_80 : memref<120x128xf32, #tpu.memory_space<vmem>>) target_semaphore(%run_scoped3A : memref<!tpu.dma_semaphore, #tpu.memory_space<semaphore_mem>>)
      %dma_wait3A_83 = arith.constant 0 : i32
      %dma_wait3A_84 = arith.constant 0 : i32
      %dma_wait3A_85 = tpu.memref_slice %arg13[%dma_wait3A_83, %dma_wait3A_84] : memref<128x128xf32, #tpu.memory_space<vmem>> -> memref<120x128xf32, #tpu.memory_space<vmem>>
      %dma_wait3A_86 = arith.constant 0 : i32
      %dma_wait3A_87 = tpu.memref_slice %arg14[%add3A_71, %dma_wait3A_86] : memref<10112x128xf32, #tpu.memory_space<vmem_shared>> -> memref<120x128xf32, #tpu.memory_space<vmem_shared>>
      %dma_wait3A_88 = arith.constant 0 : i32
      %dma_wait3A_89 = arith.constant 0 : i32
      %dma_wait3A_90 = tpu.memref_slice %arg13[%dma_wait3A_88, %dma_wait3A_89] : memref<128x128xf32, #tpu.memory_space<vmem>> -> memref<120x128xf32, #tpu.memory_space<vmem>>
      %dma_wait3A_91 = arith.constant 0 : i32
      %dma_wait3A_92 = tpu.memref_slice %arg14[%add3A_71, %dma_wait3A_91] : memref<10112x128xf32, #tpu.memory_space<vmem_shared>> -> memref<120x128xf32, #tpu.memory_space<vmem_shared>>
      tpu.wait_dma2 semaphore(%run_scoped3A : memref<!tpu.dma_semaphore, #tpu.memory_space<semaphore_mem>>) src(%dma_wait3A_92 : memref<120x128xf32, #tpu.memory_space<vmem_shared>>) dst(%dma_wait3A_90 : memref<120x128xf32, #tpu.memory_space<vmem>>)
      tpu.yield
    }) : () -> ()
    %add3A_72 = arith.constant 512 : i32
    %add3A_73 = arith.addi %add3A_53, %add3A_72 : i32
    "tpu.region"() ({
      %run_scoped3A = tpu.sem_alloc : memref<!tpu.dma_semaphore, #tpu.memory_space<semaphore_mem>>
      %dma_start3A = arith.constant 0 : i32
      %dma_start3A_74 = arith.constant 0 : i32
      %dma_start3A_75 = tpu.memref_slice %arg13[%dma_start3A, %dma_start3A_74] : memref<128x128xf32, #tpu.memory_space<vmem>> -> memref<120x128xf32, #tpu.memory_space<vmem>>
      %dma_start3A_76 = arith.constant 0 : i32
      %dma_start3A_77 = tpu.memref_slice %arg6[%add3A_73, %dma_start3A_76] : memref<20224x128xf32, #tpu.memory_space<hbm>> -> memref<120x128xf32, #tpu.memory_space<hbm>>
      %dma_start3A_78 = arith.constant 0 : i32
      %dma_start3A_79 = tpu.memref_slice %arg6[%add3A_73, %dma_start3A_78] : memref<20224x128xf32, #tpu.memory_space<hbm>> -> memref<120x128xf32, #tpu.memory_space<hbm>>
      %dma_start3A_80 = arith.constant 0 : i32
      %dma_start3A_81 = arith.constant 0 : i32
      %dma_start3A_82 = tpu.memref_slice %arg13[%dma_start3A_80, %dma_start3A_81] : memref<128x128xf32, #tpu.memory_space<vmem>> -> memref<120x128xf32, #tpu.memory_space<vmem>>
      tpu.enqueue_dma source(%dma_start3A_82 : memref<120x128xf32, #tpu.memory_space<vmem>>) target(%dma_start3A_79 : memref<120x128xf32, #tpu.memory_space<hbm>>) target_semaphore(%run_scoped3A : memref<!tpu.dma_semaphore, #tpu.memory_space<semaphore_mem>>)
      %dma_wait3A_83 = arith.constant 0 : i32
      %dma_wait3A_84 = arith.constant 0 : i32
      %dma_wait3A_85 = tpu.memref_slice %arg13[%dma_wait3A_83, %dma_wait3A_84] : memref<128x128xf32, #tpu.memory_space<vmem>> -> memref<120x128xf32, #tpu.memory_space<vmem>>
      %dma_wait3A_86 = arith.constant 0 : i32
      %dma_wait3A_87 = tpu.memref_slice %arg6[%add3A_73, %dma_wait3A_86] : memref<20224x128xf32, #tpu.memory_space<hbm>> -> memref<120x128xf32, #tpu.memory_space<hbm>>
      %dma_wait3A_88 = arith.constant 0 : i32
      %dma_wait3A_89 = tpu.memref_slice %arg6[%add3A_73, %dma_wait3A_88] : memref<20224x128xf32, #tpu.memory_space<hbm>> -> memref<120x128xf32, #tpu.memory_space<hbm>>
      %dma_wait3A_90 = arith.constant 0 : i32
      %dma_wait3A_91 = arith.constant 0 : i32
      %dma_wait3A_92 = tpu.memref_slice %arg13[%dma_wait3A_90, %dma_wait3A_91] : memref<128x128xf32, #tpu.memory_space<vmem>> -> memref<120x128xf32, #tpu.memory_space<vmem>>
      tpu.wait_dma2 semaphore(%run_scoped3A : memref<!tpu.dma_semaphore, #tpu.memory_space<semaphore_mem>>) src(%dma_wait3A_92 : memref<120x128xf32, #tpu.memory_space<vmem>>) dst(%dma_wait3A_89 : memref<120x128xf32, #tpu.memory_space<hbm>>)
      tpu.yield
    }) : () -> ()
    return
  }
}

module attributes {stable_mosaic.version = 14 : i64} {
  func.func @_tc_in_body(%arg0: i32, %arg1: memref<1000x128xf32, #tpu.memory_space<vmem>>, %arg2: memref<128x128xf32, #tpu.memory_space<vmem>>, %arg3: memref<1x128xf32, #tpu.memory_space<vmem>>, %arg4: memref<1000x128xf32, #tpu.memory_space<vmem>>) attributes {dimension_semantics = [#tpu.dimension_semantics<arbitrary>], iteration_bounds = array<i64: 10>, scalar_prefetch = 0 : i64, scratch_operands = 0 : i64, tpu.core_type = #tpu.core_type<tc>, window_params = [{transform_indices = @transform_0, window_bounds = array<i64: 1000, 128>}, {pipeline_mode = #tpu.pipeline_mode<synchronous>, transform_indices = @transform_1, window_bounds = array<i64: 128, 128>}, {pipeline_mode = #tpu.pipeline_mode<synchronous>, transform_indices = @transform_2, window_bounds = array<i64: 1, 128>}, {transform_indices = @transform_3, window_bounds = array<i64: 1000, 128>}]} {
    %get3A = arith.constant 0 : index
    %get3A_0 = arith.constant 0 : index
    %get3A_1 = vector.load %arg1[%get3A, %get3A_0] : memref<1000x128xf32, #tpu.memory_space<vmem>>, vector<1000x128xf32>
    %get3A_2 = arith.constant 0 : index
    %get3A_3 = arith.constant 0 : index
    %get3A_4 = vector.load %arg2[%get3A_2, %get3A_3] : memref<128x128xf32, #tpu.memory_space<vmem>>, vector<128x128xf32>
    %dot_general3A = arith.constant dense<0.000000e+00> : vector<1000x128xf32>
    %dot_general3A_5 = tpu.matmul %get3A_1, %get3A_4, %dot_general3A {dimension_numbers = #tpu.dot_dimension_numbers<[1], [1], [0], [0], [0, 0, 1, 0], [], []>, precision = #tpu.contract_precision<fp32>, transpose_lhs_hint = false} : vector<1000x128xf32>, vector<128x128xf32>, vector<1000x128xf32> -> vector<1000x128xf32>
    %get3A_6 = arith.constant 0 : index
    %get3A_7 = arith.constant 0 : index
    %get3A_8 = vector.load %arg3[%get3A_6, %get3A_7] : memref<1x128xf32, #tpu.memory_space<vmem>>, vector<1x128xf32>
    %add3A = vector.broadcast %get3A_8 : vector<1x128xf32> to vector<1000x128xf32>
    %add3A_9 = arith.addf %dot_general3A_5, %add3A : vector<1000x128xf32>
    %bitcast_convert_type3A = tpu.bitcast %add3A_9 : vector<1000x128xf32> -> vector<1000x128xi32>
    %shift_right_arithmetic3A = arith.constant 31 : i32
    %shift_right_arithmetic3A_10 = vector.broadcast %shift_right_arithmetic3A : i32 to vector<1000x128xi32>
    %shift_right_arithmetic3A_11 = arith.shrsi %bitcast_convert_type3A, %shift_right_arithmetic3A_10 : vector<1000x128xi32>
    %and3A = arith.constant 2147483647 : i32
    %and3A_12 = vector.broadcast %and3A : i32 to vector<1000x128xi32>
    %and3A_13 = arith.andi %shift_right_arithmetic3A_11, %and3A_12 : vector<1000x128xi32>
    %xor3A = arith.xori %bitcast_convert_type3A, %and3A_13 : vector<1000x128xi32>
    %broadcast_in_dim3A = arith.constant 1.000000e+00 : f32
    %broadcast_in_dim3A_14 = vector.broadcast %broadcast_in_dim3A : f32 to vector<128x8xf32>
    %broadcast_in_dim3A_15 = arith.constant 0 : i32
    %broadcast_in_dim3A_16 = vector.broadcast %broadcast_in_dim3A_15 : i32 to vector<1000x1xi32>
    %or3A = arith.constant -2147483648 : i32
    %or3A_17 = vector.broadcast %or3A : i32 to vector<1000x1xi32>
    %or3A_18 = arith.ori %broadcast_in_dim3A_16, %or3A_17 : vector<1000x1xi32>
    %xor3A_19 = arith.constant -2147483648 : i32
    %xor3A_20 = vector.broadcast %xor3A_19 : i32 to vector<1000x1xi32>
    %xor3A_21 = arith.xori %or3A_18, %xor3A_20 : vector<1000x1xi32>
    %ge3A = vector.broadcast %xor3A_21 : vector<1000x1xi32> to vector<1000x128xi32>
    %ge3A_22 = arith.cmpi sge, %xor3A, %ge3A : vector<1000x128xi32>
    %convert_element_type3A = arith.extui %ge3A_22 : vector<1000x128xi1> to vector<1000x128xi32>
    %convert_element_type3A_23 = arith.sitofp %convert_element_type3A : vector<1000x128xi32> to vector<1000x128xf32>
    %dot_general3A_24 = arith.constant dense<0.000000e+00> : vector<1000x8xf32>
    %dot_general3A_25 = tpu.matmul %convert_element_type3A_23, %broadcast_in_dim3A_14, %dot_general3A_24 {dimension_numbers = #tpu.dot_dimension_numbers<[1], [0], [0], [1], [0, 0, 1, 1], [], []>, transpose_lhs_hint = false} : vector<1000x128xf32>, vector<128x8xf32>, vector<1000x8xf32> -> vector<1000x8xf32>
    %slice3A = vector.extract_strided_slice %dot_general3A_25 {offsets = [0, 0], sizes = [1000, 1], strides = [1, 1]} : vector<1000x8xf32> to vector<1000x1xf32>
    %ge3A_26 = arith.constant 3.200000e+01 : f32
    %ge3A_27 = vector.broadcast %ge3A_26 : f32 to vector<1000x1xf32>
    %ge3A_28 = arith.cmpf oge, %slice3A, %ge3A_27 : vector<1000x1xf32>
    %select_n3A = arith.select %ge3A_28, %or3A_18, %broadcast_in_dim3A_16 : vector<1000x1xi1>, vector<1000x1xi32>
    %or3A_29 = arith.constant 1073741824 : i32
    %or3A_30 = vector.broadcast %or3A_29 : i32 to vector<1000x1xi32>
    %or3A_31 = arith.ori %select_n3A, %or3A_30 : vector<1000x1xi32>
    %xor3A_32 = arith.constant -2147483648 : i32
    %xor3A_33 = vector.broadcast %xor3A_32 : i32 to vector<1000x1xi32>
    %xor3A_34 = arith.xori %or3A_31, %xor3A_33 : vector<1000x1xi32>
    %ge3A_35 = vector.broadcast %xor3A_34 : vector<1000x1xi32> to vector<1000x128xi32>
    %ge3A_36 = arith.cmpi sge, %xor3A, %ge3A_35 : vector<1000x128xi32>
    %convert_element_type3A_37 = arith.extui %ge3A_36 : vector<1000x128xi1> to vector<1000x128xi32>
    %convert_element_type3A_38 = arith.sitofp %convert_element_type3A_37 : vector<1000x128xi32> to vector<1000x128xf32>
    %dot_general3A_39 = arith.constant dense<0.000000e+00> : vector<1000x8xf32>
    %dot_general3A_40 = tpu.matmul %convert_element_type3A_38, %broadcast_in_dim3A_14, %dot_general3A_39 {dimension_numbers = #tpu.dot_dimension_numbers<[1], [0], [0], [1], [0, 0, 1, 1], [], []>, transpose_lhs_hint = false} : vector<1000x128xf32>, vector<128x8xf32>, vector<1000x8xf32> -> vector<1000x8xf32>
    %slice3A_41 = vector.extract_strided_slice %dot_general3A_40 {offsets = [0, 0], sizes = [1000, 1], strides = [1, 1]} : vector<1000x8xf32> to vector<1000x1xf32>
    %ge3A_42 = arith.constant 3.200000e+01 : f32
    %ge3A_43 = vector.broadcast %ge3A_42 : f32 to vector<1000x1xf32>
    %ge3A_44 = arith.cmpf oge, %slice3A_41, %ge3A_43 : vector<1000x1xf32>
    %select_n3A_45 = arith.select %ge3A_44, %or3A_31, %select_n3A : vector<1000x1xi1>, vector<1000x1xi32>
    %or3A_46 = arith.constant 536870912 : i32
    %or3A_47 = vector.broadcast %or3A_46 : i32 to vector<1000x1xi32>
    %or3A_48 = arith.ori %select_n3A_45, %or3A_47 : vector<1000x1xi32>
    %xor3A_49 = arith.constant -2147483648 : i32
    %xor3A_50 = vector.broadcast %xor3A_49 : i32 to vector<1000x1xi32>
    %xor3A_51 = arith.xori %or3A_48, %xor3A_50 : vector<1000x1xi32>
    %ge3A_52 = vector.broadcast %xor3A_51 : vector<1000x1xi32> to vector<1000x128xi32>
    %ge3A_53 = arith.cmpi sge, %xor3A, %ge3A_52 : vector<1000x128xi32>
    %convert_element_type3A_54 = arith.extui %ge3A_53 : vector<1000x128xi1> to vector<1000x128xi32>
    %convert_element_type3A_55 = arith.sitofp %convert_element_type3A_54 : vector<1000x128xi32> to vector<1000x128xf32>
    %dot_general3A_56 = arith.constant dense<0.000000e+00> : vector<1000x8xf32>
    %dot_general3A_57 = tpu.matmul %convert_element_type3A_55, %broadcast_in_dim3A_14, %dot_general3A_56 {dimension_numbers = #tpu.dot_dimension_numbers<[1], [0], [0], [1], [0, 0, 1, 1], [], []>, transpose_lhs_hint = false} : vector<1000x128xf32>, vector<128x8xf32>, vector<1000x8xf32> -> vector<1000x8xf32>
    %slice3A_58 = vector.extract_strided_slice %dot_general3A_57 {offsets = [0, 0], sizes = [1000, 1], strides = [1, 1]} : vector<1000x8xf32> to vector<1000x1xf32>
    %ge3A_59 = arith.constant 3.200000e+01 : f32
    %ge3A_60 = vector.broadcast %ge3A_59 : f32 to vector<1000x1xf32>
    %ge3A_61 = arith.cmpf oge, %slice3A_58, %ge3A_60 : vector<1000x1xf32>
    %select_n3A_62 = arith.select %ge3A_61, %or3A_48, %select_n3A_45 : vector<1000x1xi1>, vector<1000x1xi32>
    %or3A_63 = arith.constant 268435456 : i32
    %or3A_64 = vector.broadcast %or3A_63 : i32 to vector<1000x1xi32>
    %or3A_65 = arith.ori %select_n3A_62, %or3A_64 : vector<1000x1xi32>
    %xor3A_66 = arith.constant -2147483648 : i32
    %xor3A_67 = vector.broadcast %xor3A_66 : i32 to vector<1000x1xi32>
    %xor3A_68 = arith.xori %or3A_65, %xor3A_67 : vector<1000x1xi32>
    %ge3A_69 = vector.broadcast %xor3A_68 : vector<1000x1xi32> to vector<1000x128xi32>
    %ge3A_70 = arith.cmpi sge, %xor3A, %ge3A_69 : vector<1000x128xi32>
    %convert_element_type3A_71 = arith.extui %ge3A_70 : vector<1000x128xi1> to vector<1000x128xi32>
    %convert_element_type3A_72 = arith.sitofp %convert_element_type3A_71 : vector<1000x128xi32> to vector<1000x128xf32>
    %dot_general3A_73 = arith.constant dense<0.000000e+00> : vector<1000x8xf32>
    %dot_general3A_74 = tpu.matmul %convert_element_type3A_72, %broadcast_in_dim3A_14, %dot_general3A_73 {dimension_numbers = #tpu.dot_dimension_numbers<[1], [0], [0], [1], [0, 0, 1, 1], [], []>, transpose_lhs_hint = false} : vector<1000x128xf32>, vector<128x8xf32>, vector<1000x8xf32> -> vector<1000x8xf32>
    %slice3A_75 = vector.extract_strided_slice %dot_general3A_74 {offsets = [0, 0], sizes = [1000, 1], strides = [1, 1]} : vector<1000x8xf32> to vector<1000x1xf32>
    %ge3A_76 = arith.constant 3.200000e+01 : f32
    %ge3A_77 = vector.broadcast %ge3A_76 : f32 to vector<1000x1xf32>
    %ge3A_78 = arith.cmpf oge, %slice3A_75, %ge3A_77 : vector<1000x1xf32>
    %select_n3A_79 = arith.select %ge3A_78, %or3A_65, %select_n3A_62 : vector<1000x1xi1>, vector<1000x1xi32>
    %or3A_80 = arith.constant 134217728 : i32
    %or3A_81 = vector.broadcast %or3A_80 : i32 to vector<1000x1xi32>
    %or3A_82 = arith.ori %select_n3A_79, %or3A_81 : vector<1000x1xi32>
    %xor3A_83 = arith.constant -2147483648 : i32
    %xor3A_84 = vector.broadcast %xor3A_83 : i32 to vector<1000x1xi32>
    %xor3A_85 = arith.xori %or3A_82, %xor3A_84 : vector<1000x1xi32>
    %ge3A_86 = vector.broadcast %xor3A_85 : vector<1000x1xi32> to vector<1000x128xi32>
    %ge3A_87 = arith.cmpi sge, %xor3A, %ge3A_86 : vector<1000x128xi32>
    %convert_element_type3A_88 = arith.extui %ge3A_87 : vector<1000x128xi1> to vector<1000x128xi32>
    %convert_element_type3A_89 = arith.sitofp %convert_element_type3A_88 : vector<1000x128xi32> to vector<1000x128xf32>
    %dot_general3A_90 = arith.constant dense<0.000000e+00> : vector<1000x8xf32>
    %dot_general3A_91 = tpu.matmul %convert_element_type3A_89, %broadcast_in_dim3A_14, %dot_general3A_90 {dimension_numbers = #tpu.dot_dimension_numbers<[1], [0], [0], [1], [0, 0, 1, 1], [], []>, transpose_lhs_hint = false} : vector<1000x128xf32>, vector<128x8xf32>, vector<1000x8xf32> -> vector<1000x8xf32>
    %slice3A_92 = vector.extract_strided_slice %dot_general3A_91 {offsets = [0, 0], sizes = [1000, 1], strides = [1, 1]} : vector<1000x8xf32> to vector<1000x1xf32>
    %ge3A_93 = arith.constant 3.200000e+01 : f32
    %ge3A_94 = vector.broadcast %ge3A_93 : f32 to vector<1000x1xf32>
    %ge3A_95 = arith.cmpf oge, %slice3A_92, %ge3A_94 : vector<1000x1xf32>
    %select_n3A_96 = arith.select %ge3A_95, %or3A_82, %select_n3A_79 : vector<1000x1xi1>, vector<1000x1xi32>
    %or3A_97 = arith.constant 67108864 : i32
    %or3A_98 = vector.broadcast %or3A_97 : i32 to vector<1000x1xi32>
    %or3A_99 = arith.ori %select_n3A_96, %or3A_98 : vector<1000x1xi32>
    %xor3A_100 = arith.constant -2147483648 : i32
    %xor3A_101 = vector.broadcast %xor3A_100 : i32 to vector<1000x1xi32>
    %xor3A_102 = arith.xori %or3A_99, %xor3A_101 : vector<1000x1xi32>
    %ge3A_103 = vector.broadcast %xor3A_102 : vector<1000x1xi32> to vector<1000x128xi32>
    %ge3A_104 = arith.cmpi sge, %xor3A, %ge3A_103 : vector<1000x128xi32>
    %convert_element_type3A_105 = arith.extui %ge3A_104 : vector<1000x128xi1> to vector<1000x128xi32>
    %convert_element_type3A_106 = arith.sitofp %convert_element_type3A_105 : vector<1000x128xi32> to vector<1000x128xf32>
    %dot_general3A_107 = arith.constant dense<0.000000e+00> : vector<1000x8xf32>
    %dot_general3A_108 = tpu.matmul %convert_element_type3A_106, %broadcast_in_dim3A_14, %dot_general3A_107 {dimension_numbers = #tpu.dot_dimension_numbers<[1], [0], [0], [1], [0, 0, 1, 1], [], []>, transpose_lhs_hint = false} : vector<1000x128xf32>, vector<128x8xf32>, vector<1000x8xf32> -> vector<1000x8xf32>
    %slice3A_109 = vector.extract_strided_slice %dot_general3A_108 {offsets = [0, 0], sizes = [1000, 1], strides = [1, 1]} : vector<1000x8xf32> to vector<1000x1xf32>
    %ge3A_110 = arith.constant 3.200000e+01 : f32
    %ge3A_111 = vector.broadcast %ge3A_110 : f32 to vector<1000x1xf32>
    %ge3A_112 = arith.cmpf oge, %slice3A_109, %ge3A_111 : vector<1000x1xf32>
    %select_n3A_113 = arith.select %ge3A_112, %or3A_99, %select_n3A_96 : vector<1000x1xi1>, vector<1000x1xi32>
    %or3A_114 = arith.constant 33554432 : i32
    %or3A_115 = vector.broadcast %or3A_114 : i32 to vector<1000x1xi32>
    %or3A_116 = arith.ori %select_n3A_113, %or3A_115 : vector<1000x1xi32>
    %xor3A_117 = arith.constant -2147483648 : i32
    %xor3A_118 = vector.broadcast %xor3A_117 : i32 to vector<1000x1xi32>
    %xor3A_119 = arith.xori %or3A_116, %xor3A_118 : vector<1000x1xi32>
    %ge3A_120 = vector.broadcast %xor3A_119 : vector<1000x1xi32> to vector<1000x128xi32>
    %ge3A_121 = arith.cmpi sge, %xor3A, %ge3A_120 : vector<1000x128xi32>
    %convert_element_type3A_122 = arith.extui %ge3A_121 : vector<1000x128xi1> to vector<1000x128xi32>
    %convert_element_type3A_123 = arith.sitofp %convert_element_type3A_122 : vector<1000x128xi32> to vector<1000x128xf32>
    %dot_general3A_124 = arith.constant dense<0.000000e+00> : vector<1000x8xf32>
    %dot_general3A_125 = tpu.matmul %convert_element_type3A_123, %broadcast_in_dim3A_14, %dot_general3A_124 {dimension_numbers = #tpu.dot_dimension_numbers<[1], [0], [0], [1], [0, 0, 1, 1], [], []>, transpose_lhs_hint = false} : vector<1000x128xf32>, vector<128x8xf32>, vector<1000x8xf32> -> vector<1000x8xf32>
    %slice3A_126 = vector.extract_strided_slice %dot_general3A_125 {offsets = [0, 0], sizes = [1000, 1], strides = [1, 1]} : vector<1000x8xf32> to vector<1000x1xf32>
    %ge3A_127 = arith.constant 3.200000e+01 : f32
    %ge3A_128 = vector.broadcast %ge3A_127 : f32 to vector<1000x1xf32>
    %ge3A_129 = arith.cmpf oge, %slice3A_126, %ge3A_128 : vector<1000x1xf32>
    %select_n3A_130 = arith.select %ge3A_129, %or3A_116, %select_n3A_113 : vector<1000x1xi1>, vector<1000x1xi32>
    %or3A_131 = arith.constant 16777216 : i32
    %or3A_132 = vector.broadcast %or3A_131 : i32 to vector<1000x1xi32>
    %or3A_133 = arith.ori %select_n3A_130, %or3A_132 : vector<1000x1xi32>
    %xor3A_134 = arith.constant -2147483648 : i32
    %xor3A_135 = vector.broadcast %xor3A_134 : i32 to vector<1000x1xi32>
    %xor3A_136 = arith.xori %or3A_133, %xor3A_135 : vector<1000x1xi32>
    %ge3A_137 = vector.broadcast %xor3A_136 : vector<1000x1xi32> to vector<1000x128xi32>
    %ge3A_138 = arith.cmpi sge, %xor3A, %ge3A_137 : vector<1000x128xi32>
    %convert_element_type3A_139 = arith.extui %ge3A_138 : vector<1000x128xi1> to vector<1000x128xi32>
    %convert_element_type3A_140 = arith.sitofp %convert_element_type3A_139 : vector<1000x128xi32> to vector<1000x128xf32>
    %dot_general3A_141 = arith.constant dense<0.000000e+00> : vector<1000x8xf32>
    %dot_general3A_142 = tpu.matmul %convert_element_type3A_140, %broadcast_in_dim3A_14, %dot_general3A_141 {dimension_numbers = #tpu.dot_dimension_numbers<[1], [0], [0], [1], [0, 0, 1, 1], [], []>, transpose_lhs_hint = false} : vector<1000x128xf32>, vector<128x8xf32>, vector<1000x8xf32> -> vector<1000x8xf32>
    %slice3A_143 = vector.extract_strided_slice %dot_general3A_142 {offsets = [0, 0], sizes = [1000, 1], strides = [1, 1]} : vector<1000x8xf32> to vector<1000x1xf32>
    %ge3A_144 = arith.constant 3.200000e+01 : f32
    %ge3A_145 = vector.broadcast %ge3A_144 : f32 to vector<1000x1xf32>
    %ge3A_146 = arith.cmpf oge, %slice3A_143, %ge3A_145 : vector<1000x1xf32>
    %select_n3A_147 = arith.select %ge3A_146, %or3A_133, %select_n3A_130 : vector<1000x1xi1>, vector<1000x1xi32>
    %or3A_148 = arith.constant 8388608 : i32
    %or3A_149 = vector.broadcast %or3A_148 : i32 to vector<1000x1xi32>
    %or3A_150 = arith.ori %select_n3A_147, %or3A_149 : vector<1000x1xi32>
    %xor3A_151 = arith.constant -2147483648 : i32
    %xor3A_152 = vector.broadcast %xor3A_151 : i32 to vector<1000x1xi32>
    %xor3A_153 = arith.xori %or3A_150, %xor3A_152 : vector<1000x1xi32>
    %ge3A_154 = vector.broadcast %xor3A_153 : vector<1000x1xi32> to vector<1000x128xi32>
    %ge3A_155 = arith.cmpi sge, %xor3A, %ge3A_154 : vector<1000x128xi32>
    %convert_element_type3A_156 = arith.extui %ge3A_155 : vector<1000x128xi1> to vector<1000x128xi32>
    %convert_element_type3A_157 = arith.sitofp %convert_element_type3A_156 : vector<1000x128xi32> to vector<1000x128xf32>
    %dot_general3A_158 = arith.constant dense<0.000000e+00> : vector<1000x8xf32>
    %dot_general3A_159 = tpu.matmul %convert_element_type3A_157, %broadcast_in_dim3A_14, %dot_general3A_158 {dimension_numbers = #tpu.dot_dimension_numbers<[1], [0], [0], [1], [0, 0, 1, 1], [], []>, transpose_lhs_hint = false} : vector<1000x128xf32>, vector<128x8xf32>, vector<1000x8xf32> -> vector<1000x8xf32>
    %slice3A_160 = vector.extract_strided_slice %dot_general3A_159 {offsets = [0, 0], sizes = [1000, 1], strides = [1, 1]} : vector<1000x8xf32> to vector<1000x1xf32>
    %ge3A_161 = arith.constant 3.200000e+01 : f32
    %ge3A_162 = vector.broadcast %ge3A_161 : f32 to vector<1000x1xf32>
    %ge3A_163 = arith.cmpf oge, %slice3A_160, %ge3A_162 : vector<1000x1xf32>
    %select_n3A_164 = arith.select %ge3A_163, %or3A_150, %select_n3A_147 : vector<1000x1xi1>, vector<1000x1xi32>
    %or3A_165 = arith.constant 4194304 : i32
    %or3A_166 = vector.broadcast %or3A_165 : i32 to vector<1000x1xi32>
    %or3A_167 = arith.ori %select_n3A_164, %or3A_166 : vector<1000x1xi32>
    %xor3A_168 = arith.constant -2147483648 : i32
    %xor3A_169 = vector.broadcast %xor3A_168 : i32 to vector<1000x1xi32>
    %xor3A_170 = arith.xori %or3A_167, %xor3A_169 : vector<1000x1xi32>
    %ge3A_171 = vector.broadcast %xor3A_170 : vector<1000x1xi32> to vector<1000x128xi32>
    %ge3A_172 = arith.cmpi sge, %xor3A, %ge3A_171 : vector<1000x128xi32>
    %convert_element_type3A_173 = arith.extui %ge3A_172 : vector<1000x128xi1> to vector<1000x128xi32>
    %convert_element_type3A_174 = arith.sitofp %convert_element_type3A_173 : vector<1000x128xi32> to vector<1000x128xf32>
    %dot_general3A_175 = arith.constant dense<0.000000e+00> : vector<1000x8xf32>
    %dot_general3A_176 = tpu.matmul %convert_element_type3A_174, %broadcast_in_dim3A_14, %dot_general3A_175 {dimension_numbers = #tpu.dot_dimension_numbers<[1], [0], [0], [1], [0, 0, 1, 1], [], []>, transpose_lhs_hint = false} : vector<1000x128xf32>, vector<128x8xf32>, vector<1000x8xf32> -> vector<1000x8xf32>
    %slice3A_177 = vector.extract_strided_slice %dot_general3A_176 {offsets = [0, 0], sizes = [1000, 1], strides = [1, 1]} : vector<1000x8xf32> to vector<1000x1xf32>
    %ge3A_178 = arith.constant 3.200000e+01 : f32
    %ge3A_179 = vector.broadcast %ge3A_178 : f32 to vector<1000x1xf32>
    %ge3A_180 = arith.cmpf oge, %slice3A_177, %ge3A_179 : vector<1000x1xf32>
    %select_n3A_181 = arith.select %ge3A_180, %or3A_167, %select_n3A_164 : vector<1000x1xi1>, vector<1000x1xi32>
    %or3A_182 = arith.constant 2097152 : i32
    %or3A_183 = vector.broadcast %or3A_182 : i32 to vector<1000x1xi32>
    %or3A_184 = arith.ori %select_n3A_181, %or3A_183 : vector<1000x1xi32>
    %xor3A_185 = arith.constant -2147483648 : i32
    %xor3A_186 = vector.broadcast %xor3A_185 : i32 to vector<1000x1xi32>
    %xor3A_187 = arith.xori %or3A_184, %xor3A_186 : vector<1000x1xi32>
    %ge3A_188 = vector.broadcast %xor3A_187 : vector<1000x1xi32> to vector<1000x128xi32>
    %ge3A_189 = arith.cmpi sge, %xor3A, %ge3A_188 : vector<1000x128xi32>
    %convert_element_type3A_190 = arith.extui %ge3A_189 : vector<1000x128xi1> to vector<1000x128xi32>
    %convert_element_type3A_191 = arith.sitofp %convert_element_type3A_190 : vector<1000x128xi32> to vector<1000x128xf32>
    %dot_general3A_192 = arith.constant dense<0.000000e+00> : vector<1000x8xf32>
    %dot_general3A_193 = tpu.matmul %convert_element_type3A_191, %broadcast_in_dim3A_14, %dot_general3A_192 {dimension_numbers = #tpu.dot_dimension_numbers<[1], [0], [0], [1], [0, 0, 1, 1], [], []>, transpose_lhs_hint = false} : vector<1000x128xf32>, vector<128x8xf32>, vector<1000x8xf32> -> vector<1000x8xf32>
    %slice3A_194 = vector.extract_strided_slice %dot_general3A_193 {offsets = [0, 0], sizes = [1000, 1], strides = [1, 1]} : vector<1000x8xf32> to vector<1000x1xf32>
    %ge3A_195 = arith.constant 3.200000e+01 : f32
    %ge3A_196 = vector.broadcast %ge3A_195 : f32 to vector<1000x1xf32>
    %ge3A_197 = arith.cmpf oge, %slice3A_194, %ge3A_196 : vector<1000x1xf32>
    %select_n3A_198 = arith.select %ge3A_197, %or3A_184, %select_n3A_181 : vector<1000x1xi1>, vector<1000x1xi32>
    %or3A_199 = arith.constant 1048576 : i32
    %or3A_200 = vector.broadcast %or3A_199 : i32 to vector<1000x1xi32>
    %or3A_201 = arith.ori %select_n3A_198, %or3A_200 : vector<1000x1xi32>
    %xor3A_202 = arith.constant -2147483648 : i32
    %xor3A_203 = vector.broadcast %xor3A_202 : i32 to vector<1000x1xi32>
    %xor3A_204 = arith.xori %or3A_201, %xor3A_203 : vector<1000x1xi32>
    %ge3A_205 = vector.broadcast %xor3A_204 : vector<1000x1xi32> to vector<1000x128xi32>
    %ge3A_206 = arith.cmpi sge, %xor3A, %ge3A_205 : vector<1000x128xi32>
    %convert_element_type3A_207 = arith.extui %ge3A_206 : vector<1000x128xi1> to vector<1000x128xi32>
    %convert_element_type3A_208 = arith.sitofp %convert_element_type3A_207 : vector<1000x128xi32> to vector<1000x128xf32>
    %dot_general3A_209 = arith.constant dense<0.000000e+00> : vector<1000x8xf32>
    %dot_general3A_210 = tpu.matmul %convert_element_type3A_208, %broadcast_in_dim3A_14, %dot_general3A_209 {dimension_numbers = #tpu.dot_dimension_numbers<[1], [0], [0], [1], [0, 0, 1, 1], [], []>, transpose_lhs_hint = false} : vector<1000x128xf32>, vector<128x8xf32>, vector<1000x8xf32> -> vector<1000x8xf32>
    %slice3A_211 = vector.extract_strided_slice %dot_general3A_210 {offsets = [0, 0], sizes = [1000, 1], strides = [1, 1]} : vector<1000x8xf32> to vector<1000x1xf32>
    %ge3A_212 = arith.constant 3.200000e+01 : f32
    %ge3A_213 = vector.broadcast %ge3A_212 : f32 to vector<1000x1xf32>
    %ge3A_214 = arith.cmpf oge, %slice3A_211, %ge3A_213 : vector<1000x1xf32>
    %select_n3A_215 = arith.select %ge3A_214, %or3A_201, %select_n3A_198 : vector<1000x1xi1>, vector<1000x1xi32>
    %or3A_216 = arith.constant 524288 : i32
    %or3A_217 = vector.broadcast %or3A_216 : i32 to vector<1000x1xi32>
    %or3A_218 = arith.ori %select_n3A_215, %or3A_217 : vector<1000x1xi32>
    %xor3A_219 = arith.constant -2147483648 : i32
    %xor3A_220 = vector.broadcast %xor3A_219 : i32 to vector<1000x1xi32>
    %xor3A_221 = arith.xori %or3A_218, %xor3A_220 : vector<1000x1xi32>
    %ge3A_222 = vector.broadcast %xor3A_221 : vector<1000x1xi32> to vector<1000x128xi32>
    %ge3A_223 = arith.cmpi sge, %xor3A, %ge3A_222 : vector<1000x128xi32>
    %convert_element_type3A_224 = arith.extui %ge3A_223 : vector<1000x128xi1> to vector<1000x128xi32>
    %convert_element_type3A_225 = arith.sitofp %convert_element_type3A_224 : vector<1000x128xi32> to vector<1000x128xf32>
    %dot_general3A_226 = arith.constant dense<0.000000e+00> : vector<1000x8xf32>
    %dot_general3A_227 = tpu.matmul %convert_element_type3A_225, %broadcast_in_dim3A_14, %dot_general3A_226 {dimension_numbers = #tpu.dot_dimension_numbers<[1], [0], [0], [1], [0, 0, 1, 1], [], []>, transpose_lhs_hint = false} : vector<1000x128xf32>, vector<128x8xf32>, vector<1000x8xf32> -> vector<1000x8xf32>
    %slice3A_228 = vector.extract_strided_slice %dot_general3A_227 {offsets = [0, 0], sizes = [1000, 1], strides = [1, 1]} : vector<1000x8xf32> to vector<1000x1xf32>
    %ge3A_229 = arith.constant 3.200000e+01 : f32
    %ge3A_230 = vector.broadcast %ge3A_229 : f32 to vector<1000x1xf32>
    %ge3A_231 = arith.cmpf oge, %slice3A_228, %ge3A_230 : vector<1000x1xf32>
    %select_n3A_232 = arith.select %ge3A_231, %or3A_218, %select_n3A_215 : vector<1000x1xi1>, vector<1000x1xi32>
    %or3A_233 = arith.constant 262144 : i32
    %or3A_234 = vector.broadcast %or3A_233 : i32 to vector<1000x1xi32>
    %or3A_235 = arith.ori %select_n3A_232, %or3A_234 : vector<1000x1xi32>
    %xor3A_236 = arith.constant -2147483648 : i32
    %xor3A_237 = vector.broadcast %xor3A_236 : i32 to vector<1000x1xi32>
    %xor3A_238 = arith.xori %or3A_235, %xor3A_237 : vector<1000x1xi32>
    %ge3A_239 = vector.broadcast %xor3A_238 : vector<1000x1xi32> to vector<1000x128xi32>
    %ge3A_240 = arith.cmpi sge, %xor3A, %ge3A_239 : vector<1000x128xi32>
    %convert_element_type3A_241 = arith.extui %ge3A_240 : vector<1000x128xi1> to vector<1000x128xi32>
    %convert_element_type3A_242 = arith.sitofp %convert_element_type3A_241 : vector<1000x128xi32> to vector<1000x128xf32>
    %dot_general3A_243 = arith.constant dense<0.000000e+00> : vector<1000x8xf32>
    %dot_general3A_244 = tpu.matmul %convert_element_type3A_242, %broadcast_in_dim3A_14, %dot_general3A_243 {dimension_numbers = #tpu.dot_dimension_numbers<[1], [0], [0], [1], [0, 0, 1, 1], [], []>, transpose_lhs_hint = false} : vector<1000x128xf32>, vector<128x8xf32>, vector<1000x8xf32> -> vector<1000x8xf32>
    %slice3A_245 = vector.extract_strided_slice %dot_general3A_244 {offsets = [0, 0], sizes = [1000, 1], strides = [1, 1]} : vector<1000x8xf32> to vector<1000x1xf32>
    %ge3A_246 = arith.constant 3.200000e+01 : f32
    %ge3A_247 = vector.broadcast %ge3A_246 : f32 to vector<1000x1xf32>
    %ge3A_248 = arith.cmpf oge, %slice3A_245, %ge3A_247 : vector<1000x1xf32>
    %select_n3A_249 = arith.select %ge3A_248, %or3A_235, %select_n3A_232 : vector<1000x1xi1>, vector<1000x1xi32>
    %or3A_250 = arith.constant 131072 : i32
    %or3A_251 = vector.broadcast %or3A_250 : i32 to vector<1000x1xi32>
    %or3A_252 = arith.ori %select_n3A_249, %or3A_251 : vector<1000x1xi32>
    %xor3A_253 = arith.constant -2147483648 : i32
    %xor3A_254 = vector.broadcast %xor3A_253 : i32 to vector<1000x1xi32>
    %xor3A_255 = arith.xori %or3A_252, %xor3A_254 : vector<1000x1xi32>
    %ge3A_256 = vector.broadcast %xor3A_255 : vector<1000x1xi32> to vector<1000x128xi32>
    %ge3A_257 = arith.cmpi sge, %xor3A, %ge3A_256 : vector<1000x128xi32>
    %convert_element_type3A_258 = arith.extui %ge3A_257 : vector<1000x128xi1> to vector<1000x128xi32>
    %convert_element_type3A_259 = arith.sitofp %convert_element_type3A_258 : vector<1000x128xi32> to vector<1000x128xf32>
    %dot_general3A_260 = arith.constant dense<0.000000e+00> : vector<1000x8xf32>
    %dot_general3A_261 = tpu.matmul %convert_element_type3A_259, %broadcast_in_dim3A_14, %dot_general3A_260 {dimension_numbers = #tpu.dot_dimension_numbers<[1], [0], [0], [1], [0, 0, 1, 1], [], []>, transpose_lhs_hint = false} : vector<1000x128xf32>, vector<128x8xf32>, vector<1000x8xf32> -> vector<1000x8xf32>
    %slice3A_262 = vector.extract_strided_slice %dot_general3A_261 {offsets = [0, 0], sizes = [1000, 1], strides = [1, 1]} : vector<1000x8xf32> to vector<1000x1xf32>
    %ge3A_263 = arith.constant 3.200000e+01 : f32
    %ge3A_264 = vector.broadcast %ge3A_263 : f32 to vector<1000x1xf32>
    %ge3A_265 = arith.cmpf oge, %slice3A_262, %ge3A_264 : vector<1000x1xf32>
    %select_n3A_266 = arith.select %ge3A_265, %or3A_252, %select_n3A_249 : vector<1000x1xi1>, vector<1000x1xi32>
    %or3A_267 = arith.constant 65536 : i32
    %or3A_268 = vector.broadcast %or3A_267 : i32 to vector<1000x1xi32>
    %or3A_269 = arith.ori %select_n3A_266, %or3A_268 : vector<1000x1xi32>
    %xor3A_270 = arith.constant -2147483648 : i32
    %xor3A_271 = vector.broadcast %xor3A_270 : i32 to vector<1000x1xi32>
    %xor3A_272 = arith.xori %or3A_269, %xor3A_271 : vector<1000x1xi32>
    %ge3A_273 = vector.broadcast %xor3A_272 : vector<1000x1xi32> to vector<1000x128xi32>
    %ge3A_274 = arith.cmpi sge, %xor3A, %ge3A_273 : vector<1000x128xi32>
    %convert_element_type3A_275 = arith.extui %ge3A_274 : vector<1000x128xi1> to vector<1000x128xi32>
    %convert_element_type3A_276 = arith.sitofp %convert_element_type3A_275 : vector<1000x128xi32> to vector<1000x128xf32>
    %dot_general3A_277 = arith.constant dense<0.000000e+00> : vector<1000x8xf32>
    %dot_general3A_278 = tpu.matmul %convert_element_type3A_276, %broadcast_in_dim3A_14, %dot_general3A_277 {dimension_numbers = #tpu.dot_dimension_numbers<[1], [0], [0], [1], [0, 0, 1, 1], [], []>, transpose_lhs_hint = false} : vector<1000x128xf32>, vector<128x8xf32>, vector<1000x8xf32> -> vector<1000x8xf32>
    %slice3A_279 = vector.extract_strided_slice %dot_general3A_278 {offsets = [0, 0], sizes = [1000, 1], strides = [1, 1]} : vector<1000x8xf32> to vector<1000x1xf32>
    %ge3A_280 = arith.constant 3.200000e+01 : f32
    %ge3A_281 = vector.broadcast %ge3A_280 : f32 to vector<1000x1xf32>
    %ge3A_282 = arith.cmpf oge, %slice3A_279, %ge3A_281 : vector<1000x1xf32>
    %select_n3A_283 = arith.select %ge3A_282, %or3A_269, %select_n3A_266 : vector<1000x1xi1>, vector<1000x1xi32>
    %or3A_284 = arith.constant 32768 : i32
    %or3A_285 = vector.broadcast %or3A_284 : i32 to vector<1000x1xi32>
    %or3A_286 = arith.ori %select_n3A_283, %or3A_285 : vector<1000x1xi32>
    %xor3A_287 = arith.constant -2147483648 : i32
    %xor3A_288 = vector.broadcast %xor3A_287 : i32 to vector<1000x1xi32>
    %xor3A_289 = arith.xori %or3A_286, %xor3A_288 : vector<1000x1xi32>
    %ge3A_290 = vector.broadcast %xor3A_289 : vector<1000x1xi32> to vector<1000x128xi32>
    %ge3A_291 = arith.cmpi sge, %xor3A, %ge3A_290 : vector<1000x128xi32>
    %convert_element_type3A_292 = arith.extui %ge3A_291 : vector<1000x128xi1> to vector<1000x128xi32>
    %convert_element_type3A_293 = arith.sitofp %convert_element_type3A_292 : vector<1000x128xi32> to vector<1000x128xf32>
    %dot_general3A_294 = arith.constant dense<0.000000e+00> : vector<1000x8xf32>
    %dot_general3A_295 = tpu.matmul %convert_element_type3A_293, %broadcast_in_dim3A_14, %dot_general3A_294 {dimension_numbers = #tpu.dot_dimension_numbers<[1], [0], [0], [1], [0, 0, 1, 1], [], []>, transpose_lhs_hint = false} : vector<1000x128xf32>, vector<128x8xf32>, vector<1000x8xf32> -> vector<1000x8xf32>
    %slice3A_296 = vector.extract_strided_slice %dot_general3A_295 {offsets = [0, 0], sizes = [1000, 1], strides = [1, 1]} : vector<1000x8xf32> to vector<1000x1xf32>
    %ge3A_297 = arith.constant 3.200000e+01 : f32
    %ge3A_298 = vector.broadcast %ge3A_297 : f32 to vector<1000x1xf32>
    %ge3A_299 = arith.cmpf oge, %slice3A_296, %ge3A_298 : vector<1000x1xf32>
    %select_n3A_300 = arith.select %ge3A_299, %or3A_286, %select_n3A_283 : vector<1000x1xi1>, vector<1000x1xi32>
    %or3A_301 = arith.constant 16384 : i32
    %or3A_302 = vector.broadcast %or3A_301 : i32 to vector<1000x1xi32>
    %or3A_303 = arith.ori %select_n3A_300, %or3A_302 : vector<1000x1xi32>
    %xor3A_304 = arith.constant -2147483648 : i32
    %xor3A_305 = vector.broadcast %xor3A_304 : i32 to vector<1000x1xi32>
    %xor3A_306 = arith.xori %or3A_303, %xor3A_305 : vector<1000x1xi32>
    %ge3A_307 = vector.broadcast %xor3A_306 : vector<1000x1xi32> to vector<1000x128xi32>
    %ge3A_308 = arith.cmpi sge, %xor3A, %ge3A_307 : vector<1000x128xi32>
    %convert_element_type3A_309 = arith.extui %ge3A_308 : vector<1000x128xi1> to vector<1000x128xi32>
    %convert_element_type3A_310 = arith.sitofp %convert_element_type3A_309 : vector<1000x128xi32> to vector<1000x128xf32>
    %dot_general3A_311 = arith.constant dense<0.000000e+00> : vector<1000x8xf32>
    %dot_general3A_312 = tpu.matmul %convert_element_type3A_310, %broadcast_in_dim3A_14, %dot_general3A_311 {dimension_numbers = #tpu.dot_dimension_numbers<[1], [0], [0], [1], [0, 0, 1, 1], [], []>, transpose_lhs_hint = false} : vector<1000x128xf32>, vector<128x8xf32>, vector<1000x8xf32> -> vector<1000x8xf32>
    %slice3A_313 = vector.extract_strided_slice %dot_general3A_312 {offsets = [0, 0], sizes = [1000, 1], strides = [1, 1]} : vector<1000x8xf32> to vector<1000x1xf32>
    %ge3A_314 = arith.constant 3.200000e+01 : f32
    %ge3A_315 = vector.broadcast %ge3A_314 : f32 to vector<1000x1xf32>
    %ge3A_316 = arith.cmpf oge, %slice3A_313, %ge3A_315 : vector<1000x1xf32>
    %select_n3A_317 = arith.select %ge3A_316, %or3A_303, %select_n3A_300 : vector<1000x1xi1>, vector<1000x1xi32>
    %or3A_318 = arith.constant 8192 : i32
    %or3A_319 = vector.broadcast %or3A_318 : i32 to vector<1000x1xi32>
    %or3A_320 = arith.ori %select_n3A_317, %or3A_319 : vector<1000x1xi32>
    %xor3A_321 = arith.constant -2147483648 : i32
    %xor3A_322 = vector.broadcast %xor3A_321 : i32 to vector<1000x1xi32>
    %xor3A_323 = arith.xori %or3A_320, %xor3A_322 : vector<1000x1xi32>
    %ge3A_324 = vector.broadcast %xor3A_323 : vector<1000x1xi32> to vector<1000x128xi32>
    %ge3A_325 = arith.cmpi sge, %xor3A, %ge3A_324 : vector<1000x128xi32>
    %convert_element_type3A_326 = arith.extui %ge3A_325 : vector<1000x128xi1> to vector<1000x128xi32>
    %convert_element_type3A_327 = arith.sitofp %convert_element_type3A_326 : vector<1000x128xi32> to vector<1000x128xf32>
    %dot_general3A_328 = arith.constant dense<0.000000e+00> : vector<1000x8xf32>
    %dot_general3A_329 = tpu.matmul %convert_element_type3A_327, %broadcast_in_dim3A_14, %dot_general3A_328 {dimension_numbers = #tpu.dot_dimension_numbers<[1], [0], [0], [1], [0, 0, 1, 1], [], []>, transpose_lhs_hint = false} : vector<1000x128xf32>, vector<128x8xf32>, vector<1000x8xf32> -> vector<1000x8xf32>
    %slice3A_330 = vector.extract_strided_slice %dot_general3A_329 {offsets = [0, 0], sizes = [1000, 1], strides = [1, 1]} : vector<1000x8xf32> to vector<1000x1xf32>
    %ge3A_331 = arith.constant 3.200000e+01 : f32
    %ge3A_332 = vector.broadcast %ge3A_331 : f32 to vector<1000x1xf32>
    %ge3A_333 = arith.cmpf oge, %slice3A_330, %ge3A_332 : vector<1000x1xf32>
    %select_n3A_334 = arith.select %ge3A_333, %or3A_320, %select_n3A_317 : vector<1000x1xi1>, vector<1000x1xi32>
    %or3A_335 = arith.constant 4096 : i32
    %or3A_336 = vector.broadcast %or3A_335 : i32 to vector<1000x1xi32>
    %or3A_337 = arith.ori %select_n3A_334, %or3A_336 : vector<1000x1xi32>
    %xor3A_338 = arith.constant -2147483648 : i32
    %xor3A_339 = vector.broadcast %xor3A_338 : i32 to vector<1000x1xi32>
    %xor3A_340 = arith.xori %or3A_337, %xor3A_339 : vector<1000x1xi32>
    %ge3A_341 = vector.broadcast %xor3A_340 : vector<1000x1xi32> to vector<1000x128xi32>
    %ge3A_342 = arith.cmpi sge, %xor3A, %ge3A_341 : vector<1000x128xi32>
    %convert_element_type3A_343 = arith.extui %ge3A_342 : vector<1000x128xi1> to vector<1000x128xi32>
    %convert_element_type3A_344 = arith.sitofp %convert_element_type3A_343 : vector<1000x128xi32> to vector<1000x128xf32>
    %dot_general3A_345 = arith.constant dense<0.000000e+00> : vector<1000x8xf32>
    %dot_general3A_346 = tpu.matmul %convert_element_type3A_344, %broadcast_in_dim3A_14, %dot_general3A_345 {dimension_numbers = #tpu.dot_dimension_numbers<[1], [0], [0], [1], [0, 0, 1, 1], [], []>, transpose_lhs_hint = false} : vector<1000x128xf32>, vector<128x8xf32>, vector<1000x8xf32> -> vector<1000x8xf32>
    %slice3A_347 = vector.extract_strided_slice %dot_general3A_346 {offsets = [0, 0], sizes = [1000, 1], strides = [1, 1]} : vector<1000x8xf32> to vector<1000x1xf32>
    %ge3A_348 = arith.constant 3.200000e+01 : f32
    %ge3A_349 = vector.broadcast %ge3A_348 : f32 to vector<1000x1xf32>
    %ge3A_350 = arith.cmpf oge, %slice3A_347, %ge3A_349 : vector<1000x1xf32>
    %select_n3A_351 = arith.select %ge3A_350, %or3A_337, %select_n3A_334 : vector<1000x1xi1>, vector<1000x1xi32>
    %or3A_352 = arith.constant 2048 : i32
    %or3A_353 = vector.broadcast %or3A_352 : i32 to vector<1000x1xi32>
    %or3A_354 = arith.ori %select_n3A_351, %or3A_353 : vector<1000x1xi32>
    %xor3A_355 = arith.constant -2147483648 : i32
    %xor3A_356 = vector.broadcast %xor3A_355 : i32 to vector<1000x1xi32>
    %xor3A_357 = arith.xori %or3A_354, %xor3A_356 : vector<1000x1xi32>
    %ge3A_358 = vector.broadcast %xor3A_357 : vector<1000x1xi32> to vector<1000x128xi32>
    %ge3A_359 = arith.cmpi sge, %xor3A, %ge3A_358 : vector<1000x128xi32>
    %convert_element_type3A_360 = arith.extui %ge3A_359 : vector<1000x128xi1> to vector<1000x128xi32>
    %convert_element_type3A_361 = arith.sitofp %convert_element_type3A_360 : vector<1000x128xi32> to vector<1000x128xf32>
    %dot_general3A_362 = arith.constant dense<0.000000e+00> : vector<1000x8xf32>
    %dot_general3A_363 = tpu.matmul %convert_element_type3A_361, %broadcast_in_dim3A_14, %dot_general3A_362 {dimension_numbers = #tpu.dot_dimension_numbers<[1], [0], [0], [1], [0, 0, 1, 1], [], []>, transpose_lhs_hint = false} : vector<1000x128xf32>, vector<128x8xf32>, vector<1000x8xf32> -> vector<1000x8xf32>
    %slice3A_364 = vector.extract_strided_slice %dot_general3A_363 {offsets = [0, 0], sizes = [1000, 1], strides = [1, 1]} : vector<1000x8xf32> to vector<1000x1xf32>
    %ge3A_365 = arith.constant 3.200000e+01 : f32
    %ge3A_366 = vector.broadcast %ge3A_365 : f32 to vector<1000x1xf32>
    %ge3A_367 = arith.cmpf oge, %slice3A_364, %ge3A_366 : vector<1000x1xf32>
    %select_n3A_368 = arith.select %ge3A_367, %or3A_354, %select_n3A_351 : vector<1000x1xi1>, vector<1000x1xi32>
    %or3A_369 = arith.constant 1024 : i32
    %or3A_370 = vector.broadcast %or3A_369 : i32 to vector<1000x1xi32>
    %or3A_371 = arith.ori %select_n3A_368, %or3A_370 : vector<1000x1xi32>
    %xor3A_372 = arith.constant -2147483648 : i32
    %xor3A_373 = vector.broadcast %xor3A_372 : i32 to vector<1000x1xi32>
    %xor3A_374 = arith.xori %or3A_371, %xor3A_373 : vector<1000x1xi32>
    %ge3A_375 = vector.broadcast %xor3A_374 : vector<1000x1xi32> to vector<1000x128xi32>
    %ge3A_376 = arith.cmpi sge, %xor3A, %ge3A_375 : vector<1000x128xi32>
    %convert_element_type3A_377 = arith.extui %ge3A_376 : vector<1000x128xi1> to vector<1000x128xi32>
    %convert_element_type3A_378 = arith.sitofp %convert_element_type3A_377 : vector<1000x128xi32> to vector<1000x128xf32>
    %dot_general3A_379 = arith.constant dense<0.000000e+00> : vector<1000x8xf32>
    %dot_general3A_380 = tpu.matmul %convert_element_type3A_378, %broadcast_in_dim3A_14, %dot_general3A_379 {dimension_numbers = #tpu.dot_dimension_numbers<[1], [0], [0], [1], [0, 0, 1, 1], [], []>, transpose_lhs_hint = false} : vector<1000x128xf32>, vector<128x8xf32>, vector<1000x8xf32> -> vector<1000x8xf32>
    %slice3A_381 = vector.extract_strided_slice %dot_general3A_380 {offsets = [0, 0], sizes = [1000, 1], strides = [1, 1]} : vector<1000x8xf32> to vector<1000x1xf32>
    %ge3A_382 = arith.constant 3.200000e+01 : f32
    %ge3A_383 = vector.broadcast %ge3A_382 : f32 to vector<1000x1xf32>
    %ge3A_384 = arith.cmpf oge, %slice3A_381, %ge3A_383 : vector<1000x1xf32>
    %select_n3A_385 = arith.select %ge3A_384, %or3A_371, %select_n3A_368 : vector<1000x1xi1>, vector<1000x1xi32>
    %or3A_386 = arith.constant 512 : i32
    %or3A_387 = vector.broadcast %or3A_386 : i32 to vector<1000x1xi32>
    %or3A_388 = arith.ori %select_n3A_385, %or3A_387 : vector<1000x1xi32>
    %xor3A_389 = arith.constant -2147483648 : i32
    %xor3A_390 = vector.broadcast %xor3A_389 : i32 to vector<1000x1xi32>
    %xor3A_391 = arith.xori %or3A_388, %xor3A_390 : vector<1000x1xi32>
    %ge3A_392 = vector.broadcast %xor3A_391 : vector<1000x1xi32> to vector<1000x128xi32>
    %ge3A_393 = arith.cmpi sge, %xor3A, %ge3A_392 : vector<1000x128xi32>
    %convert_element_type3A_394 = arith.extui %ge3A_393 : vector<1000x128xi1> to vector<1000x128xi32>
    %convert_element_type3A_395 = arith.sitofp %convert_element_type3A_394 : vector<1000x128xi32> to vector<1000x128xf32>
    %dot_general3A_396 = arith.constant dense<0.000000e+00> : vector<1000x8xf32>
    %dot_general3A_397 = tpu.matmul %convert_element_type3A_395, %broadcast_in_dim3A_14, %dot_general3A_396 {dimension_numbers = #tpu.dot_dimension_numbers<[1], [0], [0], [1], [0, 0, 1, 1], [], []>, transpose_lhs_hint = false} : vector<1000x128xf32>, vector<128x8xf32>, vector<1000x8xf32> -> vector<1000x8xf32>
    %slice3A_398 = vector.extract_strided_slice %dot_general3A_397 {offsets = [0, 0], sizes = [1000, 1], strides = [1, 1]} : vector<1000x8xf32> to vector<1000x1xf32>
    %ge3A_399 = arith.constant 3.200000e+01 : f32
    %ge3A_400 = vector.broadcast %ge3A_399 : f32 to vector<1000x1xf32>
    %ge3A_401 = arith.cmpf oge, %slice3A_398, %ge3A_400 : vector<1000x1xf32>
    %select_n3A_402 = arith.select %ge3A_401, %or3A_388, %select_n3A_385 : vector<1000x1xi1>, vector<1000x1xi32>
    %or3A_403 = arith.constant 256 : i32
    %or3A_404 = vector.broadcast %or3A_403 : i32 to vector<1000x1xi32>
    %or3A_405 = arith.ori %select_n3A_402, %or3A_404 : vector<1000x1xi32>
    %xor3A_406 = arith.constant -2147483648 : i32
    %xor3A_407 = vector.broadcast %xor3A_406 : i32 to vector<1000x1xi32>
    %xor3A_408 = arith.xori %or3A_405, %xor3A_407 : vector<1000x1xi32>
    %ge3A_409 = vector.broadcast %xor3A_408 : vector<1000x1xi32> to vector<1000x128xi32>
    %ge3A_410 = arith.cmpi sge, %xor3A, %ge3A_409 : vector<1000x128xi32>
    %convert_element_type3A_411 = arith.extui %ge3A_410 : vector<1000x128xi1> to vector<1000x128xi32>
    %convert_element_type3A_412 = arith.sitofp %convert_element_type3A_411 : vector<1000x128xi32> to vector<1000x128xf32>
    %dot_general3A_413 = arith.constant dense<0.000000e+00> : vector<1000x8xf32>
    %dot_general3A_414 = tpu.matmul %convert_element_type3A_412, %broadcast_in_dim3A_14, %dot_general3A_413 {dimension_numbers = #tpu.dot_dimension_numbers<[1], [0], [0], [1], [0, 0, 1, 1], [], []>, transpose_lhs_hint = false} : vector<1000x128xf32>, vector<128x8xf32>, vector<1000x8xf32> -> vector<1000x8xf32>
    %slice3A_415 = vector.extract_strided_slice %dot_general3A_414 {offsets = [0, 0], sizes = [1000, 1], strides = [1, 1]} : vector<1000x8xf32> to vector<1000x1xf32>
    %ge3A_416 = arith.constant 3.200000e+01 : f32
    %ge3A_417 = vector.broadcast %ge3A_416 : f32 to vector<1000x1xf32>
    %ge3A_418 = arith.cmpf oge, %slice3A_415, %ge3A_417 : vector<1000x1xf32>
    %select_n3A_419 = arith.select %ge3A_418, %or3A_405, %select_n3A_402 : vector<1000x1xi1>, vector<1000x1xi32>
    %or3A_420 = arith.constant 128 : i32
    %or3A_421 = vector.broadcast %or3A_420 : i32 to vector<1000x1xi32>
    %or3A_422 = arith.ori %select_n3A_419, %or3A_421 : vector<1000x1xi32>
    %xor3A_423 = arith.constant -2147483648 : i32
    %xor3A_424 = vector.broadcast %xor3A_423 : i32 to vector<1000x1xi32>
    %xor3A_425 = arith.xori %or3A_422, %xor3A_424 : vector<1000x1xi32>
    %ge3A_426 = vector.broadcast %xor3A_425 : vector<1000x1xi32> to vector<1000x128xi32>
    %ge3A_427 = arith.cmpi sge, %xor3A, %ge3A_426 : vector<1000x128xi32>
    %convert_element_type3A_428 = arith.extui %ge3A_427 : vector<1000x128xi1> to vector<1000x128xi32>
    %convert_element_type3A_429 = arith.sitofp %convert_element_type3A_428 : vector<1000x128xi32> to vector<1000x128xf32>
    %dot_general3A_430 = arith.constant dense<0.000000e+00> : vector<1000x8xf32>
    %dot_general3A_431 = tpu.matmul %convert_element_type3A_429, %broadcast_in_dim3A_14, %dot_general3A_430 {dimension_numbers = #tpu.dot_dimension_numbers<[1], [0], [0], [1], [0, 0, 1, 1], [], []>, transpose_lhs_hint = false} : vector<1000x128xf32>, vector<128x8xf32>, vector<1000x8xf32> -> vector<1000x8xf32>
    %slice3A_432 = vector.extract_strided_slice %dot_general3A_431 {offsets = [0, 0], sizes = [1000, 1], strides = [1, 1]} : vector<1000x8xf32> to vector<1000x1xf32>
    %ge3A_433 = arith.constant 3.200000e+01 : f32
    %ge3A_434 = vector.broadcast %ge3A_433 : f32 to vector<1000x1xf32>
    %ge3A_435 = arith.cmpf oge, %slice3A_432, %ge3A_434 : vector<1000x1xf32>
    %select_n3A_436 = arith.select %ge3A_435, %or3A_422, %select_n3A_419 : vector<1000x1xi1>, vector<1000x1xi32>
    %or3A_437 = arith.constant 64 : i32
    %or3A_438 = vector.broadcast %or3A_437 : i32 to vector<1000x1xi32>
    %or3A_439 = arith.ori %select_n3A_436, %or3A_438 : vector<1000x1xi32>
    %xor3A_440 = arith.constant -2147483648 : i32
    %xor3A_441 = vector.broadcast %xor3A_440 : i32 to vector<1000x1xi32>
    %xor3A_442 = arith.xori %or3A_439, %xor3A_441 : vector<1000x1xi32>
    %ge3A_443 = vector.broadcast %xor3A_442 : vector<1000x1xi32> to vector<1000x128xi32>
    %ge3A_444 = arith.cmpi sge, %xor3A, %ge3A_443 : vector<1000x128xi32>
    %convert_element_type3A_445 = arith.extui %ge3A_444 : vector<1000x128xi1> to vector<1000x128xi32>
    %convert_element_type3A_446 = arith.sitofp %convert_element_type3A_445 : vector<1000x128xi32> to vector<1000x128xf32>
    %dot_general3A_447 = arith.constant dense<0.000000e+00> : vector<1000x8xf32>
    %dot_general3A_448 = tpu.matmul %convert_element_type3A_446, %broadcast_in_dim3A_14, %dot_general3A_447 {dimension_numbers = #tpu.dot_dimension_numbers<[1], [0], [0], [1], [0, 0, 1, 1], [], []>, transpose_lhs_hint = false} : vector<1000x128xf32>, vector<128x8xf32>, vector<1000x8xf32> -> vector<1000x8xf32>
    %slice3A_449 = vector.extract_strided_slice %dot_general3A_448 {offsets = [0, 0], sizes = [1000, 1], strides = [1, 1]} : vector<1000x8xf32> to vector<1000x1xf32>
    %ge3A_450 = arith.constant 3.200000e+01 : f32
    %ge3A_451 = vector.broadcast %ge3A_450 : f32 to vector<1000x1xf32>
    %ge3A_452 = arith.cmpf oge, %slice3A_449, %ge3A_451 : vector<1000x1xf32>
    %select_n3A_453 = arith.select %ge3A_452, %or3A_439, %select_n3A_436 : vector<1000x1xi1>, vector<1000x1xi32>
    %or3A_454 = arith.constant 32 : i32
    %or3A_455 = vector.broadcast %or3A_454 : i32 to vector<1000x1xi32>
    %or3A_456 = arith.ori %select_n3A_453, %or3A_455 : vector<1000x1xi32>
    %xor3A_457 = arith.constant -2147483648 : i32
    %xor3A_458 = vector.broadcast %xor3A_457 : i32 to vector<1000x1xi32>
    %xor3A_459 = arith.xori %or3A_456, %xor3A_458 : vector<1000x1xi32>
    %ge3A_460 = vector.broadcast %xor3A_459 : vector<1000x1xi32> to vector<1000x128xi32>
    %ge3A_461 = arith.cmpi sge, %xor3A, %ge3A_460 : vector<1000x128xi32>
    %convert_element_type3A_462 = arith.extui %ge3A_461 : vector<1000x128xi1> to vector<1000x128xi32>
    %convert_element_type3A_463 = arith.sitofp %convert_element_type3A_462 : vector<1000x128xi32> to vector<1000x128xf32>
    %dot_general3A_464 = arith.constant dense<0.000000e+00> : vector<1000x8xf32>
    %dot_general3A_465 = tpu.matmul %convert_element_type3A_463, %broadcast_in_dim3A_14, %dot_general3A_464 {dimension_numbers = #tpu.dot_dimension_numbers<[1], [0], [0], [1], [0, 0, 1, 1], [], []>, transpose_lhs_hint = false} : vector<1000x128xf32>, vector<128x8xf32>, vector<1000x8xf32> -> vector<1000x8xf32>
    %slice3A_466 = vector.extract_strided_slice %dot_general3A_465 {offsets = [0, 0], sizes = [1000, 1], strides = [1, 1]} : vector<1000x8xf32> to vector<1000x1xf32>
    %ge3A_467 = arith.constant 3.200000e+01 : f32
    %ge3A_468 = vector.broadcast %ge3A_467 : f32 to vector<1000x1xf32>
    %ge3A_469 = arith.cmpf oge, %slice3A_466, %ge3A_468 : vector<1000x1xf32>
    %select_n3A_470 = arith.select %ge3A_469, %or3A_456, %select_n3A_453 : vector<1000x1xi1>, vector<1000x1xi32>
    %or3A_471 = arith.constant 16 : i32
    %or3A_472 = vector.broadcast %or3A_471 : i32 to vector<1000x1xi32>
    %or3A_473 = arith.ori %select_n3A_470, %or3A_472 : vector<1000x1xi32>
    %xor3A_474 = arith.constant -2147483648 : i32
    %xor3A_475 = vector.broadcast %xor3A_474 : i32 to vector<1000x1xi32>
    %xor3A_476 = arith.xori %or3A_473, %xor3A_475 : vector<1000x1xi32>
    %ge3A_477 = vector.broadcast %xor3A_476 : vector<1000x1xi32> to vector<1000x128xi32>
    %ge3A_478 = arith.cmpi sge, %xor3A, %ge3A_477 : vector<1000x128xi32>
    %convert_element_type3A_479 = arith.extui %ge3A_478 : vector<1000x128xi1> to vector<1000x128xi32>
    %convert_element_type3A_480 = arith.sitofp %convert_element_type3A_479 : vector<1000x128xi32> to vector<1000x128xf32>
    %dot_general3A_481 = arith.constant dense<0.000000e+00> : vector<1000x8xf32>
    %dot_general3A_482 = tpu.matmul %convert_element_type3A_480, %broadcast_in_dim3A_14, %dot_general3A_481 {dimension_numbers = #tpu.dot_dimension_numbers<[1], [0], [0], [1], [0, 0, 1, 1], [], []>, transpose_lhs_hint = false} : vector<1000x128xf32>, vector<128x8xf32>, vector<1000x8xf32> -> vector<1000x8xf32>
    %slice3A_483 = vector.extract_strided_slice %dot_general3A_482 {offsets = [0, 0], sizes = [1000, 1], strides = [1, 1]} : vector<1000x8xf32> to vector<1000x1xf32>
    %ge3A_484 = arith.constant 3.200000e+01 : f32
    %ge3A_485 = vector.broadcast %ge3A_484 : f32 to vector<1000x1xf32>
    %ge3A_486 = arith.cmpf oge, %slice3A_483, %ge3A_485 : vector<1000x1xf32>
    %select_n3A_487 = arith.select %ge3A_486, %or3A_473, %select_n3A_470 : vector<1000x1xi1>, vector<1000x1xi32>
    %or3A_488 = arith.constant 8 : i32
    %or3A_489 = vector.broadcast %or3A_488 : i32 to vector<1000x1xi32>
    %or3A_490 = arith.ori %select_n3A_487, %or3A_489 : vector<1000x1xi32>
    %xor3A_491 = arith.constant -2147483648 : i32
    %xor3A_492 = vector.broadcast %xor3A_491 : i32 to vector<1000x1xi32>
    %xor3A_493 = arith.xori %or3A_490, %xor3A_492 : vector<1000x1xi32>
    %ge3A_494 = vector.broadcast %xor3A_493 : vector<1000x1xi32> to vector<1000x128xi32>
    %ge3A_495 = arith.cmpi sge, %xor3A, %ge3A_494 : vector<1000x128xi32>
    %convert_element_type3A_496 = arith.extui %ge3A_495 : vector<1000x128xi1> to vector<1000x128xi32>
    %convert_element_type3A_497 = arith.sitofp %convert_element_type3A_496 : vector<1000x128xi32> to vector<1000x128xf32>
    %dot_general3A_498 = arith.constant dense<0.000000e+00> : vector<1000x8xf32>
    %dot_general3A_499 = tpu.matmul %convert_element_type3A_497, %broadcast_in_dim3A_14, %dot_general3A_498 {dimension_numbers = #tpu.dot_dimension_numbers<[1], [0], [0], [1], [0, 0, 1, 1], [], []>, transpose_lhs_hint = false} : vector<1000x128xf32>, vector<128x8xf32>, vector<1000x8xf32> -> vector<1000x8xf32>
    %slice3A_500 = vector.extract_strided_slice %dot_general3A_499 {offsets = [0, 0], sizes = [1000, 1], strides = [1, 1]} : vector<1000x8xf32> to vector<1000x1xf32>
    %ge3A_501 = arith.constant 3.200000e+01 : f32
    %ge3A_502 = vector.broadcast %ge3A_501 : f32 to vector<1000x1xf32>
    %ge3A_503 = arith.cmpf oge, %slice3A_500, %ge3A_502 : vector<1000x1xf32>
    %select_n3A_504 = arith.select %ge3A_503, %or3A_490, %select_n3A_487 : vector<1000x1xi1>, vector<1000x1xi32>
    %or3A_505 = arith.constant 4 : i32
    %or3A_506 = vector.broadcast %or3A_505 : i32 to vector<1000x1xi32>
    %or3A_507 = arith.ori %select_n3A_504, %or3A_506 : vector<1000x1xi32>
    %xor3A_508 = arith.constant -2147483648 : i32
    %xor3A_509 = vector.broadcast %xor3A_508 : i32 to vector<1000x1xi32>
    %xor3A_510 = arith.xori %or3A_507, %xor3A_509 : vector<1000x1xi32>
    %ge3A_511 = vector.broadcast %xor3A_510 : vector<1000x1xi32> to vector<1000x128xi32>
    %ge3A_512 = arith.cmpi sge, %xor3A, %ge3A_511 : vector<1000x128xi32>
    %convert_element_type3A_513 = arith.extui %ge3A_512 : vector<1000x128xi1> to vector<1000x128xi32>
    %convert_element_type3A_514 = arith.sitofp %convert_element_type3A_513 : vector<1000x128xi32> to vector<1000x128xf32>
    %dot_general3A_515 = arith.constant dense<0.000000e+00> : vector<1000x8xf32>
    %dot_general3A_516 = tpu.matmul %convert_element_type3A_514, %broadcast_in_dim3A_14, %dot_general3A_515 {dimension_numbers = #tpu.dot_dimension_numbers<[1], [0], [0], [1], [0, 0, 1, 1], [], []>, transpose_lhs_hint = false} : vector<1000x128xf32>, vector<128x8xf32>, vector<1000x8xf32> -> vector<1000x8xf32>
    %slice3A_517 = vector.extract_strided_slice %dot_general3A_516 {offsets = [0, 0], sizes = [1000, 1], strides = [1, 1]} : vector<1000x8xf32> to vector<1000x1xf32>
    %ge3A_518 = arith.constant 3.200000e+01 : f32
    %ge3A_519 = vector.broadcast %ge3A_518 : f32 to vector<1000x1xf32>
    %ge3A_520 = arith.cmpf oge, %slice3A_517, %ge3A_519 : vector<1000x1xf32>
    %select_n3A_521 = arith.select %ge3A_520, %or3A_507, %select_n3A_504 : vector<1000x1xi1>, vector<1000x1xi32>
    %or3A_522 = arith.constant 2 : i32
    %or3A_523 = vector.broadcast %or3A_522 : i32 to vector<1000x1xi32>
    %or3A_524 = arith.ori %select_n3A_521, %or3A_523 : vector<1000x1xi32>
    %xor3A_525 = arith.constant -2147483648 : i32
    %xor3A_526 = vector.broadcast %xor3A_525 : i32 to vector<1000x1xi32>
    %xor3A_527 = arith.xori %or3A_524, %xor3A_526 : vector<1000x1xi32>
    %ge3A_528 = vector.broadcast %xor3A_527 : vector<1000x1xi32> to vector<1000x128xi32>
    %ge3A_529 = arith.cmpi sge, %xor3A, %ge3A_528 : vector<1000x128xi32>
    %convert_element_type3A_530 = arith.extui %ge3A_529 : vector<1000x128xi1> to vector<1000x128xi32>
    %convert_element_type3A_531 = arith.sitofp %convert_element_type3A_530 : vector<1000x128xi32> to vector<1000x128xf32>
    %dot_general3A_532 = arith.constant dense<0.000000e+00> : vector<1000x8xf32>
    %dot_general3A_533 = tpu.matmul %convert_element_type3A_531, %broadcast_in_dim3A_14, %dot_general3A_532 {dimension_numbers = #tpu.dot_dimension_numbers<[1], [0], [0], [1], [0, 0, 1, 1], [], []>, transpose_lhs_hint = false} : vector<1000x128xf32>, vector<128x8xf32>, vector<1000x8xf32> -> vector<1000x8xf32>
    %slice3A_534 = vector.extract_strided_slice %dot_general3A_533 {offsets = [0, 0], sizes = [1000, 1], strides = [1, 1]} : vector<1000x8xf32> to vector<1000x1xf32>
    %ge3A_535 = arith.constant 3.200000e+01 : f32
    %ge3A_536 = vector.broadcast %ge3A_535 : f32 to vector<1000x1xf32>
    %ge3A_537 = arith.cmpf oge, %slice3A_534, %ge3A_536 : vector<1000x1xf32>
    %select_n3A_538 = arith.select %ge3A_537, %or3A_524, %select_n3A_521 : vector<1000x1xi1>, vector<1000x1xi32>
    %or3A_539 = arith.constant 1 : i32
    %or3A_540 = vector.broadcast %or3A_539 : i32 to vector<1000x1xi32>
    %or3A_541 = arith.ori %select_n3A_538, %or3A_540 : vector<1000x1xi32>
    %xor3A_542 = arith.constant -2147483648 : i32
    %xor3A_543 = vector.broadcast %xor3A_542 : i32 to vector<1000x1xi32>
    %xor3A_544 = arith.xori %or3A_541, %xor3A_543 : vector<1000x1xi32>
    %ge3A_545 = vector.broadcast %xor3A_544 : vector<1000x1xi32> to vector<1000x128xi32>
    %ge3A_546 = arith.cmpi sge, %xor3A, %ge3A_545 : vector<1000x128xi32>
    %convert_element_type3A_547 = arith.extui %ge3A_546 : vector<1000x128xi1> to vector<1000x128xi32>
    %convert_element_type3A_548 = arith.sitofp %convert_element_type3A_547 : vector<1000x128xi32> to vector<1000x128xf32>
    %dot_general3A_549 = arith.constant dense<0.000000e+00> : vector<1000x8xf32>
    %dot_general3A_550 = tpu.matmul %convert_element_type3A_548, %broadcast_in_dim3A_14, %dot_general3A_549 {dimension_numbers = #tpu.dot_dimension_numbers<[1], [0], [0], [1], [0, 0, 1, 1], [], []>, transpose_lhs_hint = false} : vector<1000x128xf32>, vector<128x8xf32>, vector<1000x8xf32> -> vector<1000x8xf32>
    %slice3A_551 = vector.extract_strided_slice %dot_general3A_550 {offsets = [0, 0], sizes = [1000, 1], strides = [1, 1]} : vector<1000x8xf32> to vector<1000x1xf32>
    %ge3A_552 = arith.constant 3.200000e+01 : f32
    %ge3A_553 = vector.broadcast %ge3A_552 : f32 to vector<1000x1xf32>
    %ge3A_554 = arith.cmpf oge, %slice3A_551, %ge3A_553 : vector<1000x1xf32>
    %select_n3A_555 = arith.select %ge3A_554, %or3A_541, %select_n3A_538 : vector<1000x1xi1>, vector<1000x1xi32>
    %xor3A_556 = arith.constant -2147483648 : i32
    %xor3A_557 = vector.broadcast %xor3A_556 : i32 to vector<1000x1xi32>
    %xor3A_558 = arith.xori %select_n3A_555, %xor3A_557 : vector<1000x1xi32>
    %ge3A_559 = vector.broadcast %xor3A_558 : vector<1000x1xi32> to vector<1000x128xi32>
    %ge3A_560 = arith.cmpi sge, %xor3A, %ge3A_559 : vector<1000x128xi32>
    %convert_element_type3A_561 = arith.extui %ge3A_560 : vector<1000x128xi1> to vector<1000x128xi32>
    %convert_element_type3A_562 = arith.sitofp %convert_element_type3A_561 : vector<1000x128xi32> to vector<1000x128xf32>
    %mul3A = arith.mulf %add3A_9, %convert_element_type3A_562 : vector<1000x128xf32>
    %swap3A = arith.constant 0 : index
    %swap3A_563 = arith.constant 0 : index
    %swap3A_564 = vector.load %arg4[%swap3A, %swap3A_563] : memref<1000x128xf32, #tpu.memory_space<vmem>>, vector<1000x128xf32>
    tpu.vector_store %arg4[%swap3A, %swap3A_563], %mul3A {strides = array<i32>} : memref<1000x128xf32, #tpu.memory_space<vmem>>, vector<1000x128xf32>,
    return
  }
  func.func @transform_0(%arg0: i32) -> (i32, i32) {
    %c0_i32 = arith.constant 0 : i32
    %c0_i32_0 = arith.constant 0 : i32
    return %arg0, %c0_i32 : i32, i32
  }
  func.func @transform_1(%arg0: i32) -> (i32, i32) {
    %c0_i32 = arith.constant 0 : i32
    %c0_i32_0 = arith.constant 0 : i32
    %c0_i32_1 = arith.constant 0 : i32
    return %c0_i32, %c0_i32_0 : i32, i32
  }
  func.func @transform_2(%arg0: i32) -> (i32, i32) {
    %c0_i32 = arith.constant 0 : i32
    %c0_i32_0 = arith.constant 0 : i32
    %c0_i32_1 = arith.constant 0 : i32
    return %c0_i32, %c0_i32_0 : i32, i32
  }
  func.func @transform_3(%arg0: i32) -> (i32, i32) {
    %c0_i32 = arith.constant 0 : i32
    %c0_i32_0 = arith.constant 0 : i32
    return %arg0, %c0_i32 : i32, i32
  }
}

module attributes {stable_mosaic.version = 14 : i64} {
  func.func @_tc_mid_body(%arg0: i32, %arg1: memref<1000x128xf32, #tpu.memory_space<vmem>>, %arg2: memref<1000x128xf32, #tpu.memory_space<vmem>>, %arg3: memref<1000x128xf32, #tpu.memory_space<vmem>>, %arg4: memref<1000x16xf32, #tpu.memory_space<vmem>>, %arg5: memref<1000x16xf32, #tpu.memory_space<vmem>>, %arg6: memref<128x128xf32, #tpu.memory_space<vmem>>, %arg7: memref<128x128xf32, #tpu.memory_space<vmem>>, %arg8: memref<1000x128xf32, #tpu.memory_space<vmem>>) attributes {dimension_semantics = [#tpu.dimension_semantics<arbitrary>], iteration_bounds = array<i64: 10>, scalar_prefetch = 0 : i64, scratch_operands = 0 : i64, tpu.core_type = #tpu.core_type<tc>, window_params = [{transform_indices = @transform_0, window_bounds = array<i64: 1000, 128>}, {transform_indices = @transform_1, window_bounds = array<i64: 1000, 128>}, {transform_indices = @transform_2, window_bounds = array<i64: 1000, 128>}, {transform_indices = @transform_3, window_bounds = array<i64: 1000, 16>}, {transform_indices = @transform_4, window_bounds = array<i64: 1000, 16>}, {pipeline_mode = #tpu.pipeline_mode<synchronous>, transform_indices = @transform_5, window_bounds = array<i64: 128, 128>}, {pipeline_mode = #tpu.pipeline_mode<synchronous>, transform_indices = @transform_6, window_bounds = array<i64: 128, 128>}, {transform_indices = @transform_7, window_bounds = array<i64: 1000, 128>}]} {
    %get3A = arith.constant 0 : index
    %get3A_0 = arith.constant 0 : index
    %get3A_1 = vector.load %arg1[%get3A, %get3A_0] : memref<1000x128xf32, #tpu.memory_space<vmem>>, vector<1000x128xf32>
    %get3A_2 = arith.constant 0 : index
    %get3A_3 = arith.constant 0 : index
    %get3A_4 = vector.load %arg6[%get3A_2, %get3A_3] : memref<128x128xf32, #tpu.memory_space<vmem>>, vector<128x128xf32>
    %dot_general3A = arith.constant dense<0.000000e+00> : vector<1000x128xf32>
    %dot_general3A_5 = tpu.matmul %get3A_1, %get3A_4, %dot_general3A {dimension_numbers = #tpu.dot_dimension_numbers<[1], [1], [0], [0], [0, 0, 1, 0], [], []>, precision = #tpu.contract_precision<fp32>, transpose_lhs_hint = false} : vector<1000x128xf32>, vector<128x128xf32>, vector<1000x128xf32> -> vector<1000x128xf32>
    %get3A_6 = arith.constant 0 : index
    %get3A_7 = arith.constant 0 : index
    %get3A_8 = vector.load %arg4[%get3A_6, %get3A_7] : memref<1000x16xf32, #tpu.memory_space<vmem>>, vector<1000x16xf32>
    %slice3A = vector.extract_strided_slice %get3A_8 {offsets = [0, 0], sizes = [1000, 1], strides = [1, 1]} : vector<1000x16xf32> to vector<1000x1xf32>
    %get3A_9 = arith.constant 0 : index
    %get3A_10 = arith.constant 0 : index
    %get3A_11 = vector.load %arg5[%get3A_9, %get3A_10] : memref<1000x16xf32, #tpu.memory_space<vmem>>, vector<1000x16xf32>
    %slice3A_12 = vector.extract_strided_slice %get3A_11 {offsets = [0, 0], sizes = [1000, 1], strides = [1, 1]} : vector<1000x16xf32> to vector<1000x1xf32>
    %add3A = arith.addf %slice3A, %slice3A_12 : vector<1000x1xf32>
    %get3A_13 = arith.constant 0 : index
    %get3A_14 = arith.constant 0 : index
    %get3A_15 = vector.load %arg2[%get3A_13, %get3A_14] : memref<1000x128xf32, #tpu.memory_space<vmem>>, vector<1000x128xf32>
    %get3A_16 = arith.constant 0 : index
    %get3A_17 = arith.constant 0 : index
    %get3A_18 = vector.load %arg3[%get3A_16, %get3A_17] : memref<1000x128xf32, #tpu.memory_space<vmem>>, vector<1000x128xf32>
    %add3A_19 = arith.addf %get3A_15, %get3A_18 : vector<1000x128xf32>
    %add3A_20 = arith.constant 9.99999997E-7 : f32
    %add3A_21 = vector.broadcast %add3A_20 : f32 to vector<1000x1xf32>
    %add3A_22 = arith.addf %add3A, %add3A_21 : vector<1000x1xf32>
    %div3A = vector.broadcast %add3A_22 : vector<1000x1xf32> to vector<1000x128xf32>
    %div3A_23 = arith.divf %add3A_19, %div3A : vector<1000x128xf32>
    %get3A_24 = arith.constant 0 : index
    %get3A_25 = arith.constant 0 : index
    %get3A_26 = vector.load %arg7[%get3A_24, %get3A_25] : memref<128x128xf32, #tpu.memory_space<vmem>>, vector<128x128xf32>
    %dot_general3A_27 = arith.constant dense<0.000000e+00> : vector<1000x128xf32>
    %dot_general3A_28 = tpu.matmul %div3A_23, %get3A_26, %dot_general3A_27 {dimension_numbers = #tpu.dot_dimension_numbers<[1], [1], [0], [0], [0, 0, 1, 0], [], []>, precision = #tpu.contract_precision<fp32>, transpose_lhs_hint = false} : vector<1000x128xf32>, vector<128x128xf32>, vector<1000x128xf32> -> vector<1000x128xf32>
    %add3A_29 = arith.addf %dot_general3A_5, %dot_general3A_28 : vector<1000x128xf32>
    %bitcast_convert_type3A = tpu.bitcast %add3A_29 : vector<1000x128xf32> -> vector<1000x128xi32>
    %shift_right_arithmetic3A = arith.constant 31 : i32
    %shift_right_arithmetic3A_30 = vector.broadcast %shift_right_arithmetic3A : i32 to vector<1000x128xi32>
    %shift_right_arithmetic3A_31 = arith.shrsi %bitcast_convert_type3A, %shift_right_arithmetic3A_30 : vector<1000x128xi32>
    %and3A = arith.constant 2147483647 : i32
    %and3A_32 = vector.broadcast %and3A : i32 to vector<1000x128xi32>
    %and3A_33 = arith.andi %shift_right_arithmetic3A_31, %and3A_32 : vector<1000x128xi32>
    %xor3A = arith.xori %bitcast_convert_type3A, %and3A_33 : vector<1000x128xi32>
    %broadcast_in_dim3A = arith.constant 1.000000e+00 : f32
    %broadcast_in_dim3A_34 = vector.broadcast %broadcast_in_dim3A : f32 to vector<128x8xf32>
    %broadcast_in_dim3A_35 = arith.constant 0 : i32
    %broadcast_in_dim3A_36 = vector.broadcast %broadcast_in_dim3A_35 : i32 to vector<1000x1xi32>
    %or3A = arith.constant -2147483648 : i32
    %or3A_37 = vector.broadcast %or3A : i32 to vector<1000x1xi32>
    %or3A_38 = arith.ori %broadcast_in_dim3A_36, %or3A_37 : vector<1000x1xi32>
    %xor3A_39 = arith.constant -2147483648 : i32
    %xor3A_40 = vector.broadcast %xor3A_39 : i32 to vector<1000x1xi32>
    %xor3A_41 = arith.xori %or3A_38, %xor3A_40 : vector<1000x1xi32>
    %ge3A = vector.broadcast %xor3A_41 : vector<1000x1xi32> to vector<1000x128xi32>
    %ge3A_42 = arith.cmpi sge, %xor3A, %ge3A : vector<1000x128xi32>
    %convert_element_type3A = arith.extui %ge3A_42 : vector<1000x128xi1> to vector<1000x128xi32>
    %convert_element_type3A_43 = arith.sitofp %convert_element_type3A : vector<1000x128xi32> to vector<1000x128xf32>
    %dot_general3A_44 = arith.constant dense<0.000000e+00> : vector<1000x8xf32>
    %dot_general3A_45 = tpu.matmul %convert_element_type3A_43, %broadcast_in_dim3A_34, %dot_general3A_44 {dimension_numbers = #tpu.dot_dimension_numbers<[1], [0], [0], [1], [0, 0, 1, 1], [], []>, transpose_lhs_hint = false} : vector<1000x128xf32>, vector<128x8xf32>, vector<1000x8xf32> -> vector<1000x8xf32>
    %slice3A_46 = vector.extract_strided_slice %dot_general3A_45 {offsets = [0, 0], sizes = [1000, 1], strides = [1, 1]} : vector<1000x8xf32> to vector<1000x1xf32>
    %ge3A_47 = arith.constant 3.200000e+01 : f32
    %ge3A_48 = vector.broadcast %ge3A_47 : f32 to vector<1000x1xf32>
    %ge3A_49 = arith.cmpf oge, %slice3A_46, %ge3A_48 : vector<1000x1xf32>
    %select_n3A = arith.select %ge3A_49, %or3A_38, %broadcast_in_dim3A_36 : vector<1000x1xi1>, vector<1000x1xi32>
    %or3A_50 = arith.constant 1073741824 : i32
    %or3A_51 = vector.broadcast %or3A_50 : i32 to vector<1000x1xi32>
    %or3A_52 = arith.ori %select_n3A, %or3A_51 : vector<1000x1xi32>
    %xor3A_53 = arith.constant -2147483648 : i32
    %xor3A_54 = vector.broadcast %xor3A_53 : i32 to vector<1000x1xi32>
    %xor3A_55 = arith.xori %or3A_52, %xor3A_54 : vector<1000x1xi32>
    %ge3A_56 = vector.broadcast %xor3A_55 : vector<1000x1xi32> to vector<1000x128xi32>
    %ge3A_57 = arith.cmpi sge, %xor3A, %ge3A_56 : vector<1000x128xi32>
    %convert_element_type3A_58 = arith.extui %ge3A_57 : vector<1000x128xi1> to vector<1000x128xi32>
    %convert_element_type3A_59 = arith.sitofp %convert_element_type3A_58 : vector<1000x128xi32> to vector<1000x128xf32>
    %dot_general3A_60 = arith.constant dense<0.000000e+00> : vector<1000x8xf32>
    %dot_general3A_61 = tpu.matmul %convert_element_type3A_59, %broadcast_in_dim3A_34, %dot_general3A_60 {dimension_numbers = #tpu.dot_dimension_numbers<[1], [0], [0], [1], [0, 0, 1, 1], [], []>, transpose_lhs_hint = false} : vector<1000x128xf32>, vector<128x8xf32>, vector<1000x8xf32> -> vector<1000x8xf32>
    %slice3A_62 = vector.extract_strided_slice %dot_general3A_61 {offsets = [0, 0], sizes = [1000, 1], strides = [1, 1]} : vector<1000x8xf32> to vector<1000x1xf32>
    %ge3A_63 = arith.constant 3.200000e+01 : f32
    %ge3A_64 = vector.broadcast %ge3A_63 : f32 to vector<1000x1xf32>
    %ge3A_65 = arith.cmpf oge, %slice3A_62, %ge3A_64 : vector<1000x1xf32>
    %select_n3A_66 = arith.select %ge3A_65, %or3A_52, %select_n3A : vector<1000x1xi1>, vector<1000x1xi32>
    %or3A_67 = arith.constant 536870912 : i32
    %or3A_68 = vector.broadcast %or3A_67 : i32 to vector<1000x1xi32>
    %or3A_69 = arith.ori %select_n3A_66, %or3A_68 : vector<1000x1xi32>
    %xor3A_70 = arith.constant -2147483648 : i32
    %xor3A_71 = vector.broadcast %xor3A_70 : i32 to vector<1000x1xi32>
    %xor3A_72 = arith.xori %or3A_69, %xor3A_71 : vector<1000x1xi32>
    %ge3A_73 = vector.broadcast %xor3A_72 : vector<1000x1xi32> to vector<1000x128xi32>
    %ge3A_74 = arith.cmpi sge, %xor3A, %ge3A_73 : vector<1000x128xi32>
    %convert_element_type3A_75 = arith.extui %ge3A_74 : vector<1000x128xi1> to vector<1000x128xi32>
    %convert_element_type3A_76 = arith.sitofp %convert_element_type3A_75 : vector<1000x128xi32> to vector<1000x128xf32>
    %dot_general3A_77 = arith.constant dense<0.000000e+00> : vector<1000x8xf32>
    %dot_general3A_78 = tpu.matmul %convert_element_type3A_76, %broadcast_in_dim3A_34, %dot_general3A_77 {dimension_numbers = #tpu.dot_dimension_numbers<[1], [0], [0], [1], [0, 0, 1, 1], [], []>, transpose_lhs_hint = false} : vector<1000x128xf32>, vector<128x8xf32>, vector<1000x8xf32> -> vector<1000x8xf32>
    %slice3A_79 = vector.extract_strided_slice %dot_general3A_78 {offsets = [0, 0], sizes = [1000, 1], strides = [1, 1]} : vector<1000x8xf32> to vector<1000x1xf32>
    %ge3A_80 = arith.constant 3.200000e+01 : f32
    %ge3A_81 = vector.broadcast %ge3A_80 : f32 to vector<1000x1xf32>
    %ge3A_82 = arith.cmpf oge, %slice3A_79, %ge3A_81 : vector<1000x1xf32>
    %select_n3A_83 = arith.select %ge3A_82, %or3A_69, %select_n3A_66 : vector<1000x1xi1>, vector<1000x1xi32>
    %or3A_84 = arith.constant 268435456 : i32
    %or3A_85 = vector.broadcast %or3A_84 : i32 to vector<1000x1xi32>
    %or3A_86 = arith.ori %select_n3A_83, %or3A_85 : vector<1000x1xi32>
    %xor3A_87 = arith.constant -2147483648 : i32
    %xor3A_88 = vector.broadcast %xor3A_87 : i32 to vector<1000x1xi32>
    %xor3A_89 = arith.xori %or3A_86, %xor3A_88 : vector<1000x1xi32>
    %ge3A_90 = vector.broadcast %xor3A_89 : vector<1000x1xi32> to vector<1000x128xi32>
    %ge3A_91 = arith.cmpi sge, %xor3A, %ge3A_90 : vector<1000x128xi32>
    %convert_element_type3A_92 = arith.extui %ge3A_91 : vector<1000x128xi1> to vector<1000x128xi32>
    %convert_element_type3A_93 = arith.sitofp %convert_element_type3A_92 : vector<1000x128xi32> to vector<1000x128xf32>
    %dot_general3A_94 = arith.constant dense<0.000000e+00> : vector<1000x8xf32>
    %dot_general3A_95 = tpu.matmul %convert_element_type3A_93, %broadcast_in_dim3A_34, %dot_general3A_94 {dimension_numbers = #tpu.dot_dimension_numbers<[1], [0], [0], [1], [0, 0, 1, 1], [], []>, transpose_lhs_hint = false} : vector<1000x128xf32>, vector<128x8xf32>, vector<1000x8xf32> -> vector<1000x8xf32>
    %slice3A_96 = vector.extract_strided_slice %dot_general3A_95 {offsets = [0, 0], sizes = [1000, 1], strides = [1, 1]} : vector<1000x8xf32> to vector<1000x1xf32>
    %ge3A_97 = arith.constant 3.200000e+01 : f32
    %ge3A_98 = vector.broadcast %ge3A_97 : f32 to vector<1000x1xf32>
    %ge3A_99 = arith.cmpf oge, %slice3A_96, %ge3A_98 : vector<1000x1xf32>
    %select_n3A_100 = arith.select %ge3A_99, %or3A_86, %select_n3A_83 : vector<1000x1xi1>, vector<1000x1xi32>
    %or3A_101 = arith.constant 134217728 : i32
    %or3A_102 = vector.broadcast %or3A_101 : i32 to vector<1000x1xi32>
    %or3A_103 = arith.ori %select_n3A_100, %or3A_102 : vector<1000x1xi32>
    %xor3A_104 = arith.constant -2147483648 : i32
    %xor3A_105 = vector.broadcast %xor3A_104 : i32 to vector<1000x1xi32>
    %xor3A_106 = arith.xori %or3A_103, %xor3A_105 : vector<1000x1xi32>
    %ge3A_107 = vector.broadcast %xor3A_106 : vector<1000x1xi32> to vector<1000x128xi32>
    %ge3A_108 = arith.cmpi sge, %xor3A, %ge3A_107 : vector<1000x128xi32>
    %convert_element_type3A_109 = arith.extui %ge3A_108 : vector<1000x128xi1> to vector<1000x128xi32>
    %convert_element_type3A_110 = arith.sitofp %convert_element_type3A_109 : vector<1000x128xi32> to vector<1000x128xf32>
    %dot_general3A_111 = arith.constant dense<0.000000e+00> : vector<1000x8xf32>
    %dot_general3A_112 = tpu.matmul %convert_element_type3A_110, %broadcast_in_dim3A_34, %dot_general3A_111 {dimension_numbers = #tpu.dot_dimension_numbers<[1], [0], [0], [1], [0, 0, 1, 1], [], []>, transpose_lhs_hint = false} : vector<1000x128xf32>, vector<128x8xf32>, vector<1000x8xf32> -> vector<1000x8xf32>
    %slice3A_113 = vector.extract_strided_slice %dot_general3A_112 {offsets = [0, 0], sizes = [1000, 1], strides = [1, 1]} : vector<1000x8xf32> to vector<1000x1xf32>
    %ge3A_114 = arith.constant 3.200000e+01 : f32
    %ge3A_115 = vector.broadcast %ge3A_114 : f32 to vector<1000x1xf32>
    %ge3A_116 = arith.cmpf oge, %slice3A_113, %ge3A_115 : vector<1000x1xf32>
    %select_n3A_117 = arith.select %ge3A_116, %or3A_103, %select_n3A_100 : vector<1000x1xi1>, vector<1000x1xi32>
    %or3A_118 = arith.constant 67108864 : i32
    %or3A_119 = vector.broadcast %or3A_118 : i32 to vector<1000x1xi32>
    %or3A_120 = arith.ori %select_n3A_117, %or3A_119 : vector<1000x1xi32>
    %xor3A_121 = arith.constant -2147483648 : i32
    %xor3A_122 = vector.broadcast %xor3A_121 : i32 to vector<1000x1xi32>
    %xor3A_123 = arith.xori %or3A_120, %xor3A_122 : vector<1000x1xi32>
    %ge3A_124 = vector.broadcast %xor3A_123 : vector<1000x1xi32> to vector<1000x128xi32>
    %ge3A_125 = arith.cmpi sge, %xor3A, %ge3A_124 : vector<1000x128xi32>
    %convert_element_type3A_126 = arith.extui %ge3A_125 : vector<1000x128xi1> to vector<1000x128xi32>
    %convert_element_type3A_127 = arith.sitofp %convert_element_type3A_126 : vector<1000x128xi32> to vector<1000x128xf32>
    %dot_general3A_128 = arith.constant dense<0.000000e+00> : vector<1000x8xf32>
    %dot_general3A_129 = tpu.matmul %convert_element_type3A_127, %broadcast_in_dim3A_34, %dot_general3A_128 {dimension_numbers = #tpu.dot_dimension_numbers<[1], [0], [0], [1], [0, 0, 1, 1], [], []>, transpose_lhs_hint = false} : vector<1000x128xf32>, vector<128x8xf32>, vector<1000x8xf32> -> vector<1000x8xf32>
    %slice3A_130 = vector.extract_strided_slice %dot_general3A_129 {offsets = [0, 0], sizes = [1000, 1], strides = [1, 1]} : vector<1000x8xf32> to vector<1000x1xf32>
    %ge3A_131 = arith.constant 3.200000e+01 : f32
    %ge3A_132 = vector.broadcast %ge3A_131 : f32 to vector<1000x1xf32>
    %ge3A_133 = arith.cmpf oge, %slice3A_130, %ge3A_132 : vector<1000x1xf32>
    %select_n3A_134 = arith.select %ge3A_133, %or3A_120, %select_n3A_117 : vector<1000x1xi1>, vector<1000x1xi32>
    %or3A_135 = arith.constant 33554432 : i32
    %or3A_136 = vector.broadcast %or3A_135 : i32 to vector<1000x1xi32>
    %or3A_137 = arith.ori %select_n3A_134, %or3A_136 : vector<1000x1xi32>
    %xor3A_138 = arith.constant -2147483648 : i32
    %xor3A_139 = vector.broadcast %xor3A_138 : i32 to vector<1000x1xi32>
    %xor3A_140 = arith.xori %or3A_137, %xor3A_139 : vector<1000x1xi32>
    %ge3A_141 = vector.broadcast %xor3A_140 : vector<1000x1xi32> to vector<1000x128xi32>
    %ge3A_142 = arith.cmpi sge, %xor3A, %ge3A_141 : vector<1000x128xi32>
    %convert_element_type3A_143 = arith.extui %ge3A_142 : vector<1000x128xi1> to vector<1000x128xi32>
    %convert_element_type3A_144 = arith.sitofp %convert_element_type3A_143 : vector<1000x128xi32> to vector<1000x128xf32>
    %dot_general3A_145 = arith.constant dense<0.000000e+00> : vector<1000x8xf32>
    %dot_general3A_146 = tpu.matmul %convert_element_type3A_144, %broadcast_in_dim3A_34, %dot_general3A_145 {dimension_numbers = #tpu.dot_dimension_numbers<[1], [0], [0], [1], [0, 0, 1, 1], [], []>, transpose_lhs_hint = false} : vector<1000x128xf32>, vector<128x8xf32>, vector<1000x8xf32> -> vector<1000x8xf32>
    %slice3A_147 = vector.extract_strided_slice %dot_general3A_146 {offsets = [0, 0], sizes = [1000, 1], strides = [1, 1]} : vector<1000x8xf32> to vector<1000x1xf32>
    %ge3A_148 = arith.constant 3.200000e+01 : f32
    %ge3A_149 = vector.broadcast %ge3A_148 : f32 to vector<1000x1xf32>
    %ge3A_150 = arith.cmpf oge, %slice3A_147, %ge3A_149 : vector<1000x1xf32>
    %select_n3A_151 = arith.select %ge3A_150, %or3A_137, %select_n3A_134 : vector<1000x1xi1>, vector<1000x1xi32>
    %or3A_152 = arith.constant 16777216 : i32
    %or3A_153 = vector.broadcast %or3A_152 : i32 to vector<1000x1xi32>
    %or3A_154 = arith.ori %select_n3A_151, %or3A_153 : vector<1000x1xi32>
    %xor3A_155 = arith.constant -2147483648 : i32
    %xor3A_156 = vector.broadcast %xor3A_155 : i32 to vector<1000x1xi32>
    %xor3A_157 = arith.xori %or3A_154, %xor3A_156 : vector<1000x1xi32>
    %ge3A_158 = vector.broadcast %xor3A_157 : vector<1000x1xi32> to vector<1000x128xi32>
    %ge3A_159 = arith.cmpi sge, %xor3A, %ge3A_158 : vector<1000x128xi32>
    %convert_element_type3A_160 = arith.extui %ge3A_159 : vector<1000x128xi1> to vector<1000x128xi32>
    %convert_element_type3A_161 = arith.sitofp %convert_element_type3A_160 : vector<1000x128xi32> to vector<1000x128xf32>
    %dot_general3A_162 = arith.constant dense<0.000000e+00> : vector<1000x8xf32>
    %dot_general3A_163 = tpu.matmul %convert_element_type3A_161, %broadcast_in_dim3A_34, %dot_general3A_162 {dimension_numbers = #tpu.dot_dimension_numbers<[1], [0], [0], [1], [0, 0, 1, 1], [], []>, transpose_lhs_hint = false} : vector<1000x128xf32>, vector<128x8xf32>, vector<1000x8xf32> -> vector<1000x8xf32>
    %slice3A_164 = vector.extract_strided_slice %dot_general3A_163 {offsets = [0, 0], sizes = [1000, 1], strides = [1, 1]} : vector<1000x8xf32> to vector<1000x1xf32>
    %ge3A_165 = arith.constant 3.200000e+01 : f32
    %ge3A_166 = vector.broadcast %ge3A_165 : f32 to vector<1000x1xf32>
    %ge3A_167 = arith.cmpf oge, %slice3A_164, %ge3A_166 : vector<1000x1xf32>
    %select_n3A_168 = arith.select %ge3A_167, %or3A_154, %select_n3A_151 : vector<1000x1xi1>, vector<1000x1xi32>
    %or3A_169 = arith.constant 8388608 : i32
    %or3A_170 = vector.broadcast %or3A_169 : i32 to vector<1000x1xi32>
    %or3A_171 = arith.ori %select_n3A_168, %or3A_170 : vector<1000x1xi32>
    %xor3A_172 = arith.constant -2147483648 : i32
    %xor3A_173 = vector.broadcast %xor3A_172 : i32 to vector<1000x1xi32>
    %xor3A_174 = arith.xori %or3A_171, %xor3A_173 : vector<1000x1xi32>
    %ge3A_175 = vector.broadcast %xor3A_174 : vector<1000x1xi32> to vector<1000x128xi32>
    %ge3A_176 = arith.cmpi sge, %xor3A, %ge3A_175 : vector<1000x128xi32>
    %convert_element_type3A_177 = arith.extui %ge3A_176 : vector<1000x128xi1> to vector<1000x128xi32>
    %convert_element_type3A_178 = arith.sitofp %convert_element_type3A_177 : vector<1000x128xi32> to vector<1000x128xf32>
    %dot_general3A_179 = arith.constant dense<0.000000e+00> : vector<1000x8xf32>
    %dot_general3A_180 = tpu.matmul %convert_element_type3A_178, %broadcast_in_dim3A_34, %dot_general3A_179 {dimension_numbers = #tpu.dot_dimension_numbers<[1], [0], [0], [1], [0, 0, 1, 1], [], []>, transpose_lhs_hint = false} : vector<1000x128xf32>, vector<128x8xf32>, vector<1000x8xf32> -> vector<1000x8xf32>
    %slice3A_181 = vector.extract_strided_slice %dot_general3A_180 {offsets = [0, 0], sizes = [1000, 1], strides = [1, 1]} : vector<1000x8xf32> to vector<1000x1xf32>
    %ge3A_182 = arith.constant 3.200000e+01 : f32
    %ge3A_183 = vector.broadcast %ge3A_182 : f32 to vector<1000x1xf32>
    %ge3A_184 = arith.cmpf oge, %slice3A_181, %ge3A_183 : vector<1000x1xf32>
    %select_n3A_185 = arith.select %ge3A_184, %or3A_171, %select_n3A_168 : vector<1000x1xi1>, vector<1000x1xi32>
    %or3A_186 = arith.constant 4194304 : i32
    %or3A_187 = vector.broadcast %or3A_186 : i32 to vector<1000x1xi32>
    %or3A_188 = arith.ori %select_n3A_185, %or3A_187 : vector<1000x1xi32>
    %xor3A_189 = arith.constant -2147483648 : i32
    %xor3A_190 = vector.broadcast %xor3A_189 : i32 to vector<1000x1xi32>
    %xor3A_191 = arith.xori %or3A_188, %xor3A_190 : vector<1000x1xi32>
    %ge3A_192 = vector.broadcast %xor3A_191 : vector<1000x1xi32> to vector<1000x128xi32>
    %ge3A_193 = arith.cmpi sge, %xor3A, %ge3A_192 : vector<1000x128xi32>
    %convert_element_type3A_194 = arith.extui %ge3A_193 : vector<1000x128xi1> to vector<1000x128xi32>
    %convert_element_type3A_195 = arith.sitofp %convert_element_type3A_194 : vector<1000x128xi32> to vector<1000x128xf32>
    %dot_general3A_196 = arith.constant dense<0.000000e+00> : vector<1000x8xf32>
    %dot_general3A_197 = tpu.matmul %convert_element_type3A_195, %broadcast_in_dim3A_34, %dot_general3A_196 {dimension_numbers = #tpu.dot_dimension_numbers<[1], [0], [0], [1], [0, 0, 1, 1], [], []>, transpose_lhs_hint = false} : vector<1000x128xf32>, vector<128x8xf32>, vector<1000x8xf32> -> vector<1000x8xf32>
    %slice3A_198 = vector.extract_strided_slice %dot_general3A_197 {offsets = [0, 0], sizes = [1000, 1], strides = [1, 1]} : vector<1000x8xf32> to vector<1000x1xf32>
    %ge3A_199 = arith.constant 3.200000e+01 : f32
    %ge3A_200 = vector.broadcast %ge3A_199 : f32 to vector<1000x1xf32>
    %ge3A_201 = arith.cmpf oge, %slice3A_198, %ge3A_200 : vector<1000x1xf32>
    %select_n3A_202 = arith.select %ge3A_201, %or3A_188, %select_n3A_185 : vector<1000x1xi1>, vector<1000x1xi32>
    %or3A_203 = arith.constant 2097152 : i32
    %or3A_204 = vector.broadcast %or3A_203 : i32 to vector<1000x1xi32>
    %or3A_205 = arith.ori %select_n3A_202, %or3A_204 : vector<1000x1xi32>
    %xor3A_206 = arith.constant -2147483648 : i32
    %xor3A_207 = vector.broadcast %xor3A_206 : i32 to vector<1000x1xi32>
    %xor3A_208 = arith.xori %or3A_205, %xor3A_207 : vector<1000x1xi32>
    %ge3A_209 = vector.broadcast %xor3A_208 : vector<1000x1xi32> to vector<1000x128xi32>
    %ge3A_210 = arith.cmpi sge, %xor3A, %ge3A_209 : vector<1000x128xi32>
    %convert_element_type3A_211 = arith.extui %ge3A_210 : vector<1000x128xi1> to vector<1000x128xi32>
    %convert_element_type3A_212 = arith.sitofp %convert_element_type3A_211 : vector<1000x128xi32> to vector<1000x128xf32>
    %dot_general3A_213 = arith.constant dense<0.000000e+00> : vector<1000x8xf32>
    %dot_general3A_214 = tpu.matmul %convert_element_type3A_212, %broadcast_in_dim3A_34, %dot_general3A_213 {dimension_numbers = #tpu.dot_dimension_numbers<[1], [0], [0], [1], [0, 0, 1, 1], [], []>, transpose_lhs_hint = false} : vector<1000x128xf32>, vector<128x8xf32>, vector<1000x8xf32> -> vector<1000x8xf32>
    %slice3A_215 = vector.extract_strided_slice %dot_general3A_214 {offsets = [0, 0], sizes = [1000, 1], strides = [1, 1]} : vector<1000x8xf32> to vector<1000x1xf32>
    %ge3A_216 = arith.constant 3.200000e+01 : f32
    %ge3A_217 = vector.broadcast %ge3A_216 : f32 to vector<1000x1xf32>
    %ge3A_218 = arith.cmpf oge, %slice3A_215, %ge3A_217 : vector<1000x1xf32>
    %select_n3A_219 = arith.select %ge3A_218, %or3A_205, %select_n3A_202 : vector<1000x1xi1>, vector<1000x1xi32>
    %or3A_220 = arith.constant 1048576 : i32
    %or3A_221 = vector.broadcast %or3A_220 : i32 to vector<1000x1xi32>
    %or3A_222 = arith.ori %select_n3A_219, %or3A_221 : vector<1000x1xi32>
    %xor3A_223 = arith.constant -2147483648 : i32
    %xor3A_224 = vector.broadcast %xor3A_223 : i32 to vector<1000x1xi32>
    %xor3A_225 = arith.xori %or3A_222, %xor3A_224 : vector<1000x1xi32>
    %ge3A_226 = vector.broadcast %xor3A_225 : vector<1000x1xi32> to vector<1000x128xi32>
    %ge3A_227 = arith.cmpi sge, %xor3A, %ge3A_226 : vector<1000x128xi32>
    %convert_element_type3A_228 = arith.extui %ge3A_227 : vector<1000x128xi1> to vector<1000x128xi32>
    %convert_element_type3A_229 = arith.sitofp %convert_element_type3A_228 : vector<1000x128xi32> to vector<1000x128xf32>
    %dot_general3A_230 = arith.constant dense<0.000000e+00> : vector<1000x8xf32>
    %dot_general3A_231 = tpu.matmul %convert_element_type3A_229, %broadcast_in_dim3A_34, %dot_general3A_230 {dimension_numbers = #tpu.dot_dimension_numbers<[1], [0], [0], [1], [0, 0, 1, 1], [], []>, transpose_lhs_hint = false} : vector<1000x128xf32>, vector<128x8xf32>, vector<1000x8xf32> -> vector<1000x8xf32>
    %slice3A_232 = vector.extract_strided_slice %dot_general3A_231 {offsets = [0, 0], sizes = [1000, 1], strides = [1, 1]} : vector<1000x8xf32> to vector<1000x1xf32>
    %ge3A_233 = arith.constant 3.200000e+01 : f32
    %ge3A_234 = vector.broadcast %ge3A_233 : f32 to vector<1000x1xf32>
    %ge3A_235 = arith.cmpf oge, %slice3A_232, %ge3A_234 : vector<1000x1xf32>
    %select_n3A_236 = arith.select %ge3A_235, %or3A_222, %select_n3A_219 : vector<1000x1xi1>, vector<1000x1xi32>
    %or3A_237 = arith.constant 524288 : i32
    %or3A_238 = vector.broadcast %or3A_237 : i32 to vector<1000x1xi32>
    %or3A_239 = arith.ori %select_n3A_236, %or3A_238 : vector<1000x1xi32>
    %xor3A_240 = arith.constant -2147483648 : i32
    %xor3A_241 = vector.broadcast %xor3A_240 : i32 to vector<1000x1xi32>
    %xor3A_242 = arith.xori %or3A_239, %xor3A_241 : vector<1000x1xi32>
    %ge3A_243 = vector.broadcast %xor3A_242 : vector<1000x1xi32> to vector<1000x128xi32>
    %ge3A_244 = arith.cmpi sge, %xor3A, %ge3A_243 : vector<1000x128xi32>
    %convert_element_type3A_245 = arith.extui %ge3A_244 : vector<1000x128xi1> to vector<1000x128xi32>
    %convert_element_type3A_246 = arith.sitofp %convert_element_type3A_245 : vector<1000x128xi32> to vector<1000x128xf32>
    %dot_general3A_247 = arith.constant dense<0.000000e+00> : vector<1000x8xf32>
    %dot_general3A_248 = tpu.matmul %convert_element_type3A_246, %broadcast_in_dim3A_34, %dot_general3A_247 {dimension_numbers = #tpu.dot_dimension_numbers<[1], [0], [0], [1], [0, 0, 1, 1], [], []>, transpose_lhs_hint = false} : vector<1000x128xf32>, vector<128x8xf32>, vector<1000x8xf32> -> vector<1000x8xf32>
    %slice3A_249 = vector.extract_strided_slice %dot_general3A_248 {offsets = [0, 0], sizes = [1000, 1], strides = [1, 1]} : vector<1000x8xf32> to vector<1000x1xf32>
    %ge3A_250 = arith.constant 3.200000e+01 : f32
    %ge3A_251 = vector.broadcast %ge3A_250 : f32 to vector<1000x1xf32>
    %ge3A_252 = arith.cmpf oge, %slice3A_249, %ge3A_251 : vector<1000x1xf32>
    %select_n3A_253 = arith.select %ge3A_252, %or3A_239, %select_n3A_236 : vector<1000x1xi1>, vector<1000x1xi32>
    %or3A_254 = arith.constant 262144 : i32
    %or3A_255 = vector.broadcast %or3A_254 : i32 to vector<1000x1xi32>
    %or3A_256 = arith.ori %select_n3A_253, %or3A_255 : vector<1000x1xi32>
    %xor3A_257 = arith.constant -2147483648 : i32
    %xor3A_258 = vector.broadcast %xor3A_257 : i32 to vector<1000x1xi32>
    %xor3A_259 = arith.xori %or3A_256, %xor3A_258 : vector<1000x1xi32>
    %ge3A_260 = vector.broadcast %xor3A_259 : vector<1000x1xi32> to vector<1000x128xi32>
    %ge3A_261 = arith.cmpi sge, %xor3A, %ge3A_260 : vector<1000x128xi32>
    %convert_element_type3A_262 = arith.extui %ge3A_261 : vector<1000x128xi1> to vector<1000x128xi32>
    %convert_element_type3A_263 = arith.sitofp %convert_element_type3A_262 : vector<1000x128xi32> to vector<1000x128xf32>
    %dot_general3A_264 = arith.constant dense<0.000000e+00> : vector<1000x8xf32>
    %dot_general3A_265 = tpu.matmul %convert_element_type3A_263, %broadcast_in_dim3A_34, %dot_general3A_264 {dimension_numbers = #tpu.dot_dimension_numbers<[1], [0], [0], [1], [0, 0, 1, 1], [], []>, transpose_lhs_hint = false} : vector<1000x128xf32>, vector<128x8xf32>, vector<1000x8xf32> -> vector<1000x8xf32>
    %slice3A_266 = vector.extract_strided_slice %dot_general3A_265 {offsets = [0, 0], sizes = [1000, 1], strides = [1, 1]} : vector<1000x8xf32> to vector<1000x1xf32>
    %ge3A_267 = arith.constant 3.200000e+01 : f32
    %ge3A_268 = vector.broadcast %ge3A_267 : f32 to vector<1000x1xf32>
    %ge3A_269 = arith.cmpf oge, %slice3A_266, %ge3A_268 : vector<1000x1xf32>
    %select_n3A_270 = arith.select %ge3A_269, %or3A_256, %select_n3A_253 : vector<1000x1xi1>, vector<1000x1xi32>
    %or3A_271 = arith.constant 131072 : i32
    %or3A_272 = vector.broadcast %or3A_271 : i32 to vector<1000x1xi32>
    %or3A_273 = arith.ori %select_n3A_270, %or3A_272 : vector<1000x1xi32>
    %xor3A_274 = arith.constant -2147483648 : i32
    %xor3A_275 = vector.broadcast %xor3A_274 : i32 to vector<1000x1xi32>
    %xor3A_276 = arith.xori %or3A_273, %xor3A_275 : vector<1000x1xi32>
    %ge3A_277 = vector.broadcast %xor3A_276 : vector<1000x1xi32> to vector<1000x128xi32>
    %ge3A_278 = arith.cmpi sge, %xor3A, %ge3A_277 : vector<1000x128xi32>
    %convert_element_type3A_279 = arith.extui %ge3A_278 : vector<1000x128xi1> to vector<1000x128xi32>
    %convert_element_type3A_280 = arith.sitofp %convert_element_type3A_279 : vector<1000x128xi32> to vector<1000x128xf32>
    %dot_general3A_281 = arith.constant dense<0.000000e+00> : vector<1000x8xf32>
    %dot_general3A_282 = tpu.matmul %convert_element_type3A_280, %broadcast_in_dim3A_34, %dot_general3A_281 {dimension_numbers = #tpu.dot_dimension_numbers<[1], [0], [0], [1], [0, 0, 1, 1], [], []>, transpose_lhs_hint = false} : vector<1000x128xf32>, vector<128x8xf32>, vector<1000x8xf32> -> vector<1000x8xf32>
    %slice3A_283 = vector.extract_strided_slice %dot_general3A_282 {offsets = [0, 0], sizes = [1000, 1], strides = [1, 1]} : vector<1000x8xf32> to vector<1000x1xf32>
    %ge3A_284 = arith.constant 3.200000e+01 : f32
    %ge3A_285 = vector.broadcast %ge3A_284 : f32 to vector<1000x1xf32>
    %ge3A_286 = arith.cmpf oge, %slice3A_283, %ge3A_285 : vector<1000x1xf32>
    %select_n3A_287 = arith.select %ge3A_286, %or3A_273, %select_n3A_270 : vector<1000x1xi1>, vector<1000x1xi32>
    %or3A_288 = arith.constant 65536 : i32
    %or3A_289 = vector.broadcast %or3A_288 : i32 to vector<1000x1xi32>
    %or3A_290 = arith.ori %select_n3A_287, %or3A_289 : vector<1000x1xi32>
    %xor3A_291 = arith.constant -2147483648 : i32
    %xor3A_292 = vector.broadcast %xor3A_291 : i32 to vector<1000x1xi32>
    %xor3A_293 = arith.xori %or3A_290, %xor3A_292 : vector<1000x1xi32>
    %ge3A_294 = vector.broadcast %xor3A_293 : vector<1000x1xi32> to vector<1000x128xi32>
    %ge3A_295 = arith.cmpi sge, %xor3A, %ge3A_294 : vector<1000x128xi32>
    %convert_element_type3A_296 = arith.extui %ge3A_295 : vector<1000x128xi1> to vector<1000x128xi32>
    %convert_element_type3A_297 = arith.sitofp %convert_element_type3A_296 : vector<1000x128xi32> to vector<1000x128xf32>
    %dot_general3A_298 = arith.constant dense<0.000000e+00> : vector<1000x8xf32>
    %dot_general3A_299 = tpu.matmul %convert_element_type3A_297, %broadcast_in_dim3A_34, %dot_general3A_298 {dimension_numbers = #tpu.dot_dimension_numbers<[1], [0], [0], [1], [0, 0, 1, 1], [], []>, transpose_lhs_hint = false} : vector<1000x128xf32>, vector<128x8xf32>, vector<1000x8xf32> -> vector<1000x8xf32>
    %slice3A_300 = vector.extract_strided_slice %dot_general3A_299 {offsets = [0, 0], sizes = [1000, 1], strides = [1, 1]} : vector<1000x8xf32> to vector<1000x1xf32>
    %ge3A_301 = arith.constant 3.200000e+01 : f32
    %ge3A_302 = vector.broadcast %ge3A_301 : f32 to vector<1000x1xf32>
    %ge3A_303 = arith.cmpf oge, %slice3A_300, %ge3A_302 : vector<1000x1xf32>
    %select_n3A_304 = arith.select %ge3A_303, %or3A_290, %select_n3A_287 : vector<1000x1xi1>, vector<1000x1xi32>
    %or3A_305 = arith.constant 32768 : i32
    %or3A_306 = vector.broadcast %or3A_305 : i32 to vector<1000x1xi32>
    %or3A_307 = arith.ori %select_n3A_304, %or3A_306 : vector<1000x1xi32>
    %xor3A_308 = arith.constant -2147483648 : i32
    %xor3A_309 = vector.broadcast %xor3A_308 : i32 to vector<1000x1xi32>
    %xor3A_310 = arith.xori %or3A_307, %xor3A_309 : vector<1000x1xi32>
    %ge3A_311 = vector.broadcast %xor3A_310 : vector<1000x1xi32> to vector<1000x128xi32>
    %ge3A_312 = arith.cmpi sge, %xor3A, %ge3A_311 : vector<1000x128xi32>
    %convert_element_type3A_313 = arith.extui %ge3A_312 : vector<1000x128xi1> to vector<1000x128xi32>
    %convert_element_type3A_314 = arith.sitofp %convert_element_type3A_313 : vector<1000x128xi32> to vector<1000x128xf32>
    %dot_general3A_315 = arith.constant dense<0.000000e+00> : vector<1000x8xf32>
    %dot_general3A_316 = tpu.matmul %convert_element_type3A_314, %broadcast_in_dim3A_34, %dot_general3A_315 {dimension_numbers = #tpu.dot_dimension_numbers<[1], [0], [0], [1], [0, 0, 1, 1], [], []>, transpose_lhs_hint = false} : vector<1000x128xf32>, vector<128x8xf32>, vector<1000x8xf32> -> vector<1000x8xf32>
    %slice3A_317 = vector.extract_strided_slice %dot_general3A_316 {offsets = [0, 0], sizes = [1000, 1], strides = [1, 1]} : vector<1000x8xf32> to vector<1000x1xf32>
    %ge3A_318 = arith.constant 3.200000e+01 : f32
    %ge3A_319 = vector.broadcast %ge3A_318 : f32 to vector<1000x1xf32>
    %ge3A_320 = arith.cmpf oge, %slice3A_317, %ge3A_319 : vector<1000x1xf32>
    %select_n3A_321 = arith.select %ge3A_320, %or3A_307, %select_n3A_304 : vector<1000x1xi1>, vector<1000x1xi32>
    %or3A_322 = arith.constant 16384 : i32
    %or3A_323 = vector.broadcast %or3A_322 : i32 to vector<1000x1xi32>
    %or3A_324 = arith.ori %select_n3A_321, %or3A_323 : vector<1000x1xi32>
    %xor3A_325 = arith.constant -2147483648 : i32
    %xor3A_326 = vector.broadcast %xor3A_325 : i32 to vector<1000x1xi32>
    %xor3A_327 = arith.xori %or3A_324, %xor3A_326 : vector<1000x1xi32>
    %ge3A_328 = vector.broadcast %xor3A_327 : vector<1000x1xi32> to vector<1000x128xi32>
    %ge3A_329 = arith.cmpi sge, %xor3A, %ge3A_328 : vector<1000x128xi32>
    %convert_element_type3A_330 = arith.extui %ge3A_329 : vector<1000x128xi1> to vector<1000x128xi32>
    %convert_element_type3A_331 = arith.sitofp %convert_element_type3A_330 : vector<1000x128xi32> to vector<1000x128xf32>
    %dot_general3A_332 = arith.constant dense<0.000000e+00> : vector<1000x8xf32>
    %dot_general3A_333 = tpu.matmul %convert_element_type3A_331, %broadcast_in_dim3A_34, %dot_general3A_332 {dimension_numbers = #tpu.dot_dimension_numbers<[1], [0], [0], [1], [0, 0, 1, 1], [], []>, transpose_lhs_hint = false} : vector<1000x128xf32>, vector<128x8xf32>, vector<1000x8xf32> -> vector<1000x8xf32>
    %slice3A_334 = vector.extract_strided_slice %dot_general3A_333 {offsets = [0, 0], sizes = [1000, 1], strides = [1, 1]} : vector<1000x8xf32> to vector<1000x1xf32>
    %ge3A_335 = arith.constant 3.200000e+01 : f32
    %ge3A_336 = vector.broadcast %ge3A_335 : f32 to vector<1000x1xf32>
    %ge3A_337 = arith.cmpf oge, %slice3A_334, %ge3A_336 : vector<1000x1xf32>
    %select_n3A_338 = arith.select %ge3A_337, %or3A_324, %select_n3A_321 : vector<1000x1xi1>, vector<1000x1xi32>
    %or3A_339 = arith.constant 8192 : i32
    %or3A_340 = vector.broadcast %or3A_339 : i32 to vector<1000x1xi32>
    %or3A_341 = arith.ori %select_n3A_338, %or3A_340 : vector<1000x1xi32>
    %xor3A_342 = arith.constant -2147483648 : i32
    %xor3A_343 = vector.broadcast %xor3A_342 : i32 to vector<1000x1xi32>
    %xor3A_344 = arith.xori %or3A_341, %xor3A_343 : vector<1000x1xi32>
    %ge3A_345 = vector.broadcast %xor3A_344 : vector<1000x1xi32> to vector<1000x128xi32>
    %ge3A_346 = arith.cmpi sge, %xor3A, %ge3A_345 : vector<1000x128xi32>
    %convert_element_type3A_347 = arith.extui %ge3A_346 : vector<1000x128xi1> to vector<1000x128xi32>
    %convert_element_type3A_348 = arith.sitofp %convert_element_type3A_347 : vector<1000x128xi32> to vector<1000x128xf32>
    %dot_general3A_349 = arith.constant dense<0.000000e+00> : vector<1000x8xf32>
    %dot_general3A_350 = tpu.matmul %convert_element_type3A_348, %broadcast_in_dim3A_34, %dot_general3A_349 {dimension_numbers = #tpu.dot_dimension_numbers<[1], [0], [0], [1], [0, 0, 1, 1], [], []>, transpose_lhs_hint = false} : vector<1000x128xf32>, vector<128x8xf32>, vector<1000x8xf32> -> vector<1000x8xf32>
    %slice3A_351 = vector.extract_strided_slice %dot_general3A_350 {offsets = [0, 0], sizes = [1000, 1], strides = [1, 1]} : vector<1000x8xf32> to vector<1000x1xf32>
    %ge3A_352 = arith.constant 3.200000e+01 : f32
    %ge3A_353 = vector.broadcast %ge3A_352 : f32 to vector<1000x1xf32>
    %ge3A_354 = arith.cmpf oge, %slice3A_351, %ge3A_353 : vector<1000x1xf32>
    %select_n3A_355 = arith.select %ge3A_354, %or3A_341, %select_n3A_338 : vector<1000x1xi1>, vector<1000x1xi32>
    %or3A_356 = arith.constant 4096 : i32
    %or3A_357 = vector.broadcast %or3A_356 : i32 to vector<1000x1xi32>
    %or3A_358 = arith.ori %select_n3A_355, %or3A_357 : vector<1000x1xi32>
    %xor3A_359 = arith.constant -2147483648 : i32
    %xor3A_360 = vector.broadcast %xor3A_359 : i32 to vector<1000x1xi32>
    %xor3A_361 = arith.xori %or3A_358, %xor3A_360 : vector<1000x1xi32>
    %ge3A_362 = vector.broadcast %xor3A_361 : vector<1000x1xi32> to vector<1000x128xi32>
    %ge3A_363 = arith.cmpi sge, %xor3A, %ge3A_362 : vector<1000x128xi32>
    %convert_element_type3A_364 = arith.extui %ge3A_363 : vector<1000x128xi1> to vector<1000x128xi32>
    %convert_element_type3A_365 = arith.sitofp %convert_element_type3A_364 : vector<1000x128xi32> to vector<1000x128xf32>
    %dot_general3A_366 = arith.constant dense<0.000000e+00> : vector<1000x8xf32>
    %dot_general3A_367 = tpu.matmul %convert_element_type3A_365, %broadcast_in_dim3A_34, %dot_general3A_366 {dimension_numbers = #tpu.dot_dimension_numbers<[1], [0], [0], [1], [0, 0, 1, 1], [], []>, transpose_lhs_hint = false} : vector<1000x128xf32>, vector<128x8xf32>, vector<1000x8xf32> -> vector<1000x8xf32>
    %slice3A_368 = vector.extract_strided_slice %dot_general3A_367 {offsets = [0, 0], sizes = [1000, 1], strides = [1, 1]} : vector<1000x8xf32> to vector<1000x1xf32>
    %ge3A_369 = arith.constant 3.200000e+01 : f32
    %ge3A_370 = vector.broadcast %ge3A_369 : f32 to vector<1000x1xf32>
    %ge3A_371 = arith.cmpf oge, %slice3A_368, %ge3A_370 : vector<1000x1xf32>
    %select_n3A_372 = arith.select %ge3A_371, %or3A_358, %select_n3A_355 : vector<1000x1xi1>, vector<1000x1xi32>
    %or3A_373 = arith.constant 2048 : i32
    %or3A_374 = vector.broadcast %or3A_373 : i32 to vector<1000x1xi32>
    %or3A_375 = arith.ori %select_n3A_372, %or3A_374 : vector<1000x1xi32>
    %xor3A_376 = arith.constant -2147483648 : i32
    %xor3A_377 = vector.broadcast %xor3A_376 : i32 to vector<1000x1xi32>
    %xor3A_378 = arith.xori %or3A_375, %xor3A_377 : vector<1000x1xi32>
    %ge3A_379 = vector.broadcast %xor3A_378 : vector<1000x1xi32> to vector<1000x128xi32>
    %ge3A_380 = arith.cmpi sge, %xor3A, %ge3A_379 : vector<1000x128xi32>
    %convert_element_type3A_381 = arith.extui %ge3A_380 : vector<1000x128xi1> to vector<1000x128xi32>
    %convert_element_type3A_382 = arith.sitofp %convert_element_type3A_381 : vector<1000x128xi32> to vector<1000x128xf32>
    %dot_general3A_383 = arith.constant dense<0.000000e+00> : vector<1000x8xf32>
    %dot_general3A_384 = tpu.matmul %convert_element_type3A_382, %broadcast_in_dim3A_34, %dot_general3A_383 {dimension_numbers = #tpu.dot_dimension_numbers<[1], [0], [0], [1], [0, 0, 1, 1], [], []>, transpose_lhs_hint = false} : vector<1000x128xf32>, vector<128x8xf32>, vector<1000x8xf32> -> vector<1000x8xf32>
    %slice3A_385 = vector.extract_strided_slice %dot_general3A_384 {offsets = [0, 0], sizes = [1000, 1], strides = [1, 1]} : vector<1000x8xf32> to vector<1000x1xf32>
    %ge3A_386 = arith.constant 3.200000e+01 : f32
    %ge3A_387 = vector.broadcast %ge3A_386 : f32 to vector<1000x1xf32>
    %ge3A_388 = arith.cmpf oge, %slice3A_385, %ge3A_387 : vector<1000x1xf32>
    %select_n3A_389 = arith.select %ge3A_388, %or3A_375, %select_n3A_372 : vector<1000x1xi1>, vector<1000x1xi32>
    %or3A_390 = arith.constant 1024 : i32
    %or3A_391 = vector.broadcast %or3A_390 : i32 to vector<1000x1xi32>
    %or3A_392 = arith.ori %select_n3A_389, %or3A_391 : vector<1000x1xi32>
    %xor3A_393 = arith.constant -2147483648 : i32
    %xor3A_394 = vector.broadcast %xor3A_393 : i32 to vector<1000x1xi32>
    %xor3A_395 = arith.xori %or3A_392, %xor3A_394 : vector<1000x1xi32>
    %ge3A_396 = vector.broadcast %xor3A_395 : vector<1000x1xi32> to vector<1000x128xi32>
    %ge3A_397 = arith.cmpi sge, %xor3A, %ge3A_396 : vector<1000x128xi32>
    %convert_element_type3A_398 = arith.extui %ge3A_397 : vector<1000x128xi1> to vector<1000x128xi32>
    %convert_element_type3A_399 = arith.sitofp %convert_element_type3A_398 : vector<1000x128xi32> to vector<1000x128xf32>
    %dot_general3A_400 = arith.constant dense<0.000000e+00> : vector<1000x8xf32>
    %dot_general3A_401 = tpu.matmul %convert_element_type3A_399, %broadcast_in_dim3A_34, %dot_general3A_400 {dimension_numbers = #tpu.dot_dimension_numbers<[1], [0], [0], [1], [0, 0, 1, 1], [], []>, transpose_lhs_hint = false} : vector<1000x128xf32>, vector<128x8xf32>, vector<1000x8xf32> -> vector<1000x8xf32>
    %slice3A_402 = vector.extract_strided_slice %dot_general3A_401 {offsets = [0, 0], sizes = [1000, 1], strides = [1, 1]} : vector<1000x8xf32> to vector<1000x1xf32>
    %ge3A_403 = arith.constant 3.200000e+01 : f32
    %ge3A_404 = vector.broadcast %ge3A_403 : f32 to vector<1000x1xf32>
    %ge3A_405 = arith.cmpf oge, %slice3A_402, %ge3A_404 : vector<1000x1xf32>
    %select_n3A_406 = arith.select %ge3A_405, %or3A_392, %select_n3A_389 : vector<1000x1xi1>, vector<1000x1xi32>
    %or3A_407 = arith.constant 512 : i32
    %or3A_408 = vector.broadcast %or3A_407 : i32 to vector<1000x1xi32>
    %or3A_409 = arith.ori %select_n3A_406, %or3A_408 : vector<1000x1xi32>
    %xor3A_410 = arith.constant -2147483648 : i32
    %xor3A_411 = vector.broadcast %xor3A_410 : i32 to vector<1000x1xi32>
    %xor3A_412 = arith.xori %or3A_409, %xor3A_411 : vector<1000x1xi32>
    %ge3A_413 = vector.broadcast %xor3A_412 : vector<1000x1xi32> to vector<1000x128xi32>
    %ge3A_414 = arith.cmpi sge, %xor3A, %ge3A_413 : vector<1000x128xi32>
    %convert_element_type3A_415 = arith.extui %ge3A_414 : vector<1000x128xi1> to vector<1000x128xi32>
    %convert_element_type3A_416 = arith.sitofp %convert_element_type3A_415 : vector<1000x128xi32> to vector<1000x128xf32>
    %dot_general3A_417 = arith.constant dense<0.000000e+00> : vector<1000x8xf32>
    %dot_general3A_418 = tpu.matmul %convert_element_type3A_416, %broadcast_in_dim3A_34, %dot_general3A_417 {dimension_numbers = #tpu.dot_dimension_numbers<[1], [0], [0], [1], [0, 0, 1, 1], [], []>, transpose_lhs_hint = false} : vector<1000x128xf32>, vector<128x8xf32>, vector<1000x8xf32> -> vector<1000x8xf32>
    %slice3A_419 = vector.extract_strided_slice %dot_general3A_418 {offsets = [0, 0], sizes = [1000, 1], strides = [1, 1]} : vector<1000x8xf32> to vector<1000x1xf32>
    %ge3A_420 = arith.constant 3.200000e+01 : f32
    %ge3A_421 = vector.broadcast %ge3A_420 : f32 to vector<1000x1xf32>
    %ge3A_422 = arith.cmpf oge, %slice3A_419, %ge3A_421 : vector<1000x1xf32>
    %select_n3A_423 = arith.select %ge3A_422, %or3A_409, %select_n3A_406 : vector<1000x1xi1>, vector<1000x1xi32>
    %or3A_424 = arith.constant 256 : i32
    %or3A_425 = vector.broadcast %or3A_424 : i32 to vector<1000x1xi32>
    %or3A_426 = arith.ori %select_n3A_423, %or3A_425 : vector<1000x1xi32>
    %xor3A_427 = arith.constant -2147483648 : i32
    %xor3A_428 = vector.broadcast %xor3A_427 : i32 to vector<1000x1xi32>
    %xor3A_429 = arith.xori %or3A_426, %xor3A_428 : vector<1000x1xi32>
    %ge3A_430 = vector.broadcast %xor3A_429 : vector<1000x1xi32> to vector<1000x128xi32>
    %ge3A_431 = arith.cmpi sge, %xor3A, %ge3A_430 : vector<1000x128xi32>
    %convert_element_type3A_432 = arith.extui %ge3A_431 : vector<1000x128xi1> to vector<1000x128xi32>
    %convert_element_type3A_433 = arith.sitofp %convert_element_type3A_432 : vector<1000x128xi32> to vector<1000x128xf32>
    %dot_general3A_434 = arith.constant dense<0.000000e+00> : vector<1000x8xf32>
    %dot_general3A_435 = tpu.matmul %convert_element_type3A_433, %broadcast_in_dim3A_34, %dot_general3A_434 {dimension_numbers = #tpu.dot_dimension_numbers<[1], [0], [0], [1], [0, 0, 1, 1], [], []>, transpose_lhs_hint = false} : vector<1000x128xf32>, vector<128x8xf32>, vector<1000x8xf32> -> vector<1000x8xf32>
    %slice3A_436 = vector.extract_strided_slice %dot_general3A_435 {offsets = [0, 0], sizes = [1000, 1], strides = [1, 1]} : vector<1000x8xf32> to vector<1000x1xf32>
    %ge3A_437 = arith.constant 3.200000e+01 : f32
    %ge3A_438 = vector.broadcast %ge3A_437 : f32 to vector<1000x1xf32>
    %ge3A_439 = arith.cmpf oge, %slice3A_436, %ge3A_438 : vector<1000x1xf32>
    %select_n3A_440 = arith.select %ge3A_439, %or3A_426, %select_n3A_423 : vector<1000x1xi1>, vector<1000x1xi32>
    %or3A_441 = arith.constant 128 : i32
    %or3A_442 = vector.broadcast %or3A_441 : i32 to vector<1000x1xi32>
    %or3A_443 = arith.ori %select_n3A_440, %or3A_442 : vector<1000x1xi32>
    %xor3A_444 = arith.constant -2147483648 : i32
    %xor3A_445 = vector.broadcast %xor3A_444 : i32 to vector<1000x1xi32>
    %xor3A_446 = arith.xori %or3A_443, %xor3A_445 : vector<1000x1xi32>
    %ge3A_447 = vector.broadcast %xor3A_446 : vector<1000x1xi32> to vector<1000x128xi32>
    %ge3A_448 = arith.cmpi sge, %xor3A, %ge3A_447 : vector<1000x128xi32>
    %convert_element_type3A_449 = arith.extui %ge3A_448 : vector<1000x128xi1> to vector<1000x128xi32>
    %convert_element_type3A_450 = arith.sitofp %convert_element_type3A_449 : vector<1000x128xi32> to vector<1000x128xf32>
    %dot_general3A_451 = arith.constant dense<0.000000e+00> : vector<1000x8xf32>
    %dot_general3A_452 = tpu.matmul %convert_element_type3A_450, %broadcast_in_dim3A_34, %dot_general3A_451 {dimension_numbers = #tpu.dot_dimension_numbers<[1], [0], [0], [1], [0, 0, 1, 1], [], []>, transpose_lhs_hint = false} : vector<1000x128xf32>, vector<128x8xf32>, vector<1000x8xf32> -> vector<1000x8xf32>
    %slice3A_453 = vector.extract_strided_slice %dot_general3A_452 {offsets = [0, 0], sizes = [1000, 1], strides = [1, 1]} : vector<1000x8xf32> to vector<1000x1xf32>
    %ge3A_454 = arith.constant 3.200000e+01 : f32
    %ge3A_455 = vector.broadcast %ge3A_454 : f32 to vector<1000x1xf32>
    %ge3A_456 = arith.cmpf oge, %slice3A_453, %ge3A_455 : vector<1000x1xf32>
    %select_n3A_457 = arith.select %ge3A_456, %or3A_443, %select_n3A_440 : vector<1000x1xi1>, vector<1000x1xi32>
    %or3A_458 = arith.constant 64 : i32
    %or3A_459 = vector.broadcast %or3A_458 : i32 to vector<1000x1xi32>
    %or3A_460 = arith.ori %select_n3A_457, %or3A_459 : vector<1000x1xi32>
    %xor3A_461 = arith.constant -2147483648 : i32
    %xor3A_462 = vector.broadcast %xor3A_461 : i32 to vector<1000x1xi32>
    %xor3A_463 = arith.xori %or3A_460, %xor3A_462 : vector<1000x1xi32>
    %ge3A_464 = vector.broadcast %xor3A_463 : vector<1000x1xi32> to vector<1000x128xi32>
    %ge3A_465 = arith.cmpi sge, %xor3A, %ge3A_464 : vector<1000x128xi32>
    %convert_element_type3A_466 = arith.extui %ge3A_465 : vector<1000x128xi1> to vector<1000x128xi32>
    %convert_element_type3A_467 = arith.sitofp %convert_element_type3A_466 : vector<1000x128xi32> to vector<1000x128xf32>
    %dot_general3A_468 = arith.constant dense<0.000000e+00> : vector<1000x8xf32>
    %dot_general3A_469 = tpu.matmul %convert_element_type3A_467, %broadcast_in_dim3A_34, %dot_general3A_468 {dimension_numbers = #tpu.dot_dimension_numbers<[1], [0], [0], [1], [0, 0, 1, 1], [], []>, transpose_lhs_hint = false} : vector<1000x128xf32>, vector<128x8xf32>, vector<1000x8xf32> -> vector<1000x8xf32>
    %slice3A_470 = vector.extract_strided_slice %dot_general3A_469 {offsets = [0, 0], sizes = [1000, 1], strides = [1, 1]} : vector<1000x8xf32> to vector<1000x1xf32>
    %ge3A_471 = arith.constant 3.200000e+01 : f32
    %ge3A_472 = vector.broadcast %ge3A_471 : f32 to vector<1000x1xf32>
    %ge3A_473 = arith.cmpf oge, %slice3A_470, %ge3A_472 : vector<1000x1xf32>
    %select_n3A_474 = arith.select %ge3A_473, %or3A_460, %select_n3A_457 : vector<1000x1xi1>, vector<1000x1xi32>
    %or3A_475 = arith.constant 32 : i32
    %or3A_476 = vector.broadcast %or3A_475 : i32 to vector<1000x1xi32>
    %or3A_477 = arith.ori %select_n3A_474, %or3A_476 : vector<1000x1xi32>
    %xor3A_478 = arith.constant -2147483648 : i32
    %xor3A_479 = vector.broadcast %xor3A_478 : i32 to vector<1000x1xi32>
    %xor3A_480 = arith.xori %or3A_477, %xor3A_479 : vector<1000x1xi32>
    %ge3A_481 = vector.broadcast %xor3A_480 : vector<1000x1xi32> to vector<1000x128xi32>
    %ge3A_482 = arith.cmpi sge, %xor3A, %ge3A_481 : vector<1000x128xi32>
    %convert_element_type3A_483 = arith.extui %ge3A_482 : vector<1000x128xi1> to vector<1000x128xi32>
    %convert_element_type3A_484 = arith.sitofp %convert_element_type3A_483 : vector<1000x128xi32> to vector<1000x128xf32>
    %dot_general3A_485 = arith.constant dense<0.000000e+00> : vector<1000x8xf32>
    %dot_general3A_486 = tpu.matmul %convert_element_type3A_484, %broadcast_in_dim3A_34, %dot_general3A_485 {dimension_numbers = #tpu.dot_dimension_numbers<[1], [0], [0], [1], [0, 0, 1, 1], [], []>, transpose_lhs_hint = false} : vector<1000x128xf32>, vector<128x8xf32>, vector<1000x8xf32> -> vector<1000x8xf32>
    %slice3A_487 = vector.extract_strided_slice %dot_general3A_486 {offsets = [0, 0], sizes = [1000, 1], strides = [1, 1]} : vector<1000x8xf32> to vector<1000x1xf32>
    %ge3A_488 = arith.constant 3.200000e+01 : f32
    %ge3A_489 = vector.broadcast %ge3A_488 : f32 to vector<1000x1xf32>
    %ge3A_490 = arith.cmpf oge, %slice3A_487, %ge3A_489 : vector<1000x1xf32>
    %select_n3A_491 = arith.select %ge3A_490, %or3A_477, %select_n3A_474 : vector<1000x1xi1>, vector<1000x1xi32>
    %or3A_492 = arith.constant 16 : i32
    %or3A_493 = vector.broadcast %or3A_492 : i32 to vector<1000x1xi32>
    %or3A_494 = arith.ori %select_n3A_491, %or3A_493 : vector<1000x1xi32>
    %xor3A_495 = arith.constant -2147483648 : i32
    %xor3A_496 = vector.broadcast %xor3A_495 : i32 to vector<1000x1xi32>
    %xor3A_497 = arith.xori %or3A_494, %xor3A_496 : vector<1000x1xi32>
    %ge3A_498 = vector.broadcast %xor3A_497 : vector<1000x1xi32> to vector<1000x128xi32>
    %ge3A_499 = arith.cmpi sge, %xor3A, %ge3A_498 : vector<1000x128xi32>
    %convert_element_type3A_500 = arith.extui %ge3A_499 : vector<1000x128xi1> to vector<1000x128xi32>
    %convert_element_type3A_501 = arith.sitofp %convert_element_type3A_500 : vector<1000x128xi32> to vector<1000x128xf32>
    %dot_general3A_502 = arith.constant dense<0.000000e+00> : vector<1000x8xf32>
    %dot_general3A_503 = tpu.matmul %convert_element_type3A_501, %broadcast_in_dim3A_34, %dot_general3A_502 {dimension_numbers = #tpu.dot_dimension_numbers<[1], [0], [0], [1], [0, 0, 1, 1], [], []>, transpose_lhs_hint = false} : vector<1000x128xf32>, vector<128x8xf32>, vector<1000x8xf32> -> vector<1000x8xf32>
    %slice3A_504 = vector.extract_strided_slice %dot_general3A_503 {offsets = [0, 0], sizes = [1000, 1], strides = [1, 1]} : vector<1000x8xf32> to vector<1000x1xf32>
    %ge3A_505 = arith.constant 3.200000e+01 : f32
    %ge3A_506 = vector.broadcast %ge3A_505 : f32 to vector<1000x1xf32>
    %ge3A_507 = arith.cmpf oge, %slice3A_504, %ge3A_506 : vector<1000x1xf32>
    %select_n3A_508 = arith.select %ge3A_507, %or3A_494, %select_n3A_491 : vector<1000x1xi1>, vector<1000x1xi32>
    %or3A_509 = arith.constant 8 : i32
    %or3A_510 = vector.broadcast %or3A_509 : i32 to vector<1000x1xi32>
    %or3A_511 = arith.ori %select_n3A_508, %or3A_510 : vector<1000x1xi32>
    %xor3A_512 = arith.constant -2147483648 : i32
    %xor3A_513 = vector.broadcast %xor3A_512 : i32 to vector<1000x1xi32>
    %xor3A_514 = arith.xori %or3A_511, %xor3A_513 : vector<1000x1xi32>
    %ge3A_515 = vector.broadcast %xor3A_514 : vector<1000x1xi32> to vector<1000x128xi32>
    %ge3A_516 = arith.cmpi sge, %xor3A, %ge3A_515 : vector<1000x128xi32>
    %convert_element_type3A_517 = arith.extui %ge3A_516 : vector<1000x128xi1> to vector<1000x128xi32>
    %convert_element_type3A_518 = arith.sitofp %convert_element_type3A_517 : vector<1000x128xi32> to vector<1000x128xf32>
    %dot_general3A_519 = arith.constant dense<0.000000e+00> : vector<1000x8xf32>
    %dot_general3A_520 = tpu.matmul %convert_element_type3A_518, %broadcast_in_dim3A_34, %dot_general3A_519 {dimension_numbers = #tpu.dot_dimension_numbers<[1], [0], [0], [1], [0, 0, 1, 1], [], []>, transpose_lhs_hint = false} : vector<1000x128xf32>, vector<128x8xf32>, vector<1000x8xf32> -> vector<1000x8xf32>
    %slice3A_521 = vector.extract_strided_slice %dot_general3A_520 {offsets = [0, 0], sizes = [1000, 1], strides = [1, 1]} : vector<1000x8xf32> to vector<1000x1xf32>
    %ge3A_522 = arith.constant 3.200000e+01 : f32
    %ge3A_523 = vector.broadcast %ge3A_522 : f32 to vector<1000x1xf32>
    %ge3A_524 = arith.cmpf oge, %slice3A_521, %ge3A_523 : vector<1000x1xf32>
    %select_n3A_525 = arith.select %ge3A_524, %or3A_511, %select_n3A_508 : vector<1000x1xi1>, vector<1000x1xi32>
    %or3A_526 = arith.constant 4 : i32
    %or3A_527 = vector.broadcast %or3A_526 : i32 to vector<1000x1xi32>
    %or3A_528 = arith.ori %select_n3A_525, %or3A_527 : vector<1000x1xi32>
    %xor3A_529 = arith.constant -2147483648 : i32
    %xor3A_530 = vector.broadcast %xor3A_529 : i32 to vector<1000x1xi32>
    %xor3A_531 = arith.xori %or3A_528, %xor3A_530 : vector<1000x1xi32>
    %ge3A_532 = vector.broadcast %xor3A_531 : vector<1000x1xi32> to vector<1000x128xi32>
    %ge3A_533 = arith.cmpi sge, %xor3A, %ge3A_532 : vector<1000x128xi32>
    %convert_element_type3A_534 = arith.extui %ge3A_533 : vector<1000x128xi1> to vector<1000x128xi32>
    %convert_element_type3A_535 = arith.sitofp %convert_element_type3A_534 : vector<1000x128xi32> to vector<1000x128xf32>
    %dot_general3A_536 = arith.constant dense<0.000000e+00> : vector<1000x8xf32>
    %dot_general3A_537 = tpu.matmul %convert_element_type3A_535, %broadcast_in_dim3A_34, %dot_general3A_536 {dimension_numbers = #tpu.dot_dimension_numbers<[1], [0], [0], [1], [0, 0, 1, 1], [], []>, transpose_lhs_hint = false} : vector<1000x128xf32>, vector<128x8xf32>, vector<1000x8xf32> -> vector<1000x8xf32>
    %slice3A_538 = vector.extract_strided_slice %dot_general3A_537 {offsets = [0, 0], sizes = [1000, 1], strides = [1, 1]} : vector<1000x8xf32> to vector<1000x1xf32>
    %ge3A_539 = arith.constant 3.200000e+01 : f32
    %ge3A_540 = vector.broadcast %ge3A_539 : f32 to vector<1000x1xf32>
    %ge3A_541 = arith.cmpf oge, %slice3A_538, %ge3A_540 : vector<1000x1xf32>
    %select_n3A_542 = arith.select %ge3A_541, %or3A_528, %select_n3A_525 : vector<1000x1xi1>, vector<1000x1xi32>
    %or3A_543 = arith.constant 2 : i32
    %or3A_544 = vector.broadcast %or3A_543 : i32 to vector<1000x1xi32>
    %or3A_545 = arith.ori %select_n3A_542, %or3A_544 : vector<1000x1xi32>
    %xor3A_546 = arith.constant -2147483648 : i32
    %xor3A_547 = vector.broadcast %xor3A_546 : i32 to vector<1000x1xi32>
    %xor3A_548 = arith.xori %or3A_545, %xor3A_547 : vector<1000x1xi32>
    %ge3A_549 = vector.broadcast %xor3A_548 : vector<1000x1xi32> to vector<1000x128xi32>
    %ge3A_550 = arith.cmpi sge, %xor3A, %ge3A_549 : vector<1000x128xi32>
    %convert_element_type3A_551 = arith.extui %ge3A_550 : vector<1000x128xi1> to vector<1000x128xi32>
    %convert_element_type3A_552 = arith.sitofp %convert_element_type3A_551 : vector<1000x128xi32> to vector<1000x128xf32>
    %dot_general3A_553 = arith.constant dense<0.000000e+00> : vector<1000x8xf32>
    %dot_general3A_554 = tpu.matmul %convert_element_type3A_552, %broadcast_in_dim3A_34, %dot_general3A_553 {dimension_numbers = #tpu.dot_dimension_numbers<[1], [0], [0], [1], [0, 0, 1, 1], [], []>, transpose_lhs_hint = false} : vector<1000x128xf32>, vector<128x8xf32>, vector<1000x8xf32> -> vector<1000x8xf32>
    %slice3A_555 = vector.extract_strided_slice %dot_general3A_554 {offsets = [0, 0], sizes = [1000, 1], strides = [1, 1]} : vector<1000x8xf32> to vector<1000x1xf32>
    %ge3A_556 = arith.constant 3.200000e+01 : f32
    %ge3A_557 = vector.broadcast %ge3A_556 : f32 to vector<1000x1xf32>
    %ge3A_558 = arith.cmpf oge, %slice3A_555, %ge3A_557 : vector<1000x1xf32>
    %select_n3A_559 = arith.select %ge3A_558, %or3A_545, %select_n3A_542 : vector<1000x1xi1>, vector<1000x1xi32>
    %or3A_560 = arith.constant 1 : i32
    %or3A_561 = vector.broadcast %or3A_560 : i32 to vector<1000x1xi32>
    %or3A_562 = arith.ori %select_n3A_559, %or3A_561 : vector<1000x1xi32>
    %xor3A_563 = arith.constant -2147483648 : i32
    %xor3A_564 = vector.broadcast %xor3A_563 : i32 to vector<1000x1xi32>
    %xor3A_565 = arith.xori %or3A_562, %xor3A_564 : vector<1000x1xi32>
    %ge3A_566 = vector.broadcast %xor3A_565 : vector<1000x1xi32> to vector<1000x128xi32>
    %ge3A_567 = arith.cmpi sge, %xor3A, %ge3A_566 : vector<1000x128xi32>
    %convert_element_type3A_568 = arith.extui %ge3A_567 : vector<1000x128xi1> to vector<1000x128xi32>
    %convert_element_type3A_569 = arith.sitofp %convert_element_type3A_568 : vector<1000x128xi32> to vector<1000x128xf32>
    %dot_general3A_570 = arith.constant dense<0.000000e+00> : vector<1000x8xf32>
    %dot_general3A_571 = tpu.matmul %convert_element_type3A_569, %broadcast_in_dim3A_34, %dot_general3A_570 {dimension_numbers = #tpu.dot_dimension_numbers<[1], [0], [0], [1], [0, 0, 1, 1], [], []>, transpose_lhs_hint = false} : vector<1000x128xf32>, vector<128x8xf32>, vector<1000x8xf32> -> vector<1000x8xf32>
    %slice3A_572 = vector.extract_strided_slice %dot_general3A_571 {offsets = [0, 0], sizes = [1000, 1], strides = [1, 1]} : vector<1000x8xf32> to vector<1000x1xf32>
    %ge3A_573 = arith.constant 3.200000e+01 : f32
    %ge3A_574 = vector.broadcast %ge3A_573 : f32 to vector<1000x1xf32>
    %ge3A_575 = arith.cmpf oge, %slice3A_572, %ge3A_574 : vector<1000x1xf32>
    %select_n3A_576 = arith.select %ge3A_575, %or3A_562, %select_n3A_559 : vector<1000x1xi1>, vector<1000x1xi32>
    %xor3A_577 = arith.constant -2147483648 : i32
    %xor3A_578 = vector.broadcast %xor3A_577 : i32 to vector<1000x1xi32>
    %xor3A_579 = arith.xori %select_n3A_576, %xor3A_578 : vector<1000x1xi32>
    %ge3A_580 = vector.broadcast %xor3A_579 : vector<1000x1xi32> to vector<1000x128xi32>
    %ge3A_581 = arith.cmpi sge, %xor3A, %ge3A_580 : vector<1000x128xi32>
    %convert_element_type3A_582 = arith.extui %ge3A_581 : vector<1000x128xi1> to vector<1000x128xi32>
    %convert_element_type3A_583 = arith.sitofp %convert_element_type3A_582 : vector<1000x128xi32> to vector<1000x128xf32>
    %mul3A = arith.mulf %add3A_29, %convert_element_type3A_583 : vector<1000x128xf32>
    %swap3A = arith.constant 0 : index
    %swap3A_584 = arith.constant 0 : index
    %swap3A_585 = vector.load %arg8[%swap3A, %swap3A_584] : memref<1000x128xf32, #tpu.memory_space<vmem>>, vector<1000x128xf32>
    tpu.vector_store %arg8[%swap3A, %swap3A_584], %mul3A {strides = array<i32>} : memref<1000x128xf32, #tpu.memory_space<vmem>>, vector<1000x128xf32>,
    return
  }
  func.func @transform_0(%arg0: i32) -> (i32, i32) {
    %c0_i32 = arith.constant 0 : i32
    %c0_i32_0 = arith.constant 0 : i32
    return %arg0, %c0_i32 : i32, i32
  }
  func.func @transform_1(%arg0: i32) -> (i32, i32) {
    %c0_i32 = arith.constant 0 : i32
    %c0_i32_0 = arith.constant 0 : i32
    return %arg0, %c0_i32 : i32, i32
  }
  func.func @transform_2(%arg0: i32) -> (i32, i32) {
    %c0_i32 = arith.constant 0 : i32
    %c0_i32_0 = arith.constant 0 : i32
    return %arg0, %c0_i32 : i32, i32
  }
  func.func @transform_3(%arg0: i32) -> (i32, i32) {
    %c0_i32 = arith.constant 0 : i32
    %c0_i32_0 = arith.constant 0 : i32
    return %arg0, %c0_i32 : i32, i32
  }
  func.func @transform_4(%arg0: i32) -> (i32, i32) {
    %c0_i32 = arith.constant 0 : i32
    %c0_i32_0 = arith.constant 0 : i32
    return %arg0, %c0_i32 : i32, i32
  }
  func.func @transform_5(%arg0: i32) -> (i32, i32) {
    %c0_i32 = arith.constant 0 : i32
    %c0_i32_0 = arith.constant 0 : i32
    %c0_i32_1 = arith.constant 0 : i32
    return %c0_i32, %c0_i32_0 : i32, i32
  }
  func.func @transform_6(%arg0: i32) -> (i32, i32) {
    %c0_i32 = arith.constant 0 : i32
    %c0_i32_0 = arith.constant 0 : i32
    %c0_i32_1 = arith.constant 0 : i32
    return %c0_i32, %c0_i32_0 : i32, i32
  }
  func.func @transform_7(%arg0: i32) -> (i32, i32) {
    %c0_i32 = arith.constant 0 : i32
    %c0_i32_0 = arith.constant 0 : i32
    return %arg0, %c0_i32 : i32, i32
  }
}

module attributes {stable_mosaic.version = 14 : i64} {
  func.func @_tc_out_body(%arg0: i32, %arg1: memref<1000x128xf32, #tpu.memory_space<vmem>>, %arg2: memref<1000x128xf32, #tpu.memory_space<vmem>>, %arg3: memref<1000x128xf32, #tpu.memory_space<vmem>>, %arg4: memref<1000x16xf32, #tpu.memory_space<vmem>>, %arg5: memref<1000x16xf32, #tpu.memory_space<vmem>>, %arg6: memref<128x128xf32, #tpu.memory_space<vmem>>, %arg7: memref<128x128xf32, #tpu.memory_space<vmem>>, %arg8: memref<128x128xf32, #tpu.memory_space<vmem>>, %arg9: memref<1x128xf32, #tpu.memory_space<vmem>>, %arg10: memref<1000x128xf32, #tpu.memory_space<vmem>>) attributes {dimension_semantics = [#tpu.dimension_semantics<arbitrary>], iteration_bounds = array<i64: 10>, scalar_prefetch = 0 : i64, scratch_operands = 0 : i64, tpu.core_type = #tpu.core_type<tc>, window_params = [{transform_indices = @transform_0, window_bounds = array<i64: 1000, 128>}, {transform_indices = @transform_1, window_bounds = array<i64: 1000, 128>}, {transform_indices = @transform_2, window_bounds = array<i64: 1000, 128>}, {transform_indices = @transform_3, window_bounds = array<i64: 1000, 16>}, {transform_indices = @transform_4, window_bounds = array<i64: 1000, 16>}, {pipeline_mode = #tpu.pipeline_mode<synchronous>, transform_indices = @transform_5, window_bounds = array<i64: 128, 128>}, {pipeline_mode = #tpu.pipeline_mode<synchronous>, transform_indices = @transform_6, window_bounds = array<i64: 128, 128>}, {pipeline_mode = #tpu.pipeline_mode<synchronous>, transform_indices = @transform_7, window_bounds = array<i64: 128, 128>}, {pipeline_mode = #tpu.pipeline_mode<synchronous>, transform_indices = @transform_8, window_bounds = array<i64: 1, 128>}, {transform_indices = @transform_9, window_bounds = array<i64: 1000, 128>}]} {
    %get3A = arith.constant 0 : index
    %get3A_0 = arith.constant 0 : index
    %get3A_1 = vector.load %arg1[%get3A, %get3A_0] : memref<1000x128xf32, #tpu.memory_space<vmem>>, vector<1000x128xf32>
    %get3A_2 = arith.constant 0 : index
    %get3A_3 = arith.constant 0 : index
    %get3A_4 = vector.load %arg6[%get3A_2, %get3A_3] : memref<128x128xf32, #tpu.memory_space<vmem>>, vector<128x128xf32>
    %dot_general3A = arith.constant dense<0.000000e+00> : vector<1000x128xf32>
    %dot_general3A_5 = tpu.matmul %get3A_1, %get3A_4, %dot_general3A {dimension_numbers = #tpu.dot_dimension_numbers<[1], [1], [0], [0], [0, 0, 1, 0], [], []>, precision = #tpu.contract_precision<fp32>, transpose_lhs_hint = false} : vector<1000x128xf32>, vector<128x128xf32>, vector<1000x128xf32> -> vector<1000x128xf32>
    %get3A_6 = arith.constant 0 : index
    %get3A_7 = arith.constant 0 : index
    %get3A_8 = vector.load %arg4[%get3A_6, %get3A_7] : memref<1000x16xf32, #tpu.memory_space<vmem>>, vector<1000x16xf32>
    %slice3A = vector.extract_strided_slice %get3A_8 {offsets = [0, 0], sizes = [1000, 1], strides = [1, 1]} : vector<1000x16xf32> to vector<1000x1xf32>
    %get3A_9 = arith.constant 0 : index
    %get3A_10 = arith.constant 0 : index
    %get3A_11 = vector.load %arg5[%get3A_9, %get3A_10] : memref<1000x16xf32, #tpu.memory_space<vmem>>, vector<1000x16xf32>
    %slice3A_12 = vector.extract_strided_slice %get3A_11 {offsets = [0, 0], sizes = [1000, 1], strides = [1, 1]} : vector<1000x16xf32> to vector<1000x1xf32>
    %add3A = arith.addf %slice3A, %slice3A_12 : vector<1000x1xf32>
    %get3A_13 = arith.constant 0 : index
    %get3A_14 = arith.constant 0 : index
    %get3A_15 = vector.load %arg2[%get3A_13, %get3A_14] : memref<1000x128xf32, #tpu.memory_space<vmem>>, vector<1000x128xf32>
    %get3A_16 = arith.constant 0 : index
    %get3A_17 = arith.constant 0 : index
    %get3A_18 = vector.load %arg3[%get3A_16, %get3A_17] : memref<1000x128xf32, #tpu.memory_space<vmem>>, vector<1000x128xf32>
    %add3A_19 = arith.addf %get3A_15, %get3A_18 : vector<1000x128xf32>
    %add3A_20 = arith.constant 9.99999997E-7 : f32
    %add3A_21 = vector.broadcast %add3A_20 : f32 to vector<1000x1xf32>
    %add3A_22 = arith.addf %add3A, %add3A_21 : vector<1000x1xf32>
    %div3A = vector.broadcast %add3A_22 : vector<1000x1xf32> to vector<1000x128xf32>
    %div3A_23 = arith.divf %add3A_19, %div3A : vector<1000x128xf32>
    %get3A_24 = arith.constant 0 : index
    %get3A_25 = arith.constant 0 : index
    %get3A_26 = vector.load %arg7[%get3A_24, %get3A_25] : memref<128x128xf32, #tpu.memory_space<vmem>>, vector<128x128xf32>
    %dot_general3A_27 = arith.constant dense<0.000000e+00> : vector<1000x128xf32>
    %dot_general3A_28 = tpu.matmul %div3A_23, %get3A_26, %dot_general3A_27 {dimension_numbers = #tpu.dot_dimension_numbers<[1], [1], [0], [0], [0, 0, 1, 0], [], []>, precision = #tpu.contract_precision<fp32>, transpose_lhs_hint = false} : vector<1000x128xf32>, vector<128x128xf32>, vector<1000x128xf32> -> vector<1000x128xf32>
    %add3A_29 = arith.addf %dot_general3A_5, %dot_general3A_28 : vector<1000x128xf32>
    %get3A_30 = arith.constant 0 : index
    %get3A_31 = arith.constant 0 : index
    %get3A_32 = vector.load %arg8[%get3A_30, %get3A_31] : memref<128x128xf32, #tpu.memory_space<vmem>>, vector<128x128xf32>
    %dot_general3A_33 = arith.constant dense<0.000000e+00> : vector<1000x128xf32>
    %dot_general3A_34 = tpu.matmul %add3A_29, %get3A_32, %dot_general3A_33 {dimension_numbers = #tpu.dot_dimension_numbers<[1], [1], [0], [0], [0, 0, 1, 0], [], []>, precision = #tpu.contract_precision<fp32>, transpose_lhs_hint = false} : vector<1000x128xf32>, vector<128x128xf32>, vector<1000x128xf32> -> vector<1000x128xf32>
    %get3A_35 = arith.constant 0 : index
    %get3A_36 = arith.constant 0 : index
    %get3A_37 = vector.load %arg9[%get3A_35, %get3A_36] : memref<1x128xf32, #tpu.memory_space<vmem>>, vector<1x128xf32>
    %add3A_38 = vector.broadcast %get3A_37 : vector<1x128xf32> to vector<1000x128xf32>
    %add3A_39 = arith.addf %dot_general3A_34, %add3A_38 : vector<1000x128xf32>
    %swap3A = arith.constant 0 : index
    %swap3A_40 = arith.constant 0 : index
    %swap3A_41 = vector.load %arg10[%swap3A, %swap3A_40] : memref<1000x128xf32, #tpu.memory_space<vmem>>, vector<1000x128xf32>
    tpu.vector_store %arg10[%swap3A, %swap3A_40], %add3A_39 {strides = array<i32>} : memref<1000x128xf32, #tpu.memory_space<vmem>>, vector<1000x128xf32>,
    return
  }
  func.func @transform_0(%arg0: i32) -> (i32, i32) {
    %c0_i32 = arith.constant 0 : i32
    %c0_i32_0 = arith.constant 0 : i32
    return %arg0, %c0_i32 : i32, i32
  }
  func.func @transform_1(%arg0: i32) -> (i32, i32) {
    %c0_i32 = arith.constant 0 : i32
    %c0_i32_0 = arith.constant 0 : i32
    return %arg0, %c0_i32 : i32, i32
  }
  func.func @transform_2(%arg0: i32) -> (i32, i32) {
    %c0_i32 = arith.constant 0 : i32
    %c0_i32_0 = arith.constant 0 : i32
    return %arg0, %c0_i32 : i32, i32
  }
  func.func @transform_3(%arg0: i32) -> (i32, i32) {
    %c0_i32 = arith.constant 0 : i32
    %c0_i32_0 = arith.constant 0 : i32
    return %arg0, %c0_i32 : i32, i32
  }
  func.func @transform_4(%arg0: i32) -> (i32, i32) {
    %c0_i32 = arith.constant 0 : i32
    %c0_i32_0 = arith.constant 0 : i32
    return %arg0, %c0_i32 : i32, i32
  }
  func.func @transform_5(%arg0: i32) -> (i32, i32) {
    %c0_i32 = arith.constant 0 : i32
    %c0_i32_0 = arith.constant 0 : i32
    %c0_i32_1 = arith.constant 0 : i32
    return %c0_i32, %c0_i32_0 : i32, i32
  }
  func.func @transform_6(%arg0: i32) -> (i32, i32) {
    %c0_i32 = arith.constant 0 : i32
    %c0_i32_0 = arith.constant 0 : i32
    %c0_i32_1 = arith.constant 0 : i32
    return %c0_i32, %c0_i32_0 : i32, i32
  }
  func.func @transform_7(%arg0: i32) -> (i32, i32) {
    %c0_i32 = arith.constant 0 : i32
    %c0_i32_0 = arith.constant 0 : i32
    %c0_i32_1 = arith.constant 0 : i32
    return %c0_i32, %c0_i32_0 : i32, i32
  }
  func.func @transform_8(%arg0: i32) -> (i32, i32) {
    %c0_i32 = arith.constant 0 : i32
    %c0_i32_0 = arith.constant 0 : i32
    %c0_i32_1 = arith.constant 0 : i32
    return %c0_i32, %c0_i32_0 : i32, i32
  }
  func.func @transform_9(%arg0: i32) -> (i32, i32) {
    %c0_i32 = arith.constant 0 : i32
    %c0_i32_0 = arith.constant 0 : i32
    return %arg0, %c0_i32 : i32, i32
  }
}

</mosaic_0001>

<sc_bundles>
// kernel: kernel.11.cloned.1.call-start
scs
__scs_entry_jumppad:
0x0: {  	(pc) =	sbr.rel $0x88, $3  }
0x1: {  	(tag) =	ssettag $0x0;
	lr =	simm.s32 $0x1  }
0x2: {  	[smem:$0x3F97] =	sst lr;
	_ =	strace $0xD0000000  }
0x3: {  	_ = 	snop  }
0x4: {  	_ = 	snop  }
0x5: {  	_ = 	snop  }
0x6: {  	_ = 	snop  }
0x7: {  	_ = 	snop  }
__scs_overlays_trampoline_lowered:
0x8: {  	[smem:$0x3FA6] =	sst s0  }
0x9: {  	[smem:$0x3FA7] =	sst s1  }
0xa: {  	[smem:$0x3FA8] =	sst s2  }
0xb: {  	[smem:$0x3FA9] =	sst s3  }
0xc: {  	[smem:$0x3FAA] =	sst s4  }
0xd: {  	[smem:$0x3FAB] =	sst s5  }
0xe: {  	[smem:$0x3FAC] =	sst s6  }
0xf: {  	[smem:$0x3FAD] =	sst s7  }
0x10: {  	[smem:$0x3FAE] =	sst s8  }
0x11: {  	[smem:$0x3FAF] =	sst s9;
	s0 =	simm.s32 @!p0 $0x0  }
0x12: {  	s1 =	sld [smem:$0x3F95];
	s0 =	simm.s32 @p0 $0x1  }
0x13: {  	[smem:$0x3FB0] =	sst s0;
	s0 =	simm.s32 @!p1 $0x0  }
0x14: {  	s2 =	sld [smem:$0x3F94];
	s0 =	simm.s32 @p1 $0x1  }
0x15: {  	[smem:$0x3FB1] =	sst s0;
	s0 =	simm.s32 @!p2 $0x0  }
0x16: {  	s3 =	sld [smem:$0x3FDB];
	s0 =	simm.s32 @p2 $0x1  }
0x17: {  	s4 =	simm.s32 $0x1BF5;
	[smem:$0x3FB3] =	sst s0  }
0x18: {  	s0 =	sld [smem:$0x3F96];
	_ =	swait.ge [sflag:s4], $0x0  }
0x19: {  	s7 =	sld [smem:$0x3F97]  }
0x1a: {  	s8 =	sadd.s32 $0xFFFFE003, lr  }
0x1b: {  	s9 =	sadd.s32 $0xFFFFFEF7, lr;
	s5 =	simm.s32 $0xFFFFFFFF;
	p2 =	slt.u32 s8, $0xFFFFF086  }
0x1c: {  	p1 =	slt.u32 s9, $0xF7A;
	s5 =	simm.s32 @!p2 $0x0  }
0x1d: {  	s5 =	simm.s32 @p1 $0x1;
	p0 =	seq.s32 s7, s2  }
0x1e: {  	s7 =	smul.u32 @!p0 $0xF7A, s2;
	p2 =	seq.s32 @!p0 s5, $0x0  }
0x1f: {  	s9 =	smul.u32 $0xF7A, s1;
	s8 =	simm.s32 @!p0 $0x1BF5;
	p2 =	por !p2, p0  }
0x20: {  	[sflag:s8] =	ssyncset.s32 @!p0 $0xFFFFF086;
	s6 =	sadd.s32 @!p0 s3, s7;
	s7 =	simm.s32 @!p0 $0x108  }
0x21: {  	s3 =	sadd.s32 s3, s9;
	s6 =	sadd.s32 @!p0 $0x88, s6;
	s7 =	simm.s32 @p2 $0x1082  }
0x22: {  	[simem:s7], [sflag:s8] =	dma.local @!p0 [hbm:s6], $0xF7A  }
0x23: {  	s9 =	sor.u32 $0xD0000000, s2;
	s6 =	simm.s32 $0x108;
	_ =	swait.ge @!p0 [sflag:s8], $0x0  }
0x24: {  	s3 =	sadd.s32 $0x88, s3;
	s6 =	simm.s32 @!p1 $0x1082;
	[sflag:s4] =	ssyncset.s32 $0xFFFFF086  }
0x25: {  	[simem:s6], [sflag:s4] =	dma.local [hbm:s3], $0xF7A  }
0x26: {  	[smem:$0x3F97] =	sst s1;
	(tag) =	ssettag s2;
	_ =	strace s9  }
0x27: {  	s1 =	sld [smem:$0x3FA7]  }
0x28: {  	s2 =	sld [smem:$0x3FA8]  }
0x29: {  	s4 =	sld [smem:$0x3FAA]  }
0x2a: {  	p0 =	seq.s32 s5, $0x0;
	s5 =	sld [smem:$0x3FAB]  }
0x2b: {  	s6 =	sld [smem:$0x3FAC]  }
0x2c: {  	s7 =	sld [smem:$0x3FAD]  }
0x2d: {  	s3 =	simm.s32 $0x108;
	s8 =	sld [smem:$0x3FAE]  }
0x2e: {  	s3 =	simm.s32 @!p0 $0x1082;
	s9 =	sld [smem:$0x3FAF]  }
0x2f: {  	lr =	sadd.s32 s0, s3;
	s0 =	sld [smem:$0x3FA6]  }
0x30: {  	s3 =	sld [smem:$0x3FA9]  }
0x31: {  	[smem:$0x3FB2] =	sst s10  }
0x32: {  	s10 =	sld [smem:$0x3FB0];
	_ =	sdelay $0x3  }
0x33: {  	p0 =	seq.s32 s10, $0x1;
	s10 =	sld [smem:$0x3FB2];
	_ =	sdelay $0x3  }
0x34: {  	[smem:$0x3FB2] =	sst s10  }
0x35: {  	s10 =	sld [smem:$0x3FB1];
	_ =	sdelay $0x3  }
0x36: {  	p1 =	seq.s32 s10, $0x1;
	s10 =	sld [smem:$0x3FB2];
	_ =	sdelay $0x3  }
0x37: {  	[smem:$0x3FB2] =	sst s10  }
0x38: {  	s10 =	sld [smem:$0x3FB3]  }
0x39: {  	_ = 	snop;
	(pc) =	sbr.ind lr, $3  }
0x3a: {  	_ = 	snop  }
0x3b: {  	_ = 	snop  }
0x3c: {  	p2 =	seq.s32 s10, $0x1;
	s10 =	sld [smem:$0x3FB2]  }
0x3d: {  	_ =	shalt  }
0x3e: {  	_ =	shalt  }
0x3f: {  	_ =	shalt  }
0x40: {  	_ =	shalt  }
0x41: {  	_ =	shalt  }
0x42: {  	_ =	shalt  }
0x43: {  	_ =	shalt  }
0x44: {  	_ =	shalt  }
0x45: {  	_ =	shalt  }
0x46: {  	_ =	shalt  }
0x47: {  	_ =	shalt  }
0x48: {  	_ =	shalt  }
0x49: {  	_ =	shalt  }
0x4a: {  	_ =	shalt  }
0x4b: {  	_ =	shalt  }
0x4c: {  	_ =	shalt  }
0x4d: {  	_ =	shalt  }
0x4e: {  	_ =	shalt  }
0x4f: {  	_ =	shalt  }
0x50: {  	_ =	shalt  }
0x51: {  	_ =	shalt  }
0x52: {  	_ =	shalt  }
0x53: {  	_ =	shalt  }
0x54: {  	_ =	shalt  }
0x55: {  	_ =	shalt  }
0x56: {  	_ =	shalt  }
0x57: {  	_ =	shalt  }
0x58: {  	_ =	shalt  }
0x59: {  	_ =	shalt  }
0x5a: {  	_ =	shalt  }
0x5b: {  	_ =	shalt  }
0x5c: {  	_ =	shalt  }
0x5d: {  	_ =	shalt  }
0x5e: {  	_ =	shalt  }
0x5f: {  	_ =	shalt  }
0x60: {  	_ =	shalt  }
0x61: {  	_ =	shalt  }
0x62: {  	_ =	shalt  }
0x63: {  	_ =	shalt  }
0x64: {  	_ =	shalt  }
0x65: {  	_ =	shalt  }
0x66: {  	_ =	shalt  }
0x67: {  	_ =	shalt  }
0x68: {  	_ =	shalt  }
0x69: {  	_ =	shalt  }
0x6a: {  	_ =	shalt  }
0x6b: {  	_ =	shalt  }
0x6c: {  	_ =	shalt  }
0x6d: {  	_ =	shalt  }
0x6e: {  	_ =	shalt  }
0x6f: {  	_ =	shalt  }
0x70: {  	_ =	shalt  }
0x71: {  	_ =	shalt  }
0x72: {  	_ =	shalt  }
0x73: {  	_ =	shalt  }
0x74: {  	_ =	shalt  }
0x75: {  	_ =	shalt  }
0x76: {  	_ =	shalt  }
0x77: {  	_ =	shalt  }
0x78: {  	_ =	shalt  }
0x79: {  	_ =	shalt  }
0x7a: {  	_ =	shalt  }
0x7b: {  	_ =	shalt  }
0x7c: {  	_ =	shalt  }
0x7d: {  	_ =	shalt  }
0x7e: {  	_ =	shalt  }
0x7f: {  	_ =	shalt  }
0x80: {  	_ =	shalt  }
0x81: {  	_ =	shalt  }
0x82: {  	_ =	shalt  }
0x83: {  	_ =	shalt  }
0x84: {  	_ =	shalt  }
0x85: {  	_ =	shalt  }
0x86: {  	_ =	shalt  }
0x87: {  	_ =	shalt  }
.Lfunc_end0:
.L_simem_size_0:
called_computation.1_lowered:
.L_overlay_start_0:
0x88: {  	s2 =	sld [smem:$0x3FD9]  }
0x89: {  	s3 =	sld [smem:$0x3FFE];
	_ =	sdelay $0x1  }
0x8a: {  	s1 =	srdreg.scid  }
0x8b: {  	s0 =	sand.u32 $0x1, s1  }
0x8c: {  	s17 =	sshll.u32 s0, $0xA;
	s2 =	sadd.s32 s3, s2  }
0x8d: {  	s2 =	sadd.s32 s2, s17  }
0x8e: {  	[smem:$0x3FBE] =	sst s2  }
0x8f: {  	_ = 	snop  }
0x90: {  	s2 =	sld [smem:$0x3FD0];
	(tm) =	ssettm $0x1  }
0x91: {  	s18 =	sld [smem:$0x3FFB];
	_ =	sdelay $0x3  }
0x92: {  	_ =	strace s18  }
0x93: {  	s3 =	sld [smem:$0x3FFC];
	_ =	sdelay $0x3  }
0x94: {  	_ =	strace s3  }
0x95: {  	s3 =	sld [smem:$0x3FFD];
	_ =	sdelay $0x3  }
0x96: {  	_ =	strace s3  }
0x97: {  	_ =	strace $0x8FFFFFFF  }
0x98: {  	s19 =	sld [smem:$0x3FDB];
	_ =	sdelay $0x1  }
0x99: {  	s4 =	simm.s32 $_scs_section_size  }
0x9a: {  	s5 =	simm.s32 $_size__tile_overlayer_lowered;
	s6 =	simm.s32 $_tile_overlayer_lowered  }
0x9b: {  	s22 =	simm.s32 $0x1BFF;
	s21 =	sshll.u32 s6, $0x1;
	s3 =	sadd.s32 s4, s19  }
0x9c: {  	s7 =	simm.s32 $0x0;
	s20 =	sshll.u32 s5, $0x1;
	s5 =	sadd.s32 s21, s3  }
0x9d: {  	[timem:s7], [sflag:s22] =	dma.local [hbm:s5], s20  }
0x9e: {  	_ =	swait.ge [sflag:s22], s20  }
0x9f: {  	s4 =	ssub.s32 $0x0, s20;
	[sflag:s22] =	ssyncset.done $0x0  }
0xa0: {  	[sflag:s22] =	ssyncadd.s32 s4;
	_ =	sdelay $0x1  }
0xa1: {  	s23 =	simm.s32 $0x1B8B  }
0xa2: {  	_ =	swait.ge [sflag:s23], $0x1  }
0xa3: {  	[sflag:s23] =	ssyncset.done $0x0  }
0xa4: {  	s25 =	simm.s32 $0x1B8E;
	s24 =	sld [smem:$0x3FFE];
	[sflag:s23] =	ssyncadd.s32 $0xFFFFFFFF  }
0xa5: {  	s26 =	simm.s32 $execute0_lowered;
	[smem:$0x3FD2] =	sst s25  }
0xa6: {  	s5 =	sshll.u32 s26, $0x1;
	_ =	strace $0x80000046;
	[dreg:$0x1] =	wrdreg $0xFFFFFFFF  }
0xa7: {  	s28 =	simm.s32 $_size_execute0_lowered;
	s3 =	sadd.s32 s3, s5;
	[dreg:$0x0] =	wrdreg $0x0  }
0xa8: {  	s5 =	sshll.u32 s28, $0x1;
	[dreg:$0x2] =	wrdreg s3  }
0xa9: {  	[dreg:$0x3] =	wrdreg s5  }
0xaa: {  	[dreg:$0x4] =	wrdreg $0xC0  }
0xab: {  	_ =	task [dreg:s7], $0x5FFFF  }
0xac: {  	[dreg:$0x1] =	wrdreg $0xFFFFFFFF  }
0xad: {  	[dreg:$0x0] =	wrdreg $0x60  }
0xae: {  	[dreg:$0x2] =	wrdreg s24  }
0xaf: {  	[dreg:$0x3] =	wrdreg s2  }
0xb0: {  	[dreg:$0x4] =	wrdreg $0x41800  }
0xb1: {  	[dreg:$0x5] =	wrdreg $0xA  }
0xb2: {  	_ =	task.clear_ibuf [dreg:s7], $0x6FFFF;
	_ =	strace $0x90000046  }
0xb3: {  	s29 =	simm.s32 $0xA;
	_ =	strace $0x80000048  }
0xb4: {  	_ =	swait.ge [sflag:s29], $0x1  }
0xb5: {  	[sflag:s29] =	ssyncadd.s32 $0xFFFFFFFF  }
0xb6: {  	_ =	strace $0x90000048  }
0xb7: {  	_ =	sfence  }
0xb8: {  	s30 =	sld [smem:$0x0];
	_ =	sdelay $0x2  }
0xb9: {  	s31 =	sshll.u32 s1, $0xD;
	s1 =	sshrl.u32 s1, $0x2  }
0xba: {  	s3 =	sand.u32 $0x4000, s31;
	s1 =	sadd.s32 s1, s30  }
0xbb: {  	s0 =	sor.u32 s3, s0;
	s1 =	sshll.u32 s1, $0x11  }
0xbc: {  	s0 =	sor.u32 s1, s0  }
0xbd: {  	s0 =	sadd.s32 $0x8F2B, s0  }
0xbe: {  	[sflag:s0] =	ssyncadd.remote.s32 $0x1  }
0xbf: {  	_ =	sfence.sel $0xFFFF  }
0xc0: {  	[dreg:$0x0] =	wrdreg $0xFFFFFFFF;
	(pc) =	sbr.abs _section_cstart, $3  }
0xc1: {  	[dreg:$0x1] =	wrdreg $0xFFFFFFFF  }
0xc2: {  	_ =	task.clear_ibuf [dreg:s7], $0x2FFFF;
	_ =	strace $0x9FFFFFFF  }
0xc3: {  	(tm) =	ssettm $0x7FFFFFFF  }
tec
execute0_lowered:
.L_overlay_start_1:
0x0: {  	(tag) =	ssettag $0x1  }
0x1: {  	s0 =	rddreg [dreg:$0x0]  }
0x2: {  	s1 =	rddreg [dreg:$0x1]  }
0x3: {  	s3 =	srdreg.scid;
	s15 =	stileid.u32  }
0x4: {  	s2 =	rddreg [dreg:$0x2];
	s6 =	smul.u32 $0x278, s15  }
0x5: {  	s29 =	simm.s32 $0x180;
	s30 =	simm.s32 $0x5;
	s9 =	smul.u32 $0x4F000, s15  }
0x6: {  	s31 =	simm.s32 $0x80;
	s4 =	sand.u32 $0x1, s3;
	s10 =	smul.u32 $0x2780, s15  }
0x7: {  	s3 =	simm.s32 $0x0;
	s7 =	sadd.s32 $0x17000, s0;
	s26 =	smul.u32 $0x5100, s15  }
0x8: {  	s17 =	sshll.u32 s15, $0x1;
	s5 =	smul.u32 $0x2780, s4;
	[smem:$0x7FF] =	sst s3  }
0x9: {  	s8 =	ssub.s32 $0x2, s4;
	s12 =	sor.u32 s4, s17;
	_ =	strace $0x80000047  }
0xa: {  	[dreg:$0x4] =	wrdreg s7;
	s16 =	sshrl.u32 s8, $0x1;
	s18 =	sshrl.u32 s9, $0x2  }
0xb: {  	s19 =	sadd.s32 $0x80, s6;
	s10 =	sadd.s32 s1, s10;
	s21 =	sadd.s32 $0x100, s6  }
0xc: {  	s13 =	sadd.s32 $0x180, s6;
	s24 =	smul.u32 $0x2880, s12;
	s14 =	sadd.s32 s6, s5  }
0xd: {  	s5 =	sadd.s32 $0xCE00, s0;
	s8 =	ssub.s32 s8, s16;
	[dreg:$0x5] =	wrdreg s10  }
0xe: {  	s20 =	sshll.u32 s19, $0x4;
	s9 =	sshll.u32 s19, $0x7;
	s11 =	sshll.u32 s21, $0x4  }
0xf: {  	s23 =	sshll.u32 s13, $0x7;
	s6 =	sadd.s32 $0x200, s6;
	s7 =	sshll.u32 s14, $0x4  }
0x10: {  	s10 =	sadd.s32 s1, s20;
	s9 =	sadd.s32 s9, s2;
	s11 =	sadd.s32 s1, s11  }
0x11: {  	s14 =	sshll.u32 s13, $0x4;
	s13 =	sadd.s32 s23, s2;
	s25 =	sshll.u32 s6, $0x4  }
0x12: {  	s6 =	sshll.u32 s6, $0x7;
	s0 =	sadd.s32 s7, s0;
	[dreg:$0x6] =	wrdreg s10  }
0x13: {  	s7 =	sadd.s32 s18, s2;
	[dreg:$0x7] =	wrdreg s11;
	s10 =	sshll.u32 s21, $0x7  }
0x14: {  	s22 =	sadd.s32 s1, s14;
	s1 =	sadd.s32 s1, s25;
	s15 =	sadd.s32 s6, s2  }
0x15: {  	s6 =	smul.u32 $0x2880, s4;
	s21 =	smax.u32 s8, $0x1;
	s4 =	simm.s32 $0x2  }
0x16: {  	s8 =	simm.s32 $0x4;
	s11 =	sadd.s32 s10, s2;
	[dreg:$0x8] =	wrdreg s22  }
0x17: {  	[dreg:$0x9] =	wrdreg s1;
	s12 =	sadd.s32 $0x17800, s0;
	s16 =	sadd.s32 $0x18000, s0  }
0x18: {  	s18 =	sadd.s32 $0x18800, s0;
	s19 =	sadd.s32 $0x19000, s0;
	s20 =	sadd.s32 $0x19800, s0  }
0x19: {  	s22 =	sshrl.u32 s24, $0x3;
	s1 =	simm.s32 $0x100;
	[dreg:$0xa] =	wrdreg s12  }
0x1a: {  	s0 =	simm.s32 $0x1;
	s10 =	simm.s32 $0x0;
	[dreg:$0xb] =	wrdreg s16  }
0x1b: {  	s17 =	sadd.s32 s6, s26;
	s22 =	sadd.s32 s5, s22;
	s6 =	simm.s32 $0x3  }
0x1c: {  	s23 =	sadd.s32 $0x280, s17;
	s25 =	sadd.s32 $0x200, s17;
	s28 =	sadd.s32 $0x20, s22  }
0x1d: {  	s24 =	sshrl.u32 s23, $0x3;
	s23 =	sadd.s32 $0x180, s17;
	s26 =	sshrl.u32 s25, $0x3  }
0x1e: {  	s24 =	sadd.s32 s24, s5;
	s25 =	sadd.s32 s26, s5;
	s26 =	sadd.s32 $0x10, s22  }
.LBB2_1:
0x1f: {  	s12 =	rddreg [dreg:$0x5]  }
0x20: {  	[tilespmem:s29], [sflag:$0x5] =	stream.linear.gather [hbm4b:s12+s3], $0x4000, $0x38;
	[tilespmem:$0x17D80] =	vst v63  }
0x21: {  	_ =	swait.ge [sflag:s30], $0x4000  }
0x22: {  	[sflag:s30] =	ssyncset.done $0x0  }
0x23: {  	[sflag:s30] =	ssyncadd.s32 $0xFFFFC000  }
0x24: {  	[spmem:s7] =	stream.linear.scatter [tilespmem:s29], [sflag:$0x5], $0x4000, $0x38;
	[tilespmem:$0x17D80] =	vst v63  }
0x25: {  	_ =	swait.ge [sflag:s30], $0x4000  }
0x26: {  	[sflag:s30] =	ssyncset.done $0x0  }
0x27: {  	s16 =	rddreg [dreg:$0x6];
	[sflag:s30] =	ssyncadd.s32 $0xFFFFC000  }
0x28: {  	[tilespmem:s29], [sflag:$0x5] =	stream.linear.gather [hbm4b:s16+s3], $0x4000, $0x38;
	[tilespmem:$0x17D80] =	vst v63  }
0x29: {  	_ =	swait.ge [sflag:s30], $0x4000  }
0x2a: {  	[sflag:s30] =	ssyncset.done $0x0  }
0x2b: {  	[sflag:s30] =	ssyncadd.s32 $0xFFFFC000  }
0x2c: {  	[spmem:s9] =	stream.linear.scatter [tilespmem:s29], [sflag:$0x5], $0x4000, $0x38;
	[tilespmem:$0x17D80] =	vst v63  }
0x2d: {  	_ =	swait.ge [sflag:s30], $0x4000  }
0x2e: {  	[sflag:s30] =	ssyncset.done $0x0  }
0x2f: {  	s17 =	rddreg [dreg:$0x7];
	[sflag:s30] =	ssyncadd.s32 $0xFFFFC000  }
0x30: {  	[tilespmem:s29], [sflag:$0x5] =	stream.linear.gather [hbm4b:s17+s3], $0x4000, $0x38;
	[tilespmem:$0x17D80] =	vst v63  }
0x31: {  	_ =	swait.ge [sflag:s30], $0x4000  }
0x32: {  	[sflag:s30] =	ssyncset.done $0x0  }
0x33: {  	[sflag:s30] =	ssyncadd.s32 $0xFFFFC000  }
0x34: {  	[spmem:s11] =	stream.linear.scatter [tilespmem:s29], [sflag:$0x5], $0x4000, $0x38;
	[tilespmem:$0x17D80] =	vst v63  }
0x35: {  	_ =	swait.ge [sflag:s30], $0x4000  }
0x36: {  	[sflag:s30] =	ssyncset.done $0x0  }
0x37: {  	s14 =	rddreg [dreg:$0x8];
	[sflag:s30] =	ssyncadd.s32 $0xFFFFC000  }
0x38: {  	[tilespmem:s29], [sflag:$0x5] =	stream.linear.gather [hbm4b:s14+s3], $0x4000, $0x38;
	[tilespmem:$0x17D80] =	vst v63  }
0x39: {  	_ =	swait.ge [sflag:s30], $0x4000  }
0x3a: {  	[sflag:s30] =	ssyncset.done $0x0  }
0x3b: {  	[sflag:s30] =	ssyncadd.s32 $0xFFFFC000  }
0x3c: {  	[spmem:s13] =	stream.linear.scatter [tilespmem:s29], [sflag:$0x5], $0x4000, $0x38;
	[tilespmem:$0x17D80] =	vst v63  }
0x3d: {  	_ =	swait.ge [sflag:s30], $0x4000  }
0x3e: {  	[sflag:s30] =	ssyncset.done $0x0  }
0x3f: {  	s16 =	rddreg [dreg:$0x9];
	[sflag:s30] =	ssyncadd.s32 $0xFFFFC000  }
0x40: {  	[tilespmem:s29], [sflag:$0x5] =	stream.linear.gather [hbm4b:s16+s3], $0x3C00, $0x38;
	[tilespmem:$0x17D80] =	vst v63  }
0x41: {  	_ =	swait.ge [sflag:s30], $0x3C00  }
0x42: {  	[sflag:s30] =	ssyncset.done $0x0  }
0x43: {  	[sflag:s30] =	ssyncadd.s32 $0xFFFFC400  }
0x44: {  	[spmem:s15] =	stream.linear.scatter [tilespmem:s29], [sflag:$0x5], $0x3C00, $0x38;
	[tilespmem:$0x17D80] =	vst v63  }
0x45: {  	_ =	swait.ge [sflag:s30], $0x3C00  }
0x46: {  	[sflag:s30] =	ssyncset.done $0x0  }
0x47: {  	s17 =	rddreg [dreg:$0x4];
	[sflag:s30] =	ssyncadd.s32 $0xFFFFC400  }
0x48: {  	[tilespmem:s29], [sflag:$0x5] =	stream.linear.gather [hbm4b:s17+s3], $0x4000, $0x38;
	[tilespmem:$0x17D80] =	vst v63  }
0x49: {  	_ =	swait.ge [sflag:s30], $0x4000  }
0x4a: {  	[sflag:s30] =	ssyncset.done $0x0  }
0x4b: {  	[sflag:s30] =	ssyncadd.s32 $0xFFFFC000  }
0x4c: {  	[bflag:$0x0] =	sbarrier.arrive $0xFFFF  }
0x4d: {  	[tilespmem:s3], [sflag:$0x1] =	stream.linear.gather [hbm4b:s22+s3], $0x80, $0x38;
	[tilespmem:$0x17D80] =	vst v63  }
0x4e: {  	_ = 	snop  }
0x4f: {  	[tilespmem:s31], [sflag:$0x1] =	stream.linear.gather [hbm4b:s26+s3], $0x80, $0x38;
	[tilespmem:$0x17D80] =	vst v63  }
0x50: {  	_ = 	snop  }
0x51: {  	[tilespmem:s1], [sflag:$0x1] =	stream.linear.gather [hbm4b:s28+s3], $0x80, $0x38;
	[tilespmem:$0x17D80] =	vst v63  }
0x52: {  	_ =	swait.ge [sflag:s0], $0x80  }
0x53: {  	[sflag:s0] =	ssyncset.done $0x0  }
0x54: {  	[sflag:s0] =	ssyncadd.s32 $0xFFFFFF80  }
0x55: {  	_ =	swait.ge [sflag:s0], $0x80  }
0x56: {  	[sflag:s0] =	ssyncset.done $0x0  }
0x57: {  	[sflag:s0] =	ssyncadd.s32 $0xFFFFFF80  }
0x58: {  	_ =	swait.ge [sflag:s0], $0x80  }
0x59: {  	[sflag:s0] =	ssyncset.done $0x0  }
0x5a: {  	[sflag:s0] =	ssyncadd.s32 $0xFFFFFF80  }
0x5b: {  	[spmem:s2] =	stream.indirect.scatter.add.f32 [tilespmem:s29], [sflag:$0x2], $0x80, s3, s31, $0xb8;
	[tilespmem:$0x17D80] =	vst v63  }
0x5c: {  	_ = 	snop  }
0x5d: {  	[spmem:s2] =	stream.indirect.scatter.add.f32 [tilespmem:s29], [sflag:$0x3], $0x80, s31, s31, $0xb8;
	[tilespmem:$0x17D80] =	vst v63  }
0x5e: {  	_ = 	snop  }
0x5f: {  	[spmem:s2] =	stream.indirect.scatter.add.f32 [tilespmem:s29], [sflag:$0x4], $0x80, s1, s31, $0xb8;
	[tilespmem:$0x17D80] =	vst v63  }
0x60: {  	_ =	swait.ge [sflag:s4], $0x4000  }
0x61: {  	[sflag:s4] =	ssyncset.done $0x0  }
0x62: {  	[sflag:s4] =	ssyncadd.s32 $0xFFFFC000  }
0x63: {  	_ =	swait.ge [sflag:s6], $0x4000  }
0x64: {  	[sflag:s6] =	ssyncset.done $0x0  }
0x65: {  	[sflag:s6] =	ssyncadd.s32 $0xFFFFC000  }
0x66: {  	_ =	swait.ge [sflag:s8], $0x4000  }
0x67: {  	s14 =	sshrl.u32 s23, $0x3;
	[sflag:s8] =	ssyncset.done $0x0  }
0x68: {  	s12 =	sadd.s32 s5, s14;
	[sflag:s8] =	ssyncadd.s32 $0xFFFFC000  }
0x69: {  	[tilespmem:s3], [sflag:$0x1] =	stream.linear.gather [hbm4b:s12+s3], $0x80, $0x38;
	[tilespmem:$0x17D80] =	vst v63  }
0x6a: {  	s16 =	sadd.s32 $0x0, s25  }
0x6b: {  	[tilespmem:s31], [sflag:$0x1] =	stream.linear.gather [hbm4b:s16+s3], $0x80, $0x38;
	[tilespmem:$0x17D80] =	vst v63  }
0x6c: {  	s17 =	sadd.s32 $0x0, s24  }
0x6d: {  	[tilespmem:s1], [sflag:$0x1] =	stream.linear.gather [hbm4b:s17+s3], $0x80, $0x38;
	[tilespmem:$0x17D80] =	vst v63  }
0x6e: {  	_ =	swait.ge [sflag:s0], $0x80  }
0x6f: {  	[sflag:s0] =	ssyncset.done $0x0  }
0x70: {  	[sflag:s0] =	ssyncadd.s32 $0xFFFFFF80  }
0x71: {  	_ =	swait.ge [sflag:s0], $0x80  }
0x72: {  	[sflag:s0] =	ssyncset.done $0x0  }
0x73: {  	[sflag:s0] =	ssyncadd.s32 $0xFFFFFF80  }
0x74: {  	_ =	swait.ge [sflag:s0], $0x80  }
0x75: {  	[sflag:s0] =	ssyncset.done $0x0  }
0x76: {  	[sflag:s0] =	ssyncadd.s32 $0xFFFFFF80  }
0x77: {  	[spmem:s2] =	stream.indirect.scatter.add.f32 [tilespmem:s29], [sflag:$0x2], $0x80, s3, s31, $0xb8;
	[tilespmem:$0x17D80] =	vst v63  }
0x78: {  	s14 =	sadd.s32 $0x180, s23;
	s12 =	simm.s32 $0x30  }
0x79: {  	[spmem:s2] =	stream.indirect.scatter.add.f32 [tilespmem:s29], [sflag:$0x3], $0x80, s31, s31, $0xb8;
	[tilespmem:$0x17D80] =	vst v63  }
.LBB2_2:
0x7a: {  	[spmem:s2] =	stream.indirect.scatter.add.f32 [tilespmem:s29], [sflag:$0x4], $0x80, s1, s31, $0xb8;
	[tilespmem:$0x17D80] =	vst v63  }
0x7b: {  	s16 =	smov.u32 s12  }
0x7c: {  	p0 =	sne.s32 s12, $0x4B0;
	s12 =	sadd.s32 $0x30, s12;
	_ =	swait.ge [sflag:s4], $0x4000  }
0x7d: {  	[sflag:s4] =	ssyncset.done $0x0  }
0x7e: {  	[sflag:s4] =	ssyncadd.s32 $0xFFFFC000  }
0x7f: {  	_ =	swait.ge [sflag:s6], $0x4000  }
0x80: {  	[sflag:s6] =	ssyncset.done $0x0  }
0x81: {  	[sflag:s6] =	ssyncadd.s32 $0xFFFFC000  }
0x82: {  	_ =	swait.ge [sflag:s8], $0x4000  }
0x83: {  	s17 =	sshrl.u32 s14, $0x3;
	[sflag:s8] =	ssyncset.done $0x0  }
0x84: {  	s17 =	sadd.s32 s5, s17;
	[sflag:s8] =	ssyncadd.s32 $0xFFFFC000  }
0x85: {  	[tilespmem:s3], [sflag:$0x1] =	stream.linear.gather [hbm4b:s17+s3], $0x80, $0x38;
	[tilespmem:$0x17D80] =	vst v63  }
0x86: {  	s17 =	sadd.s32 s16, s25  }
0x87: {  	[tilespmem:s31], [sflag:$0x1] =	stream.linear.gather [hbm4b:s17+s3], $0x80, $0x38;
	[tilespmem:$0x17D80] =	vst v63  }
0x88: {  	s16 =	sadd.s32 s16, s24  }
0x89: {  	[tilespmem:s1], [sflag:$0x1] =	stream.linear.gather [hbm4b:s16+s3], $0x80, $0x38;
	[tilespmem:$0x17D80] =	vst v63  }
0x8a: {  	_ =	swait.ge [sflag:s0], $0x80  }
0x8b: {  	[sflag:s0] =	ssyncset.done $0x0  }
0x8c: {  	[sflag:s0] =	ssyncadd.s32 $0xFFFFFF80  }
0x8d: {  	_ =	swait.ge [sflag:s0], $0x80  }
0x8e: {  	[sflag:s0] =	ssyncset.done $0x0  }
0x8f: {  	[sflag:s0] =	ssyncadd.s32 $0xFFFFFF80  }
0x90: {  	_ =	swait.ge [sflag:s0], $0x80  }
0x91: {  	[sflag:s0] =	ssyncset.done $0x0  }
.Ltmp0:
0x92: {  	[sflag:s0] =	ssyncadd.s32 $0xFFFFFF80;
	(pc) =	sbr.rel @p0 .LBB2_2-.Ltmp0, $4  }
0x93: {  	[spmem:s2] =	stream.indirect.scatter.add.f32 [tilespmem:s29], [sflag:$0x2], $0x80, s3, s31, $0xb8;
	[tilespmem:$0x17D80] =	vst v63  }
0x94: {  	_ = 	snop  }
0x95: {  	[spmem:s2] =	stream.indirect.scatter.add.f32 [tilespmem:s29], [sflag:$0x3], $0x80, s31, s31, $0xb8;
	[tilespmem:$0x17D80] =	vst v63  }
0x96: {  	s14 =	sadd.s32 $0x180, s14  }
0x97: {  	[spmem:s2] =	stream.indirect.scatter.add.f32 [tilespmem:s29], [sflag:$0x4], $0x80, s1, s31, $0xb8;
	[tilespmem:$0x17D80] =	vst v63  }
0x98: {  	_ =	swait.ge [sflag:s4], $0x4000  }
0x99: {  	[sflag:s4] =	ssyncset.done $0x0  }
0x9a: {  	[sflag:s4] =	ssyncadd.s32 $0xFFFFC000  }
0x9b: {  	_ =	swait.ge [sflag:s6], $0x4000  }
0x9c: {  	[sflag:s6] =	ssyncset.done $0x0  }
0x9d: {  	[sflag:s6] =	ssyncadd.s32 $0xFFFFC000  }
0x9e: {  	_ =	swait.ge [sflag:s8], $0x4000  }
0x9f: {  	[sflag:s8] =	ssyncset.done $0x0  }
0xa0: {  	[sflag:s8] =	ssyncadd.s32 $0xFFFFC000  }
0xa1: {  	[bflag:$0x0] =	sbarrier.arrive $0xFFFF  }
0xa2: {  	[tilespmem:s29], [sflag:$0x5] =	stream.linear.gather [spmem:s7], $0x4000, $0x38;
	[tilespmem:$0x17D80] =	vst v63  }
0xa3: {  	_ =	swait.ge [sflag:s30], $0x4000  }
0xa4: {  	[sflag:s30] =	ssyncset.done $0x0  }
0xa5: {  	s12 =	rddreg [dreg:$0xa];
	[sflag:s30] =	ssyncadd.s32 $0xFFFFC000  }
0xa6: {  	[hbm4b:s12+s3] =	stream.linear.scatter [tilespmem:s29], [sflag:$0x5], $0x4000, $0x38;
	[tilespmem:$0x17D80] =	vst v63  }
0xa7: {  	_ =	swait.ge [sflag:s30], $0x4000  }
0xa8: {  	[sflag:s30] =	ssyncset.done $0x0  }
0xa9: {  	[sflag:s30] =	ssyncadd.s32 $0xFFFFC000  }
0xaa: {  	[tilespmem:s29], [sflag:$0x5] =	stream.linear.gather [spmem:s9], $0x4000, $0x38;
	[tilespmem:$0x17D80] =	vst v63  }
0xab: {  	_ =	swait.ge [sflag:s30], $0x4000  }
0xac: {  	[sflag:s30] =	ssyncset.done $0x0  }
0xad: {  	s17 =	rddreg [dreg:$0xb];
	[sflag:s30] =	ssyncadd.s32 $0xFFFFC000  }
0xae: {  	[hbm4b:s17+s3] =	stream.linear.scatter [tilespmem:s29], [sflag:$0x5], $0x4000, $0x38;
	[tilespmem:$0x17D80] =	vst v63  }
0xaf: {  	_ =	swait.ge [sflag:s30], $0x4000  }
0xb0: {  	[sflag:s30] =	ssyncset.done $0x0  }
0xb1: {  	[sflag:s30] =	ssyncadd.s32 $0xFFFFC000  }
0xb2: {  	[tilespmem:s29], [sflag:$0x5] =	stream.linear.gather [spmem:s11], $0x4000, $0x38;
	[tilespmem:$0x17D80] =	vst v63  }
0xb3: {  	_ =	swait.ge [sflag:s30], $0x4000  }
0xb4: {  	[sflag:s30] =	ssyncset.done $0x0  }
0xb5: {  	[sflag:s30] =	ssyncadd.s32 $0xFFFFC000  }
0xb6: {  	[hbm4b:s18+s3] =	stream.linear.scatter [tilespmem:s29], [sflag:$0x5], $0x4000, $0x38;
	[tilespmem:$0x17D80] =	vst v63  }
0xb7: {  	_ =	swait.ge [sflag:s30], $0x4000  }
0xb8: {  	[sflag:s30] =	ssyncset.done $0x0  }
0xb9: {  	[sflag:s30] =	ssyncadd.s32 $0xFFFFC000  }
0xba: {  	[tilespmem:s29], [sflag:$0x5] =	stream.linear.gather [spmem:s13], $0x4000, $0x38;
	[tilespmem:$0x17D80] =	vst v63  }
0xbb: {  	_ =	swait.ge [sflag:s30], $0x4000  }
0xbc: {  	[sflag:s30] =	ssyncset.done $0x0  }
0xbd: {  	[sflag:s30] =	ssyncadd.s32 $0xFFFFC000  }
0xbe: {  	[hbm4b:s19+s3] =	stream.linear.scatter [tilespmem:s29], [sflag:$0x5], $0x4000, $0x38;
	[tilespmem:$0x17D80] =	vst v63  }
0xbf: {  	_ =	swait.ge [sflag:s30], $0x4000  }
0xc0: {  	[sflag:s30] =	ssyncset.done $0x0  }
0xc1: {  	[sflag:s30] =	ssyncadd.s32 $0xFFFFC000  }
0xc2: {  	[tilespmem:s29], [sflag:$0x5] =	stream.linear.gather [spmem:s15], $0x3C00, $0x38;
	[tilespmem:$0x17D80] =	vst v63  }
0xc3: {  	s10 =	sadd.s32 $0x1, s10;
	_ =	swait.ge [sflag:s30], $0x3C00  }
0xc4: {  	p0 =	sne.s32 s10, s21;
	[sflag:s30] =	ssyncset.done $0x0  }
.Ltmp1:
0xc5: {  	[sflag:s30] =	ssyncadd.s32 $0xFFFFC400;
	(pc) =	sbr.rel @p0 .LBB2_1-.Ltmp1, $4  }
0xc6: {  	[hbm4b:s20+s3] =	stream.linear.scatter [tilespmem:s29], [sflag:$0x5], $0x3C00, $0x38;
	[tilespmem:$0x17D80] =	vst v63  }
0xc7: {  	_ =	swait.ge [sflag:s30], $0x3C00  }
0xc8: {  	[sflag:s30] =	ssyncset.done $0x0  }
0xc9: {  	[sflag:s30] =	ssyncadd.s32 $0xFFFFC400  }
0xca: {  	_ =	sfence.sel $0x180000  }
0xcb: {  	[bflag:$0x0] =	sbarrier.arrive $0xFFFF  }
0xcc: {  	_ =	strace $0x90000047  }
0xcd: {  	s0 =	stileid.u32;
	[bflag:$0x2] =	sbarrier.arrive $0xFFFF  }
0xce: {  	p0 =	sne.s32 s0, $0x0;
	s0 =	rddreg [dreg:$0x3]  }
0xcf: {  	s0 =	sadd.s32 @!p0 $0x100000, s0  }
0xd0: {  	[sflag:s0] =	ssyncadd.tile.s32 @!p0 $0x1;
	_ =	shalt  }
.Lfunc_end2:
_tile_overlayer_lowered:
.L_overlay_start_2:
0xd1: {  	(tag) =	ssettag $0x2  }
0xd2: {  	s0 =	rddreg [dreg:$0x0];
	s2 =	stileid.u32  }
0xd3: {  	s1 =	rddreg [dreg:$0x1];
	p0 =	sne.s32 s2, $0x0  }
0xd4: {  	s3 =	rddreg [dreg:$0x2];
	[bflag:$0x3] =	sbarrier.arrive $0xFFFF;
	s2 =	simm.s32 @!p0 $0x1C05  }
0xd5: {  	[timem:s3], [sflag:s2] =	dma.local @!p0 [hbm:s0], s1  }
0xd6: {  	s0 =	simm.s32 @!p0 $0x5  }
0xd7: {  	_ =	swait.ge @!p0 [sflag:s0], s1  }
0xd8: {  	s1 =	ssub.s32 @!p0 $0x0, s1;
	[sflag:s0] =	ssyncset.done @!p0 $0x0  }
0xd9: {  	[sflag:s0] =	ssyncadd.s32 @!p0 s1  }
0xda: {  	[bflag:$0x3] =	sbarrier.arrive $0xFFFF  }
0xdb: {  	_ =	shalt  }

// kernel: kernel.14.cloned.1.call-start
scs
__scs_entry_jumppad:
0x0: {  	(pc) =	sbr.rel $0x88, $3  }
0x1: {  	(tag) =	ssettag $0x0;
	lr =	simm.s32 $0x1  }
0x2: {  	[smem:$0x3F97] =	sst lr;
	_ =	strace $0xD0000000  }
0x3: {  	_ = 	snop  }
0x4: {  	_ = 	snop  }
0x5: {  	_ = 	snop  }
0x6: {  	_ = 	snop  }
0x7: {  	_ = 	snop  }
__scs_overlays_trampoline_lowered:
0x8: {  	[smem:$0x3FA6] =	sst s0  }
0x9: {  	[smem:$0x3FA7] =	sst s1  }
0xa: {  	[smem:$0x3FA8] =	sst s2  }
0xb: {  	[smem:$0x3FA9] =	sst s3  }
0xc: {  	[smem:$0x3FAA] =	sst s4  }
0xd: {  	[smem:$0x3FAB] =	sst s5  }
0xe: {  	[smem:$0x3FAC] =	sst s6  }
0xf: {  	[smem:$0x3FAD] =	sst s7  }
0x10: {  	[smem:$0x3FAE] =	sst s8  }
0x11: {  	[smem:$0x3FAF] =	sst s9;
	s0 =	simm.s32 @!p0 $0x0  }
0x12: {  	s1 =	sld [smem:$0x3F95];
	s0 =	simm.s32 @p0 $0x1  }
0x13: {  	[smem:$0x3FB0] =	sst s0;
	s0 =	simm.s32 @!p1 $0x0  }
0x14: {  	s2 =	sld [smem:$0x3F94];
	s0 =	simm.s32 @p1 $0x1  }
0x15: {  	[smem:$0x3FB1] =	sst s0;
	s0 =	simm.s32 @!p2 $0x0  }
0x16: {  	s3 =	sld [smem:$0x3FDB];
	s0 =	simm.s32 @p2 $0x1  }
0x17: {  	s4 =	simm.s32 $0x1BF5;
	[smem:$0x3FB3] =	sst s0  }
0x18: {  	s0 =	sld [smem:$0x3F96];
	_ =	swait.ge [sflag:s4], $0x0  }
0x19: {  	s7 =	sld [smem:$0x3F97]  }
0x1a: {  	s8 =	sadd.s32 $0xFFFFE003, lr  }
0x1b: {  	s9 =	sadd.s32 $0xFFFFFEF7, lr;
	s5 =	simm.s32 $0xFFFFFFFF;
	p2 =	slt.u32 s8, $0xFFFFF086  }
0x1c: {  	p1 =	slt.u32 s9, $0xF7A;
	s5 =	simm.s32 @!p2 $0x0  }
0x1d: {  	s5 =	simm.s32 @p1 $0x1;
	p0 =	seq.s32 s7, s2  }
0x1e: {  	s7 =	smul.u32 @!p0 $0xF7A, s2;
	p2 =	seq.s32 @!p0 s5, $0x0  }
0x1f: {  	s9 =	smul.u32 $0xF7A, s1;
	s8 =	simm.s32 @!p0 $0x1BF5;
	p2 =	por !p2, p0  }
0x20: {  	[sflag:s8] =	ssyncset.s32 @!p0 $0xFFFFF086;
	s6 =	sadd.s32 @!p0 s3, s7;
	s7 =	simm.s32 @!p0 $0x108  }
0x21: {  	s3 =	sadd.s32 s3, s9;
	s6 =	sadd.s32 @!p0 $0x88, s6;
	s7 =	simm.s32 @p2 $0x1082  }
0x22: {  	[simem:s7], [sflag:s8] =	dma.local @!p0 [hbm:s6], $0xF7A  }
0x23: {  	s9 =	sor.u32 $0xD0000000, s2;
	s6 =	simm.s32 $0x108;
	_ =	swait.ge @!p0 [sflag:s8], $0x0  }
0x24: {  	s3 =	sadd.s32 $0x88, s3;
	s6 =	simm.s32 @!p1 $0x1082;
	[sflag:s4] =	ssyncset.s32 $0xFFFFF086  }
0x25: {  	[simem:s6], [sflag:s4] =	dma.local [hbm:s3], $0xF7A  }
0x26: {  	[smem:$0x3F97] =	sst s1;
	(tag) =	ssettag s2;
	_ =	strace s9  }
0x27: {  	s1 =	sld [smem:$0x3FA7]  }
0x28: {  	s2 =	sld [smem:$0x3FA8]  }
0x29: {  	s4 =	sld [smem:$0x3FAA]  }
0x2a: {  	p0 =	seq.s32 s5, $0x0;
	s5 =	sld [smem:$0x3FAB]  }
0x2b: {  	s6 =	sld [smem:$0x3FAC]  }
0x2c: {  	s7 =	sld [smem:$0x3FAD]  }
0x2d: {  	s3 =	simm.s32 $0x108;
	s8 =	sld [smem:$0x3FAE]  }
0x2e: {  	s3 =	simm.s32 @!p0 $0x1082;
	s9 =	sld [smem:$0x3FAF]  }
0x2f: {  	lr =	sadd.s32 s0, s3;
	s0 =	sld [smem:$0x3FA6]  }
0x30: {  	s3 =	sld [smem:$0x3FA9]  }
0x31: {  	[smem:$0x3FB2] =	sst s10  }
0x32: {  	s10 =	sld [smem:$0x3FB0];
	_ =	sdelay $0x3  }
0x33: {  	p0 =	seq.s32 s10, $0x1;
	s10 =	sld [smem:$0x3FB2];
	_ =	sdelay $0x3  }
0x34: {  	[smem:$0x3FB2] =	sst s10  }
0x35: {  	s10 =	sld [smem:$0x3FB1];
	_ =	sdelay $0x3  }
0x36: {  	p1 =	seq.s32 s10, $0x1;
	s10 =	sld [smem:$0x3FB2];
	_ =	sdelay $0x3  }
0x37: {  	[smem:$0x3FB2] =	sst s10  }
0x38: {  	s10 =	sld [smem:$0x3FB3]  }
0x39: {  	_ = 	snop;
	(pc) =	sbr.ind lr, $3  }
0x3a: {  	_ = 	snop  }
0x3b: {  	_ = 	snop  }
0x3c: {  	p2 =	seq.s32 s10, $0x1;
	s10 =	sld [smem:$0x3FB2]  }
0x3d: {  	_ =	shalt  }
0x3e: {  	_ =	shalt  }
0x3f: {  	_ =	shalt  }
0x40: {  	_ =	shalt  }
0x41: {  	_ =	shalt  }
0x42: {  	_ =	shalt  }
0x43: {  	_ =	shalt  }
0x44: {  	_ =	shalt  }
0x45: {  	_ =	shalt  }
0x46: {  	_ =	shalt  }
0x47: {  	_ =	shalt  }
0x48: {  	_ =	shalt  }
0x49: {  	_ =	shalt  }
0x4a: {  	_ =	shalt  }
0x4b: {  	_ =	shalt  }
0x4c: {  	_ =	shalt  }
0x4d: {  	_ =	shalt  }
0x4e: {  	_ =	shalt  }
0x4f: {  	_ =	shalt  }
0x50: {  	_ =	shalt  }
0x51: {  	_ =	shalt  }
0x52: {  	_ =	shalt  }
0x53: {  	_ =	shalt  }
0x54: {  	_ =	shalt  }
0x55: {  	_ =	shalt  }
0x56: {  	_ =	shalt  }
0x57: {  	_ =	shalt  }
0x58: {  	_ =	shalt  }
0x59: {  	_ =	shalt  }
0x5a: {  	_ =	shalt  }
0x5b: {  	_ =	shalt  }
0x5c: {  	_ =	shalt  }
0x5d: {  	_ =	shalt  }
0x5e: {  	_ =	shalt  }
0x5f: {  	_ =	shalt  }
0x60: {  	_ =	shalt  }
0x61: {  	_ =	shalt  }
0x62: {  	_ =	shalt  }
0x63: {  	_ =	shalt  }
0x64: {  	_ =	shalt  }
0x65: {  	_ =	shalt  }
0x66: {  	_ =	shalt  }
0x67: {  	_ =	shalt  }
0x68: {  	_ =	shalt  }
0x69: {  	_ =	shalt  }
0x6a: {  	_ =	shalt  }
0x6b: {  	_ =	shalt  }
0x6c: {  	_ =	shalt  }
0x6d: {  	_ =	shalt  }
0x6e: {  	_ =	shalt  }
0x6f: {  	_ =	shalt  }
0x70: {  	_ =	shalt  }
0x71: {  	_ =	shalt  }
0x72: {  	_ =	shalt  }
0x73: {  	_ =	shalt  }
0x74: {  	_ =	shalt  }
0x75: {  	_ =	shalt  }
0x76: {  	_ =	shalt  }
0x77: {  	_ =	shalt  }
0x78: {  	_ =	shalt  }
0x79: {  	_ =	shalt  }
0x7a: {  	_ =	shalt  }
0x7b: {  	_ =	shalt  }
0x7c: {  	_ =	shalt  }
0x7d: {  	_ =	shalt  }
0x7e: {  	_ =	shalt  }
0x7f: {  	_ =	shalt  }
0x80: {  	_ =	shalt  }
0x81: {  	_ =	shalt  }
0x82: {  	_ =	shalt  }
0x83: {  	_ =	shalt  }
0x84: {  	_ =	shalt  }
0x85: {  	_ =	shalt  }
0x86: {  	_ =	shalt  }
0x87: {  	_ =	shalt  }
.Lfunc_end0:
.L_simem_size_0:
called_computation.2_lowered:
.L_overlay_start_0:
0x88: {  	s2 =	sld [smem:$0x3FD9]  }
0x89: {  	s3 =	sld [smem:$0x3FFE];
	_ =	sdelay $0x1  }
0x8a: {  	s1 =	srdreg.scid  }
0x8b: {  	s0 =	sand.u32 $0x1, s1  }
0x8c: {  	s17 =	sshll.u32 s0, $0xA;
	s2 =	sadd.s32 s3, s2  }
0x8d: {  	s2 =	sadd.s32 s2, s17  }
0x8e: {  	[smem:$0x3FBE] =	sst s2  }
0x8f: {  	_ = 	snop  }
0x90: {  	s2 =	sld [smem:$0x3FD0];
	(tm) =	ssettm $0x1  }
0x91: {  	s18 =	sld [smem:$0x3FFB];
	_ =	sdelay $0x3  }
0x92: {  	_ =	strace s18  }
0x93: {  	s3 =	sld [smem:$0x3FFC];
	_ =	sdelay $0x3  }
0x94: {  	_ =	strace s3  }
0x95: {  	s3 =	sld [smem:$0x3FFD];
	_ =	sdelay $0x3  }
0x96: {  	_ =	strace s3  }
0x97: {  	_ =	strace $0x8FFFFFFF  }
0x98: {  	s19 =	sld [smem:$0x3FDB];
	_ =	sdelay $0x1  }
0x99: {  	s4 =	simm.s32 $_scs_section_size  }
0x9a: {  	s5 =	simm.s32 $_size__tile_overlayer_lowered;
	s6 =	simm.s32 $_tile_overlayer_lowered  }
0x9b: {  	s22 =	simm.s32 $0x1BFF;
	s21 =	sshll.u32 s6, $0x1;
	s3 =	sadd.s32 s4, s19  }
0x9c: {  	s7 =	simm.s32 $0x0;
	s20 =	sshll.u32 s5, $0x1;
	s5 =	sadd.s32 s21, s3  }
0x9d: {  	[timem:s7], [sflag:s22] =	dma.local [hbm:s5], s20  }
0x9e: {  	_ =	swait.ge [sflag:s22], s20  }
0x9f: {  	s4 =	ssub.s32 $0x0, s20;
	[sflag:s22] =	ssyncset.done $0x0  }
0xa0: {  	[sflag:s22] =	ssyncadd.s32 s4;
	_ =	sdelay $0x1  }
0xa1: {  	s23 =	simm.s32 $0x1B8B  }
0xa2: {  	_ =	swait.ge [sflag:s23], $0x1  }
0xa3: {  	[sflag:s23] =	ssyncset.done $0x0  }
0xa4: {  	s25 =	simm.s32 $0x1B8E;
	s24 =	sld [smem:$0x3FFE];
	[sflag:s23] =	ssyncadd.s32 $0xFFFFFFFF  }
0xa5: {  	s26 =	simm.s32 $execute0_lowered;
	[smem:$0x3FD2] =	sst s25  }
0xa6: {  	s5 =	sshll.u32 s26, $0x1;
	_ =	strace $0x8000004C;
	[dreg:$0x1] =	wrdreg $0xFFFFFFFF  }
0xa7: {  	s28 =	simm.s32 $_size_execute0_lowered;
	s3 =	sadd.s32 s3, s5;
	[dreg:$0x0] =	wrdreg $0x0  }
0xa8: {  	s5 =	sshll.u32 s28, $0x1;
	[dreg:$0x2] =	wrdreg s3  }
0xa9: {  	[dreg:$0x3] =	wrdreg s5  }
0xaa: {  	[dreg:$0x4] =	wrdreg $0xC0  }
0xab: {  	_ =	task [dreg:s7], $0x5FFFF  }
0xac: {  	[dreg:$0x1] =	wrdreg $0xFFFFFFFF  }
0xad: {  	[dreg:$0x0] =	wrdreg $0x60  }
0xae: {  	[dreg:$0x2] =	wrdreg s24  }
0xaf: {  	[dreg:$0x3] =	wrdreg s2  }
0xb0: {  	[dreg:$0x4] =	wrdreg $0xC3000  }
0xb1: {  	[dreg:$0x5] =	wrdreg $0x9  }
0xb2: {  	_ =	task.clear_ibuf [dreg:s7], $0x6FFFF;
	_ =	strace $0x9000004C  }
0xb3: {  	s29 =	simm.s32 $0x9;
	_ =	strace $0x8000004E  }
0xb4: {  	_ =	swait.ge [sflag:s29], $0x1  }
0xb5: {  	[sflag:s29] =	ssyncadd.s32 $0xFFFFFFFF  }
0xb6: {  	_ =	strace $0x9000004E  }
0xb7: {  	_ =	sfence  }
0xb8: {  	s30 =	sld [smem:$0x0];
	_ =	sdelay $0x2  }
0xb9: {  	s31 =	sshll.u32 s1, $0xD;
	s1 =	sshrl.u32 s1, $0x2  }
0xba: {  	s3 =	sand.u32 $0x4000, s31;
	s1 =	sadd.s32 s1, s30  }
0xbb: {  	s0 =	sor.u32 s3, s0;
	s1 =	sshll.u32 s1, $0x11  }
0xbc: {  	s0 =	sor.u32 s1, s0  }
0xbd: {  	s0 =	sadd.s32 $0x8F2B, s0  }
0xbe: {  	[sflag:s0] =	ssyncadd.remote.s32 $0x1  }
0xbf: {  	_ =	sfence.sel $0xFFFF  }
0xc0: {  	[dreg:$0x0] =	wrdreg $0xFFFFFFFF;
	(pc) =	sbr.abs _section_cstart, $3  }
0xc1: {  	[dreg:$0x1] =	wrdreg $0xFFFFFFFF  }
0xc2: {  	_ =	task.clear_ibuf [dreg:s7], $0x2FFFF;
	_ =	strace $0x9FFFFFFF  }
0xc3: {  	(tm) =	ssettm $0x7FFFFFFF  }
tec
execute0_lowered:
.L_overlay_start_1:
0x0: {  	(tag) =	ssettag $0x1  }
0x1: {  	s0 =	rddreg [dreg:$0x0]  }
0x2: {  	s1 =	rddreg [dreg:$0x1]  }
0x3: {  	s2 =	rddreg [dreg:$0x2]  }
0x4: {  	s4 =	srdreg.scid;
	s15 =	stileid.u32  }
0x5: {  	s3 =	simm.s32 $0x0;
	s28 =	simm.s32 $0x300;
	s7 =	smul.u32 $0x278, s15  }
0x6: {  	s29 =	simm.s32 $0x8;
	s30 =	simm.s32 $0x180;
	s10 =	smul.u32 $0x2780, s15  }
0x7: {  	s31 =	simm.s32 $0x80;
	s5 =	sand.u32 $0x1, s4;
	s12 =	smul.u32 $0x4F000, s15  }
0x8: {  	[smem:$0x7FF] =	sst s3;
	s4 =	sadd.s32 $0x17000, s0;
	s15 =	smul.u32 $0x5100, s15  }
0x9: {  	s9 =	sadd.s32 $0x2C00, s0;
	s13 =	sadd.s32 $0xCE00, s0;
	s6 =	smul.u32 $0x2780, s5  }
0xa: {  	_ =	strace $0x8000004D;
	s8 =	ssub.s32 $0x2, s5;
	s5 =	smul.u32 $0x2880, s5  }
0xb: {  	s11 =	sshrl.u32 s8, $0x1;
	s22 =	sadd.s32 s1, s10;
	s23 =	sshrl.u32 s12, $0x2  }
0xc: {  	s24 =	sadd.s32 $0x80, s7;
	s14 =	sadd.s32 $0x180, s7;
	s6 =	sadd.s32 s7, s6  }
0xd: {  	s11 =	ssub.s32 s8, s11;
	[dreg:$0x4] =	wrdreg s22;
	s23 =	sadd.s32 s23, s2  }
0xe: {  	s25 =	sshll.u32 s24, $0x4;
	s8 =	sshll.u32 s24, $0x7;
	s17 =	sshll.u32 s14, $0x4  }
0xf: {  	s19 =	sshll.u32 s14, $0x7;
	s6 =	sshll.u32 s6, $0x4;
	s26 =	sadd.s32 s1, s25  }
0x10: {  	s24 =	sadd.s32 s8, s2;
	s18 =	sadd.s32 s1, s17;
	[dreg:$0xa] =	wrdreg s23  }
0x11: {  	s0 =	sadd.s32 s6, s0;
	[dreg:$0x5] =	wrdreg s26;
	s6 =	sadd.s32 $0x100, s7  }
0x12: {  	[dreg:$0x7] =	wrdreg s18;
	s7 =	sadd.s32 $0x200, s7;
	s26 =	sadd.s32 s5, s15  }
0x13: {  	s5 =	simm.s32 $0x280;
	s8 =	sshll.u32 s6, $0x4;
	s10 =	sshll.u32 s6, $0x7  }
0x14: {  	s20 =	sshll.u32 s7, $0x4;
	s6 =	sadd.s32 s19, s2;
	s22 =	sadd.s32 $0x3E200, s0  }
0x15: {  	s21 =	sshll.u32 s7, $0x7;
	s15 =	sadd.s32 $0x3F200, s0;
	[dreg:$0xb] =	wrdreg s22  }
0x16: {  	s12 =	sadd.s32 $0x100, s26;
	s16 =	sadd.s32 s1, s8;
	[dreg:$0xd] =	wrdreg s15  }
0x17: {  	s25 =	sadd.s32 s10, s2;
	s1 =	sadd.s32 s1, s20;
	[dreg:$0x8] =	wrdreg s6  }
0x18: {  	s14 =	sadd.s32 s21, s2;
	s8 =	sadd.s32 $0x3EA00, s0;
	[dreg:$0x6] =	wrdreg s16  }
0x19: {  	s10 =	sshrl.u32 s26, $0x3;
	s7 =	sshrl.u32 s12, $0x3;
	[dreg:$0x9] =	wrdreg s1  }
0x1a: {  	s15 =	simm.s32 $0x3;
	[dreg:$0xc] =	wrdreg s8;
	s17 =	sadd.s32 s10, s13  }
0x1b: {  	s1 =	sadd.s32 $0x80, s26;
	s18 =	sadd.s32 s10, s9;
	s19 =	sadd.s32 s7, s13  }
0x1c: {  	s20 =	sadd.s32 s7, s9;
	s16 =	sadd.s32 $0x3FA00, s0;
	s0 =	sadd.s32 $0x40200, s0  }
0x1d: {  	s26 =	smax.u32 s11, $0x1;
	s7 =	simm.s32 $0x1;
	[dreg:$0xe] =	wrdreg s16  }
0x1e: {  	s11 =	simm.s32 $0x8300;
	s1 =	sshrl.u32 s1, $0x3;
	[dreg:$0xf] =	wrdreg s0  }
0x1f: {  	[dreg:$0x10] =	wrdreg s26;
	s0 =	simm.s32 $0x200;
	s16 =	simm.s32 $0x4  }
0x20: {  	s26 =	simm.s32 $0x0;
	s21 =	sadd.s32 s1, s13;
	s22 =	sadd.s32 s1, s9  }
0x21: {  	s1 =	simm.s32 $0x100;
	s9 =	simm.s32 $0x4300;
	s13 =	simm.s32 $0x2  }
.LBB2_1:
0x22: {  	s12 =	rddreg [dreg:$0x4]  }
0x23: {  	[tilespmem:s28], [sflag:$0x8] =	stream.linear.gather [hbm4b:s12+s3], $0x4000, $0x38;
	[tilespmem:$0x1FF00] =	vst v63  }
0x24: {  	_ =	swait.ge [sflag:s29], $0x4000  }
0x25: {  	[sflag:s29] =	ssyncset.done $0x0  }
0x26: {  	[sflag:s29] =	ssyncadd.s32 $0xFFFFC000  }
0x27: {  	[spmem:s23] =	stream.linear.scatter [tilespmem:s28], [sflag:$0x8], $0x4000, $0x38;
	[tilespmem:$0x1FF00] =	vst v63  }
0x28: {  	_ =	swait.ge [sflag:s29], $0x4000  }
0x29: {  	[sflag:s29] =	ssyncset.done $0x0  }
0x2a: {  	s23 =	rddreg [dreg:$0x5];
	[sflag:s29] =	ssyncadd.s32 $0xFFFFC000  }
0x2b: {  	[tilespmem:s28], [sflag:$0x8] =	stream.linear.gather [hbm4b:s23+s3], $0x4000, $0x38;
	[tilespmem:$0x1FF00] =	vst v63  }
0x2c: {  	_ =	swait.ge [sflag:s29], $0x4000  }
0x2d: {  	[sflag:s29] =	ssyncset.done $0x0  }
0x2e: {  	[sflag:s29] =	ssyncadd.s32 $0xFFFFC000  }
0x2f: {  	[spmem:s24] =	stream.linear.scatter [tilespmem:s28], [sflag:$0x8], $0x4000, $0x38;
	[tilespmem:$0x1FF00] =	vst v63  }
0x30: {  	_ =	swait.ge [sflag:s29], $0x4000  }
0x31: {  	[sflag:s29] =	ssyncset.done $0x0  }
0x32: {  	s10 =	smov.u32 s24;
	s24 =	rddreg [dreg:$0x6];
	[sflag:s29] =	ssyncadd.s32 $0xFFFFC000  }
0x33: {  	[tilespmem:s28], [sflag:$0x8] =	stream.linear.gather [hbm4b:s24+s3], $0x4000, $0x38;
	[tilespmem:$0x1FF00] =	vst v63  }
0x34: {  	_ =	swait.ge [sflag:s29], $0x4000  }
0x35: {  	[sflag:s29] =	ssyncset.done $0x0  }
0x36: {  	[sflag:s29] =	ssyncadd.s32 $0xFFFFC000  }
0x37: {  	[spmem:s25] =	stream.linear.scatter [tilespmem:s28], [sflag:$0x8], $0x4000, $0x38;
	[tilespmem:$0x1FF00] =	vst v63  }
0x38: {  	_ =	swait.ge [sflag:s29], $0x4000  }
0x39: {  	[sflag:s29] =	ssyncset.done $0x0  }
0x3a: {  	s12 =	smov.u32 s25;
	s25 =	rddreg [dreg:$0x7];
	[sflag:s29] =	ssyncadd.s32 $0xFFFFC000  }
0x3b: {  	[tilespmem:s28], [sflag:$0x8] =	stream.linear.gather [hbm4b:s25+s3], $0x4000, $0x38;
	[tilespmem:$0x1FF00] =	vst v63  }
0x3c: {  	_ =	swait.ge [sflag:s29], $0x4000  }
0x3d: {  	[sflag:s29] =	ssyncset.done $0x0  }
0x3e: {  	s8 =	smov.u32 s14;
	s14 =	smov.u32 s6;
	[sflag:s29] =	ssyncadd.s32 $0xFFFFC000  }
0x3f: {  	[spmem:s14] =	stream.linear.scatter [tilespmem:s28], [sflag:$0x8], $0x4000, $0x38;
	[tilespmem:$0x1FF00] =	vst v63  }
0x40: {  	_ =	swait.ge [sflag:s29], $0x4000  }
0x41: {  	[sflag:s29] =	ssyncset.done $0x0  }
0x42: {  	s23 =	rddreg [dreg:$0x9];
	[sflag:s29] =	ssyncadd.s32 $0xFFFFC000  }
0x43: {  	[tilespmem:s28], [sflag:$0x8] =	stream.linear.gather [hbm4b:s23+s3], $0x3C00, $0x38;
	[tilespmem:$0x1FF00] =	vst v63  }
0x44: {  	_ =	swait.ge [sflag:s29], $0x3C00  }
0x45: {  	[sflag:s29] =	ssyncset.done $0x0  }
0x46: {  	[sflag:s29] =	ssyncadd.s32 $0xFFFFC400  }
0x47: {  	[spmem:s8] =	stream.linear.scatter [tilespmem:s28], [sflag:$0x8], $0x3C00, $0x38;
	[tilespmem:$0x1FF00] =	vst v63  }
0x48: {  	_ =	swait.ge [sflag:s29], $0x3C00  }
0x49: {  	[sflag:s29] =	ssyncset.done $0x0  }
0x4a: {  	p0 =	por $0x1, $0x1;
	[sflag:s29] =	ssyncadd.s32 $0xFFFFC400  }
0x4b: {  	s23 =	simm.s32 @!p0 $0x5;
	[bflag:$0x0] =	sbarrier.arrive $0xFFFF  }
0x4c: {  	_ =	swait.ge @!p0 [sflag:s23], $0x4000  }
0x4d: {  	[sflag:s23] =	ssyncset.done @!p0 $0x0  }
0x4e: {  	[sflag:s23] =	ssyncadd.s32 @!p0 $0xFFFFC000;
	s23 =	simm.s32 @!p0 $0x6  }
0x4f: {  	_ =	swait.ge @!p0 [sflag:s23], $0x4000  }
0x50: {  	[sflag:s23] =	ssyncset.done @!p0 $0x0  }
0x51: {  	[sflag:s23] =	ssyncadd.s32 @!p0 $0xFFFFC000;
	s23 =	simm.s32 @!p0 $0x7  }
0x52: {  	_ =	swait.ge @!p0 [sflag:s23], $0x4000  }
0x53: {  	[sflag:s23] =	ssyncset.done @!p0 $0x0  }
0x54: {  	s24 =	sadd.s32 $0x0, s18;
	[sflag:s23] =	ssyncadd.s32 @!p0 $0xFFFFC000  }
0x55: {  	[tilespmem:s3], [sflag:$0x1] =	stream.linear.gather [hbm4b:s24+s3], $0x80, $0x38;
	[tilespmem:$0x1FF00] =	vst v63  }
0x56: {  	s25 =	sadd.s32 $0x0, s17  }
0x57: {  	[tilespmem:s30], [sflag:$0x1] =	stream.linear.gather [hbm4b:s25+s3], $0x80, $0x38;
	[tilespmem:$0x1FF00] =	vst v63  }
0x58: {  	s6 =	sadd.s32 $0x0, s22  }
0x59: {  	[tilespmem:s31], [sflag:$0x1] =	stream.linear.gather [hbm4b:s6+s3], $0x80, $0x38;
	[tilespmem:$0x1FF00] =	vst v63  }
0x5a: {  	s14 =	smov.u32 s8;
	s8 =	sadd.s32 $0x0, s21  }
0x5b: {  	[tilespmem:s0], [sflag:$0x1] =	stream.linear.gather [hbm4b:s8+s3], $0x80, $0x38;
	[tilespmem:$0x1FF00] =	vst v63  }
0x5c: {  	s24 =	sadd.s32 $0x0, s20  }
0x5d: {  	[tilespmem:s1], [sflag:$0x1] =	stream.linear.gather [hbm4b:s24+s3], $0x80, $0x38;
	[tilespmem:$0x1FF00] =	vst v63  }
0x5e: {  	s25 =	sadd.s32 $0x0, s19  }
0x5f: {  	[tilespmem:s5], [sflag:$0x1] =	stream.linear.gather [hbm4b:s25+s3], $0x80, $0x38;
	[tilespmem:$0x1FF00] =	vst v63  }
0x60: {  	_ =	swait.ge [sflag:s7], $0x80  }
0x61: {  	[sflag:s7] =	ssyncset.done $0x0  }
0x62: {  	[sflag:s7] =	ssyncadd.s32 $0xFFFFFF80  }
0x63: {  	_ =	swait.ge [sflag:s7], $0x80  }
0x64: {  	[sflag:s7] =	ssyncset.done $0x0  }
0x65: {  	[sflag:s7] =	ssyncadd.s32 $0xFFFFFF80  }
0x66: {  	_ =	swait.ge [sflag:s7], $0x80  }
0x67: {  	[sflag:s7] =	ssyncset.done $0x0  }
0x68: {  	[sflag:s7] =	ssyncadd.s32 $0xFFFFFF80  }
0x69: {  	_ =	swait.ge [sflag:s7], $0x80  }
0x6a: {  	[sflag:s7] =	ssyncset.done $0x0  }
0x6b: {  	[sflag:s7] =	ssyncadd.s32 $0xFFFFFF80  }
0x6c: {  	_ =	swait.ge [sflag:s7], $0x80  }
0x6d: {  	[sflag:s7] =	ssyncset.done $0x0  }
0x6e: {  	[sflag:s7] =	ssyncadd.s32 $0xFFFFFF80  }
0x6f: {  	_ =	swait.ge [sflag:s7], $0x80  }
0x70: {  	[sflag:s7] =	ssyncset.done $0x0  }
0x71: {  	[sflag:s7] =	ssyncadd.s32 $0xFFFFFF80  }
0x72: {  	[tilespmem:s28], [sflag:$0x2] =	stream.indirect.gather [hbm4b:s4+s31], $0x80, s3, s31, $0xb8;
	[tilespmem:$0x1FF00] =	vst v63  }
0x73: {  	_ = 	snop  }
0x74: {  	[tilespmem:s9], [sflag:$0x3] =	stream.indirect.gather [hbm4b:s4+s31], $0x80, s31, s31, $0xb8;
	[tilespmem:$0x1FF00] =	vst v63  }
0x75: {  	_ = 	snop  }
0x76: {  	[tilespmem:s11], [sflag:$0x4] =	stream.indirect.gather [hbm4b:s4+s31], $0x80, s1, s31, $0xb8;
	[tilespmem:$0x1FF00] =	vst v63  }
0x77: {  	_ =	swait.ge [sflag:s13], $0x4000  }
0x78: {  	[sflag:s13] =	ssyncset.done $0x0  }
0x79: {  	[sflag:s13] =	ssyncadd.s32 $0xFFFFC000  }
0x7a: {  	[spmem:s2] =	stream.indirect.scatter.add.f32 [tilespmem:s28], [sflag:$0x5], $0x80, s30, s31, $0xb8;
	[tilespmem:$0x1FF00] =	vst v63  }
0x7b: {  	_ =	swait.ge [sflag:s15], $0x4000  }
0x7c: {  	[sflag:s15] =	ssyncset.done $0x0  }
0x7d: {  	[sflag:s15] =	ssyncadd.s32 $0xFFFFC000  }
0x7e: {  	[spmem:s2] =	stream.indirect.scatter.add.f32 [tilespmem:s9], [sflag:$0x6], $0x80, s0, s31, $0xb8;
	[tilespmem:$0x1FF00] =	vst v63  }
0x7f: {  	p1 =	por $0x0, $0x0;
	_ =	swait.ge [sflag:s16], $0x4000  }
0x80: {  	s23 =	simm.s32 $0x30;
	s24 =	simm.s32 $0x60;
	[sflag:s16] =	ssyncset.done $0x0  }
.LBB2_2:
0x81: {  	s25 =	simm.s32 @!p1 $0x5  }
0x82: {  	[sflag:s16] =	ssyncadd.s32 $0xFFFFC000;
	s6 =	smov.u32 s24;
	s24 =	sadd.s32 $0x30, s24  }
0x83: {  	[spmem:s2] =	stream.indirect.scatter.add.f32 [tilespmem:s11], [sflag:$0x7], $0x80, s5, s31, $0xb8;
	[tilespmem:$0x1FF00] =	vst v63  }
0x84: {  	p0 =	sne.s32 s24, $0x510;
	_ =	swait.ge @!p1 [sflag:s25], $0x4000  }
0x85: {  	[sflag:s25] =	ssyncset.done @!p1 $0x0  }
0x86: {  	[sflag:s25] =	ssyncadd.s32 @!p1 $0xFFFFC000;
	s25 =	simm.s32 @!p1 $0x6  }
0x87: {  	_ =	swait.ge @!p1 [sflag:s25], $0x4000  }
0x88: {  	[sflag:s25] =	ssyncset.done @!p1 $0x0  }
0x89: {  	[sflag:s25] =	ssyncadd.s32 @!p1 $0xFFFFC000;
	s25 =	simm.s32 @!p1 $0x7  }
0x8a: {  	_ =	swait.ge @!p1 [sflag:s25], $0x4000  }
0x8b: {  	[sflag:s25] =	ssyncset.done @!p1 $0x0  }
0x8c: {  	[sflag:s25] =	ssyncadd.s32 @!p1 $0xFFFFC000;
	s25 =	sadd.s32 s23, s18  }
0x8d: {  	[tilespmem:s3], [sflag:$0x1] =	stream.linear.gather [hbm4b:s25+s3], $0x80, $0x38;
	[tilespmem:$0x1FF00] =	vst v63  }
0x8e: {  	s25 =	sadd.s32 s23, s17  }
0x8f: {  	[tilespmem:s30], [sflag:$0x1] =	stream.linear.gather [hbm4b:s25+s3], $0x80, $0x38;
	[tilespmem:$0x1FF00] =	vst v63  }
0x90: {  	s25 =	sadd.s32 s23, s22  }
0x91: {  	[tilespmem:s31], [sflag:$0x1] =	stream.linear.gather [hbm4b:s25+s3], $0x80, $0x38;
	[tilespmem:$0x1FF00] =	vst v63  }
0x92: {  	s25 =	sadd.s32 s23, s21  }
0x93: {  	[tilespmem:s0], [sflag:$0x1] =	stream.linear.gather [hbm4b:s25+s3], $0x80, $0x38;
	[tilespmem:$0x1FF00] =	vst v63  }
0x94: {  	s25 =	sadd.s32 s23, s20  }
0x95: {  	[tilespmem:s1], [sflag:$0x1] =	stream.linear.gather [hbm4b:s25+s3], $0x80, $0x38;
	[tilespmem:$0x1FF00] =	vst v63  }
0x96: {  	s25 =	sadd.s32 s23, s19;
	s23 =	smov.u32 s6  }
0x97: {  	[tilespmem:s5], [sflag:$0x1] =	stream.linear.gather [hbm4b:s25+s3], $0x80, $0x38;
	[tilespmem:$0x1FF00] =	vst v63  }
0x98: {  	_ =	swait.ge [sflag:s7], $0x80  }
0x99: {  	[sflag:s7] =	ssyncset.done $0x0  }
0x9a: {  	[sflag:s7] =	ssyncadd.s32 $0xFFFFFF80  }
0x9b: {  	_ =	swait.ge [sflag:s7], $0x80  }
0x9c: {  	[sflag:s7] =	ssyncset.done $0x0  }
0x9d: {  	[sflag:s7] =	ssyncadd.s32 $0xFFFFFF80  }
0x9e: {  	_ =	swait.ge [sflag:s7], $0x80  }
0x9f: {  	[sflag:s7] =	ssyncset.done $0x0  }
0xa0: {  	[sflag:s7] =	ssyncadd.s32 $0xFFFFFF80  }
0xa1: {  	_ =	swait.ge [sflag:s7], $0x80  }
0xa2: {  	[sflag:s7] =	ssyncset.done $0x0  }
0xa3: {  	[sflag:s7] =	ssyncadd.s32 $0xFFFFFF80  }
0xa4: {  	_ =	swait.ge [sflag:s7], $0x80  }
0xa5: {  	[sflag:s7] =	ssyncset.done $0x0  }
0xa6: {  	[sflag:s7] =	ssyncadd.s32 $0xFFFFFF80  }
0xa7: {  	_ =	swait.ge [sflag:s7], $0x80  }
0xa8: {  	[sflag:s7] =	ssyncset.done $0x0  }
0xa9: {  	[sflag:s7] =	ssyncadd.s32 $0xFFFFFF80  }
0xaa: {  	[tilespmem:s28], [sflag:$0x2] =	stream.indirect.gather [hbm4b:s4+s31], $0x80, s3, s31, $0xb8;
	[tilespmem:$0x1FF00] =	vst v63  }
0xab: {  	_ = 	snop  }
0xac: {  	[tilespmem:s9], [sflag:$0x3] =	stream.indirect.gather [hbm4b:s4+s31], $0x80, s31, s31, $0xb8;
	[tilespmem:$0x1FF00] =	vst v63  }
0xad: {  	_ = 	snop  }
0xae: {  	[tilespmem:s11], [sflag:$0x4] =	stream.indirect.gather [hbm4b:s4+s31], $0x80, s1, s31, $0xb8;
	[tilespmem:$0x1FF00] =	vst v63  }
0xaf: {  	_ =	swait.ge [sflag:s13], $0x4000  }
0xb0: {  	[sflag:s13] =	ssyncset.done $0x0  }
0xb1: {  	[sflag:s13] =	ssyncadd.s32 $0xFFFFC000  }
0xb2: {  	[spmem:s2] =	stream.indirect.scatter.add.f32 [tilespmem:s28], [sflag:$0x5], $0x80, s30, s31, $0xb8;
	[tilespmem:$0x1FF00] =	vst v63  }
0xb3: {  	_ =	swait.ge [sflag:s15], $0x4000  }
.Ltmp0:
0xb4: {  	[sflag:s15] =	ssyncset.done $0x0;
	(pc) =	sbr.rel @p0 .LBB2_2-.Ltmp0, $4  }
0xb5: {  	[sflag:s15] =	ssyncadd.s32 $0xFFFFC000  }
0xb6: {  	[spmem:s2] =	stream.indirect.scatter.add.f32 [tilespmem:s9], [sflag:$0x6], $0x80, s0, s31, $0xb8;
	[tilespmem:$0x1FF00] =	vst v63  }
0xb7: {  	_ =	swait.ge [sflag:s16], $0x4000  }
0xb8: {  	p1 =	seq.s32 s23, $0x0;
	[sflag:s16] =	ssyncset.done $0x0  }
0xb9: {  	s6 =	simm.s32 @!p1 $0x5;
	[sflag:s16] =	ssyncadd.s32 $0xFFFFC000  }
0xba: {  	[spmem:s2] =	stream.indirect.scatter.add.f32 [tilespmem:s11], [sflag:$0x7], $0x80, s5, s31, $0xb8;
	[tilespmem:$0x1FF00] =	vst v63  }
0xbb: {  	_ =	swait.ge @!p1 [sflag:s6], $0x4000  }
0xbc: {  	[sflag:s6] =	ssyncset.done @!p1 $0x0  }
0xbd: {  	[sflag:s6] =	ssyncadd.s32 @!p1 $0xFFFFC000;
	s6 =	simm.s32 @!p1 $0x6  }
0xbe: {  	_ =	swait.ge @!p1 [sflag:s6], $0x4000  }
0xbf: {  	[sflag:s6] =	ssyncset.done @!p1 $0x0  }
0xc0: {  	[sflag:s6] =	ssyncadd.s32 @!p1 $0xFFFFC000;
	s6 =	simm.s32 @!p1 $0x7  }
0xc1: {  	_ =	swait.ge @!p1 [sflag:s6], $0x4000  }
0xc2: {  	[sflag:s6] =	ssyncset.done @!p1 $0x0  }
0xc3: {  	s25 =	sadd.s32 s23, s18;
	[sflag:s6] =	ssyncadd.s32 @!p1 $0xFFFFC000  }
0xc4: {  	[tilespmem:s3], [sflag:$0x1] =	stream.linear.gather [hbm4b:s25+s3], $0x80, $0x38;
	[tilespmem:$0x1FF00] =	vst v63  }
0xc5: {  	s8 =	sadd.s32 s23, s17  }
0xc6: {  	[tilespmem:s30], [sflag:$0x1] =	stream.linear.gather [hbm4b:s8+s3], $0x80, $0x38;
	[tilespmem:$0x1FF00] =	vst v63  }
0xc7: {  	s24 =	sadd.s32 s23, s22  }
0xc8: {  	[tilespmem:s31], [sflag:$0x1] =	stream.linear.gather [hbm4b:s24+s3], $0x80, $0x38;
	[tilespmem:$0x1FF00] =	vst v63  }
0xc9: {  	s25 =	sadd.s32 s23, s21  }
0xca: {  	[tilespmem:s0], [sflag:$0x1] =	stream.linear.gather [hbm4b:s25+s3], $0x80, $0x38;
	[tilespmem:$0x1FF00] =	vst v63  }
0xcb: {  	s8 =	sadd.s32 s23, s20  }
0xcc: {  	[tilespmem:s1], [sflag:$0x1] =	stream.linear.gather [hbm4b:s8+s3], $0x80, $0x38;
	[tilespmem:$0x1FF00] =	vst v63  }
0xcd: {  	s24 =	sadd.s32 s23, s19  }
0xce: {  	[tilespmem:s5], [sflag:$0x1] =	stream.linear.gather [hbm4b:s24+s3], $0x80, $0x38;
	[tilespmem:$0x1FF00] =	vst v63  }
0xcf: {  	_ =	swait.ge [sflag:s7], $0x80  }
0xd0: {  	[sflag:s7] =	ssyncset.done $0x0  }
0xd1: {  	[sflag:s7] =	ssyncadd.s32 $0xFFFFFF80  }
0xd2: {  	_ =	swait.ge [sflag:s7], $0x80  }
0xd3: {  	[sflag:s7] =	ssyncset.done $0x0  }
0xd4: {  	[sflag:s7] =	ssyncadd.s32 $0xFFFFFF80  }
0xd5: {  	_ =	swait.ge [sflag:s7], $0x80  }
0xd6: {  	[sflag:s7] =	ssyncset.done $0x0  }
0xd7: {  	[sflag:s7] =	ssyncadd.s32 $0xFFFFFF80  }
0xd8: {  	_ =	swait.ge [sflag:s7], $0x80  }
0xd9: {  	[sflag:s7] =	ssyncset.done $0x0  }
0xda: {  	[sflag:s7] =	ssyncadd.s32 $0xFFFFFF80  }
0xdb: {  	_ =	swait.ge [sflag:s7], $0x80  }
0xdc: {  	[sflag:s7] =	ssyncset.done $0x0  }
0xdd: {  	[sflag:s7] =	ssyncadd.s32 $0xFFFFFF80  }
0xde: {  	_ =	swait.ge [sflag:s7], $0x80  }
0xdf: {  	[sflag:s7] =	ssyncset.done $0x0  }
0xe0: {  	[sflag:s7] =	ssyncadd.s32 $0xFFFFFF80  }
0xe1: {  	[tilespmem:s28], [sflag:$0x2] =	stream.indirect.gather [hbm4b:s4+s31], $0x80, s3, s31, $0xb8;
	[tilespmem:$0x1FF00] =	vst v63  }
0xe2: {  	_ = 	snop  }
0xe3: {  	[tilespmem:s9], [sflag:$0x3] =	stream.indirect.gather [hbm4b:s4+s31], $0x80, s31, s31, $0xb8;
	[tilespmem:$0x1FF00] =	vst v63  }
0xe4: {  	_ = 	snop  }
0xe5: {  	[tilespmem:s11], [sflag:$0x4] =	stream.indirect.gather [hbm4b:s4+s31], $0x80, s1, s31, $0xb8;
	[tilespmem:$0x1FF00] =	vst v63  }
0xe6: {  	_ =	swait.ge [sflag:s13], $0x4000  }
0xe7: {  	[sflag:s13] =	ssyncset.done $0x0  }
0xe8: {  	[sflag:s13] =	ssyncadd.s32 $0xFFFFC000  }
0xe9: {  	[spmem:s2] =	stream.indirect.scatter.add.f32 [tilespmem:s28], [sflag:$0x5], $0x80, s30, s31, $0xb8;
	[tilespmem:$0x1FF00] =	vst v63  }
0xea: {  	_ =	swait.ge [sflag:s15], $0x4000  }
0xeb: {  	[sflag:s15] =	ssyncset.done $0x0  }
0xec: {  	[sflag:s15] =	ssyncadd.s32 $0xFFFFC000  }
0xed: {  	[spmem:s2] =	stream.indirect.scatter.add.f32 [tilespmem:s9], [sflag:$0x6], $0x80, s0, s31, $0xb8;
	[tilespmem:$0x1FF00] =	vst v63  }
0xee: {  	_ =	swait.ge [sflag:s16], $0x4000  }
0xef: {  	[sflag:s16] =	ssyncset.done $0x0  }
0xf0: {  	s25 =	simm.s32 $0x5;
	[sflag:s16] =	ssyncadd.s32 $0xFFFFC000  }
0xf1: {  	[spmem:s2] =	stream.indirect.scatter.add.f32 [tilespmem:s11], [sflag:$0x7], $0x80, s5, s31, $0xb8;
	[tilespmem:$0x1FF00] =	vst v63  }
0xf2: {  	_ =	swait.ge [sflag:s25], $0x4000  }
0xf3: {  	[sflag:s25] =	ssyncset.done $0x0  }
0xf4: {  	s8 =	simm.s32 $0x6;
	[sflag:s25] =	ssyncadd.s32 $0xFFFFC000  }
0xf5: {  	_ =	swait.ge [sflag:s8], $0x4000  }
0xf6: {  	[sflag:s8] =	ssyncset.done $0x0  }
0xf7: {  	s23 =	simm.s32 $0x7;
	[sflag:s8] =	ssyncadd.s32 $0xFFFFC000  }
0xf8: {  	_ =	swait.ge [sflag:s23], $0x4000  }
0xf9: {  	[sflag:s23] =	ssyncset.done $0x0  }
0xfa: {  	[sflag:s23] =	ssyncadd.s32 $0xFFFFC000  }
0xfb: {  	[bflag:$0x0] =	sbarrier.arrive $0xFFFF  }
0xfc: {  	s23 =	rddreg [dreg:$0xa]  }
0xfd: {  	[tilespmem:s28], [sflag:$0x8] =	stream.linear.gather [spmem:s23], $0x4000, $0x38;
	[tilespmem:$0x1FF00] =	vst v63  }
0xfe: {  	_ =	swait.ge [sflag:s29], $0x4000  }
0xff: {  	[sflag:s29] =	ssyncset.done $0x0  }
0x100: {  	s24 =	rddreg [dreg:$0xb];
	[sflag:s29] =	ssyncadd.s32 $0xFFFFC000  }
0x101: {  	[hbm4b:s24+s3] =	stream.linear.scatter [tilespmem:s28], [sflag:$0x8], $0x4000, $0x38;
	[tilespmem:$0x1FF00] =	vst v63  }
0x102: {  	_ =	swait.ge [sflag:s29], $0x4000  }
0x103: {  	[sflag:s29] =	ssyncset.done $0x0  }
0x104: {  	[sflag:s29] =	ssyncadd.s32 $0xFFFFC000  }
0x105: {  	[tilespmem:s28], [sflag:$0x8] =	stream.linear.gather [spmem:s10], $0x4000, $0x38;
	[tilespmem:$0x1FF00] =	vst v63  }
0x106: {  	_ =	swait.ge [sflag:s29], $0x4000  }
0x107: {  	[sflag:s29] =	ssyncset.done $0x0  }
0x108: {  	s25 =	rddreg [dreg:$0xc];
	[sflag:s29] =	ssyncadd.s32 $0xFFFFC000  }
0x109: {  	[hbm4b:s25+s3] =	stream.linear.scatter [tilespmem:s28], [sflag:$0x8], $0x4000, $0x38;
	[tilespmem:$0x1FF00] =	vst v63  }
0x10a: {  	_ =	swait.ge [sflag:s29], $0x4000  }
0x10b: {  	[sflag:s29] =	ssyncset.done $0x0  }
0x10c: {  	[sflag:s29] =	ssyncadd.s32 $0xFFFFC000  }
0x10d: {  	[tilespmem:s28], [sflag:$0x8] =	stream.linear.gather [spmem:s12], $0x4000, $0x38;
	[tilespmem:$0x1FF00] =	vst v63  }
0x10e: {  	_ =	swait.ge [sflag:s29], $0x4000  }
0x10f: {  	[sflag:s29] =	ssyncset.done $0x0  }
0x110: {  	s8 =	rddreg [dreg:$0xd];
	[sflag:s29] =	ssyncadd.s32 $0xFFFFC000  }
0x111: {  	[hbm4b:s8+s3] =	stream.linear.scatter [tilespmem:s28], [sflag:$0x8], $0x4000, $0x38;
	[tilespmem:$0x1FF00] =	vst v63  }
0x112: {  	_ =	swait.ge [sflag:s29], $0x4000  }
0x113: {  	[sflag:s29] =	ssyncset.done $0x0  }
0x114: {  	s6 =	rddreg [dreg:$0x8];
	[sflag:s29] =	ssyncadd.s32 $0xFFFFC000  }
0x115: {  	[tilespmem:s28], [sflag:$0x8] =	stream.linear.gather [spmem:s6], $0x4000, $0x38;
	[tilespmem:$0x1FF00] =	vst v63  }
0x116: {  	_ =	swait.ge [sflag:s29], $0x4000  }
0x117: {  	[sflag:s29] =	ssyncset.done $0x0  }
0x118: {  	s8 =	rddreg [dreg:$0xe];
	[sflag:s29] =	ssyncadd.s32 $0xFFFFC000  }
0x119: {  	[hbm4b:s8+s3] =	stream.linear.scatter [tilespmem:s28], [sflag:$0x8], $0x4000, $0x38;
	[tilespmem:$0x1FF00] =	vst v63  }
0x11a: {  	_ =	swait.ge [sflag:s29], $0x4000  }
0x11b: {  	[sflag:s29] =	ssyncset.done $0x0  }
0x11c: {  	[sflag:s29] =	ssyncadd.s32 $0xFFFFC000  }
0x11d: {  	[tilespmem:s28], [sflag:$0x8] =	stream.linear.gather [spmem:s14], $0x3C00, $0x38;
	[tilespmem:$0x1FF00] =	vst v63  }
0x11e: {  	_ =	swait.ge [sflag:s29], $0x3C00  }
0x11f: {  	[sflag:s29] =	ssyncset.done $0x0  }
0x120: {  	s24 =	smov.u32 s10;
	s10 =	rddreg [dreg:$0xf];
	[sflag:s29] =	ssyncadd.s32 $0xFFFFC400  }
0x121: {  	[hbm4b:s10+s3] =	stream.linear.scatter [tilespmem:s28], [sflag:$0x8], $0x3C00, $0x38;
	[tilespmem:$0x1FF00] =	vst v63  }
0x122: {  	_ =	swait.ge [sflag:s29], $0x3C00  }
0x123: {  	s26 =	sadd.s32 $0x1, s26;
	s25 =	smov.u32 s12;
	s12 =	rddreg [dreg:$0x10]  }
0x124: {  	p0 =	sne.s32 s26, s12  }
.Ltmp1:
0x125: {  	_ = 	snop;
	(pc) =	sbr.rel @p0 .LBB2_1-.Ltmp1, $3  }
0x126: {  	_ =	sdelay $0x1  }
0x127: {  	[sflag:s29] =	ssyncset.done $0x0  }
0x128: {  	[sflag:s29] =	ssyncadd.s32 $0xFFFFC400  }
0x129: {  	_ =	sfence.sel $0x180000  }
0x12a: {  	[bflag:$0x0] =	sbarrier.arrive $0xFFFF  }
0x12b: {  	_ =	strace $0x9000004D  }
0x12c: {  	s0 =	stileid.u32;
	[bflag:$0x2] =	sbarrier.arrive $0xFFFF  }
0x12d: {  	p0 =	sne.s32 s0, $0x0;
	s0 =	rddreg [dreg:$0x3]  }
0x12e: {  	s0 =	sadd.s32 @!p0 $0x100000, s0  }
0x12f: {  	[sflag:s0] =	ssyncadd.tile.s32 @!p0 $0x1;
	_ =	shalt  }
.Lfunc_end2:
_tile_overlayer_lowered:
.L_overlay_start_2:
0x130: {  	(tag) =	ssettag $0x2  }
0x131: {  	s0 =	rddreg [dreg:$0x0];
	s2 =	stileid.u32  }
0x132: {  	s1 =	rddreg [dreg:$0x1];
	p0 =	sne.s32 s2, $0x0  }
0x133: {  	s3 =	rddreg [dreg:$0x2];
	[bflag:$0x3] =	sbarrier.arrive $0xFFFF;
	s2 =	simm.s32 @!p0 $0x1C08  }
0x134: {  	[timem:s3], [sflag:s2] =	dma.local @!p0 [hbm:s0], s1  }
0x135: {  	s0 =	simm.s32 @!p0 $0x8  }
0x136: {  	_ =	swait.ge @!p0 [sflag:s0], s1  }
0x137: {  	s1 =	ssub.s32 @!p0 $0x0, s1;
	[sflag:s0] =	ssyncset.done @!p0 $0x0  }
0x138: {  	[sflag:s0] =	ssyncadd.s32 @!p0 s1  }
0x139: {  	[bflag:$0x3] =	sbarrier.arrive $0xFFFF  }
0x13a: {  	_ =	shalt  }

// kernel: kernel.8.cloned.1.call-start
scs
__scs_entry_jumppad:
0x0: {  	(pc) =	sbr.rel $0x88, $3  }
0x1: {  	(tag) =	ssettag $0x0;
	lr =	simm.s32 $0x1  }
0x2: {  	[smem:$0x3F97] =	sst lr;
	_ =	strace $0xD0000000  }
0x3: {  	_ = 	snop  }
0x4: {  	_ = 	snop  }
0x5: {  	_ = 	snop  }
0x6: {  	_ = 	snop  }
0x7: {  	_ = 	snop  }
__scs_overlays_trampoline_lowered:
0x8: {  	[smem:$0x3FA6] =	sst s0  }
0x9: {  	[smem:$0x3FA7] =	sst s1  }
0xa: {  	[smem:$0x3FA8] =	sst s2  }
0xb: {  	[smem:$0x3FA9] =	sst s3  }
0xc: {  	[smem:$0x3FAA] =	sst s4  }
0xd: {  	[smem:$0x3FAB] =	sst s5  }
0xe: {  	[smem:$0x3FAC] =	sst s6  }
0xf: {  	[smem:$0x3FAD] =	sst s7  }
0x10: {  	[smem:$0x3FAE] =	sst s8  }
0x11: {  	[smem:$0x3FAF] =	sst s9;
	s0 =	simm.s32 @!p0 $0x0  }
0x12: {  	s1 =	sld [smem:$0x3F95];
	s0 =	simm.s32 @p0 $0x1  }
0x13: {  	[smem:$0x3FB0] =	sst s0;
	s0 =	simm.s32 @!p1 $0x0  }
0x14: {  	s2 =	sld [smem:$0x3F94];
	s0 =	simm.s32 @p1 $0x1  }
0x15: {  	[smem:$0x3FB1] =	sst s0;
	s0 =	simm.s32 @!p2 $0x0  }
0x16: {  	s3 =	sld [smem:$0x3FDB];
	s0 =	simm.s32 @p2 $0x1  }
0x17: {  	s4 =	simm.s32 $0x1BF5;
	[smem:$0x3FB3] =	sst s0  }
0x18: {  	s0 =	sld [smem:$0x3F96];
	_ =	swait.ge [sflag:s4], $0x0  }
0x19: {  	s7 =	sld [smem:$0x3F97]  }
0x1a: {  	s8 =	sadd.s32 $0xFFFFE003, lr  }
0x1b: {  	s9 =	sadd.s32 $0xFFFFFEF7, lr;
	s5 =	simm.s32 $0xFFFFFFFF;
	p2 =	slt.u32 s8, $0xFFFFF086  }
0x1c: {  	p1 =	slt.u32 s9, $0xF7A;
	s5 =	simm.s32 @!p2 $0x0  }
0x1d: {  	s5 =	simm.s32 @p1 $0x1;
	p0 =	seq.s32 s7, s2  }
0x1e: {  	s7 =	smul.u32 @!p0 $0xF7A, s2;
	p2 =	seq.s32 @!p0 s5, $0x0  }
0x1f: {  	s9 =	smul.u32 $0xF7A, s1;
	s8 =	simm.s32 @!p0 $0x1BF5;
	p2 =	por !p2, p0  }
0x20: {  	[sflag:s8] =	ssyncset.s32 @!p0 $0xFFFFF086;
	s6 =	sadd.s32 @!p0 s3, s7;
	s7 =	simm.s32 @!p0 $0x108  }
0x21: {  	s3 =	sadd.s32 s3, s9;
	s6 =	sadd.s32 @!p0 $0x88, s6;
	s7 =	simm.s32 @p2 $0x1082  }
0x22: {  	[simem:s7], [sflag:s8] =	dma.local @!p0 [hbm:s6], $0xF7A  }
0x23: {  	s9 =	sor.u32 $0xD0000000, s2;
	s6 =	simm.s32 $0x108;
	_ =	swait.ge @!p0 [sflag:s8], $0x0  }
0x24: {  	s3 =	sadd.s32 $0x88, s3;
	s6 =	simm.s32 @!p1 $0x1082;
	[sflag:s4] =	ssyncset.s32 $0xFFFFF086  }
0x25: {  	[simem:s6], [sflag:s4] =	dma.local [hbm:s3], $0xF7A  }
0x26: {  	[smem:$0x3F97] =	sst s1;
	(tag) =	ssettag s2;
	_ =	strace s9  }
0x27: {  	s1 =	sld [smem:$0x3FA7]  }
0x28: {  	s2 =	sld [smem:$0x3FA8]  }
0x29: {  	s4 =	sld [smem:$0x3FAA]  }
0x2a: {  	p0 =	seq.s32 s5, $0x0;
	s5 =	sld [smem:$0x3FAB]  }
0x2b: {  	s6 =	sld [smem:$0x3FAC]  }
0x2c: {  	s7 =	sld [smem:$0x3FAD]  }
0x2d: {  	s3 =	simm.s32 $0x108;
	s8 =	sld [smem:$0x3FAE]  }
0x2e: {  	s3 =	simm.s32 @!p0 $0x1082;
	s9 =	sld [smem:$0x3FAF]  }
0x2f: {  	lr =	sadd.s32 s0, s3;
	s0 =	sld [smem:$0x3FA6]  }
0x30: {  	s3 =	sld [smem:$0x3FA9]  }
0x31: {  	[smem:$0x3FB2] =	sst s10  }
0x32: {  	s10 =	sld [smem:$0x3FB0];
	_ =	sdelay $0x3  }
0x33: {  	p0 =	seq.s32 s10, $0x1;
	s10 =	sld [smem:$0x3FB2];
	_ =	sdelay $0x3  }
0x34: {  	[smem:$0x3FB2] =	sst s10  }
0x35: {  	s10 =	sld [smem:$0x3FB1];
	_ =	sdelay $0x3  }
0x36: {  	p1 =	seq.s32 s10, $0x1;
	s10 =	sld [smem:$0x3FB2];
	_ =	sdelay $0x3  }
0x37: {  	[smem:$0x3FB2] =	sst s10  }
0x38: {  	s10 =	sld [smem:$0x3FB3]  }
0x39: {  	_ = 	snop;
	(pc) =	sbr.ind lr, $3  }
0x3a: {  	_ = 	snop  }
0x3b: {  	_ = 	snop  }
0x3c: {  	p2 =	seq.s32 s10, $0x1;
	s10 =	sld [smem:$0x3FB2]  }
0x3d: {  	_ =	shalt  }
0x3e: {  	_ =	shalt  }
0x3f: {  	_ =	shalt  }
0x40: {  	_ =	shalt  }
0x41: {  	_ =	shalt  }
0x42: {  	_ =	shalt  }
0x43: {  	_ =	shalt  }
0x44: {  	_ =	shalt  }
0x45: {  	_ =	shalt  }
0x46: {  	_ =	shalt  }
0x47: {  	_ =	shalt  }
0x48: {  	_ =	shalt  }
0x49: {  	_ =	shalt  }
0x4a: {  	_ =	shalt  }
0x4b: {  	_ =	shalt  }
0x4c: {  	_ =	shalt  }
0x4d: {  	_ =	shalt  }
0x4e: {  	_ =	shalt  }
0x4f: {  	_ =	shalt  }
0x50: {  	_ =	shalt  }
0x51: {  	_ =	shalt  }
0x52: {  	_ =	shalt  }
0x53: {  	_ =	shalt  }
0x54: {  	_ =	shalt  }
0x55: {  	_ =	shalt  }
0x56: {  	_ =	shalt  }
0x57: {  	_ =	shalt  }
0x58: {  	_ =	shalt  }
0x59: {  	_ =	shalt  }
0x5a: {  	_ =	shalt  }
0x5b: {  	_ =	shalt  }
0x5c: {  	_ =	shalt  }
0x5d: {  	_ =	shalt  }
0x5e: {  	_ =	shalt  }
0x5f: {  	_ =	shalt  }
0x60: {  	_ =	shalt  }
0x61: {  	_ =	shalt  }
0x62: {  	_ =	shalt  }
0x63: {  	_ =	shalt  }
0x64: {  	_ =	shalt  }
0x65: {  	_ =	shalt  }
0x66: {  	_ =	shalt  }
0x67: {  	_ =	shalt  }
0x68: {  	_ =	shalt  }
0x69: {  	_ =	shalt  }
0x6a: {  	_ =	shalt  }
0x6b: {  	_ =	shalt  }
0x6c: {  	_ =	shalt  }
0x6d: {  	_ =	shalt  }
0x6e: {  	_ =	shalt  }
0x6f: {  	_ =	shalt  }
0x70: {  	_ =	shalt  }
0x71: {  	_ =	shalt  }
0x72: {  	_ =	shalt  }
0x73: {  	_ =	shalt  }
0x74: {  	_ =	shalt  }
0x75: {  	_ =	shalt  }
0x76: {  	_ =	shalt  }
0x77: {  	_ =	shalt  }
0x78: {  	_ =	shalt  }
0x79: {  	_ =	shalt  }
0x7a: {  	_ =	shalt  }
0x7b: {  	_ =	shalt  }
0x7c: {  	_ =	shalt  }
0x7d: {  	_ =	shalt  }
0x7e: {  	_ =	shalt  }
0x7f: {  	_ =	shalt  }
0x80: {  	_ =	shalt  }
0x81: {  	_ =	shalt  }
0x82: {  	_ =	shalt  }
0x83: {  	_ =	shalt  }
0x84: {  	_ =	shalt  }
0x85: {  	_ =	shalt  }
0x86: {  	_ =	shalt  }
0x87: {  	_ =	shalt  }
.Lfunc_end0:
.L_simem_size_0:
called_computation_lowered:
.L_overlay_start_0:
0x88: {  	s2 =	sld [smem:$0x3FD9]  }
0x89: {  	s3 =	sld [smem:$0x3FFE];
	_ =	sdelay $0x1  }
0x8a: {  	s1 =	srdreg.scid  }
0x8b: {  	s0 =	sand.u32 $0x1, s1  }
0x8c: {  	s17 =	sshll.u32 s0, $0xA;
	s2 =	sadd.s32 s3, s2  }
0x8d: {  	s2 =	sadd.s32 s2, s17  }
0x8e: {  	[smem:$0x3FBE] =	sst s2  }
0x8f: {  	_ = 	snop  }
0x90: {  	s18 =	sld [smem:$0x3FD0];
	(tm) =	ssettm $0x1  }
0x91: {  	s19 =	sld [smem:$0x3FFB];
	_ =	sdelay $0x3  }
0x92: {  	_ =	strace s19  }
0x93: {  	s2 =	sld [smem:$0x3FFC];
	_ =	sdelay $0x3  }
0x94: {  	_ =	strace s2  }
0x95: {  	s2 =	sld [smem:$0x3FFD];
	_ =	sdelay $0x3  }
0x96: {  	_ =	strace s2  }
0x97: {  	_ =	strace $0x8FFFFFFF  }
0x98: {  	s20 =	sld [smem:$0x3FDB];
	_ =	sdelay $0x1  }
0x99: {  	s4 =	simm.s32 $_scs_section_size  }
0x9a: {  	s5 =	simm.s32 $_size__tile_overlayer_lowered;
	s6 =	simm.s32 $_tile_overlayer_lowered  }
0x9b: {  	s7 =	simm.s32 $0x1BFF;
	s21 =	sshll.u32 s6, $0x1;
	s4 =	sadd.s32 s4, s20  }
0x9c: {  	s22 =	simm.s32 $0x0;
	s5 =	sshll.u32 s5, $0x1;
	s6 =	sadd.s32 s21, s4  }
0x9d: {  	[timem:s22], [sflag:s7] =	dma.local [hbm:s6], s5  }
0x9e: {  	_ =	swait.ge [sflag:s7], s5  }
0x9f: {  	s5 =	ssub.s32 $0x0, s5;
	[sflag:s7] =	ssyncset.done $0x0  }
0xa0: {  	[sflag:s7] =	ssyncadd.s32 s5;
	_ =	sdelay $0x1  }
0xa1: {  	s23 =	simm.s32 $0x1B8B  }
0xa2: {  	_ =	swait.ge [sflag:s23], $0x1  }
0xa3: {  	[sflag:s23] =	ssyncset.done $0x0  }
0xa4: {  	[sflag:s23] =	ssyncadd.s32 $0xFFFFFFFF  }
0xa5: {  	s5 =	sld [smem:$0x0]  }
0xa6: {  	s6 =	sand.u32 $0xFFFFFFFE, s1  }
0xa7: {  	p0 =	sne.s32 s1, s6  }
0xa8: {  	s6 =	sshll.u32 @p0 s6, $0xE  }
0xa9: {  	s6 =	sadd.s32 @p0 $0x11B8D, s6;
	s7 =	sshll.u32 @p0 s5, $0x11  }
0xaa: {  	s6 =	sor.u32 @p0 s7, s6  }
0xab: {  	[sflag:s6] =	ssyncadd.remote.s32 @p0 $0x1;
	_ =	sdelay $0x1  }
0xac: {  	s6 =	simm.s32 @p0 $0x1B8D  }
0xad: {  	_ =	swait.eq @p0 [sflag:s6], $0x1  }
0xae: {  	[sflag:s6] =	ssyncadd.s32 @p0 $0xFFFFFFFF  }
0xaf: {  	s7 =	sshll.u32 @!p0 s1, $0xE  }
0xb0: {  	s7 =	sor.u32 @!p0 $0x4000, s7;
	s6 =	simm.s32 @!p0 $0x1B8D  }
0xb1: {  	s5 =	sshll.u32 @!p0 s5, $0x11;
	s7 =	sadd.s32 @!p0 $0x11B8D, s7;
	_ =	swait.eq @!p0 [sflag:s6], $0x1  }
0xb2: {  	s5 =	sor.u32 @!p0 s5, s7;
	[sflag:s6] =	ssyncadd.s32 @!p0 $0xFFFFFFFF  }
0xb3: {  	s25 =	simm.s32 $0x1B8E;
	s24 =	sld [smem:$0x3FFE];
	[sflag:s5] =	ssyncadd.remote.s32 @!p0 $0x1  }
0xb4: {  	s26 =	simm.s32 $execute0_lowered;
	[smem:$0x3FD2] =	sst s25  }
0xb5: {  	s6 =	sshll.u32 s26, $0x1;
	_ =	strace $0x80000049;
	[dreg:$0x1] =	wrdreg $0xFFFFFFFF  }
0xb6: {  	s28 =	simm.s32 $_size_execute0_lowered;
	s4 =	sadd.s32 s4, s6;
	[dreg:$0x0] =	wrdreg $0x0  }
0xb7: {  	s6 =	sshll.u32 s28, $0x1;
	[dreg:$0x2] =	wrdreg s4  }
0xb8: {  	[dreg:$0x3] =	wrdreg s6  }
0xb9: {  	[dreg:$0x4] =	wrdreg $0xC0  }
0xba: {  	_ =	task [dreg:s22], $0x5FFFF  }
0xbb: {  	[dreg:$0x1] =	wrdreg $0xFFFFFFFF  }
0xbc: {  	[dreg:$0x0] =	wrdreg $0x60  }
0xbd: {  	[dreg:$0x2] =	wrdreg s24  }
0xbe: {  	[dreg:$0x3] =	wrdreg s18  }
0xbf: {  	[dreg:$0x4] =	wrdreg $0xC3000  }
0xc0: {  	[dreg:$0x5] =	wrdreg $0x9  }
0xc1: {  	_ =	task.clear_ibuf [dreg:s22], $0x6FFFF;
	_ =	strace $0x90000049  }
0xc2: {  	s29 =	simm.s32 $0x9;
	_ =	strace $0x8000004B  }
0xc3: {  	_ =	swait.ge [sflag:s29], $0x1  }
0xc4: {  	[sflag:s29] =	ssyncadd.s32 $0xFFFFFFFF  }
0xc5: {  	_ =	strace $0x9000004B  }
0xc6: {  	_ =	sfence  }
0xc7: {  	s30 =	sld [smem:$0x0];
	_ =	sdelay $0x2  }
0xc8: {  	s31 =	sshll.u32 s1, $0xD;
	s1 =	sshrl.u32 s1, $0x2  }
0xc9: {  	s4 =	sand.u32 $0x4000, s31;
	s1 =	sadd.s32 s1, s30  }
0xca: {  	s0 =	sor.u32 s4, s0;
	s1 =	sshll.u32 s1, $0x11  }
0xcb: {  	s0 =	sor.u32 s1, s0  }
0xcc: {  	s0 =	sadd.s32 $0x8F2B, s0  }
0xcd: {  	[sflag:s0] =	ssyncadd.remote.s32 $0x1  }
0xce: {  	_ =	sfence.sel $0xFFFF  }
0xcf: {  	[dreg:$0x0] =	wrdreg $0xFFFFFFFF;
	(pc) =	sbr.abs _section_cstart, $3  }
0xd0: {  	[dreg:$0x1] =	wrdreg $0xFFFFFFFF  }
0xd1: {  	_ =	task.clear_ibuf [dreg:s22], $0x2FFFF;
	_ =	strace $0x9FFFFFFF  }
0xd2: {  	(tm) =	ssettm $0x7FFFFFFF  }
0xd3: {  	_ =	shalt  }
tec
execute0_lowered:
.L_overlay_start_1:
0x0: {  	(tag) =	ssettag $0x1  }
0x1: {  	s0 =	rddreg [dreg:$0x0]  }
0x2: {  	s1 =	rddreg [dreg:$0x1]  }
0x3: {  	s2 =	rddreg [dreg:$0x2]  }
0x4: {  	s4 =	srdreg.scid;
	s15 =	stileid.u32  }
0x5: {  	s3 =	simm.s32 $0x0;
	s28 =	simm.s32 $0x300;
	s7 =	smul.u32 $0x278, s15  }
0x6: {  	s29 =	simm.s32 $0x8;
	s30 =	simm.s32 $0x180;
	s10 =	smul.u32 $0x2780, s15  }
0x7: {  	s31 =	simm.s32 $0x80;
	s5 =	sand.u32 $0x1, s4;
	s12 =	smul.u32 $0x4F000, s15  }
0x8: {  	[smem:$0x7FF] =	sst s3;
	s4 =	sadd.s32 $0x66800, s0;
	s15 =	smul.u32 $0x5100, s15  }
0x9: {  	s9 =	sadd.s32 $0x2C00, s0;
	s13 =	sadd.s32 $0xCE00, s0;
	s6 =	smul.u32 $0x2780, s5  }
0xa: {  	_ =	strace $0x8000004A;
	s8 =	ssub.s32 $0x2, s5;
	s5 =	smul.u32 $0x2880, s5  }
0xb: {  	s11 =	sshrl.u32 s8, $0x1;
	s22 =	sadd.s32 s1, s10;
	s23 =	sshrl.u32 s12, $0x2  }
0xc: {  	s24 =	sadd.s32 $0x80, s7;
	s14 =	sadd.s32 $0x180, s7;
	s6 =	sadd.s32 s7, s6  }
0xd: {  	s11 =	ssub.s32 s8, s11;
	[dreg:$0x4] =	wrdreg s22;
	s23 =	sadd.s32 s23, s2  }
0xe: {  	s25 =	sshll.u32 s24, $0x4;
	s8 =	sshll.u32 s24, $0x7;
	s17 =	sshll.u32 s14, $0x4  }
0xf: {  	s19 =	sshll.u32 s14, $0x7;
	s6 =	sshll.u32 s6, $0x4;
	s26 =	sadd.s32 s1, s25  }
0x10: {  	s24 =	sadd.s32 s8, s2;
	s18 =	sadd.s32 s1, s17;
	[dreg:$0xa] =	wrdreg s23  }
0x11: {  	s0 =	sadd.s32 s6, s0;
	[dreg:$0x5] =	wrdreg s26;
	s6 =	sadd.s32 $0x100, s7  }
0x12: {  	[dreg:$0x7] =	wrdreg s18;
	s7 =	sadd.s32 $0x200, s7;
	s26 =	sadd.s32 s5, s15  }
0x13: {  	s5 =	simm.s32 $0x280;
	s8 =	sshll.u32 s6, $0x4;
	s10 =	sshll.u32 s6, $0x7  }
0x14: {  	s20 =	sshll.u32 s7, $0x4;
	s6 =	sadd.s32 s19, s2;
	s22 =	sadd.s32 $0x8DA00, s0  }
0x15: {  	s21 =	sshll.u32 s7, $0x7;
	s15 =	sadd.s32 $0x8EA00, s0;
	[dreg:$0xb] =	wrdreg s22  }
0x16: {  	s12 =	sadd.s32 $0x100, s26;
	s16 =	sadd.s32 s1, s8;
	[dreg:$0xd] =	wrdreg s15  }
0x17: {  	s25 =	sadd.s32 s10, s2;
	s1 =	sadd.s32 s1, s20;
	[dreg:$0x8] =	wrdreg s6  }
0x18: {  	s14 =	sadd.s32 s21, s2;
	s8 =	sadd.s32 $0x8E200, s0;
	[dreg:$0x6] =	wrdreg s16  }
0x19: {  	s10 =	sshrl.u32 s26, $0x3;
	s7 =	sshrl.u32 s12, $0x3;
	[dreg:$0x9] =	wrdreg s1  }
0x1a: {  	s15 =	simm.s32 $0x3;
	[dreg:$0xc] =	wrdreg s8;
	s17 =	sadd.s32 s10, s13  }
0x1b: {  	s1 =	sadd.s32 $0x80, s26;
	s18 =	sadd.s32 s10, s9;
	s19 =	sadd.s32 s7, s13  }
0x1c: {  	s20 =	sadd.s32 s7, s9;
	s16 =	sadd.s32 $0x8F200, s0;
	s0 =	sadd.s32 $0x8FA00, s0  }
0x1d: {  	s26 =	smax.u32 s11, $0x1;
	s7 =	simm.s32 $0x1;
	[dreg:$0xe] =	wrdreg s16  }
0x1e: {  	s11 =	simm.s32 $0x8300;
	s1 =	sshrl.u32 s1, $0x3;
	[dreg:$0xf] =	wrdreg s0  }
0x1f: {  	[dreg:$0x10] =	wrdreg s26;
	s0 =	simm.s32 $0x200;
	s16 =	simm.s32 $0x4  }
0x20: {  	s26 =	simm.s32 $0x0;
	s21 =	sadd.s32 s1, s13;
	s22 =	sadd.s32 s1, s9  }
0x21: {  	s1 =	simm.s32 $0x100;
	s9 =	simm.s32 $0x4300;
	s13 =	simm.s32 $0x2  }
.LBB2_1:
0x22: {  	s12 =	rddreg [dreg:$0x4]  }
0x23: {  	[tilespmem:s28], [sflag:$0x8] =	stream.linear.gather [hbm4b:s12+s3], $0x4000, $0x38;
	[tilespmem:$0x1FF00] =	vst v63  }
0x24: {  	_ =	swait.ge [sflag:s29], $0x4000  }
0x25: {  	[sflag:s29] =	ssyncset.done $0x0  }
0x26: {  	[sflag:s29] =	ssyncadd.s32 $0xFFFFC000  }
0x27: {  	[spmem:s23] =	stream.linear.scatter [tilespmem:s28], [sflag:$0x8], $0x4000, $0x38;
	[tilespmem:$0x1FF00] =	vst v63  }
0x28: {  	_ =	swait.ge [sflag:s29], $0x4000  }
0x29: {  	[sflag:s29] =	ssyncset.done $0x0  }
0x2a: {  	s23 =	rddreg [dreg:$0x5];
	[sflag:s29] =	ssyncadd.s32 $0xFFFFC000  }
0x2b: {  	[tilespmem:s28], [sflag:$0x8] =	stream.linear.gather [hbm4b:s23+s3], $0x4000, $0x38;
	[tilespmem:$0x1FF00] =	vst v63  }
0x2c: {  	_ =	swait.ge [sflag:s29], $0x4000  }
0x2d: {  	[sflag:s29] =	ssyncset.done $0x0  }
0x2e: {  	[sflag:s29] =	ssyncadd.s32 $0xFFFFC000  }
0x2f: {  	[spmem:s24] =	stream.linear.scatter [tilespmem:s28], [sflag:$0x8], $0x4000, $0x38;
	[tilespmem:$0x1FF00] =	vst v63  }
0x30: {  	_ =	swait.ge [sflag:s29], $0x4000  }
0x31: {  	[sflag:s29] =	ssyncset.done $0x0  }
0x32: {  	s10 =	smov.u32 s24;
	s24 =	rddreg [dreg:$0x6];
	[sflag:s29] =	ssyncadd.s32 $0xFFFFC000  }
0x33: {  	[tilespmem:s28], [sflag:$0x8] =	stream.linear.gather [hbm4b:s24+s3], $0x4000, $0x38;
	[tilespmem:$0x1FF00] =	vst v63  }
0x34: {  	_ =	swait.ge [sflag:s29], $0x4000  }
0x35: {  	[sflag:s29] =	ssyncset.done $0x0  }
0x36: {  	[sflag:s29] =	ssyncadd.s32 $0xFFFFC000  }
0x37: {  	[spmem:s25] =	stream.linear.scatter [tilespmem:s28], [sflag:$0x8], $0x4000, $0x38;
	[tilespmem:$0x1FF00] =	vst v63  }
0x38: {  	_ =	swait.ge [sflag:s29], $0x4000  }
0x39: {  	[sflag:s29] =	ssyncset.done $0x0  }
0x3a: {  	s12 =	smov.u32 s25;
	s25 =	rddreg [dreg:$0x7];
	[sflag:s29] =	ssyncadd.s32 $0xFFFFC000  }
0x3b: {  	[tilespmem:s28], [sflag:$0x8] =	stream.linear.gather [hbm4b:s25+s3], $0x4000, $0x38;
	[tilespmem:$0x1FF00] =	vst v63  }
0x3c: {  	_ =	swait.ge [sflag:s29], $0x4000  }
0x3d: {  	[sflag:s29] =	ssyncset.done $0x0  }
0x3e: {  	s8 =	smov.u32 s14;
	s14 =	smov.u32 s6;
	[sflag:s29] =	ssyncadd.s32 $0xFFFFC000  }
0x3f: {  	[spmem:s14] =	stream.linear.scatter [tilespmem:s28], [sflag:$0x8], $0x4000, $0x38;
	[tilespmem:$0x1FF00] =	vst v63  }
0x40: {  	_ =	swait.ge [sflag:s29], $0x4000  }
0x41: {  	[sflag:s29] =	ssyncset.done $0x0  }
0x42: {  	s23 =	rddreg [dreg:$0x9];
	[sflag:s29] =	ssyncadd.s32 $0xFFFFC000  }
0x43: {  	[tilespmem:s28], [sflag:$0x8] =	stream.linear.gather [hbm4b:s23+s3], $0x3C00, $0x38;
	[tilespmem:$0x1FF00] =	vst v63  }
0x44: {  	_ =	swait.ge [sflag:s29], $0x3C00  }
0x45: {  	[sflag:s29] =	ssyncset.done $0x0  }
0x46: {  	[sflag:s29] =	ssyncadd.s32 $0xFFFFC400  }
0x47: {  	[spmem:s8] =	stream.linear.scatter [tilespmem:s28], [sflag:$0x8], $0x3C00, $0x38;
	[tilespmem:$0x1FF00] =	vst v63  }
0x48: {  	_ =	swait.ge [sflag:s29], $0x3C00  }
0x49: {  	[sflag:s29] =	ssyncset.done $0x0  }
0x4a: {  	p0 =	por $0x1, $0x1;
	[sflag:s29] =	ssyncadd.s32 $0xFFFFC400  }
0x4b: {  	s23 =	simm.s32 @!p0 $0x5;
	[bflag:$0x0] =	sbarrier.arrive $0xFFFF  }
0x4c: {  	_ =	swait.ge @!p0 [sflag:s23], $0x4000  }
0x4d: {  	[sflag:s23] =	ssyncset.done @!p0 $0x0  }
0x4e: {  	[sflag:s23] =	ssyncadd.s32 @!p0 $0xFFFFC000;
	s23 =	simm.s32 @!p0 $0x6  }
0x4f: {  	_ =	swait.ge @!p0 [sflag:s23], $0x4000  }
0x50: {  	[sflag:s23] =	ssyncset.done @!p0 $0x0  }
0x51: {  	[sflag:s23] =	ssyncadd.s32 @!p0 $0xFFFFC000;
	s23 =	simm.s32 @!p0 $0x7  }
0x52: {  	_ =	swait.ge @!p0 [sflag:s23], $0x4000  }
0x53: {  	[sflag:s23] =	ssyncset.done @!p0 $0x0  }
0x54: {  	s24 =	sadd.s32 $0x0, s18;
	[sflag:s23] =	ssyncadd.s32 @!p0 $0xFFFFC000  }
0x55: {  	[tilespmem:s3], [sflag:$0x1] =	stream.linear.gather [hbm4b:s24+s3], $0x80, $0x38;
	[tilespmem:$0x1FF00] =	vst v63  }
0x56: {  	s25 =	sadd.s32 $0x0, s17  }
0x57: {  	[tilespmem:s30], [sflag:$0x1] =	stream.linear.gather [hbm4b:s25+s3], $0x80, $0x38;
	[tilespmem:$0x1FF00] =	vst v63  }
0x58: {  	s6 =	sadd.s32 $0x0, s22  }
0x59: {  	[tilespmem:s31], [sflag:$0x1] =	stream.linear.gather [hbm4b:s6+s3], $0x80, $0x38;
	[tilespmem:$0x1FF00] =	vst v63  }
0x5a: {  	s14 =	smov.u32 s8;
	s8 =	sadd.s32 $0x0, s21  }
0x5b: {  	[tilespmem:s0], [sflag:$0x1] =	stream.linear.gather [hbm4b:s8+s3], $0x80, $0x38;
	[tilespmem:$0x1FF00] =	vst v63  }
0x5c: {  	s24 =	sadd.s32 $0x0, s20  }
0x5d: {  	[tilespmem:s1], [sflag:$0x1] =	stream.linear.gather [hbm4b:s24+s3], $0x80, $0x38;
	[tilespmem:$0x1FF00] =	vst v63  }
0x5e: {  	s25 =	sadd.s32 $0x0, s19  }
0x5f: {  	[tilespmem:s5], [sflag:$0x1] =	stream.linear.gather [hbm4b:s25+s3], $0x80, $0x38;
	[tilespmem:$0x1FF00] =	vst v63  }
0x60: {  	_ =	swait.ge [sflag:s7], $0x80  }
0x61: {  	[sflag:s7] =	ssyncset.done $0x0  }
0x62: {  	[sflag:s7] =	ssyncadd.s32 $0xFFFFFF80  }
0x63: {  	_ =	swait.ge [sflag:s7], $0x80  }
0x64: {  	[sflag:s7] =	ssyncset.done $0x0  }
0x65: {  	[sflag:s7] =	ssyncadd.s32 $0xFFFFFF80  }
0x66: {  	_ =	swait.ge [sflag:s7], $0x80  }
0x67: {  	[sflag:s7] =	ssyncset.done $0x0  }
0x68: {  	[sflag:s7] =	ssyncadd.s32 $0xFFFFFF80  }
0x69: {  	_ =	swait.ge [sflag:s7], $0x80  }
0x6a: {  	[sflag:s7] =	ssyncset.done $0x0  }
0x6b: {  	[sflag:s7] =	ssyncadd.s32 $0xFFFFFF80  }
0x6c: {  	_ =	swait.ge [sflag:s7], $0x80  }
0x6d: {  	[sflag:s7] =	ssyncset.done $0x0  }
0x6e: {  	[sflag:s7] =	ssyncadd.s32 $0xFFFFFF80  }
0x6f: {  	_ =	swait.ge [sflag:s7], $0x80  }
0x70: {  	[sflag:s7] =	ssyncset.done $0x0  }
0x71: {  	[sflag:s7] =	ssyncadd.s32 $0xFFFFFF80  }
0x72: {  	[tilespmem:s28], [sflag:$0x2] =	stream.indirect.gather [hbm4b:s4+s31], $0x80, s3, s31, $0xb8;
	[tilespmem:$0x1FF00] =	vst v63  }
0x73: {  	_ = 	snop  }
0x74: {  	[tilespmem:s9], [sflag:$0x3] =	stream.indirect.gather [hbm4b:s4+s31], $0x80, s31, s31, $0xb8;
	[tilespmem:$0x1FF00] =	vst v63  }
0x75: {  	_ = 	snop  }
0x76: {  	[tilespmem:s11], [sflag:$0x4] =	stream.indirect.gather [hbm4b:s4+s31], $0x80, s1, s31, $0xb8;
	[tilespmem:$0x1FF00] =	vst v63  }
0x77: {  	_ =	swait.ge [sflag:s13], $0x4000  }
0x78: {  	[sflag:s13] =	ssyncset.done $0x0  }
0x79: {  	[sflag:s13] =	ssyncadd.s32 $0xFFFFC000  }
0x7a: {  	[spmem:s2] =	stream.indirect.scatter.add.f32 [tilespmem:s28], [sflag:$0x5], $0x80, s30, s31, $0xb8;
	[tilespmem:$0x1FF00] =	vst v63  }
0x7b: {  	_ =	swait.ge [sflag:s15], $0x4000  }
0x7c: {  	[sflag:s15] =	ssyncset.done $0x0  }
0x7d: {  	[sflag:s15] =	ssyncadd.s32 $0xFFFFC000  }
0x7e: {  	[spmem:s2] =	stream.indirect.scatter.add.f32 [tilespmem:s9], [sflag:$0x6], $0x80, s0, s31, $0xb8;
	[tilespmem:$0x1FF00] =	vst v63  }
0x7f: {  	p1 =	por $0x0, $0x0;
	_ =	swait.ge [sflag:s16], $0x4000  }
0x80: {  	s23 =	simm.s32 $0x30;
	s24 =	simm.s32 $0x60;
	[sflag:s16] =	ssyncset.done $0x0  }
.LBB2_2:
0x81: {  	s25 =	simm.s32 @!p1 $0x5  }
0x82: {  	[sflag:s16] =	ssyncadd.s32 $0xFFFFC000;
	s6 =	smov.u32 s24;
	s24 =	sadd.s32 $0x30, s24  }
0x83: {  	[spmem:s2] =	stream.indirect.scatter.add.f32 [tilespmem:s11], [sflag:$0x7], $0x80, s5, s31, $0xb8;
	[tilespmem:$0x1FF00] =	vst v63  }
0x84: {  	p0 =	sne.s32 s24, $0x510;
	_ =	swait.ge @!p1 [sflag:s25], $0x4000  }
0x85: {  	[sflag:s25] =	ssyncset.done @!p1 $0x0  }
0x86: {  	[sflag:s25] =	ssyncadd.s32 @!p1 $0xFFFFC000;
	s25 =	simm.s32 @!p1 $0x6  }
0x87: {  	_ =	swait.ge @!p1 [sflag:s25], $0x4000  }
0x88: {  	[sflag:s25] =	ssyncset.done @!p1 $0x0  }
0x89: {  	[sflag:s25] =	ssyncadd.s32 @!p1 $0xFFFFC000;
	s25 =	simm.s32 @!p1 $0x7  }
0x8a: {  	_ =	swait.ge @!p1 [sflag:s25], $0x4000  }
0x8b: {  	[sflag:s25] =	ssyncset.done @!p1 $0x0  }
0x8c: {  	[sflag:s25] =	ssyncadd.s32 @!p1 $0xFFFFC000;
	s25 =	sadd.s32 s23, s18  }
0x8d: {  	[tilespmem:s3], [sflag:$0x1] =	stream.linear.gather [hbm4b:s25+s3], $0x80, $0x38;
	[tilespmem:$0x1FF00] =	vst v63  }
0x8e: {  	s25 =	sadd.s32 s23, s17  }
0x8f: {  	[tilespmem:s30], [sflag:$0x1] =	stream.linear.gather [hbm4b:s25+s3], $0x80, $0x38;
	[tilespmem:$0x1FF00] =	vst v63  }
0x90: {  	s25 =	sadd.s32 s23, s22  }
0x91: {  	[tilespmem:s31], [sflag:$0x1] =	stream.linear.gather [hbm4b:s25+s3], $0x80, $0x38;
	[tilespmem:$0x1FF00] =	vst v63  }
0x92: {  	s25 =	sadd.s32 s23, s21  }
0x93: {  	[tilespmem:s0], [sflag:$0x1] =	stream.linear.gather [hbm4b:s25+s3], $0x80, $0x38;
	[tilespmem:$0x1FF00] =	vst v63  }
0x94: {  	s25 =	sadd.s32 s23, s20  }
0x95: {  	[tilespmem:s1], [sflag:$0x1] =	stream.linear.gather [hbm4b:s25+s3], $0x80, $0x38;
	[tilespmem:$0x1FF00] =	vst v63  }
0x96: {  	s25 =	sadd.s32 s23, s19;
	s23 =	smov.u32 s6  }
0x97: {  	[tilespmem:s5], [sflag:$0x1] =	stream.linear.gather [hbm4b:s25+s3], $0x80, $0x38;
	[tilespmem:$0x1FF00] =	vst v63  }
0x98: {  	_ =	swait.ge [sflag:s7], $0x80  }
0x99: {  	[sflag:s7] =	ssyncset.done $0x0  }
0x9a: {  	[sflag:s7] =	ssyncadd.s32 $0xFFFFFF80  }
0x9b: {  	_ =	swait.ge [sflag:s7], $0x80  }
0x9c: {  	[sflag:s7] =	ssyncset.done $0x0  }
0x9d: {  	[sflag:s7] =	ssyncadd.s32 $0xFFFFFF80  }
0x9e: {  	_ =	swait.ge [sflag:s7], $0x80  }
0x9f: {  	[sflag:s7] =	ssyncset.done $0x0  }
0xa0: {  	[sflag:s7] =	ssyncadd.s32 $0xFFFFFF80  }
0xa1: {  	_ =	swait.ge [sflag:s7], $0x80  }
0xa2: {  	[sflag:s7] =	ssyncset.done $0x0  }
0xa3: {  	[sflag:s7] =	ssyncadd.s32 $0xFFFFFF80  }
0xa4: {  	_ =	swait.ge [sflag:s7], $0x80  }
0xa5: {  	[sflag:s7] =	ssyncset.done $0x0  }
0xa6: {  	[sflag:s7] =	ssyncadd.s32 $0xFFFFFF80  }
0xa7: {  	_ =	swait.ge [sflag:s7], $0x80  }
0xa8: {  	[sflag:s7] =	ssyncset.done $0x0  }
0xa9: {  	[sflag:s7] =	ssyncadd.s32 $0xFFFFFF80  }
0xaa: {  	[tilespmem:s28], [sflag:$0x2] =	stream.indirect.gather [hbm4b:s4+s31], $0x80, s3, s31, $0xb8;
	[tilespmem:$0x1FF00] =	vst v63  }
0xab: {  	_ = 	snop  }
0xac: {  	[tilespmem:s9], [sflag:$0x3] =	stream.indirect.gather [hbm4b:s4+s31], $0x80, s31, s31, $0xb8;
	[tilespmem:$0x1FF00] =	vst v63  }
0xad: {  	_ = 	snop  }
0xae: {  	[tilespmem:s11], [sflag:$0x4] =	stream.indirect.gather [hbm4b:s4+s31], $0x80, s1, s31, $0xb8;
	[tilespmem:$0x1FF00] =	vst v63  }
0xaf: {  	_ =	swait.ge [sflag:s13], $0x4000  }
0xb0: {  	[sflag:s13] =	ssyncset.done $0x0  }
0xb1: {  	[sflag:s13] =	ssyncadd.s32 $0xFFFFC000  }
0xb2: {  	[spmem:s2] =	stream.indirect.scatter.add.f32 [tilespmem:s28], [sflag:$0x5], $0x80, s30, s31, $0xb8;
	[tilespmem:$0x1FF00] =	vst v63  }
0xb3: {  	_ =	swait.ge [sflag:s15], $0x4000  }
.Ltmp0:
0xb4: {  	[sflag:s15] =	ssyncset.done $0x0;
	(pc) =	sbr.rel @p0 .LBB2_2-.Ltmp0, $4  }
0xb5: {  	[sflag:s15] =	ssyncadd.s32 $0xFFFFC000  }
0xb6: {  	[spmem:s2] =	stream.indirect.scatter.add.f32 [tilespmem:s9], [sflag:$0x6], $0x80, s0, s31, $0xb8;
	[tilespmem:$0x1FF00] =	vst v63  }
0xb7: {  	_ =	swait.ge [sflag:s16], $0x4000  }
0xb8: {  	p1 =	seq.s32 s23, $0x0;
	[sflag:s16] =	ssyncset.done $0x0  }
0xb9: {  	s6 =	simm.s32 @!p1 $0x5;
	[sflag:s16] =	ssyncadd.s32 $0xFFFFC000  }
0xba: {  	[spmem:s2] =	stream.indirect.scatter.add.f32 [tilespmem:s11], [sflag:$0x7], $0x80, s5, s31, $0xb8;
	[tilespmem:$0x1FF00] =	vst v63  }
0xbb: {  	_ =	swait.ge @!p1 [sflag:s6], $0x4000  }
0xbc: {  	[sflag:s6] =	ssyncset.done @!p1 $0x0  }
0xbd: {  	[sflag:s6] =	ssyncadd.s32 @!p1 $0xFFFFC000;
	s6 =	simm.s32 @!p1 $0x6  }
0xbe: {  	_ =	swait.ge @!p1 [sflag:s6], $0x4000  }
0xbf: {  	[sflag:s6] =	ssyncset.done @!p1 $0x0  }
0xc0: {  	[sflag:s6] =	ssyncadd.s32 @!p1 $0xFFFFC000;
	s6 =	simm.s32 @!p1 $0x7  }
0xc1: {  	_ =	swait.ge @!p1 [sflag:s6], $0x4000  }
0xc2: {  	[sflag:s6] =	ssyncset.done @!p1 $0x0  }
0xc3: {  	s25 =	sadd.s32 s23, s18;
	[sflag:s6] =	ssyncadd.s32 @!p1 $0xFFFFC000  }
0xc4: {  	[tilespmem:s3], [sflag:$0x1] =	stream.linear.gather [hbm4b:s25+s3], $0x80, $0x38;
	[tilespmem:$0x1FF00] =	vst v63  }
0xc5: {  	s8 =	sadd.s32 s23, s17  }
0xc6: {  	[tilespmem:s30], [sflag:$0x1] =	stream.linear.gather [hbm4b:s8+s3], $0x80, $0x38;
	[tilespmem:$0x1FF00] =	vst v63  }
0xc7: {  	s24 =	sadd.s32 s23, s22  }
0xc8: {  	[tilespmem:s31], [sflag:$0x1] =	stream.linear.gather [hbm4b:s24+s3], $0x80, $0x38;
	[tilespmem:$0x1FF00] =	vst v63  }
0xc9: {  	s25 =	sadd.s32 s23, s21  }
0xca: {  	[tilespmem:s0], [sflag:$0x1] =	stream.linear.gather [hbm4b:s25+s3], $0x80, $0x38;
	[tilespmem:$0x1FF00] =	vst v63  }
0xcb: {  	s8 =	sadd.s32 s23, s20  }
0xcc: {  	[tilespmem:s1], [sflag:$0x1] =	stream.linear.gather [hbm4b:s8+s3], $0x80, $0x38;
	[tilespmem:$0x1FF00] =	vst v63  }
0xcd: {  	s24 =	sadd.s32 s23, s19  }
0xce: {  	[tilespmem:s5], [sflag:$0x1] =	stream.linear.gather [hbm4b:s24+s3], $0x80, $0x38;
	[tilespmem:$0x1FF00] =	vst v63  }
0xcf: {  	_ =	swait.ge [sflag:s7], $0x80  }
0xd0: {  	[sflag:s7] =	ssyncset.done $0x0  }
0xd1: {  	[sflag:s7] =	ssyncadd.s32 $0xFFFFFF80  }
0xd2: {  	_ =	swait.ge [sflag:s7], $0x80  }
0xd3: {  	[sflag:s7] =	ssyncset.done $0x0  }
0xd4: {  	[sflag:s7] =	ssyncadd.s32 $0xFFFFFF80  }
0xd5: {  	_ =	swait.ge [sflag:s7], $0x80  }
0xd6: {  	[sflag:s7] =	ssyncset.done $0x0  }
0xd7: {  	[sflag:s7] =	ssyncadd.s32 $0xFFFFFF80  }
0xd8: {  	_ =	swait.ge [sflag:s7], $0x80  }
0xd9: {  	[sflag:s7] =	ssyncset.done $0x0  }
0xda: {  	[sflag:s7] =	ssyncadd.s32 $0xFFFFFF80  }
0xdb: {  	_ =	swait.ge [sflag:s7], $0x80  }
0xdc: {  	[sflag:s7] =	ssyncset.done $0x0  }
0xdd: {  	[sflag:s7] =	ssyncadd.s32 $0xFFFFFF80  }
0xde: {  	_ =	swait.ge [sflag:s7], $0x80  }
0xdf: {  	[sflag:s7] =	ssyncset.done $0x0  }
0xe0: {  	[sflag:s7] =	ssyncadd.s32 $0xFFFFFF80  }
0xe1: {  	[tilespmem:s28], [sflag:$0x2] =	stream.indirect.gather [hbm4b:s4+s31], $0x80, s3, s31, $0xb8;
	[tilespmem:$0x1FF00] =	vst v63  }
0xe2: {  	_ = 	snop  }
0xe3: {  	[tilespmem:s9], [sflag:$0x3] =	stream.indirect.gather [hbm4b:s4+s31], $0x80, s31, s31, $0xb8;
	[tilespmem:$0x1FF00] =	vst v63  }
0xe4: {  	_ = 	snop  }
0xe5: {  	[tilespmem:s11], [sflag:$0x4] =	stream.indirect.gather [hbm4b:s4+s31], $0x80, s1, s31, $0xb8;
	[tilespmem:$0x1FF00] =	vst v63  }
0xe6: {  	_ =	swait.ge [sflag:s13], $0x4000  }
0xe7: {  	[sflag:s13] =	ssyncset.done $0x0  }
0xe8: {  	[sflag:s13] =	ssyncadd.s32 $0xFFFFC000  }
0xe9: {  	[spmem:s2] =	stream.indirect.scatter.add.f32 [tilespmem:s28], [sflag:$0x5], $0x80, s30, s31, $0xb8;
	[tilespmem:$0x1FF00] =	vst v63  }
0xea: {  	_ =	swait.ge [sflag:s15], $0x4000  }
0xeb: {  	[sflag:s15] =	ssyncset.done $0x0  }
0xec: {  	[sflag:s15] =	ssyncadd.s32 $0xFFFFC000  }
0xed: {  	[spmem:s2] =	stream.indirect.scatter.add.f32 [tilespmem:s9], [sflag:$0x6], $0x80, s0, s31, $0xb8;
	[tilespmem:$0x1FF00] =	vst v63  }
0xee: {  	_ =	swait.ge [sflag:s16], $0x4000  }
0xef: {  	[sflag:s16] =	ssyncset.done $0x0  }
0xf0: {  	s25 =	simm.s32 $0x5;
	[sflag:s16] =	ssyncadd.s32 $0xFFFFC000  }
0xf1: {  	[spmem:s2] =	stream.indirect.scatter.add.f32 [tilespmem:s11], [sflag:$0x7], $0x80, s5, s31, $0xb8;
	[tilespmem:$0x1FF00] =	vst v63  }
0xf2: {  	_ =	swait.ge [sflag:s25], $0x4000  }
0xf3: {  	[sflag:s25] =	ssyncset.done $0x0  }
0xf4: {  	s8 =	simm.s32 $0x6;
	[sflag:s25] =	ssyncadd.s32 $0xFFFFC000  }
0xf5: {  	_ =	swait.ge [sflag:s8], $0x4000  }
0xf6: {  	[sflag:s8] =	ssyncset.done $0x0  }
0xf7: {  	s23 =	simm.s32 $0x7;
	[sflag:s8] =	ssyncadd.s32 $0xFFFFC000  }
0xf8: {  	_ =	swait.ge [sflag:s23], $0x4000  }
0xf9: {  	[sflag:s23] =	ssyncset.done $0x0  }
0xfa: {  	[sflag:s23] =	ssyncadd.s32 $0xFFFFC000  }
0xfb: {  	[bflag:$0x0] =	sbarrier.arrive $0xFFFF  }
0xfc: {  	s23 =	rddreg [dreg:$0xa]  }
0xfd: {  	[tilespmem:s28], [sflag:$0x8] =	stream.linear.gather [spmem:s23], $0x4000, $0x38;
	[tilespmem:$0x1FF00] =	vst v63  }
0xfe: {  	_ =	swait.ge [sflag:s29], $0x4000  }
0xff: {  	[sflag:s29] =	ssyncset.done $0x0  }
0x100: {  	s24 =	rddreg [dreg:$0xb];
	[sflag:s29] =	ssyncadd.s32 $0xFFFFC000  }
0x101: {  	[hbm4b:s24+s3] =	stream.linear.scatter [tilespmem:s28], [sflag:$0x8], $0x4000, $0x38;
	[tilespmem:$0x1FF00] =	vst v63  }
0x102: {  	_ =	swait.ge [sflag:s29], $0x4000  }
0x103: {  	[sflag:s29] =	ssyncset.done $0x0  }
0x104: {  	[sflag:s29] =	ssyncadd.s32 $0xFFFFC000  }
0x105: {  	[tilespmem:s28], [sflag:$0x8] =	stream.linear.gather [spmem:s10], $0x4000, $0x38;
	[tilespmem:$0x1FF00] =	vst v63  }
0x106: {  	_ =	swait.ge [sflag:s29], $0x4000  }
0x107: {  	[sflag:s29] =	ssyncset.done $0x0  }
0x108: {  	s25 =	rddreg [dreg:$0xc];
	[sflag:s29] =	ssyncadd.s32 $0xFFFFC000  }
0x109: {  	[hbm4b:s25+s3] =	stream.linear.scatter [tilespmem:s28], [sflag:$0x8], $0x4000, $0x38;
	[tilespmem:$0x1FF00] =	vst v63  }
0x10a: {  	_ =	swait.ge [sflag:s29], $0x4000  }
0x10b: {  	[sflag:s29] =	ssyncset.done $0x0  }
0x10c: {  	[sflag:s29] =	ssyncadd.s32 $0xFFFFC000  }
0x10d: {  	[tilespmem:s28], [sflag:$0x8] =	stream.linear.gather [spmem:s12], $0x4000, $0x38;
	[tilespmem:$0x1FF00] =	vst v63  }
0x10e: {  	_ =	swait.ge [sflag:s29], $0x4000  }
0x10f: {  	[sflag:s29] =	ssyncset.done $0x0  }
0x110: {  	s8 =	rddreg [dreg:$0xd];
	[sflag:s29] =	ssyncadd.s32 $0xFFFFC000  }
0x111: {  	[hbm4b:s8+s3] =	stream.linear.scatter [tilespmem:s28], [sflag:$0x8], $0x4000, $0x38;
	[tilespmem:$0x1FF00] =	vst v63  }
0x112: {  	_ =	swait.ge [sflag:s29], $0x4000  }
0x113: {  	[sflag:s29] =	ssyncset.done $0x0  }
0x114: {  	s6 =	rddreg [dreg:$0x8];
	[sflag:s29] =	ssyncadd.s32 $0xFFFFC000  }
0x115: {  	[tilespmem:s28], [sflag:$0x8] =	stream.linear.gather [spmem:s6], $0x4000, $0x38;
	[tilespmem:$0x1FF00] =	vst v63  }
0x116: {  	_ =	swait.ge [sflag:s29], $0x4000  }
0x117: {  	[sflag:s29] =	ssyncset.done $0x0  }
0x118: {  	s8 =	rddreg [dreg:$0xe];
	[sflag:s29] =	ssyncadd.s32 $0xFFFFC000  }
0x119: {  	[hbm4b:s8+s3] =	stream.linear.scatter [tilespmem:s28], [sflag:$0x8], $0x4000, $0x38;
	[tilespmem:$0x1FF00] =	vst v63  }
0x11a: {  	_ =	swait.ge [sflag:s29], $0x4000  }
0x11b: {  	[sflag:s29] =	ssyncset.done $0x0  }
0x11c: {  	[sflag:s29] =	ssyncadd.s32 $0xFFFFC000  }
0x11d: {  	[tilespmem:s28], [sflag:$0x8] =	stream.linear.gather [spmem:s14], $0x3C00, $0x38;
	[tilespmem:$0x1FF00] =	vst v63  }
0x11e: {  	_ =	swait.ge [sflag:s29], $0x3C00  }
0x11f: {  	[sflag:s29] =	ssyncset.done $0x0  }
0x120: {  	s24 =	smov.u32 s10;
	s10 =	rddreg [dreg:$0xf];
	[sflag:s29] =	ssyncadd.s32 $0xFFFFC400  }
0x121: {  	[hbm4b:s10+s3] =	stream.linear.scatter [tilespmem:s28], [sflag:$0x8], $0x3C00, $0x38;
	[tilespmem:$0x1FF00] =	vst v63  }
0x122: {  	_ =	swait.ge [sflag:s29], $0x3C00  }
0x123: {  	s26 =	sadd.s32 $0x1, s26;
	s25 =	smov.u32 s12;
	s12 =	rddreg [dreg:$0x10]  }
0x124: {  	p0 =	sne.s32 s26, s12  }
.Ltmp1:
0x125: {  	_ = 	snop;
	(pc) =	sbr.rel @p0 .LBB2_1-.Ltmp1, $3  }
0x126: {  	_ =	sdelay $0x1  }
0x127: {  	[sflag:s29] =	ssyncset.done $0x0  }
0x128: {  	[sflag:s29] =	ssyncadd.s32 $0xFFFFC400  }
0x129: {  	_ =	sfence.sel $0x180000  }
0x12a: {  	[bflag:$0x0] =	sbarrier.arrive $0xFFFF  }
0x12b: {  	_ =	strace $0x9000004A  }
0x12c: {  	s0 =	stileid.u32;
	[bflag:$0x2] =	sbarrier.arrive $0xFFFF  }
0x12d: {  	p0 =	sne.s32 s0, $0x0;
	s0 =	rddreg [dreg:$0x3]  }
0x12e: {  	s0 =	sadd.s32 @!p0 $0x100000, s0  }
0x12f: {  	[sflag:s0] =	ssyncadd.tile.s32 @!p0 $0x1;
	_ =	shalt  }
.Lfunc_end2:
_tile_overlayer_lowered:
.L_overlay_start_2:
0x130: {  	(tag) =	ssettag $0x2  }
0x131: {  	s0 =	rddreg [dreg:$0x0];
	s2 =	stileid.u32  }
0x132: {  	s1 =	rddreg [dreg:$0x1];
	p0 =	sne.s32 s2, $0x0  }
0x133: {  	s3 =	rddreg [dreg:$0x2];
	[bflag:$0x3] =	sbarrier.arrive $0xFFFF;
	s2 =	simm.s32 @!p0 $0x1C08  }
0x134: {  	[timem:s3], [sflag:s2] =	dma.local @!p0 [hbm:s0], s1  }
0x135: {  	s0 =	simm.s32 @!p0 $0x8  }
0x136: {  	_ =	swait.ge @!p0 [sflag:s0], s1  }
0x137: {  	s1 =	ssub.s32 @!p0 $0x0, s1;
	[sflag:s0] =	ssyncset.done @!p0 $0x0  }
0x138: {  	[sflag:s0] =	ssyncadd.s32 @!p0 s1  }
0x139: {  	[bflag:$0x3] =	sbarrier.arrive $0xFFFF  }
0x13a: {  	_ =	shalt  }

</sc_bundles>
